<compile_context>
chip_gen: v7x
topology: tpu7x:2x2x1
jax: 0.10.2.dev20260603
libtpu: 0.0.44.dev20260713+nightly
codegen_flags: <defaults>
</compile_context>

<pallas_src>
import jax
import jax.numpy as jnp
from jax import lax
from jax.experimental import pallas as pl
from jax.experimental.pallas import tpu as pltpu
from jax.experimental.pallas import tpu_sc as plsc

N = 100000
E = 3200000
F = 6

NC = 2
NS = 16
NW = NC * NS
CH = 128
NCH = 8
BLK = NCH * CH
NBLKS = E // BLK
NPT = 6256
NPT_LAST = N - (NS - 1) * NPT

BN = 2000
GRID = N // BN

ER, EC = 5000, 640
BE = 1000
GRID_E = ER // BE


def _sc_edge_body(src2_h, dst2_h, at_h, rec_h, adst_h, zeros_h,
                  out0_h, out1_h,
                  rec_tab, adst_tab, acc_sh,
                  src_i, dst_i, at_b, rec_b, prod_b, adst_b,
                  sem_rec, sem_adst, sem_sc):
  cid = lax.axis_index("c")
  sid = lax.axis_index("s")
  tid = cid * NS + sid

  nb = pl.multiple_of(sid * NPT, 8)

  @pl.when(sid < NS - 1)
  def _():
    pltpu.sync_copy(rec_h.at[pl.ds(nb, NPT)], rec_tab.at[pl.ds(nb, NPT)])
    pltpu.sync_copy(zeros_h.at[pl.ds(nb, NPT)], acc_sh.at[pl.ds(nb, NPT)])

  @pl.when(sid == NS - 1)
  def _():
    pltpu.sync_copy(rec_h.at[pl.ds(nb, NPT_LAST)],
                    rec_tab.at[pl.ds(nb, NPT_LAST)])
    pltpu.sync_copy(zeros_h.at[pl.ds(nb, NPT_LAST)],
                    acc_sh.at[pl.ds(nb, NPT_LAST)])

  @pl.when(sid == 0)
  def _():
    pltpu.sync_copy(adst_h, adst_tab)

  plsc.subcore_barrier()

  lanes = lax.iota(jnp.int32, 16)
  rec_2d = rec_b
  prod_2d = prod_b
  col6 = jnp.full((16,), 6, jnp.int32)
  col7 = jnp.full((16,), 7, jnp.int32)

  def block_body(b, carry):
    g = tid + b * NW
    pltpu.sync_copy(src2_h.at[g], src_i)
    pltpu.sync_copy(dst2_h.at[g], dst_i)
    pltpu.sync_copy(at_h.at[g], at_b)

    cps = []
    for c in range(NCH):
      cps.append(pltpu.async_copy(
          rec_tab.at[src_i.at[c]], rec_2d.at[pl.ds(c * CH, CH)], sem_rec))
      cps.append(pltpu.async_copy(
          adst_tab.at[dst_i.at[c]], adst_b.at[pl.ds(c * CH, CH)], sem_adst))
    for cp in cps:
      cp.wait()

    def group_body(g, gcarry):
      base = g * 16
      eidx = base + lanes
      aterm = at_b[pl.ds(base, 16)]
      adst = adst_b[pl.ds(base, 16)]
      asrc = plsc.load_gather(rec_2d, [eidx, col6])
      al = asrc + adst + aterm
      al = jnp.where(al >= 0, al, al * jnp.float32(0.2))
      ex = jnp.exp(al)
      for j in range(6):
        colj = jnp.full((16,), j, jnp.int32)
        hj = plsc.load_gather(rec_2d, [eidx, colj])
        plsc.store_scatter(prod_2d, [eidx, colj], hj * ex)
      plsc.store_scatter(prod_2d, [eidx, col6], ex)
      plsc.store_scatter(prod_2d, [eidx, col7], ex)
      return gcarry

    lax.fori_loop(0, BLK // 16, group_body, 0)

    adds = []
    for c in range(NCH):
      adds.append(pltpu.async_copy(
          prod_2d.at[pl.ds(c * CH, CH)], acc_sh.at[dst_i.at[c]], sem_sc,
          add=True))
    for cp in adds:
      cp.wait()
    return carry

  nblk_t = jnp.where(tid < NBLKS - (NBLKS // NW) * NW, NBLKS // NW + 1,
                     NBLKS // NW)
  lax.fori_loop(0, nblk_t, block_body, 0)
  plsc.subcore_barrier()

  @pl.when(jnp.logical_and(cid == 0, sid < NS - 1))
  def _():
    pltpu.sync_copy(acc_sh.at[pl.ds(nb, NPT)], out0_h.at[pl.ds(nb, NPT)])

  @pl.when(jnp.logical_and(cid == 0, sid == NS - 1))
  def _():
    pltpu.sync_copy(acc_sh.at[pl.ds(nb, NPT_LAST)],
                    out0_h.at[pl.ds(nb, NPT_LAST)])

  @pl.when(jnp.logical_and(cid == 1, sid < NS - 1))
  def _():
    pltpu.sync_copy(acc_sh.at[pl.ds(nb, NPT)], out1_h.at[pl.ds(nb, NPT)])

  @pl.when(jnp.logical_and(cid == 1, sid == NS - 1))
  def _():
    pltpu.sync_copy(acc_sh.at[pl.ds(nb, NPT_LAST)],
                    out1_h.at[pl.ds(nb, NPT_LAST)])


_sc_edge_cache = []


def _get_sc_edge():
  if not _sc_edge_cache:
    mesh = plsc.VectorSubcoreMesh(core_axis_name="c", subcore_axis_name="s",
                                  num_cores=NC, num_subcores=NS)
    _sc_edge_cache.append(pl.kernel(
        _sc_edge_body,
        out_type=[jax.ShapeDtypeStruct((N, 8), jnp.float32),
                  jax.ShapeDtypeStruct((N, 8), jnp.float32)],
        mesh=mesh,
        compiler_params=pltpu.CompilerParams(needs_layout_passes=False,
                                             use_tc_tiling_on_sc=False),
        scratch_types=[
            pltpu.VMEM_SHARED((N, 8), jnp.float32),
            pltpu.VMEM_SHARED((N,), jnp.float32),
            pltpu.VMEM_SHARED((N, 8), jnp.float32),
            pltpu.VMEM((NCH, CH), jnp.int32),
            pltpu.VMEM((NCH, CH), jnp.int32),
            pltpu.VMEM((BLK,), jnp.float32),
            pltpu.VMEM((BLK, 8), jnp.float32),
            pltpu.VMEM((BLK, 8), jnp.float32),
            pltpu.VMEM((BLK,), jnp.float32),
            pltpu.SemaphoreType.DMA,
            pltpu.SemaphoreType.DMA,
            pltpu.SemaphoreType.DMA,
        ],
    ))
  return _sc_edge_cache[0]


def _leaky(v, s):
  return jnp.where(v >= 0, v, v * jnp.float32(s))


_BLK6 = pl.BlockSpec((BN, F), lambda i: (i, 0))
_BLK8 = pl.BlockSpec((BN, 8), lambda i: (i, 0))
_BLK1 = pl.BlockSpec((BN, 1), lambda i: (i, 0))
_BCAST66 = pl.BlockSpec((F, F), lambda i: (0, 0))
_BCAST16 = pl.BlockSpec((1, F), lambda i: (0, 0))
_PART = pl.BlockSpec((1, 1, 2), lambda i: (i, 0, 0))
_PART_SHAPE = jax.ShapeDtypeStruct((GRID, 1, 2), jnp.float32)
_SMEM = pl.BlockSpec(memory_space=pltpu.SMEM)


def _partials(t):
  return jnp.concatenate([jnp.sum(t).reshape(1, 1, 1),
                          jnp.sum(t * t).reshape(1, 1, 1)], axis=2)


def _stats(parts):
  s = jnp.sum(parts[:, 0, 0])
  ss = jnp.sum(parts[:, 0, 1])
  n = N * F
  m = s / n
  var = (ss - s * s / n) / (n - 1)
  inv = lax.rsqrt(var)
  return jnp.stack([inv, -m * inv])


def _k_aterm_body(ea0_ref, ea1_ref, w_ref, a0_ref, a1_ref):
  e0 = ea0_ref[...]
  e1 = ea1_ref[...]
  a0_ref[...] = e0 * w_ref[0, 0] + e1 * w_ref[0, 1]
  a1_ref[...] = e0 * w_ref[1, 0] + e1 * w_ref[1, 1]


def _make_aterm(ea0, ea1, w22):
  blk = pl.BlockSpec((BE, EC), lambda i: (i, 0))
  a0, a1 = pl.pallas_call(
      _k_aterm_body,
      grid=(GRID_E,),
      in_specs=[blk, blk, _SMEM],
      out_specs=[blk, blk],
      out_shape=[jax.ShapeDtypeStruct((ER, EC), jnp.float32),
                 jax.ShapeDtypeStruct((ER, EC), jnp.float32)],
  )(ea0, ea1, w22)
  return a0.reshape(NBLKS, BLK), a1.reshape(NBLKS, BLK)


def _k_tables_body(x_ref, wt_ref, as_ref, ad_ref, rec_ref, adst_ref):
  h = jnp.dot(x_ref[...], wt_ref[...], preferred_element_type=jnp.float32)
  rec_ref[:, 0:6] = h
  rec_ref[:, 6:7] = jnp.sum(h * as_ref[...], axis=1, keepdims=True)
  rec_ref[:, 7:8] = jnp.ones((BN, 1), jnp.float32)
  adst_ref[...] = jnp.sum(h * ad_ref[...], axis=1, keepdims=True)


def _make_tables(xin, W, ats, atd):
  return pl.pallas_call(
      _k_tables_body,
      grid=(GRID,),
      in_specs=[_BLK6, _BCAST66, _BCAST16, _BCAST16],
      out_specs=[_BLK8, _BLK1],
      out_shape=[jax.ShapeDtypeStruct((N, 8), jnp.float32),
                 jax.ShapeDtypeStruct((N, 1), jnp.float32)],
  )(xin, W.T, ats.reshape(1, F), atd.reshape(1, F))


def _k_gat_out0_body(a0_ref, a1_ref, x0_ref, b_ref, hh_ref, part_ref):
  a = a0_ref[...] + a1_ref[...]
  outg = a[:, 0:6] / (a[:, 7:8] + jnp.float32(1e-16)) + b_ref[...]
  hh = _leaky(outg, 0.01) + x0_ref[...]
  hh_ref[...] = hh
  part_ref[...] = _partials(hh)


def _k_gat_out1_body(a0_ref, a1_ref, x0_ref, x1_ref, x2_ref, b_ref,
                     hh_ref, part_ref):
  a = a0_ref[...] + a1_ref[...]
  outg = a[:, 0:6] / (a[:, 7:8] + jnp.float32(1e-16)) + b_ref[...]
  hh = _leaky(outg, 0.01) + x0_ref[...] + x1_ref[...] + x2_ref[...]
  hh_ref[...] = hh
  part_ref[...] = _partials(hh)


def _k_ff0_body(hh_ref, sc_ref, f1t_ref, b1_ref, f2t_ref, b2_ref, x0_ref,
                x1_ref, t_ref, part_ref):
  x1 = hh_ref[...] * sc_ref[0] + sc_ref[1]
  u = _leaky(jnp.dot(x1, f1t_ref[...], preferred_element_type=jnp.float32)
             + b1_ref[...], 0.01)
  t = (jnp.dot(u, f2t_ref[...], preferred_element_type=jnp.float32)
       + b2_ref[...] + x1 + x0_ref[...])
  x1_ref[...] = x1
  t_ref[...] = t
  part_ref[...] = _partials(t)


def _k_next_tables_body(t_ref, sc_ref, wt_ref, as_ref, ad_ref,
                        x2_ref, rec_ref, adst_ref):
  x2 = t_ref[...] * sc_ref[0] + sc_ref[1]
  x2_ref[...] = x2
  h = jnp.dot(x2, wt_ref[...], preferred_element_type=jnp.float32)
  rec_ref[:, 0:6] = h
  rec_ref[:, 6:7] = jnp.sum(h * as_ref[...], axis=1, keepdims=True)
  rec_ref[:, 7:8] = jnp.ones((BN, 1), jnp.float32)
  adst_ref[...] = jnp.sum(h * ad_ref[...], axis=1, keepdims=True)


def _k_ff1_head_body(hh_ref, sc_ref, f1t_ref, b1_ref, f2t_ref, b2_ref,
                     x0_ref, x1_ref, x2_ref, u_ref, c_ref, out_ref):
  x1n = hh_ref[...] * sc_ref[0] + sc_ref[1]
  u = _leaky(jnp.dot(x1n, f1t_ref[...], preferred_element_type=jnp.float32)
             + b1_ref[...], 0.01)
  t = (jnp.dot(u, f2t_ref[...], preferred_element_type=jnp.float32)
       + b2_ref[...] + x1n + x0_ref[...] + x1_ref[...] + x2_ref[...])
  vr = jnp.sum(t * u_ref[0:1, :], axis=1, keepdims=True)
  vi = jnp.sum(t * u_ref[1:2, :], axis=1, keepdims=True)
  out_ref[...] = jnp.concatenate([vr, vi], axis=1) + c_ref[...]


def _edge_phase(rec, adst, aterm, src2, dst2, zeros8):
  return _get_sc_edge()(src2, dst2, aterm, rec, adst.reshape(N), zeros8)


def kernel(x, edge_index, edge_attr, params):
  src2 = edge_index[0].reshape(NBLKS, NCH, CH)
  dst2 = edge_index[1].reshape(NBLKS, NCH, CH)
  ea0 = edge_attr[:, 0].reshape(ER, EC)
  ea1 = edge_attr[:, 1].reshape(ER, EC)
  zeros8 = jnp.zeros((N, 8), jnp.float32)

  x0 = x

  w22 = jnp.stack([params["conv0_We"].T @ params["conv0_att_edge"][0],
                   params["conv1_We"].T @ params["conv1_att_edge"][0]])
  aterm0, aterm1 = _make_aterm(ea0, ea1, w22)

  rec0, adst0 = _make_tables(x0, params["conv0_W"],
                             params["conv0_att_src"][0],
                             params["conv0_att_dst"][0])
  acc0, acc1 = _edge_phase(rec0, adst0, aterm0, src2, dst2, zeros8)

  hh0, parts = pl.pallas_call(
      _k_gat_out0_body,
      grid=(GRID,),
      in_specs=[_BLK8, _BLK8, _BLK6, _BCAST16],
      out_specs=[_BLK6, _PART],
      out_shape=[jax.ShapeDtypeStruct((N, F), jnp.float32), _PART_SHAPE],
  )(acc0, acc1, x0, params["conv0_b"].reshape(1, F))
  sc1 = _stats(parts)

  x1, t0, parts2 = pl.pallas_call(
      _k_ff0_body,
      grid=(GRID,),
      in_specs=[_BLK6, _SMEM, _BCAST66, _BCAST16, _BCAST66, _BCAST16, _BLK6],
      out_specs=[_BLK6, _BLK6, _PART],
      out_shape=[jax.ShapeDtypeStruct((N, F), jnp.float32),
                 jax.ShapeDtypeStruct((N, F), jnp.float32), _PART_SHAPE],
  )(hh0, sc1, params["ff1_0_W"].T, params["ff1_0_b"].reshape(1, F),
    params["ff2_0_W"].T, params["ff2_0_b"].reshape(1, F), x0)
  sc2 = _stats(parts2)

  x2, rec1, adst1 = pl.pallas_call(
      _k_next_tables_body,
      grid=(GRID,),
      in_specs=[_BLK6, _SMEM, _BCAST66, _BCAST16, _BCAST16],
      out_specs=[_BLK6, _BLK8, _BLK1],
      out_shape=[jax.ShapeDtypeStruct((N, F), jnp.float32),
                 jax.ShapeDtypeStruct((N, 8), jnp.float32),
                 jax.ShapeDtypeStruct((N, 1), jnp.float32)],
  )(t0, sc2, params["conv1_W"].T,
    params["conv1_att_src"][0].reshape(1, F),
    params["conv1_att_dst"][0].reshape(1, F))

  acc0b, acc1b = _edge_phase(rec1, adst1, aterm1, src2, dst2, zeros8)

  hh1, parts3 = pl.pallas_call(
      _k_gat_out1_body,
      grid=(GRID,),
      in_specs=[_BLK8, _BLK8, _BLK6, _BLK6, _BLK6, _BCAST16],
      out_specs=[_BLK6, _PART],
      out_shape=[jax.ShapeDtypeStruct((N, F), jnp.float32), _PART_SHAPE],
  )(acc0b, acc1b, x0, x1, x2, params["conv1_b"].reshape(1, F))
  sc3 = _stats(parts3)

  e1 = params["end1_W"]
  e2 = params["end2_W"]
  rb = params["reshape_b"]
  U = jnp.concatenate([e1 @ params["reshape_W"],
                       e2 @ params["reshape_W"]], axis=0)
  cvec = jnp.stack([(e1 @ rb + params["end1_b"])[0],
                    (e2 @ rb + params["end2_b"])[0]]).reshape(1, 2)

  out = pl.pallas_call(
      _k_ff1_head_body,
      grid=(GRID,),
      in_specs=[_BLK6, _SMEM, _BCAST66, _BCAST16, _BCAST66, _BCAST16,
                _BLK6, _BLK6, _BLK6,
                pl.BlockSpec((2, F), lambda i: (0, 0)),
                pl.BlockSpec((1, 2), lambda i: (0, 0))],
      out_specs=pl.BlockSpec((BN, 2), lambda i: (i, 0)),
      out_shape=jax.ShapeDtypeStruct((N, 2), jnp.float32),
  )(hh1, sc3, params["ff1_1_W"].T, params["ff1_1_b"].reshape(1, F),
    params["ff2_1_W"].T, params["ff2_1_b"].reshape(1, F),
    x0, x1, x2, U, cvec)
  return out

# --- scband reference (transcript-rebuilt; emitter-appended) ---
"""Pipeline reference for scband-gatpaper-87548613362020 (READ-ONLY COPY).

The authoritative reference and input builder live on the scoring server;
editing this copy changes nothing except your own understanding.
"""

import jax, jax.numpy as jnp
import numpy as np

N = 100000
E = 3200000
F = 6
ED = 2
H = 1
RH = 500


def _leaky(v, s):
    return jnp.where(v >= 0, v, s * v)


def _norm(v):
    return (v - jnp.mean(v)) / jnp.std(v, ddof=1)


def _gat_conv(x, src, dst, edge_attr, W, att_src, att_dst, We, att_edge, b):
    # PyG GATConv (static attention, heads=H, concat=False, add_self_loops=False, edge_dim=2)
    h = (x @ W.T).reshape(N, H, F)
    a_src = (h * att_src[None, :, :]).sum(-1)
    a_dst = (h * att_dst[None, :, :]).sum(-1)
    e = (edge_attr @ We.T).reshape(E, H, F)
    a_e = (e * att_edge[None, :, :]).sum(-1)
    alpha = a_src[src] + a_dst[dst] + a_e
    alpha = _leaky(alpha, 0.2)
    amax = jax.ops.segment_max(alpha, dst, num_segments=N)
    amax = jnp.where(jnp.isfinite(amax), amax, 0.0)
    ex = jnp.exp(alpha - amax[dst])
    denom = jax.ops.segment_sum(ex, dst, num_segments=N)
    coef = ex / (denom[dst] + 1e-16)
    out = jax.ops.segment_sum(h[src] * coef[:, :, None], dst, num_segments=N)
    return out.mean(axis=1) + b


def _forward(x, edge_attr, params, src, dst):
    x0 = x
    x2 = x
    x1 = None
    x3 = None
    cur = x
    for i in range(2):
        h = _gat_conv(x2, src, dst, edge_attr,
                      params["conv%d_W" % i], params["conv%d_att_src" % i],
                      params["conv%d_att_dst" % i], params["conv%d_We" % i],
                      params["conv%d_att_edge" % i], params["conv%d_b" % i])
        h = _leaky(h, 0.01)
        if i == 0:
            h = h + x0
        else:
            h = h + x0 + x1 + x2
        x1 = _norm(h)
        t = _leaky(x1 @ params["ff1_%d_W" % i].T + params["ff1_%d_b" % i], 0.01)
        t = t @ params["ff2_%d_W" % i].T + params["ff2_%d_b" % i]
        if i == 0:
            t = t + x1 + x0
        else:
            t = t + x1 + x2 + x3 + x0
        x3 = x1
        x2 = _norm(t)
        cur = t
    z = cur @ params["reshape_W"].T + params["reshape_b"]
    vr = z @ params["end1_W"].T + params["end1_b"]
    vi = z @ params["end2_W"].T + params["end2_b"]
    return jnp.concatenate([vr, vi], axis=1)


def setup_inputs(seed: int = 0):
    key = jax.random.key(seed)
    ks = jax.random.split(key, 64)
    x = jax.random.normal(ks[0], (N, F), dtype=jnp.float32)
    edge_index = jax.random.randint(ks[1], (2, E), 0, N, dtype=jnp.int32)
    edge_attr = jax.random.normal(ks[2], (E, ED), dtype=jnp.float32)
    params = {}
    kidx = [3]
    def nxt():
        k = ks[kidx[0]]
        kidx[0] += 1
        return k
    for i in range(2):
        params["conv%d_W" % i] = jax.random.normal(nxt(), (H * F, F), dtype=jnp.float32) / np.sqrt(F)
        params["conv%d_att_src" % i] = jax.random.normal(nxt(), (H, F), dtype=jnp.float32) / np.sqrt(F)
        params["conv%d_att_dst" % i] = jax.random.normal(nxt(), (H, F), dtype=jnp.float32) / np.sqrt(F)
        params["conv%d_We" % i] = jax.random.normal(nxt(), (H * F, ED), dtype=jnp.float32) / np.sqrt(ED)
        params["conv%d_att_edge" % i] = jax.random.normal(nxt(), (H, F), dtype=jnp.float32) / np.sqrt(F)
        params["conv%d_b" % i] = jnp.zeros((F,), jnp.float32)
        params["ff1_%d_W" % i] = jax.random.normal(nxt(), (F, F), dtype=jnp.float32) / np.sqrt(F)
        params["ff1_%d_b" % i] = jnp.zeros((F,), jnp.float32)
        params["ff2_%d_W" % i] = jax.random.normal(nxt(), (F, F), dtype=jnp.float32) / np.sqrt(F)
        params["ff2_%d_b" % i] = jnp.zeros((F,), jnp.float32)
    params["reshape_W"] = jax.random.normal(nxt(), (RH, F), dtype=jnp.float32) / np.sqrt(F)
    params["reshape_b"] = jnp.zeros((RH,), jnp.float32)
    params["end1_W"] = jax.random.normal(nxt(), (1, RH), dtype=jnp.float32) / np.sqrt(RH)
    params["end1_b"] = jnp.zeros((1,), jnp.float32)
    params["end2_W"] = jax.random.normal(nxt(), (1, RH), dtype=jnp.float32) / np.sqrt(RH)
    params["end2_b"] = jnp.zeros((1,), jnp.float32)
    return {"x": x, "edge_index": edge_index, "edge_attr": edge_attr, "params": params}


def reference(x, edge_index, edge_attr, params):
    ei = edge_index % N
    return _forward(x, edge_attr, params, ei[0], ei[1])

if __name__ == "__main__":
    import jax
    _d = setup_inputs()
    print(jax.jit(kernel)(*tuple(_d.values())))

</pallas_src>

<mosaic_0001>
#map = affine_map<(d0, d1) -> (0, 0, 0)>
#map1 = affine_map<(d0, d1) -> (0, 0)>
#map2 = affine_map<(d0, d1) -> (0)>
module attributes {stable_mosaic.version = 14 : i64} {
  func.func @_sc_edge_body(%arg0: i32, %arg1: i32, %arg2: memref<3125x8x128xi32, #tpu.memory_space<hbm>>, %arg3: memref<3125x8x128xi32, #tpu.memory_space<hbm>>, %arg4: memref<3125x1024xf32, #tpu.memory_space<hbm>>, %arg5: memref<100000x8xf32, #tpu.memory_space<hbm>>, %arg6: memref<100000xf32, #tpu.memory_space<hbm>>, %arg7: memref<100000x8xf32, #tpu.memory_space<hbm>>, %arg8: memref<100000x8xf32, #tpu.memory_space<hbm>>, %arg9: memref<100000x8xf32, #tpu.memory_space<hbm>>, %arg10: memref<100000x8xf32, #tpu.memory_space<vmem_shared>>, %arg11: memref<100000xf32, #tpu.memory_space<vmem_shared>>, %arg12: memref<100000x8xf32, #tpu.memory_space<vmem_shared>>, %arg13: memref<8x128xi32, #tpu.memory_space<vmem>>, %arg14: memref<8x128xi32, #tpu.memory_space<vmem>>, %arg15: memref<1024xf32, #tpu.memory_space<vmem>>, %arg16: memref<1024x8xf32, #tpu.memory_space<vmem>>, %arg17: memref<1024x8xf32, #tpu.memory_space<vmem>>, %arg18: memref<1024xf32, #tpu.memory_space<vmem>>, %arg19: memref<!tpu.dma_semaphore, #tpu.memory_space<semaphore_mem>>, %arg20: memref<!tpu.dma_semaphore, #tpu.memory_space<semaphore_mem>>, %arg21: memref<!tpu.dma_semaphore, #tpu.memory_space<semaphore_mem>>) attributes {dimension_semantics = [#tpu.dimension_semantics<core_parallel>, #tpu.dimension_semantics<subcore_parallel>], iteration_bounds = array<i64: 2, 16>, scalar_prefetch = 0 : i64, scratch_operands = 12 : i64, tpu.core_type = #tpu.core_type<sc_vector_subcore>, window_params = [{transform_indices = #map}, {transform_indices = #map}, {transform_indices = #map1}, {transform_indices = #map1}, {transform_indices = #map2}, {transform_indices = #map1}, {transform_indices = #map1}, {transform_indices = #map1}]} {
    %mul3A = arith.constant 16 : i32
    %mul3A_0 = arith.muli %arg0, %mul3A : i32
    %add3A = arith.addi %mul3A_0, %arg1 : i32
    %mul3A_1 = arith.constant 6256 : i32
    %mul3A_2 = arith.muli %arg1, %mul3A_1 : i32
    %multiple_of3A = tpu.assume_multiple %mul3A_2, 8 : i32
    %lt3A = arith.constant 15 : i32
    %lt3A_3 = arith.cmpi slt, %arg1, %lt3A : i32
    %convert_element_type3A = arith.extui %lt3A_3 : i1 to i32
    %cond3A = arith.constant 0 : i32
    %cond3A_4 = arith.cmpi ne, %convert_element_type3A, %cond3A : i32
    scf.if %cond3A_4 {
      "tpu.region"() ({
        %run_scoped3A = tpu.sem_alloc : memref<!tpu.dma_semaphore, #tpu.memory_space<semaphore_mem>>
        %dma_start3A = arith.constant 0 : i32
        %dma_start3A_61 = tpu.memref_slice %arg10[%multiple_of3A, %dma_start3A] : memref<100000x8xf32, #tpu.memory_space<vmem_shared>> -> memref<6256x8xf32, #tpu.memory_space<vmem_shared>>
        %dma_start3A_62 = arith.constant 0 : i32
        %dma_start3A_63 = tpu.memref_slice %arg5[%multiple_of3A, %dma_start3A_62] : memref<100000x8xf32, #tpu.memory_space<hbm>> -> memref<6256x8xf32, #tpu.memory_space<hbm>>
        tpu.enqueue_dma source(%dma_start3A_63 : memref<6256x8xf32, #tpu.memory_space<hbm>>) target(%dma_start3A_61 : memref<6256x8xf32, #tpu.memory_space<vmem_shared>>) target_semaphore(%run_scoped3A : memref<!tpu.dma_semaphore, #tpu.memory_space<semaphore_mem>>)
        %dma_wait3A = arith.constant 0 : i32
        %dma_wait3A_64 = tpu.memref_slice %arg10[%multiple_of3A, %dma_wait3A] : memref<100000x8xf32, #tpu.memory_space<vmem_shared>> -> memref<6256x8xf32, #tpu.memory_space<vmem_shared>>
        %dma_wait3A_65 = arith.constant 0 : i32
        %dma_wait3A_66 = tpu.memref_slice %arg5[%multiple_of3A, %dma_wait3A_65] : memref<100000x8xf32, #tpu.memory_space<hbm>> -> memref<6256x8xf32, #tpu.memory_space<hbm>>
        tpu.wait_dma2 semaphore(%run_scoped3A : memref<!tpu.dma_semaphore, #tpu.memory_space<semaphore_mem>>) src(%dma_wait3A_66 : memref<6256x8xf32, #tpu.memory_space<hbm>>) dst(%dma_wait3A_64 : memref<6256x8xf32, #tpu.memory_space<vmem_shared>>)
        tpu.yield
      }) : () -> ()
      "tpu.region"() ({
        %run_scoped3A = tpu.sem_alloc : memref<!tpu.dma_semaphore, #tpu.memory_space<semaphore_mem>>
        %dma_start3A = arith.constant 0 : i32
        %dma_start3A_61 = tpu.memref_slice %arg12[%multiple_of3A, %dma_start3A] : memref<100000x8xf32, #tpu.memory_space<vmem_shared>> -> memref<6256x8xf32, #tpu.memory_space<vmem_shared>>
        %dma_start3A_62 = arith.constant 0 : i32
        %dma_start3A_63 = tpu.memref_slice %arg7[%multiple_of3A, %dma_start3A_62] : memref<100000x8xf32, #tpu.memory_space<hbm>> -> memref<6256x8xf32, #tpu.memory_space<hbm>>
        tpu.enqueue_dma source(%dma_start3A_63 : memref<6256x8xf32, #tpu.memory_space<hbm>>) target(%dma_start3A_61 : memref<6256x8xf32, #tpu.memory_space<vmem_shared>>) target_semaphore(%run_scoped3A : memref<!tpu.dma_semaphore, #tpu.memory_space<semaphore_mem>>)
        %dma_wait3A = arith.constant 0 : i32
        %dma_wait3A_64 = tpu.memref_slice %arg12[%multiple_of3A, %dma_wait3A] : memref<100000x8xf32, #tpu.memory_space<vmem_shared>> -> memref<6256x8xf32, #tpu.memory_space<vmem_shared>>
        %dma_wait3A_65 = arith.constant 0 : i32
        %dma_wait3A_66 = tpu.memref_slice %arg7[%multiple_of3A, %dma_wait3A_65] : memref<100000x8xf32, #tpu.memory_space<hbm>> -> memref<6256x8xf32, #tpu.memory_space<hbm>>
        tpu.wait_dma2 semaphore(%run_scoped3A : memref<!tpu.dma_semaphore, #tpu.memory_space<semaphore_mem>>) src(%dma_wait3A_66 : memref<6256x8xf32, #tpu.memory_space<hbm>>) dst(%dma_wait3A_64 : memref<6256x8xf32, #tpu.memory_space<vmem_shared>>)
        tpu.yield
      }) : () -> ()
    } else {
    }
    %eq3A = arith.constant 15 : i32
    %eq3A_5 = arith.cmpi eq, %arg1, %eq3A : i32
    %convert_element_type3A_6 = arith.extui %eq3A_5 : i1 to i32
    %cond3A_7 = arith.constant 0 : i32
    %cond3A_8 = arith.cmpi ne, %convert_element_type3A_6, %cond3A_7 : i32
    scf.if %cond3A_8 {
      "tpu.region"() ({
        %run_scoped3A = tpu.sem_alloc : memref<!tpu.dma_semaphore, #tpu.memory_space<semaphore_mem>>
        %dma_start3A = arith.constant 0 : i32
        %dma_start3A_61 = tpu.memref_slice %arg10[%multiple_of3A, %dma_start3A] : memref<100000x8xf32, #tpu.memory_space<vmem_shared>> -> memref<6160x8xf32, #tpu.memory_space<vmem_shared>>
        %dma_start3A_62 = arith.constant 0 : i32
        %dma_start3A_63 = tpu.memref_slice %arg5[%multiple_of3A, %dma_start3A_62] : memref<100000x8xf32, #tpu.memory_space<hbm>> -> memref<6160x8xf32, #tpu.memory_space<hbm>>
        tpu.enqueue_dma source(%dma_start3A_63 : memref<6160x8xf32, #tpu.memory_space<hbm>>) target(%dma_start3A_61 : memref<6160x8xf32, #tpu.memory_space<vmem_shared>>) target_semaphore(%run_scoped3A : memref<!tpu.dma_semaphore, #tpu.memory_space<semaphore_mem>>)
        %dma_wait3A = arith.constant 0 : i32
        %dma_wait3A_64 = tpu.memref_slice %arg10[%multiple_of3A, %dma_wait3A] : memref<100000x8xf32, #tpu.memory_space<vmem_shared>> -> memref<6160x8xf32, #tpu.memory_space<vmem_shared>>
        %dma_wait3A_65 = arith.constant 0 : i32
        %dma_wait3A_66 = tpu.memref_slice %arg5[%multiple_of3A, %dma_wait3A_65] : memref<100000x8xf32, #tpu.memory_space<hbm>> -> memref<6160x8xf32, #tpu.memory_space<hbm>>
        tpu.wait_dma2 semaphore(%run_scoped3A : memref<!tpu.dma_semaphore, #tpu.memory_space<semaphore_mem>>) src(%dma_wait3A_66 : memref<6160x8xf32, #tpu.memory_space<hbm>>) dst(%dma_wait3A_64 : memref<6160x8xf32, #tpu.memory_space<vmem_shared>>)
        tpu.yield
      }) : () -> ()
      "tpu.region"() ({
        %run_scoped3A = tpu.sem_alloc : memref<!tpu.dma_semaphore, #tpu.memory_space<semaphore_mem>>
        %dma_start3A = arith.constant 0 : i32
        %dma_start3A_61 = tpu.memref_slice %arg12[%multiple_of3A, %dma_start3A] : memref<100000x8xf32, #tpu.memory_space<vmem_shared>> -> memref<6160x8xf32, #tpu.memory_space<vmem_shared>>
        %dma_start3A_62 = arith.constant 0 : i32
        %dma_start3A_63 = tpu.memref_slice %arg7[%multiple_of3A, %dma_start3A_62] : memref<100000x8xf32, #tpu.memory_space<hbm>> -> memref<6160x8xf32, #tpu.memory_space<hbm>>
        tpu.enqueue_dma source(%dma_start3A_63 : memref<6160x8xf32, #tpu.memory_space<hbm>>) target(%dma_start3A_61 : memref<6160x8xf32, #tpu.memory_space<vmem_shared>>) target_semaphore(%run_scoped3A : memref<!tpu.dma_semaphore, #tpu.memory_space<semaphore_mem>>)
        %dma_wait3A = arith.constant 0 : i32
        %dma_wait3A_64 = tpu.memref_slice %arg12[%multiple_of3A, %dma_wait3A] : memref<100000x8xf32, #tpu.memory_space<vmem_shared>> -> memref<6160x8xf32, #tpu.memory_space<vmem_shared>>
        %dma_wait3A_65 = arith.constant 0 : i32
        %dma_wait3A_66 = tpu.memref_slice %arg7[%multiple_of3A, %dma_wait3A_65] : memref<100000x8xf32, #tpu.memory_space<hbm>> -> memref<6160x8xf32, #tpu.memory_space<hbm>>
        tpu.wait_dma2 semaphore(%run_scoped3A : memref<!tpu.dma_semaphore, #tpu.memory_space<semaphore_mem>>) src(%dma_wait3A_66 : memref<6160x8xf32, #tpu.memory_space<hbm>>) dst(%dma_wait3A_64 : memref<6160x8xf32, #tpu.memory_space<vmem_shared>>)
        tpu.yield
      }) : () -> ()
    } else {
    }
    %eq3A_9 = arith.constant 0 : i32
    %eq3A_10 = arith.cmpi eq, %arg1, %eq3A_9 : i32
    %convert_element_type3A_11 = arith.extui %eq3A_10 : i1 to i32
    %cond3A_12 = arith.constant 0 : i32
    %cond3A_13 = arith.cmpi ne, %convert_element_type3A_11, %cond3A_12 : i32
    scf.if %cond3A_13 {
      "tpu.region"() ({
        %run_scoped3A = tpu.sem_alloc : memref<!tpu.dma_semaphore, #tpu.memory_space<semaphore_mem>>
        tpu.enqueue_dma source(%arg6 : memref<100000xf32, #tpu.memory_space<hbm>>) target(%arg11 : memref<100000xf32, #tpu.memory_space<vmem_shared>>) target_semaphore(%run_scoped3A : memref<!tpu.dma_semaphore, #tpu.memory_space<semaphore_mem>>)
        tpu.wait_dma2 semaphore(%run_scoped3A : memref<!tpu.dma_semaphore, #tpu.memory_space<semaphore_mem>>) src(%arg6 : memref<100000xf32, #tpu.memory_space<hbm>>) dst(%arg11 : memref<100000xf32, #tpu.memory_space<vmem_shared>>)
        tpu.yield
      }) : () -> ()
    } else {
    }
    %barrier3A = arith.constant 0 : index
    tpu.barrier barrier_id(%barrier3A)
    %iota3A = tpu.iota {dimensions = array<i32: 0>} : vector<16xi32>
    %broadcast_in_dim3A = arith.constant 6 : i32
    %broadcast_in_dim3A_14 = vector.broadcast %broadcast_in_dim3A : i32 to vector<16xi32>
    %broadcast_in_dim3A_15 = arith.constant 7 : i32
    %broadcast_in_dim3A_16 = vector.broadcast %broadcast_in_dim3A_15 : i32 to vector<16xi32>
    %lt3A_17 = arith.constant 21 : i32
    %lt3A_18 = arith.cmpi slt, %add3A, %lt3A_17 : i32
    %jit3A = arith.constant 98 : i32
    %jit3A_19 = arith.constant 97 : i32
    %select_n3A = arith.select %lt3A_18, %jit3A, %jit3A_19 : i32
    %while3A = arith.constant 0 : i32
    %while3A_20 = arith.constant 0 : i32
    %while3A_21 = arith.subi %select_n3A, %while3A_20 : i32
    %while3A_22 = arith.addi %while3A_20, %while3A_21 : i32
    %while3A_23 = arith.constant 1 : i32
    %while3A_24 = arith.divsi %while3A_21, %while3A_23 : i32
    %while3A_25 = arith.muli %while3A_24, %while3A_23 : i32
    %while3A_26 = arith.addi %while3A_20, %while3A_25 : i32
    %while3A_27 = arith.constant 1 : i32
    scf.for %while3A_61 = %while3A_20 to %while3A_26 step %while3A_27  : i32 {
      %mul3A_62 = arith.constant 32 : i32
      %mul3A_63 = arith.muli %while3A_61, %mul3A_62 : i32
      %add3A_64 = arith.addi %add3A, %mul3A_63 : i32
      "tpu.region"() ({
        %run_scoped3A = tpu.sem_alloc : memref<!tpu.dma_semaphore, #tpu.memory_space<semaphore_mem>>
        %dma_start3A_516 = arith.constant 0 : i32
        %dma_start3A_517 = arith.constant 0 : i32
        %dma_start3A_518 = tpu.memref_slice %arg2[%add3A_64, %dma_start3A_516, %dma_start3A_517] : memref<3125x8x128xi32, #tpu.memory_space<hbm>> -> memref<1x8x128xi32, #tpu.memory_space<hbm>>
        %dma_start3A_519 = tpu.memref_squeeze %dma_start3A_518 : memref<1x8x128xi32, #tpu.memory_space<hbm>> -> memref<8x128xi32, #tpu.memory_space<hbm>>
        %dma_start3A_520 = arith.constant 0 : i32
        %dma_start3A_521 = arith.constant 0 : i32
        %dma_start3A_522 = tpu.memref_slice %arg2[%add3A_64, %dma_start3A_520, %dma_start3A_521] : memref<3125x8x128xi32, #tpu.memory_space<hbm>> -> memref<1x8x128xi32, #tpu.memory_space<hbm>>
        %dma_start3A_523 = tpu.memref_squeeze %dma_start3A_522 : memref<1x8x128xi32, #tpu.memory_space<hbm>> -> memref<8x128xi32, #tpu.memory_space<hbm>>
        tpu.enqueue_dma source(%dma_start3A_523 : memref<8x128xi32, #tpu.memory_space<hbm>>) target(%arg13 : memref<8x128xi32, #tpu.memory_space<vmem>>) target_semaphore(%run_scoped3A : memref<!tpu.dma_semaphore, #tpu.memory_space<semaphore_mem>>)
        %dma_wait3A_524 = arith.constant 0 : i32
        %dma_wait3A_525 = arith.constant 0 : i32
        %dma_wait3A_526 = tpu.memref_slice %arg2[%add3A_64, %dma_wait3A_524, %dma_wait3A_525] : memref<3125x8x128xi32, #tpu.memory_space<hbm>> -> memref<1x8x128xi32, #tpu.memory_space<hbm>>
        %dma_wait3A_527 = tpu.memref_squeeze %dma_wait3A_526 : memref<1x8x128xi32, #tpu.memory_space<hbm>> -> memref<8x128xi32, #tpu.memory_space<hbm>>
        %dma_wait3A_528 = arith.constant 0 : i32
        %dma_wait3A_529 = arith.constant 0 : i32
        %dma_wait3A_530 = tpu.memref_slice %arg2[%add3A_64, %dma_wait3A_528, %dma_wait3A_529] : memref<3125x8x128xi32, #tpu.memory_space<hbm>> -> memref<1x8x128xi32, #tpu.memory_space<hbm>>
        %dma_wait3A_531 = tpu.memref_squeeze %dma_wait3A_530 : memref<1x8x128xi32, #tpu.memory_space<hbm>> -> memref<8x128xi32, #tpu.memory_space<hbm>>
        tpu.wait_dma2 semaphore(%run_scoped3A : memref<!tpu.dma_semaphore, #tpu.memory_space<semaphore_mem>>) src(%dma_wait3A_531 : memref<8x128xi32, #tpu.memory_space<hbm>>) dst(%arg13 : memref<8x128xi32, #tpu.memory_space<vmem>>)
        tpu.yield
      }) : () -> ()
      "tpu.region"() ({
        %run_scoped3A = tpu.sem_alloc : memref<!tpu.dma_semaphore, #tpu.memory_space<semaphore_mem>>
        %dma_start3A_516 = arith.constant 0 : i32
        %dma_start3A_517 = arith.constant 0 : i32
        %dma_start3A_518 = tpu.memref_slice %arg3[%add3A_64, %dma_start3A_516, %dma_start3A_517] : memref<3125x8x128xi32, #tpu.memory_space<hbm>> -> memref<1x8x128xi32, #tpu.memory_space<hbm>>
        %dma_start3A_519 = tpu.memref_squeeze %dma_start3A_518 : memref<1x8x128xi32, #tpu.memory_space<hbm>> -> memref<8x128xi32, #tpu.memory_space<hbm>>
        %dma_start3A_520 = arith.constant 0 : i32
        %dma_start3A_521 = arith.constant 0 : i32
        %dma_start3A_522 = tpu.memref_slice %arg3[%add3A_64, %dma_start3A_520, %dma_start3A_521] : memref<3125x8x128xi32, #tpu.memory_space<hbm>> -> memref<1x8x128xi32, #tpu.memory_space<hbm>>
        %dma_start3A_523 = tpu.memref_squeeze %dma_start3A_522 : memref<1x8x128xi32, #tpu.memory_space<hbm>> -> memref<8x128xi32, #tpu.memory_space<hbm>>
        tpu.enqueue_dma source(%dma_start3A_523 : memref<8x128xi32, #tpu.memory_space<hbm>>) target(%arg14 : memref<8x128xi32, #tpu.memory_space<vmem>>) target_semaphore(%run_scoped3A : memref<!tpu.dma_semaphore, #tpu.memory_space<semaphore_mem>>)
        %dma_wait3A_524 = arith.constant 0 : i32
        %dma_wait3A_525 = arith.constant 0 : i32
        %dma_wait3A_526 = tpu.memref_slice %arg3[%add3A_64, %dma_wait3A_524, %dma_wait3A_525] : memref<3125x8x128xi32, #tpu.memory_space<hbm>> -> memref<1x8x128xi32, #tpu.memory_space<hbm>>
        %dma_wait3A_527 = tpu.memref_squeeze %dma_wait3A_526 : memref<1x8x128xi32, #tpu.memory_space<hbm>> -> memref<8x128xi32, #tpu.memory_space<hbm>>
        %dma_wait3A_528 = arith.constant 0 : i32
        %dma_wait3A_529 = arith.constant 0 : i32
        %dma_wait3A_530 = tpu.memref_slice %arg3[%add3A_64, %dma_wait3A_528, %dma_wait3A_529] : memref<3125x8x128xi32, #tpu.memory_space<hbm>> -> memref<1x8x128xi32, #tpu.memory_space<hbm>>
        %dma_wait3A_531 = tpu.memref_squeeze %dma_wait3A_530 : memref<1x8x128xi32, #tpu.memory_space<hbm>> -> memref<8x128xi32, #tpu.memory_space<hbm>>
        tpu.wait_dma2 semaphore(%run_scoped3A : memref<!tpu.dma_semaphore, #tpu.memory_space<semaphore_mem>>) src(%dma_wait3A_531 : memref<8x128xi32, #tpu.memory_space<hbm>>) dst(%arg14 : memref<8x128xi32, #tpu.memory_space<vmem>>)
        tpu.yield
      }) : () -> ()
      "tpu.region"() ({
        %run_scoped3A = tpu.sem_alloc : memref<!tpu.dma_semaphore, #tpu.memory_space<semaphore_mem>>
        %dma_start3A_516 = arith.constant 0 : i32
        %dma_start3A_517 = tpu.memref_slice %arg4[%add3A_64, %dma_start3A_516] : memref<3125x1024xf32, #tpu.memory_space<hbm>> -> memref<1x1024xf32, #tpu.memory_space<hbm>>
        %dma_start3A_518 = tpu.memref_squeeze %dma_start3A_517 : memref<1x1024xf32, #tpu.memory_space<hbm>> -> memref<1024xf32, #tpu.memory_space<hbm>>
        %dma_start3A_519 = arith.constant 0 : i32
        %dma_start3A_520 = tpu.memref_slice %arg4[%add3A_64, %dma_start3A_519] : memref<3125x1024xf32, #tpu.memory_space<hbm>> -> memref<1x1024xf32, #tpu.memory_space<hbm>>
        %dma_start3A_521 = tpu.memref_squeeze %dma_start3A_520 : memref<1x1024xf32, #tpu.memory_space<hbm>> -> memref<1024xf32, #tpu.memory_space<hbm>>
        tpu.enqueue_dma source(%dma_start3A_521 : memref<1024xf32, #tpu.memory_space<hbm>>) target(%arg15 : memref<1024xf32, #tpu.memory_space<vmem>>) target_semaphore(%run_scoped3A : memref<!tpu.dma_semaphore, #tpu.memory_space<semaphore_mem>>)
        %dma_wait3A_522 = arith.constant 0 : i32
        %dma_wait3A_523 = tpu.memref_slice %arg4[%add3A_64, %dma_wait3A_522] : memref<3125x1024xf32, #tpu.memory_space<hbm>> -> memref<1x1024xf32, #tpu.memory_space<hbm>>
        %dma_wait3A_524 = tpu.memref_squeeze %dma_wait3A_523 : memref<1x1024xf32, #tpu.memory_space<hbm>> -> memref<1024xf32, #tpu.memory_space<hbm>>
        %dma_wait3A_525 = arith.constant 0 : i32
        %dma_wait3A_526 = tpu.memref_slice %arg4[%add3A_64, %dma_wait3A_525] : memref<3125x1024xf32, #tpu.memory_space<hbm>> -> memref<1x1024xf32, #tpu.memory_space<hbm>>
        %dma_wait3A_527 = tpu.memref_squeeze %dma_wait3A_526 : memref<1x1024xf32, #tpu.memory_space<hbm>> -> memref<1024xf32, #tpu.memory_space<hbm>>
        tpu.wait_dma2 semaphore(%run_scoped3A : memref<!tpu.dma_semaphore, #tpu.memory_space<semaphore_mem>>) src(%dma_wait3A_527 : memref<1024xf32, #tpu.memory_space<hbm>>) dst(%arg15 : memref<1024xf32, #tpu.memory_space<vmem>>)
        tpu.yield
      }) : () -> ()
      %dma_start3A = arith.constant 0 : i32
      %dma_start3A_65 = arith.constant 0 : i32
      %dma_start3A_66 = arith.constant 0 : i32
      %dma_start3A_67 = tpu.memref_slice %arg16[%dma_start3A_65, %dma_start3A_66] : memref<1024x8xf32, #tpu.memory_space<vmem>> -> memref<128x8xf32, #tpu.memory_space<vmem>>
      %dma_start3A_68 = arith.constant 0 : i32
      %dma_start3A_69 = tpu.memref_slice %arg13[%dma_start3A, %dma_start3A_68] : memref<8x128xi32, #tpu.memory_space<vmem>> -> memref<1x128xi32, #tpu.memory_space<vmem>>
      %dma_start3A_70 = tpu.memref_squeeze %dma_start3A_69 : memref<1x128xi32, #tpu.memory_space<vmem>> -> memref<128xi32, #tpu.memory_space<vmem>>
      %dma_start3A_71 = arith.constant 0 : i32
      %dma_start3A_72 = arith.constant 0 : i32
      %dma_start3A_73 = tpu.memref_slice %arg10[%dma_start3A_71, %dma_start3A_72] : memref<100000x8xf32, #tpu.memory_space<vmem_shared>> -> memref<100000x8xf32, #tpu.memory_space<vmem_shared>>
      tpu.enqueue_indirect_dma source(%dma_start3A_73 : memref<100000x8xf32, #tpu.memory_space<vmem_shared>>) target(%dma_start3A_67 : memref<128x8xf32, #tpu.memory_space<vmem>>) offsets(%dma_start3A_70 : memref<128xi32, #tpu.memory_space<vmem>>) semaphore(%arg19 : memref<!tpu.dma_semaphore, #tpu.memory_space<semaphore_mem>>)
      %dma_start3A_74 = arith.constant 0 : i32
      %dma_start3A_75 = arith.constant 0 : i32
      %dma_start3A_76 = tpu.memref_slice %arg18[%dma_start3A_75] : memref<1024xf32, #tpu.memory_space<vmem>> -> memref<128xf32, #tpu.memory_space<vmem>>
      %dma_start3A_77 = arith.constant 0 : i32
      %dma_start3A_78 = tpu.memref_slice %arg14[%dma_start3A_74, %dma_start3A_77] : memref<8x128xi32, #tpu.memory_space<vmem>> -> memref<1x128xi32, #tpu.memory_space<vmem>>
      %dma_start3A_79 = tpu.memref_squeeze %dma_start3A_78 : memref<1x128xi32, #tpu.memory_space<vmem>> -> memref<128xi32, #tpu.memory_space<vmem>>
      %dma_start3A_80 = arith.constant 0 : i32
      %dma_start3A_81 = tpu.memref_slice %arg11[%dma_start3A_80] : memref<100000xf32, #tpu.memory_space<vmem_shared>> -> memref<100000xf32, #tpu.memory_space<vmem_shared>>
      tpu.enqueue_indirect_dma source(%dma_start3A_81 : memref<100000xf32, #tpu.memory_space<vmem_shared>>) target(%dma_start3A_76 : memref<128xf32, #tpu.memory_space<vmem>>) offsets(%dma_start3A_79 : memref<128xi32, #tpu.memory_space<vmem>>) semaphore(%arg20 : memref<!tpu.dma_semaphore, #tpu.memory_space<semaphore_mem>>)
      %dma_start3A_82 = arith.constant 1 : i32
      %dma_start3A_83 = arith.constant 128 : i32
      %dma_start3A_84 = arith.constant 0 : i32
      %dma_start3A_85 = tpu.memref_slice %arg16[%dma_start3A_83, %dma_start3A_84] : memref<1024x8xf32, #tpu.memory_space<vmem>> -> memref<128x8xf32, #tpu.memory_space<vmem>>
      %dma_start3A_86 = arith.constant 0 : i32
      %dma_start3A_87 = tpu.memref_slice %arg13[%dma_start3A_82, %dma_start3A_86] : memref<8x128xi32, #tpu.memory_space<vmem>> -> memref<1x128xi32, #tpu.memory_space<vmem>>
      %dma_start3A_88 = tpu.memref_squeeze %dma_start3A_87 : memref<1x128xi32, #tpu.memory_space<vmem>> -> memref<128xi32, #tpu.memory_space<vmem>>
      %dma_start3A_89 = arith.constant 0 : i32
      %dma_start3A_90 = arith.constant 0 : i32
      %dma_start3A_91 = tpu.memref_slice %arg10[%dma_start3A_89, %dma_start3A_90] : memref<100000x8xf32, #tpu.memory_space<vmem_shared>> -> memref<100000x8xf32, #tpu.memory_space<vmem_shared>>
      tpu.enqueue_indirect_dma source(%dma_start3A_91 : memref<100000x8xf32, #tpu.memory_space<vmem_shared>>) target(%dma_start3A_85 : memref<128x8xf32, #tpu.memory_space<vmem>>) offsets(%dma_start3A_88 : memref<128xi32, #tpu.memory_space<vmem>>) semaphore(%arg19 : memref<!tpu.dma_semaphore, #tpu.memory_space<semaphore_mem>>)
      %dma_start3A_92 = arith.constant 1 : i32
      %dma_start3A_93 = arith.constant 128 : i32
      %dma_start3A_94 = tpu.memref_slice %arg18[%dma_start3A_93] : memref<1024xf32, #tpu.memory_space<vmem>> -> memref<128xf32, #tpu.memory_space<vmem>>
      %dma_start3A_95 = arith.constant 0 : i32
      %dma_start3A_96 = tpu.memref_slice %arg14[%dma_start3A_92, %dma_start3A_95] : memref<8x128xi32, #tpu.memory_space<vmem>> -> memref<1x128xi32, #tpu.memory_space<vmem>>
      %dma_start3A_97 = tpu.memref_squeeze %dma_start3A_96 : memref<1x128xi32, #tpu.memory_space<vmem>> -> memref<128xi32, #tpu.memory_space<vmem>>
      %dma_start3A_98 = arith.constant 0 : i32
      %dma_start3A_99 = tpu.memref_slice %arg11[%dma_start3A_98] : memref<100000xf32, #tpu.memory_space<vmem_shared>> -> memref<100000xf32, #tpu.memory_space<vmem_shared>>
      tpu.enqueue_indirect_dma source(%dma_start3A_99 : memref<100000xf32, #tpu.memory_space<vmem_shared>>) target(%dma_start3A_94 : memref<128xf32, #tpu.memory_space<vmem>>) offsets(%dma_start3A_97 : memref<128xi32, #tpu.memory_space<vmem>>) semaphore(%arg20 : memref<!tpu.dma_semaphore, #tpu.memory_space<semaphore_mem>>)
      %dma_start3A_100 = arith.constant 2 : i32
      %dma_start3A_101 = arith.constant 256 : i32
      %dma_start3A_102 = arith.constant 0 : i32
      %dma_start3A_103 = tpu.memref_slice %arg16[%dma_start3A_101, %dma_start3A_102] : memref<1024x8xf32, #tpu.memory_space<vmem>> -> memref<128x8xf32, #tpu.memory_space<vmem>>
      %dma_start3A_104 = arith.constant 0 : i32
      %dma_start3A_105 = tpu.memref_slice %arg13[%dma_start3A_100, %dma_start3A_104] : memref<8x128xi32, #tpu.memory_space<vmem>> -> memref<1x128xi32, #tpu.memory_space<vmem>>
      %dma_start3A_106 = tpu.memref_squeeze %dma_start3A_105 : memref<1x128xi32, #tpu.memory_space<vmem>> -> memref<128xi32, #tpu.memory_space<vmem>>
      %dma_start3A_107 = arith.constant 0 : i32
      %dma_start3A_108 = arith.constant 0 : i32
      %dma_start3A_109 = tpu.memref_slice %arg10[%dma_start3A_107, %dma_start3A_108] : memref<100000x8xf32, #tpu.memory_space<vmem_shared>> -> memref<100000x8xf32, #tpu.memory_space<vmem_shared>>
      tpu.enqueue_indirect_dma source(%dma_start3A_109 : memref<100000x8xf32, #tpu.memory_space<vmem_shared>>) target(%dma_start3A_103 : memref<128x8xf32, #tpu.memory_space<vmem>>) offsets(%dma_start3A_106 : memref<128xi32, #tpu.memory_space<vmem>>) semaphore(%arg19 : memref<!tpu.dma_semaphore, #tpu.memory_space<semaphore_mem>>)
      %dma_start3A_110 = arith.constant 2 : i32
      %dma_start3A_111 = arith.constant 256 : i32
      %dma_start3A_112 = tpu.memref_slice %arg18[%dma_start3A_111] : memref<1024xf32, #tpu.memory_space<vmem>> -> memref<128xf32, #tpu.memory_space<vmem>>
      %dma_start3A_113 = arith.constant 0 : i32
      %dma_start3A_114 = tpu.memref_slice %arg14[%dma_start3A_110, %dma_start3A_113] : memref<8x128xi32, #tpu.memory_space<vmem>> -> memref<1x128xi32, #tpu.memory_space<vmem>>
      %dma_start3A_115 = tpu.memref_squeeze %dma_start3A_114 : memref<1x128xi32, #tpu.memory_space<vmem>> -> memref<128xi32, #tpu.memory_space<vmem>>
      %dma_start3A_116 = arith.constant 0 : i32
      %dma_start3A_117 = tpu.memref_slice %arg11[%dma_start3A_116] : memref<100000xf32, #tpu.memory_space<vmem_shared>> -> memref<100000xf32, #tpu.memory_space<vmem_shared>>
      tpu.enqueue_indirect_dma source(%dma_start3A_117 : memref<100000xf32, #tpu.memory_space<vmem_shared>>) target(%dma_start3A_112 : memref<128xf32, #tpu.memory_space<vmem>>) offsets(%dma_start3A_115 : memref<128xi32, #tpu.memory_space<vmem>>) semaphore(%arg20 : memref<!tpu.dma_semaphore, #tpu.memory_space<semaphore_mem>>)
      %dma_start3A_118 = arith.constant 3 : i32
      %dma_start3A_119 = arith.constant 384 : i32
      %dma_start3A_120 = arith.constant 0 : i32
      %dma_start3A_121 = tpu.memref_slice %arg16[%dma_start3A_119, %dma_start3A_120] : memref<1024x8xf32, #tpu.memory_space<vmem>> -> memref<128x8xf32, #tpu.memory_space<vmem>>
      %dma_start3A_122 = arith.constant 0 : i32
      %dma_start3A_123 = tpu.memref_slice %arg13[%dma_start3A_118, %dma_start3A_122] : memref<8x128xi32, #tpu.memory_space<vmem>> -> memref<1x128xi32, #tpu.memory_space<vmem>>
      %dma_start3A_124 = tpu.memref_squeeze %dma_start3A_123 : memref<1x128xi32, #tpu.memory_space<vmem>> -> memref<128xi32, #tpu.memory_space<vmem>>
      %dma_start3A_125 = arith.constant 0 : i32
      %dma_start3A_126 = arith.constant 0 : i32
      %dma_start3A_127 = tpu.memref_slice %arg10[%dma_start3A_125, %dma_start3A_126] : memref<100000x8xf32, #tpu.memory_space<vmem_shared>> -> memref<100000x8xf32, #tpu.memory_space<vmem_shared>>
      tpu.enqueue_indirect_dma source(%dma_start3A_127 : memref<100000x8xf32, #tpu.memory_space<vmem_shared>>) target(%dma_start3A_121 : memref<128x8xf32, #tpu.memory_space<vmem>>) offsets(%dma_start3A_124 : memref<128xi32, #tpu.memory_space<vmem>>) semaphore(%arg19 : memref<!tpu.dma_semaphore, #tpu.memory_space<semaphore_mem>>)
      %dma_start3A_128 = arith.constant 3 : i32
      %dma_start3A_129 = arith.constant 384 : i32
      %dma_start3A_130 = tpu.memref_slice %arg18[%dma_start3A_129] : memref<1024xf32, #tpu.memory_space<vmem>> -> memref<128xf32, #tpu.memory_space<vmem>>
      %dma_start3A_131 = arith.constant 0 : i32
      %dma_start3A_132 = tpu.memref_slice %arg14[%dma_start3A_128, %dma_start3A_131] : memref<8x128xi32, #tpu.memory_space<vmem>> -> memref<1x128xi32, #tpu.memory_space<vmem>>
      %dma_start3A_133 = tpu.memref_squeeze %dma_start3A_132 : memref<1x128xi32, #tpu.memory_space<vmem>> -> memref<128xi32, #tpu.memory_space<vmem>>
      %dma_start3A_134 = arith.constant 0 : i32
      %dma_start3A_135 = tpu.memref_slice %arg11[%dma_start3A_134] : memref<100000xf32, #tpu.memory_space<vmem_shared>> -> memref<100000xf32, #tpu.memory_space<vmem_shared>>
      tpu.enqueue_indirect_dma source(%dma_start3A_135 : memref<100000xf32, #tpu.memory_space<vmem_shared>>) target(%dma_start3A_130 : memref<128xf32, #tpu.memory_space<vmem>>) offsets(%dma_start3A_133 : memref<128xi32, #tpu.memory_space<vmem>>) semaphore(%arg20 : memref<!tpu.dma_semaphore, #tpu.memory_space<semaphore_mem>>)
      %dma_start3A_136 = arith.constant 4 : i32
      %dma_start3A_137 = arith.constant 512 : i32
      %dma_start3A_138 = arith.constant 0 : i32
      %dma_start3A_139 = tpu.memref_slice %arg16[%dma_start3A_137, %dma_start3A_138] : memref<1024x8xf32, #tpu.memory_space<vmem>> -> memref<128x8xf32, #tpu.memory_space<vmem>>
      %dma_start3A_140 = arith.constant 0 : i32
      %dma_start3A_141 = tpu.memref_slice %arg13[%dma_start3A_136, %dma_start3A_140] : memref<8x128xi32, #tpu.memory_space<vmem>> -> memref<1x128xi32, #tpu.memory_space<vmem>>
      %dma_start3A_142 = tpu.memref_squeeze %dma_start3A_141 : memref<1x128xi32, #tpu.memory_space<vmem>> -> memref<128xi32, #tpu.memory_space<vmem>>
      %dma_start3A_143 = arith.constant 0 : i32
      %dma_start3A_144 = arith.constant 0 : i32
      %dma_start3A_145 = tpu.memref_slice %arg10[%dma_start3A_143, %dma_start3A_144] : memref<100000x8xf32, #tpu.memory_space<vmem_shared>> -> memref<100000x8xf32, #tpu.memory_space<vmem_shared>>
      tpu.enqueue_indirect_dma source(%dma_start3A_145 : memref<100000x8xf32, #tpu.memory_space<vmem_shared>>) target(%dma_start3A_139 : memref<128x8xf32, #tpu.memory_space<vmem>>) offsets(%dma_start3A_142 : memref<128xi32, #tpu.memory_space<vmem>>) semaphore(%arg19 : memref<!tpu.dma_semaphore, #tpu.memory_space<semaphore_mem>>)
      %dma_start3A_146 = arith.constant 4 : i32
      %dma_start3A_147 = arith.constant 512 : i32
      %dma_start3A_148 = tpu.memref_slice %arg18[%dma_start3A_147] : memref<1024xf32, #tpu.memory_space<vmem>> -> memref<128xf32, #tpu.memory_space<vmem>>
      %dma_start3A_149 = arith.constant 0 : i32
      %dma_start3A_150 = tpu.memref_slice %arg14[%dma_start3A_146, %dma_start3A_149] : memref<8x128xi32, #tpu.memory_space<vmem>> -> memref<1x128xi32, #tpu.memory_space<vmem>>
      %dma_start3A_151 = tpu.memref_squeeze %dma_start3A_150 : memref<1x128xi32, #tpu.memory_space<vmem>> -> memref<128xi32, #tpu.memory_space<vmem>>
      %dma_start3A_152 = arith.constant 0 : i32
      %dma_start3A_153 = tpu.memref_slice %arg11[%dma_start3A_152] : memref<100000xf32, #tpu.memory_space<vmem_shared>> -> memref<100000xf32, #tpu.memory_space<vmem_shared>>
      tpu.enqueue_indirect_dma source(%dma_start3A_153 : memref<100000xf32, #tpu.memory_space<vmem_shared>>) target(%dma_start3A_148 : memref<128xf32, #tpu.memory_space<vmem>>) offsets(%dma_start3A_151 : memref<128xi32, #tpu.memory_space<vmem>>) semaphore(%arg20 : memref<!tpu.dma_semaphore, #tpu.memory_space<semaphore_mem>>)
      %dma_start3A_154 = arith.constant 5 : i32
      %dma_start3A_155 = arith.constant 640 : i32
      %dma_start3A_156 = arith.constant 0 : i32
      %dma_start3A_157 = tpu.memref_slice %arg16[%dma_start3A_155, %dma_start3A_156] : memref<1024x8xf32, #tpu.memory_space<vmem>> -> memref<128x8xf32, #tpu.memory_space<vmem>>
      %dma_start3A_158 = arith.constant 0 : i32
      %dma_start3A_159 = tpu.memref_slice %arg13[%dma_start3A_154, %dma_start3A_158] : memref<8x128xi32, #tpu.memory_space<vmem>> -> memref<1x128xi32, #tpu.memory_space<vmem>>
      %dma_start3A_160 = tpu.memref_squeeze %dma_start3A_159 : memref<1x128xi32, #tpu.memory_space<vmem>> -> memref<128xi32, #tpu.memory_space<vmem>>
      %dma_start3A_161 = arith.constant 0 : i32
      %dma_start3A_162 = arith.constant 0 : i32
      %dma_start3A_163 = tpu.memref_slice %arg10[%dma_start3A_161, %dma_start3A_162] : memref<100000x8xf32, #tpu.memory_space<vmem_shared>> -> memref<100000x8xf32, #tpu.memory_space<vmem_shared>>
      tpu.enqueue_indirect_dma source(%dma_start3A_163 : memref<100000x8xf32, #tpu.memory_space<vmem_shared>>) target(%dma_start3A_157 : memref<128x8xf32, #tpu.memory_space<vmem>>) offsets(%dma_start3A_160 : memref<128xi32, #tpu.memory_space<vmem>>) semaphore(%arg19 : memref<!tpu.dma_semaphore, #tpu.memory_space<semaphore_mem>>)
      %dma_start3A_164 = arith.constant 5 : i32
      %dma_start3A_165 = arith.constant 640 : i32
      %dma_start3A_166 = tpu.memref_slice %arg18[%dma_start3A_165] : memref<1024xf32, #tpu.memory_space<vmem>> -> memref<128xf32, #tpu.memory_space<vmem>>
      %dma_start3A_167 = arith.constant 0 : i32
      %dma_start3A_168 = tpu.memref_slice %arg14[%dma_start3A_164, %dma_start3A_167] : memref<8x128xi32, #tpu.memory_space<vmem>> -> memref<1x128xi32, #tpu.memory_space<vmem>>
      %dma_start3A_169 = tpu.memref_squeeze %dma_start3A_168 : memref<1x128xi32, #tpu.memory_space<vmem>> -> memref<128xi32, #tpu.memory_space<vmem>>
      %dma_start3A_170 = arith.constant 0 : i32
      %dma_start3A_171 = tpu.memref_slice %arg11[%dma_start3A_170] : memref<100000xf32, #tpu.memory_space<vmem_shared>> -> memref<100000xf32, #tpu.memory_space<vmem_shared>>
      tpu.enqueue_indirect_dma source(%dma_start3A_171 : memref<100000xf32, #tpu.memory_space<vmem_shared>>) target(%dma_start3A_166 : memref<128xf32, #tpu.memory_space<vmem>>) offsets(%dma_start3A_169 : memref<128xi32, #tpu.memory_space<vmem>>) semaphore(%arg20 : memref<!tpu.dma_semaphore, #tpu.memory_space<semaphore_mem>>)
      %dma_start3A_172 = arith.constant 6 : i32
      %dma_start3A_173 = arith.constant 768 : i32
      %dma_start3A_174 = arith.constant 0 : i32
      %dma_start3A_175 = tpu.memref_slice %arg16[%dma_start3A_173, %dma_start3A_174] : memref<1024x8xf32, #tpu.memory_space<vmem>> -> memref<128x8xf32, #tpu.memory_space<vmem>>
      %dma_start3A_176 = arith.constant 0 : i32
      %dma_start3A_177 = tpu.memref_slice %arg13[%dma_start3A_172, %dma_start3A_176] : memref<8x128xi32, #tpu.memory_space<vmem>> -> memref<1x128xi32, #tpu.memory_space<vmem>>
      %dma_start3A_178 = tpu.memref_squeeze %dma_start3A_177 : memref<1x128xi32, #tpu.memory_space<vmem>> -> memref<128xi32, #tpu.memory_space<vmem>>
      %dma_start3A_179 = arith.constant 0 : i32
      %dma_start3A_180 = arith.constant 0 : i32
      %dma_start3A_181 = tpu.memref_slice %arg10[%dma_start3A_179, %dma_start3A_180] : memref<100000x8xf32, #tpu.memory_space<vmem_shared>> -> memref<100000x8xf32, #tpu.memory_space<vmem_shared>>
      tpu.enqueue_indirect_dma source(%dma_start3A_181 : memref<100000x8xf32, #tpu.memory_space<vmem_shared>>) target(%dma_start3A_175 : memref<128x8xf32, #tpu.memory_space<vmem>>) offsets(%dma_start3A_178 : memref<128xi32, #tpu.memory_space<vmem>>) semaphore(%arg19 : memref<!tpu.dma_semaphore, #tpu.memory_space<semaphore_mem>>)
      %dma_start3A_182 = arith.constant 6 : i32
      %dma_start3A_183 = arith.constant 768 : i32
      %dma_start3A_184 = tpu.memref_slice %arg18[%dma_start3A_183] : memref<1024xf32, #tpu.memory_space<vmem>> -> memref<128xf32, #tpu.memory_space<vmem>>
      %dma_start3A_185 = arith.constant 0 : i32
      %dma_start3A_186 = tpu.memref_slice %arg14[%dma_start3A_182, %dma_start3A_185] : memref<8x128xi32, #tpu.memory_space<vmem>> -> memref<1x128xi32, #tpu.memory_space<vmem>>
      %dma_start3A_187 = tpu.memref_squeeze %dma_start3A_186 : memref<1x128xi32, #tpu.memory_space<vmem>> -> memref<128xi32, #tpu.memory_space<vmem>>
      %dma_start3A_188 = arith.constant 0 : i32
      %dma_start3A_189 = tpu.memref_slice %arg11[%dma_start3A_188] : memref<100000xf32, #tpu.memory_space<vmem_shared>> -> memref<100000xf32, #tpu.memory_space<vmem_shared>>
      tpu.enqueue_indirect_dma source(%dma_start3A_189 : memref<100000xf32, #tpu.memory_space<vmem_shared>>) target(%dma_start3A_184 : memref<128xf32, #tpu.memory_space<vmem>>) offsets(%dma_start3A_187 : memref<128xi32, #tpu.memory_space<vmem>>) semaphore(%arg20 : memref<!tpu.dma_semaphore, #tpu.memory_space<semaphore_mem>>)
      %dma_start3A_190 = arith.constant 7 : i32
      %dma_start3A_191 = arith.constant 896 : i32
      %dma_start3A_192 = arith.constant 0 : i32
      %dma_start3A_193 = tpu.memref_slice %arg16[%dma_start3A_191, %dma_start3A_192] : memref<1024x8xf32, #tpu.memory_space<vmem>> -> memref<128x8xf32, #tpu.memory_space<vmem>>
      %dma_start3A_194 = arith.constant 0 : i32
      %dma_start3A_195 = tpu.memref_slice %arg13[%dma_start3A_190, %dma_start3A_194] : memref<8x128xi32, #tpu.memory_space<vmem>> -> memref<1x128xi32, #tpu.memory_space<vmem>>
      %dma_start3A_196 = tpu.memref_squeeze %dma_start3A_195 : memref<1x128xi32, #tpu.memory_space<vmem>> -> memref<128xi32, #tpu.memory_space<vmem>>
      %dma_start3A_197 = arith.constant 0 : i32
      %dma_start3A_198 = arith.constant 0 : i32
      %dma_start3A_199 = tpu.memref_slice %arg10[%dma_start3A_197, %dma_start3A_198] : memref<100000x8xf32, #tpu.memory_space<vmem_shared>> -> memref<100000x8xf32, #tpu.memory_space<vmem_shared>>
      tpu.enqueue_indirect_dma source(%dma_start3A_199 : memref<100000x8xf32, #tpu.memory_space<vmem_shared>>) target(%dma_start3A_193 : memref<128x8xf32, #tpu.memory_space<vmem>>) offsets(%dma_start3A_196 : memref<128xi32, #tpu.memory_space<vmem>>) semaphore(%arg19 : memref<!tpu.dma_semaphore, #tpu.memory_space<semaphore_mem>>)
      %dma_start3A_200 = arith.constant 7 : i32
      %dma_start3A_201 = arith.constant 896 : i32
      %dma_start3A_202 = tpu.memref_slice %arg18[%dma_start3A_201] : memref<1024xf32, #tpu.memory_space<vmem>> -> memref<128xf32, #tpu.memory_space<vmem>>
      %dma_start3A_203 = arith.constant 0 : i32
      %dma_start3A_204 = tpu.memref_slice %arg14[%dma_start3A_200, %dma_start3A_203] : memref<8x128xi32, #tpu.memory_space<vmem>> -> memref<1x128xi32, #tpu.memory_space<vmem>>
      %dma_start3A_205 = tpu.memref_squeeze %dma_start3A_204 : memref<1x128xi32, #tpu.memory_space<vmem>> -> memref<128xi32, #tpu.memory_space<vmem>>
      %dma_start3A_206 = arith.constant 0 : i32
      %dma_start3A_207 = tpu.memref_slice %arg11[%dma_start3A_206] : memref<100000xf32, #tpu.memory_space<vmem_shared>> -> memref<100000xf32, #tpu.memory_space<vmem_shared>>
      tpu.enqueue_indirect_dma source(%dma_start3A_207 : memref<100000xf32, #tpu.memory_space<vmem_shared>>) target(%dma_start3A_202 : memref<128xf32, #tpu.memory_space<vmem>>) offsets(%dma_start3A_205 : memref<128xi32, #tpu.memory_space<vmem>>) semaphore(%arg20 : memref<!tpu.dma_semaphore, #tpu.memory_space<semaphore_mem>>)
      %dma_wait3A = arith.constant 0 : i32
      %dma_wait3A_208 = arith.constant 0 : i32
      %dma_wait3A_209 = arith.constant 0 : i32
      %dma_wait3A_210 = tpu.memref_slice %arg16[%dma_wait3A_208, %dma_wait3A_209] : memref<1024x8xf32, #tpu.memory_space<vmem>> -> memref<128x8xf32, #tpu.memory_space<vmem>>
      %dma_wait3A_211 = arith.constant 0 : i32
      %dma_wait3A_212 = tpu.memref_slice %arg13[%dma_wait3A, %dma_wait3A_211] : memref<8x128xi32, #tpu.memory_space<vmem>> -> memref<1x128xi32, #tpu.memory_space<vmem>>
      %dma_wait3A_213 = tpu.memref_squeeze %dma_wait3A_212 : memref<1x128xi32, #tpu.memory_space<vmem>> -> memref<128xi32, #tpu.memory_space<vmem>>
      %dma_wait3A_214 = arith.constant 0 : i32
      %dma_wait3A_215 = arith.constant 0 : i32
      %dma_wait3A_216 = tpu.memref_slice %arg10[%dma_wait3A_214, %dma_wait3A_215] : memref<100000x8xf32, #tpu.memory_space<vmem_shared>> -> memref<100000x8xf32, #tpu.memory_space<vmem_shared>>
      tpu.wait_indirect_dma semaphore(%arg19 : memref<!tpu.dma_semaphore, #tpu.memory_space<semaphore_mem>>) src(%dma_wait3A_216 : memref<100000x8xf32, #tpu.memory_space<vmem_shared>>) dst(%dma_wait3A_210 : memref<128x8xf32, #tpu.memory_space<vmem>>)
      %dma_wait3A_217 = arith.constant 0 : i32
      %dma_wait3A_218 = arith.constant 0 : i32
      %dma_wait3A_219 = tpu.memref_slice %arg18[%dma_wait3A_218] : memref<1024xf32, #tpu.memory_space<vmem>> -> memref<128xf32, #tpu.memory_space<vmem>>
      %dma_wait3A_220 = arith.constant 0 : i32
      %dma_wait3A_221 = tpu.memref_slice %arg14[%dma_wait3A_217, %dma_wait3A_220] : memref<8x128xi32, #tpu.memory_space<vmem>> -> memref<1x128xi32, #tpu.memory_space<vmem>>
      %dma_wait3A_222 = tpu.memref_squeeze %dma_wait3A_221 : memref<1x128xi32, #tpu.memory_space<vmem>> -> memref<128xi32, #tpu.memory_space<vmem>>
      %dma_wait3A_223 = arith.constant 0 : i32
      %dma_wait3A_224 = tpu.memref_slice %arg11[%dma_wait3A_223] : memref<100000xf32, #tpu.memory_space<vmem_shared>> -> memref<100000xf32, #tpu.memory_space<vmem_shared>>
      tpu.wait_indirect_dma semaphore(%arg20 : memref<!tpu.dma_semaphore, #tpu.memory_space<semaphore_mem>>) src(%dma_wait3A_224 : memref<100000xf32, #tpu.memory_space<vmem_shared>>) dst(%dma_wait3A_219 : memref<128xf32, #tpu.memory_space<vmem>>)
      %dma_wait3A_225 = arith.constant 1 : i32
      %dma_wait3A_226 = arith.constant 128 : i32
      %dma_wait3A_227 = arith.constant 0 : i32
      %dma_wait3A_228 = tpu.memref_slice %arg16[%dma_wait3A_226, %dma_wait3A_227] : memref<1024x8xf32, #tpu.memory_space<vmem>> -> memref<128x8xf32, #tpu.memory_space<vmem>>
      %dma_wait3A_229 = arith.constant 0 : i32
      %dma_wait3A_230 = tpu.memref_slice %arg13[%dma_wait3A_225, %dma_wait3A_229] : memref<8x128xi32, #tpu.memory_space<vmem>> -> memref<1x128xi32, #tpu.memory_space<vmem>>
      %dma_wait3A_231 = tpu.memref_squeeze %dma_wait3A_230 : memref<1x128xi32, #tpu.memory_space<vmem>> -> memref<128xi32, #tpu.memory_space<vmem>>
      %dma_wait3A_232 = arith.constant 0 : i32
      %dma_wait3A_233 = arith.constant 0 : i32
      %dma_wait3A_234 = tpu.memref_slice %arg10[%dma_wait3A_232, %dma_wait3A_233] : memref<100000x8xf32, #tpu.memory_space<vmem_shared>> -> memref<100000x8xf32, #tpu.memory_space<vmem_shared>>
      tpu.wait_indirect_dma semaphore(%arg19 : memref<!tpu.dma_semaphore, #tpu.memory_space<semaphore_mem>>) src(%dma_wait3A_234 : memref<100000x8xf32, #tpu.memory_space<vmem_shared>>) dst(%dma_wait3A_228 : memref<128x8xf32, #tpu.memory_space<vmem>>)
      %dma_wait3A_235 = arith.constant 1 : i32
      %dma_wait3A_236 = arith.constant 128 : i32
      %dma_wait3A_237 = tpu.memref_slice %arg18[%dma_wait3A_236] : memref<1024xf32, #tpu.memory_space<vmem>> -> memref<128xf32, #tpu.memory_space<vmem>>
      %dma_wait3A_238 = arith.constant 0 : i32
      %dma_wait3A_239 = tpu.memref_slice %arg14[%dma_wait3A_235, %dma_wait3A_238] : memref<8x128xi32, #tpu.memory_space<vmem>> -> memref<1x128xi32, #tpu.memory_space<vmem>>
      %dma_wait3A_240 = tpu.memref_squeeze %dma_wait3A_239 : memref<1x128xi32, #tpu.memory_space<vmem>> -> memref<128xi32, #tpu.memory_space<vmem>>
      %dma_wait3A_241 = arith.constant 0 : i32
      %dma_wait3A_242 = tpu.memref_slice %arg11[%dma_wait3A_241] : memref<100000xf32, #tpu.memory_space<vmem_shared>> -> memref<100000xf32, #tpu.memory_space<vmem_shared>>
      tpu.wait_indirect_dma semaphore(%arg20 : memref<!tpu.dma_semaphore, #tpu.memory_space<semaphore_mem>>) src(%dma_wait3A_242 : memref<100000xf32, #tpu.memory_space<vmem_shared>>) dst(%dma_wait3A_237 : memref<128xf32, #tpu.memory_space<vmem>>)
      %dma_wait3A_243 = arith.constant 2 : i32
      %dma_wait3A_244 = arith.constant 256 : i32
      %dma_wait3A_245 = arith.constant 0 : i32
      %dma_wait3A_246 = tpu.memref_slice %arg16[%dma_wait3A_244, %dma_wait3A_245] : memref<1024x8xf32, #tpu.memory_space<vmem>> -> memref<128x8xf32, #tpu.memory_space<vmem>>
      %dma_wait3A_247 = arith.constant 0 : i32
      %dma_wait3A_248 = tpu.memref_slice %arg13[%dma_wait3A_243, %dma_wait3A_247] : memref<8x128xi32, #tpu.memory_space<vmem>> -> memref<1x128xi32, #tpu.memory_space<vmem>>
      %dma_wait3A_249 = tpu.memref_squeeze %dma_wait3A_248 : memref<1x128xi32, #tpu.memory_space<vmem>> -> memref<128xi32, #tpu.memory_space<vmem>>
      %dma_wait3A_250 = arith.constant 0 : i32
      %dma_wait3A_251 = arith.constant 0 : i32
      %dma_wait3A_252 = tpu.memref_slice %arg10[%dma_wait3A_250, %dma_wait3A_251] : memref<100000x8xf32, #tpu.memory_space<vmem_shared>> -> memref<100000x8xf32, #tpu.memory_space<vmem_shared>>
      tpu.wait_indirect_dma semaphore(%arg19 : memref<!tpu.dma_semaphore, #tpu.memory_space<semaphore_mem>>) src(%dma_wait3A_252 : memref<100000x8xf32, #tpu.memory_space<vmem_shared>>) dst(%dma_wait3A_246 : memref<128x8xf32, #tpu.memory_space<vmem>>)
      %dma_wait3A_253 = arith.constant 2 : i32
      %dma_wait3A_254 = arith.constant 256 : i32
      %dma_wait3A_255 = tpu.memref_slice %arg18[%dma_wait3A_254] : memref<1024xf32, #tpu.memory_space<vmem>> -> memref<128xf32, #tpu.memory_space<vmem>>
      %dma_wait3A_256 = arith.constant 0 : i32
      %dma_wait3A_257 = tpu.memref_slice %arg14[%dma_wait3A_253, %dma_wait3A_256] : memref<8x128xi32, #tpu.memory_space<vmem>> -> memref<1x128xi32, #tpu.memory_space<vmem>>
      %dma_wait3A_258 = tpu.memref_squeeze %dma_wait3A_257 : memref<1x128xi32, #tpu.memory_space<vmem>> -> memref<128xi32, #tpu.memory_space<vmem>>
      %dma_wait3A_259 = arith.constant 0 : i32
      %dma_wait3A_260 = tpu.memref_slice %arg11[%dma_wait3A_259] : memref<100000xf32, #tpu.memory_space<vmem_shared>> -> memref<100000xf32, #tpu.memory_space<vmem_shared>>
      tpu.wait_indirect_dma semaphore(%arg20 : memref<!tpu.dma_semaphore, #tpu.memory_space<semaphore_mem>>) src(%dma_wait3A_260 : memref<100000xf32, #tpu.memory_space<vmem_shared>>) dst(%dma_wait3A_255 : memref<128xf32, #tpu.memory_space<vmem>>)
      %dma_wait3A_261 = arith.constant 3 : i32
      %dma_wait3A_262 = arith.constant 384 : i32
      %dma_wait3A_263 = arith.constant 0 : i32
      %dma_wait3A_264 = tpu.memref_slice %arg16[%dma_wait3A_262, %dma_wait3A_263] : memref<1024x8xf32, #tpu.memory_space<vmem>> -> memref<128x8xf32, #tpu.memory_space<vmem>>
      %dma_wait3A_265 = arith.constant 0 : i32
      %dma_wait3A_266 = tpu.memref_slice %arg13[%dma_wait3A_261, %dma_wait3A_265] : memref<8x128xi32, #tpu.memory_space<vmem>> -> memref<1x128xi32, #tpu.memory_space<vmem>>
      %dma_wait3A_267 = tpu.memref_squeeze %dma_wait3A_266 : memref<1x128xi32, #tpu.memory_space<vmem>> -> memref<128xi32, #tpu.memory_space<vmem>>
      %dma_wait3A_268 = arith.constant 0 : i32
      %dma_wait3A_269 = arith.constant 0 : i32
      %dma_wait3A_270 = tpu.memref_slice %arg10[%dma_wait3A_268, %dma_wait3A_269] : memref<100000x8xf32, #tpu.memory_space<vmem_shared>> -> memref<100000x8xf32, #tpu.memory_space<vmem_shared>>
      tpu.wait_indirect_dma semaphore(%arg19 : memref<!tpu.dma_semaphore, #tpu.memory_space<semaphore_mem>>) src(%dma_wait3A_270 : memref<100000x8xf32, #tpu.memory_space<vmem_shared>>) dst(%dma_wait3A_264 : memref<128x8xf32, #tpu.memory_space<vmem>>)
      %dma_wait3A_271 = arith.constant 3 : i32
      %dma_wait3A_272 = arith.constant 384 : i32
      %dma_wait3A_273 = tpu.memref_slice %arg18[%dma_wait3A_272] : memref<1024xf32, #tpu.memory_space<vmem>> -> memref<128xf32, #tpu.memory_space<vmem>>
      %dma_wait3A_274 = arith.constant 0 : i32
      %dma_wait3A_275 = tpu.memref_slice %arg14[%dma_wait3A_271, %dma_wait3A_274] : memref<8x128xi32, #tpu.memory_space<vmem>> -> memref<1x128xi32, #tpu.memory_space<vmem>>
      %dma_wait3A_276 = tpu.memref_squeeze %dma_wait3A_275 : memref<1x128xi32, #tpu.memory_space<vmem>> -> memref<128xi32, #tpu.memory_space<vmem>>
      %dma_wait3A_277 = arith.constant 0 : i32
      %dma_wait3A_278 = tpu.memref_slice %arg11[%dma_wait3A_277] : memref<100000xf32, #tpu.memory_space<vmem_shared>> -> memref<100000xf32, #tpu.memory_space<vmem_shared>>
      tpu.wait_indirect_dma semaphore(%arg20 : memref<!tpu.dma_semaphore, #tpu.memory_space<semaphore_mem>>) src(%dma_wait3A_278 : memref<100000xf32, #tpu.memory_space<vmem_shared>>) dst(%dma_wait3A_273 : memref<128xf32, #tpu.memory_space<vmem>>)
      %dma_wait3A_279 = arith.constant 4 : i32
      %dma_wait3A_280 = arith.constant 512 : i32
      %dma_wait3A_281 = arith.constant 0 : i32
      %dma_wait3A_282 = tpu.memref_slice %arg16[%dma_wait3A_280, %dma_wait3A_281] : memref<1024x8xf32, #tpu.memory_space<vmem>> -> memref<128x8xf32, #tpu.memory_space<vmem>>
      %dma_wait3A_283 = arith.constant 0 : i32
      %dma_wait3A_284 = tpu.memref_slice %arg13[%dma_wait3A_279, %dma_wait3A_283] : memref<8x128xi32, #tpu.memory_space<vmem>> -> memref<1x128xi32, #tpu.memory_space<vmem>>
      %dma_wait3A_285 = tpu.memref_squeeze %dma_wait3A_284 : memref<1x128xi32, #tpu.memory_space<vmem>> -> memref<128xi32, #tpu.memory_space<vmem>>
      %dma_wait3A_286 = arith.constant 0 : i32
      %dma_wait3A_287 = arith.constant 0 : i32
      %dma_wait3A_288 = tpu.memref_slice %arg10[%dma_wait3A_286, %dma_wait3A_287] : memref<100000x8xf32, #tpu.memory_space<vmem_shared>> -> memref<100000x8xf32, #tpu.memory_space<vmem_shared>>
      tpu.wait_indirect_dma semaphore(%arg19 : memref<!tpu.dma_semaphore, #tpu.memory_space<semaphore_mem>>) src(%dma_wait3A_288 : memref<100000x8xf32, #tpu.memory_space<vmem_shared>>) dst(%dma_wait3A_282 : memref<128x8xf32, #tpu.memory_space<vmem>>)
      %dma_wait3A_289 = arith.constant 4 : i32
      %dma_wait3A_290 = arith.constant 512 : i32
      %dma_wait3A_291 = tpu.memref_slice %arg18[%dma_wait3A_290] : memref<1024xf32, #tpu.memory_space<vmem>> -> memref<128xf32, #tpu.memory_space<vmem>>
      %dma_wait3A_292 = arith.constant 0 : i32
      %dma_wait3A_293 = tpu.memref_slice %arg14[%dma_wait3A_289, %dma_wait3A_292] : memref<8x128xi32, #tpu.memory_space<vmem>> -> memref<1x128xi32, #tpu.memory_space<vmem>>
      %dma_wait3A_294 = tpu.memref_squeeze %dma_wait3A_293 : memref<1x128xi32, #tpu.memory_space<vmem>> -> memref<128xi32, #tpu.memory_space<vmem>>
      %dma_wait3A_295 = arith.constant 0 : i32
      %dma_wait3A_296 = tpu.memref_slice %arg11[%dma_wait3A_295] : memref<100000xf32, #tpu.memory_space<vmem_shared>> -> memref<100000xf32, #tpu.memory_space<vmem_shared>>
      tpu.wait_indirect_dma semaphore(%arg20 : memref<!tpu.dma_semaphore, #tpu.memory_space<semaphore_mem>>) src(%dma_wait3A_296 : memref<100000xf32, #tpu.memory_space<vmem_shared>>) dst(%dma_wait3A_291 : memref<128xf32, #tpu.memory_space<vmem>>)
      %dma_wait3A_297 = arith.constant 5 : i32
      %dma_wait3A_298 = arith.constant 640 : i32
      %dma_wait3A_299 = arith.constant 0 : i32
      %dma_wait3A_300 = tpu.memref_slice %arg16[%dma_wait3A_298, %dma_wait3A_299] : memref<1024x8xf32, #tpu.memory_space<vmem>> -> memref<128x8xf32, #tpu.memory_space<vmem>>
      %dma_wait3A_301 = arith.constant 0 : i32
      %dma_wait3A_302 = tpu.memref_slice %arg13[%dma_wait3A_297, %dma_wait3A_301] : memref<8x128xi32, #tpu.memory_space<vmem>> -> memref<1x128xi32, #tpu.memory_space<vmem>>
      %dma_wait3A_303 = tpu.memref_squeeze %dma_wait3A_302 : memref<1x128xi32, #tpu.memory_space<vmem>> -> memref<128xi32, #tpu.memory_space<vmem>>
      %dma_wait3A_304 = arith.constant 0 : i32
      %dma_wait3A_305 = arith.constant 0 : i32
      %dma_wait3A_306 = tpu.memref_slice %arg10[%dma_wait3A_304, %dma_wait3A_305] : memref<100000x8xf32, #tpu.memory_space<vmem_shared>> -> memref<100000x8xf32, #tpu.memory_space<vmem_shared>>
      tpu.wait_indirect_dma semaphore(%arg19 : memref<!tpu.dma_semaphore, #tpu.memory_space<semaphore_mem>>) src(%dma_wait3A_306 : memref<100000x8xf32, #tpu.memory_space<vmem_shared>>) dst(%dma_wait3A_300 : memref<128x8xf32, #tpu.memory_space<vmem>>)
      %dma_wait3A_307 = arith.constant 5 : i32
      %dma_wait3A_308 = arith.constant 640 : i32
      %dma_wait3A_309 = tpu.memref_slice %arg18[%dma_wait3A_308] : memref<1024xf32, #tpu.memory_space<vmem>> -> memref<128xf32, #tpu.memory_space<vmem>>
      %dma_wait3A_310 = arith.constant 0 : i32
      %dma_wait3A_311 = tpu.memref_slice %arg14[%dma_wait3A_307, %dma_wait3A_310] : memref<8x128xi32, #tpu.memory_space<vmem>> -> memref<1x128xi32, #tpu.memory_space<vmem>>
      %dma_wait3A_312 = tpu.memref_squeeze %dma_wait3A_311 : memref<1x128xi32, #tpu.memory_space<vmem>> -> memref<128xi32, #tpu.memory_space<vmem>>
      %dma_wait3A_313 = arith.constant 0 : i32
      %dma_wait3A_314 = tpu.memref_slice %arg11[%dma_wait3A_313] : memref<100000xf32, #tpu.memory_space<vmem_shared>> -> memref<100000xf32, #tpu.memory_space<vmem_shared>>
      tpu.wait_indirect_dma semaphore(%arg20 : memref<!tpu.dma_semaphore, #tpu.memory_space<semaphore_mem>>) src(%dma_wait3A_314 : memref<100000xf32, #tpu.memory_space<vmem_shared>>) dst(%dma_wait3A_309 : memref<128xf32, #tpu.memory_space<vmem>>)
      %dma_wait3A_315 = arith.constant 6 : i32
      %dma_wait3A_316 = arith.constant 768 : i32
      %dma_wait3A_317 = arith.constant 0 : i32
      %dma_wait3A_318 = tpu.memref_slice %arg16[%dma_wait3A_316, %dma_wait3A_317] : memref<1024x8xf32, #tpu.memory_space<vmem>> -> memref<128x8xf32, #tpu.memory_space<vmem>>
      %dma_wait3A_319 = arith.constant 0 : i32
      %dma_wait3A_320 = tpu.memref_slice %arg13[%dma_wait3A_315, %dma_wait3A_319] : memref<8x128xi32, #tpu.memory_space<vmem>> -> memref<1x128xi32, #tpu.memory_space<vmem>>
      %dma_wait3A_321 = tpu.memref_squeeze %dma_wait3A_320 : memref<1x128xi32, #tpu.memory_space<vmem>> -> memref<128xi32, #tpu.memory_space<vmem>>
      %dma_wait3A_322 = arith.constant 0 : i32
      %dma_wait3A_323 = arith.constant 0 : i32
      %dma_wait3A_324 = tpu.memref_slice %arg10[%dma_wait3A_322, %dma_wait3A_323] : memref<100000x8xf32, #tpu.memory_space<vmem_shared>> -> memref<100000x8xf32, #tpu.memory_space<vmem_shared>>
      tpu.wait_indirect_dma semaphore(%arg19 : memref<!tpu.dma_semaphore, #tpu.memory_space<semaphore_mem>>) src(%dma_wait3A_324 : memref<100000x8xf32, #tpu.memory_space<vmem_shared>>) dst(%dma_wait3A_318 : memref<128x8xf32, #tpu.memory_space<vmem>>)
      %dma_wait3A_325 = arith.constant 6 : i32
      %dma_wait3A_326 = arith.constant 768 : i32
      %dma_wait3A_327 = tpu.memref_slice %arg18[%dma_wait3A_326] : memref<1024xf32, #tpu.memory_space<vmem>> -> memref<128xf32, #tpu.memory_space<vmem>>
      %dma_wait3A_328 = arith.constant 0 : i32
      %dma_wait3A_329 = tpu.memref_slice %arg14[%dma_wait3A_325, %dma_wait3A_328] : memref<8x128xi32, #tpu.memory_space<vmem>> -> memref<1x128xi32, #tpu.memory_space<vmem>>
      %dma_wait3A_330 = tpu.memref_squeeze %dma_wait3A_329 : memref<1x128xi32, #tpu.memory_space<vmem>> -> memref<128xi32, #tpu.memory_space<vmem>>
      %dma_wait3A_331 = arith.constant 0 : i32
      %dma_wait3A_332 = tpu.memref_slice %arg11[%dma_wait3A_331] : memref<100000xf32, #tpu.memory_space<vmem_shared>> -> memref<100000xf32, #tpu.memory_space<vmem_shared>>
      tpu.wait_indirect_dma semaphore(%arg20 : memref<!tpu.dma_semaphore, #tpu.memory_space<semaphore_mem>>) src(%dma_wait3A_332 : memref<100000xf32, #tpu.memory_space<vmem_shared>>) dst(%dma_wait3A_327 : memref<128xf32, #tpu.memory_space<vmem>>)
      %dma_wait3A_333 = arith.constant 7 : i32
      %dma_wait3A_334 = arith.constant 896 : i32
      %dma_wait3A_335 = arith.constant 0 : i32
      %dma_wait3A_336 = tpu.memref_slice %arg16[%dma_wait3A_334, %dma_wait3A_335] : memref<1024x8xf32, #tpu.memory_space<vmem>> -> memref<128x8xf32, #tpu.memory_space<vmem>>
      %dma_wait3A_337 = arith.constant 0 : i32
      %dma_wait3A_338 = tpu.memref_slice %arg13[%dma_wait3A_333, %dma_wait3A_337] : memref<8x128xi32, #tpu.memory_space<vmem>> -> memref<1x128xi32, #tpu.memory_space<vmem>>
      %dma_wait3A_339 = tpu.memref_squeeze %dma_wait3A_338 : memref<1x128xi32, #tpu.memory_space<vmem>> -> memref<128xi32, #tpu.memory_space<vmem>>
      %dma_wait3A_340 = arith.constant 0 : i32
      %dma_wait3A_341 = arith.constant 0 : i32
      %dma_wait3A_342 = tpu.memref_slice %arg10[%dma_wait3A_340, %dma_wait3A_341] : memref<100000x8xf32, #tpu.memory_space<vmem_shared>> -> memref<100000x8xf32, #tpu.memory_space<vmem_shared>>
      tpu.wait_indirect_dma semaphore(%arg19 : memref<!tpu.dma_semaphore, #tpu.memory_space<semaphore_mem>>) src(%dma_wait3A_342 : memref<100000x8xf32, #tpu.memory_space<vmem_shared>>) dst(%dma_wait3A_336 : memref<128x8xf32, #tpu.memory_space<vmem>>)
      %dma_wait3A_343 = arith.constant 7 : i32
      %dma_wait3A_344 = arith.constant 896 : i32
      %dma_wait3A_345 = tpu.memref_slice %arg18[%dma_wait3A_344] : memref<1024xf32, #tpu.memory_space<vmem>> -> memref<128xf32, #tpu.memory_space<vmem>>
      %dma_wait3A_346 = arith.constant 0 : i32
      %dma_wait3A_347 = tpu.memref_slice %arg14[%dma_wait3A_343, %dma_wait3A_346] : memref<8x128xi32, #tpu.memory_space<vmem>> -> memref<1x128xi32, #tpu.memory_space<vmem>>
      %dma_wait3A_348 = tpu.memref_squeeze %dma_wait3A_347 : memref<1x128xi32, #tpu.memory_space<vmem>> -> memref<128xi32, #tpu.memory_space<vmem>>
      %dma_wait3A_349 = arith.constant 0 : i32
      %dma_wait3A_350 = tpu.memref_slice %arg11[%dma_wait3A_349] : memref<100000xf32, #tpu.memory_space<vmem_shared>> -> memref<100000xf32, #tpu.memory_space<vmem_shared>>
      tpu.wait_indirect_dma semaphore(%arg20 : memref<!tpu.dma_semaphore, #tpu.memory_space<semaphore_mem>>) src(%dma_wait3A_350 : memref<100000xf32, #tpu.memory_space<vmem_shared>>) dst(%dma_wait3A_345 : memref<128xf32, #tpu.memory_space<vmem>>)
      %scan3A = arith.constant 0 : i32
      %scan3A_351 = arith.constant 0 : i32
      %scan3A_352 = arith.constant 64 : i32
      %scan3A_353 = arith.addi %scan3A_351, %scan3A_352 : i32
      %scan3A_354 = arith.constant 1 : i32
      scf.for %scan3A_516 = %scan3A_351 to %scan3A_353 step %scan3A_354  : i32 {
        %mul3A_517 = arith.constant 16 : i32
        %mul3A_518 = arith.muli %scan3A_516, %mul3A_517 : i32
        %add3A_519 = vector.broadcast %mul3A_518 : i32 to vector<16xi32>
        %add3A_520 = arith.addi %add3A_519, %iota3A : vector<16xi32>
        %get3A = arith.index_cast %mul3A_518 : i32 to index
        %get3A_521 = tpu.vector_load %arg15[%get3A] {strides = array<i32>} : memref<1024xf32, #tpu.memory_space<vmem>>, vector<16xf32>,
        %get3A_522 = arith.index_cast %mul3A_518 : i32 to index
        %get3A_523 = tpu.vector_load %arg18[%get3A_522] {strides = array<i32>} : memref<1024xf32, #tpu.memory_space<vmem>>, vector<16xf32>,
        %gather3A = tpu.vector_load_idx %arg16[%add3A_520, %broadcast_in_dim3A_14] : memref<1024x8xf32, #tpu.memory_space<vmem>>[vector<16xi32>, vector<16xi32>], vector<16xf32>,
        %add3A_524 = arith.addf %gather3A, %get3A_523 : vector<16xf32>
        %add3A_525 = arith.addf %add3A_524, %get3A_521 : vector<16xf32>
        %ge3A = arith.constant 0.000000e+00 : f32
        %ge3A_526 = vector.broadcast %ge3A : f32 to vector<16xf32>
        %ge3A_527 = arith.cmpf oge, %add3A_525, %ge3A_526 : vector<16xf32>
        %mul3A_528 = arith.constant 2.000000e-01 : f32
        %mul3A_529 = vector.broadcast %mul3A_528 : f32 to vector<16xf32>
        %mul3A_530 = arith.mulf %add3A_525, %mul3A_529 : vector<16xf32>
        %select_n3A_531 = arith.select %ge3A_527, %add3A_525, %mul3A_530 : vector<16xi1>, vector<16xf32>
        %exp3A = math.exp %select_n3A_531 : vector<16xf32>
        %broadcast_in_dim3A_532 = arith.constant 0 : i32
        %broadcast_in_dim3A_533 = vector.broadcast %broadcast_in_dim3A_532 : i32 to vector<16xi32>
        %gather3A_534 = tpu.vector_load_idx %arg16[%add3A_520, %broadcast_in_dim3A_533] : memref<1024x8xf32, #tpu.memory_space<vmem>>[vector<16xi32>, vector<16xi32>], vector<16xf32>,
        %mul3A_535 = arith.mulf %gather3A_534, %exp3A : vector<16xf32>
        tpu.vector_store_idx %arg17[%add3A_520, %broadcast_in_dim3A_533], %mul3A_535 : memref<1024x8xf32, #tpu.memory_space<vmem>>[vector<16xi32>, vector<16xi32>], vector<16xf32>,
        %broadcast_in_dim3A_536 = arith.constant 1 : i32
        %broadcast_in_dim3A_537 = vector.broadcast %broadcast_in_dim3A_536 : i32 to vector<16xi32>
        %gather3A_538 = tpu.vector_load_idx %arg16[%add3A_520, %broadcast_in_dim3A_537] : memref<1024x8xf32, #tpu.memory_space<vmem>>[vector<16xi32>, vector<16xi32>], vector<16xf32>,
        %mul3A_539 = arith.mulf %gather3A_538, %exp3A : vector<16xf32>
        tpu.vector_store_idx %arg17[%add3A_520, %broadcast_in_dim3A_537], %mul3A_539 : memref<1024x8xf32, #tpu.memory_space<vmem>>[vector<16xi32>, vector<16xi32>], vector<16xf32>,
        %broadcast_in_dim3A_540 = arith.constant 2 : i32
        %broadcast_in_dim3A_541 = vector.broadcast %broadcast_in_dim3A_540 : i32 to vector<16xi32>
        %gather3A_542 = tpu.vector_load_idx %arg16[%add3A_520, %broadcast_in_dim3A_541] : memref<1024x8xf32, #tpu.memory_space<vmem>>[vector<16xi32>, vector<16xi32>], vector<16xf32>,
        %mul3A_543 = arith.mulf %gather3A_542, %exp3A : vector<16xf32>
        tpu.vector_store_idx %arg17[%add3A_520, %broadcast_in_dim3A_541], %mul3A_543 : memref<1024x8xf32, #tpu.memory_space<vmem>>[vector<16xi32>, vector<16xi32>], vector<16xf32>,
        %broadcast_in_dim3A_544 = arith.constant 3 : i32
        %broadcast_in_dim3A_545 = vector.broadcast %broadcast_in_dim3A_544 : i32 to vector<16xi32>
        %gather3A_546 = tpu.vector_load_idx %arg16[%add3A_520, %broadcast_in_dim3A_545] : memref<1024x8xf32, #tpu.memory_space<vmem>>[vector<16xi32>, vector<16xi32>], vector<16xf32>,
        %mul3A_547 = arith.mulf %gather3A_546, %exp3A : vector<16xf32>
        tpu.vector_store_idx %arg17[%add3A_520, %broadcast_in_dim3A_545], %mul3A_547 : memref<1024x8xf32, #tpu.memory_space<vmem>>[vector<16xi32>, vector<16xi32>], vector<16xf32>,
        %broadcast_in_dim3A_548 = arith.constant 4 : i32
        %broadcast_in_dim3A_549 = vector.broadcast %broadcast_in_dim3A_548 : i32 to vector<16xi32>
        %gather3A_550 = tpu.vector_load_idx %arg16[%add3A_520, %broadcast_in_dim3A_549] : memref<1024x8xf32, #tpu.memory_space<vmem>>[vector<16xi32>, vector<16xi32>], vector<16xf32>,
        %mul3A_551 = arith.mulf %gather3A_550, %exp3A : vector<16xf32>
        tpu.vector_store_idx %arg17[%add3A_520, %broadcast_in_dim3A_549], %mul3A_551 : memref<1024x8xf32, #tpu.memory_space<vmem>>[vector<16xi32>, vector<16xi32>], vector<16xf32>,
        %broadcast_in_dim3A_552 = arith.constant 5 : i32
        %broadcast_in_dim3A_553 = vector.broadcast %broadcast_in_dim3A_552 : i32 to vector<16xi32>
        %gather3A_554 = tpu.vector_load_idx %arg16[%add3A_520, %broadcast_in_dim3A_553] : memref<1024x8xf32, #tpu.memory_space<vmem>>[vector<16xi32>, vector<16xi32>], vector<16xf32>,
        %mul3A_555 = arith.mulf %gather3A_554, %exp3A : vector<16xf32>
        tpu.vector_store_idx %arg17[%add3A_520, %broadcast_in_dim3A_553], %mul3A_555 : memref<1024x8xf32, #tpu.memory_space<vmem>>[vector<16xi32>, vector<16xi32>], vector<16xf32>,
        tpu.vector_store_idx %arg17[%add3A_520, %broadcast_in_dim3A_14], %exp3A : memref<1024x8xf32, #tpu.memory_space<vmem>>[vector<16xi32>, vector<16xi32>], vector<16xf32>,
        tpu.vector_store_idx %arg17[%add3A_520, %broadcast_in_dim3A_16], %exp3A : memref<1024x8xf32, #tpu.memory_space<vmem>>[vector<16xi32>, vector<16xi32>], vector<16xf32>,
      }
      %scan3A_355 = arith.constant 64 : i32
      %dma_start3A_356 = arith.constant 0 : i32
      %dma_start3A_357 = arith.constant 0 : i32
      %dma_start3A_358 = arith.constant 0 : i32
      %dma_start3A_359 = tpu.memref_slice %arg17[%dma_start3A_357, %dma_start3A_358] : memref<1024x8xf32, #tpu.memory_space<vmem>> -> memref<128x8xf32, #tpu.memory_space<vmem>>
      %dma_start3A_360 = arith.constant 0 : i32
      %dma_start3A_361 = tpu.memref_slice %arg14[%dma_start3A_356, %dma_start3A_360] : memref<8x128xi32, #tpu.memory_space<vmem>> -> memref<1x128xi32, #tpu.memory_space<vmem>>
      %dma_start3A_362 = tpu.memref_squeeze %dma_start3A_361 : memref<1x128xi32, #tpu.memory_space<vmem>> -> memref<128xi32, #tpu.memory_space<vmem>>
      %dma_start3A_363 = arith.constant 0 : i32
      %dma_start3A_364 = arith.constant 0 : i32
      %dma_start3A_365 = tpu.memref_slice %arg12[%dma_start3A_363, %dma_start3A_364] : memref<100000x8xf32, #tpu.memory_space<vmem_shared>> -> memref<100000x8xf32, #tpu.memory_space<vmem_shared>>
      tpu.enqueue_indirect_dma source(%dma_start3A_359 : memref<128x8xf32, #tpu.memory_space<vmem>>) target(%dma_start3A_365 : memref<100000x8xf32, #tpu.memory_space<vmem_shared>>) offsets(%dma_start3A_362 : memref<128xi32, #tpu.memory_space<vmem>>) semaphore(%arg21 : memref<!tpu.dma_semaphore, #tpu.memory_space<semaphore_mem>>) {add = true}
      %dma_start3A_366 = arith.constant 1 : i32
      %dma_start3A_367 = arith.constant 128 : i32
      %dma_start3A_368 = arith.constant 0 : i32
      %dma_start3A_369 = tpu.memref_slice %arg17[%dma_start3A_367, %dma_start3A_368] : memref<1024x8xf32, #tpu.memory_space<vmem>> -> memref<128x8xf32, #tpu.memory_space<vmem>>
      %dma_start3A_370 = arith.constant 0 : i32
      %dma_start3A_371 = tpu.memref_slice %arg14[%dma_start3A_366, %dma_start3A_370] : memref<8x128xi32, #tpu.memory_space<vmem>> -> memref<1x128xi32, #tpu.memory_space<vmem>>
      %dma_start3A_372 = tpu.memref_squeeze %dma_start3A_371 : memref<1x128xi32, #tpu.memory_space<vmem>> -> memref<128xi32, #tpu.memory_space<vmem>>
      %dma_start3A_373 = arith.constant 0 : i32
      %dma_start3A_374 = arith.constant 0 : i32
      %dma_start3A_375 = tpu.memref_slice %arg12[%dma_start3A_373, %dma_start3A_374] : memref<100000x8xf32, #tpu.memory_space<vmem_shared>> -> memref<100000x8xf32, #tpu.memory_space<vmem_shared>>
      tpu.enqueue_indirect_dma source(%dma_start3A_369 : memref<128x8xf32, #tpu.memory_space<vmem>>) target(%dma_start3A_375 : memref<100000x8xf32, #tpu.memory_space<vmem_shared>>) offsets(%dma_start3A_372 : memref<128xi32, #tpu.memory_space<vmem>>) semaphore(%arg21 : memref<!tpu.dma_semaphore, #tpu.memory_space<semaphore_mem>>) {add = true}
      %dma_start3A_376 = arith.constant 2 : i32
      %dma_start3A_377 = arith.constant 256 : i32
      %dma_start3A_378 = arith.constant 0 : i32
      %dma_start3A_379 = tpu.memref_slice %arg17[%dma_start3A_377, %dma_start3A_378] : memref<1024x8xf32, #tpu.memory_space<vmem>> -> memref<128x8xf32, #tpu.memory_space<vmem>>
      %dma_start3A_380 = arith.constant 0 : i32
      %dma_start3A_381 = tpu.memref_slice %arg14[%dma_start3A_376, %dma_start3A_380] : memref<8x128xi32, #tpu.memory_space<vmem>> -> memref<1x128xi32, #tpu.memory_space<vmem>>
      %dma_start3A_382 = tpu.memref_squeeze %dma_start3A_381 : memref<1x128xi32, #tpu.memory_space<vmem>> -> memref<128xi32, #tpu.memory_space<vmem>>
      %dma_start3A_383 = arith.constant 0 : i32
      %dma_start3A_384 = arith.constant 0 : i32
      %dma_start3A_385 = tpu.memref_slice %arg12[%dma_start3A_383, %dma_start3A_384] : memref<100000x8xf32, #tpu.memory_space<vmem_shared>> -> memref<100000x8xf32, #tpu.memory_space<vmem_shared>>
      tpu.enqueue_indirect_dma source(%dma_start3A_379 : memref<128x8xf32, #tpu.memory_space<vmem>>) target(%dma_start3A_385 : memref<100000x8xf32, #tpu.memory_space<vmem_shared>>) offsets(%dma_start3A_382 : memref<128xi32, #tpu.memory_space<vmem>>) semaphore(%arg21 : memref<!tpu.dma_semaphore, #tpu.memory_space<semaphore_mem>>) {add = true}
      %dma_start3A_386 = arith.constant 3 : i32
      %dma_start3A_387 = arith.constant 384 : i32
      %dma_start3A_388 = arith.constant 0 : i32
      %dma_start3A_389 = tpu.memref_slice %arg17[%dma_start3A_387, %dma_start3A_388] : memref<1024x8xf32, #tpu.memory_space<vmem>> -> memref<128x8xf32, #tpu.memory_space<vmem>>
      %dma_start3A_390 = arith.constant 0 : i32
      %dma_start3A_391 = tpu.memref_slice %arg14[%dma_start3A_386, %dma_start3A_390] : memref<8x128xi32, #tpu.memory_space<vmem>> -> memref<1x128xi32, #tpu.memory_space<vmem>>
      %dma_start3A_392 = tpu.memref_squeeze %dma_start3A_391 : memref<1x128xi32, #tpu.memory_space<vmem>> -> memref<128xi32, #tpu.memory_space<vmem>>
      %dma_start3A_393 = arith.constant 0 : i32
      %dma_start3A_394 = arith.constant 0 : i32
      %dma_start3A_395 = tpu.memref_slice %arg12[%dma_start3A_393, %dma_start3A_394] : memref<100000x8xf32, #tpu.memory_space<vmem_shared>> -> memref<100000x8xf32, #tpu.memory_space<vmem_shared>>
      tpu.enqueue_indirect_dma source(%dma_start3A_389 : memref<128x8xf32, #tpu.memory_space<vmem>>) target(%dma_start3A_395 : memref<100000x8xf32, #tpu.memory_space<vmem_shared>>) offsets(%dma_start3A_392 : memref<128xi32, #tpu.memory_space<vmem>>) semaphore(%arg21 : memref<!tpu.dma_semaphore, #tpu.memory_space<semaphore_mem>>) {add = true}
      %dma_start3A_396 = arith.constant 4 : i32
      %dma_start3A_397 = arith.constant 512 : i32
      %dma_start3A_398 = arith.constant 0 : i32
      %dma_start3A_399 = tpu.memref_slice %arg17[%dma_start3A_397, %dma_start3A_398] : memref<1024x8xf32, #tpu.memory_space<vmem>> -> memref<128x8xf32, #tpu.memory_space<vmem>>
      %dma_start3A_400 = arith.constant 0 : i32
      %dma_start3A_401 = tpu.memref_slice %arg14[%dma_start3A_396, %dma_start3A_400] : memref<8x128xi32, #tpu.memory_space<vmem>> -> memref<1x128xi32, #tpu.memory_space<vmem>>
      %dma_start3A_402 = tpu.memref_squeeze %dma_start3A_401 : memref<1x128xi32, #tpu.memory_space<vmem>> -> memref<128xi32, #tpu.memory_space<vmem>>
      %dma_start3A_403 = arith.constant 0 : i32
      %dma_start3A_404 = arith.constant 0 : i32
      %dma_start3A_405 = tpu.memref_slice %arg12[%dma_start3A_403, %dma_start3A_404] : memref<100000x8xf32, #tpu.memory_space<vmem_shared>> -> memref<100000x8xf32, #tpu.memory_space<vmem_shared>>
      tpu.enqueue_indirect_dma source(%dma_start3A_399 : memref<128x8xf32, #tpu.memory_space<vmem>>) target(%dma_start3A_405 : memref<100000x8xf32, #tpu.memory_space<vmem_shared>>) offsets(%dma_start3A_402 : memref<128xi32, #tpu.memory_space<vmem>>) semaphore(%arg21 : memref<!tpu.dma_semaphore, #tpu.memory_space<semaphore_mem>>) {add = true}
      %dma_start3A_406 = arith.constant 5 : i32
      %dma_start3A_407 = arith.constant 640 : i32
      %dma_start3A_408 = arith.constant 0 : i32
      %dma_start3A_409 = tpu.memref_slice %arg17[%dma_start3A_407, %dma_start3A_408] : memref<1024x8xf32, #tpu.memory_space<vmem>> -> memref<128x8xf32, #tpu.memory_space<vmem>>
      %dma_start3A_410 = arith.constant 0 : i32
      %dma_start3A_411 = tpu.memref_slice %arg14[%dma_start3A_406, %dma_start3A_410] : memref<8x128xi32, #tpu.memory_space<vmem>> -> memref<1x128xi32, #tpu.memory_space<vmem>>
      %dma_start3A_412 = tpu.memref_squeeze %dma_start3A_411 : memref<1x128xi32, #tpu.memory_space<vmem>> -> memref<128xi32, #tpu.memory_space<vmem>>
      %dma_start3A_413 = arith.constant 0 : i32
      %dma_start3A_414 = arith.constant 0 : i32
      %dma_start3A_415 = tpu.memref_slice %arg12[%dma_start3A_413, %dma_start3A_414] : memref<100000x8xf32, #tpu.memory_space<vmem_shared>> -> memref<100000x8xf32, #tpu.memory_space<vmem_shared>>
      tpu.enqueue_indirect_dma source(%dma_start3A_409 : memref<128x8xf32, #tpu.memory_space<vmem>>) target(%dma_start3A_415 : memref<100000x8xf32, #tpu.memory_space<vmem_shared>>) offsets(%dma_start3A_412 : memref<128xi32, #tpu.memory_space<vmem>>) semaphore(%arg21 : memref<!tpu.dma_semaphore, #tpu.memory_space<semaphore_mem>>) {add = true}
      %dma_start3A_416 = arith.constant 6 : i32
      %dma_start3A_417 = arith.constant 768 : i32
      %dma_start3A_418 = arith.constant 0 : i32
      %dma_start3A_419 = tpu.memref_slice %arg17[%dma_start3A_417, %dma_start3A_418] : memref<1024x8xf32, #tpu.memory_space<vmem>> -> memref<128x8xf32, #tpu.memory_space<vmem>>
      %dma_start3A_420 = arith.constant 0 : i32
      %dma_start3A_421 = tpu.memref_slice %arg14[%dma_start3A_416, %dma_start3A_420] : memref<8x128xi32, #tpu.memory_space<vmem>> -> memref<1x128xi32, #tpu.memory_space<vmem>>
      %dma_start3A_422 = tpu.memref_squeeze %dma_start3A_421 : memref<1x128xi32, #tpu.memory_space<vmem>> -> memref<128xi32, #tpu.memory_space<vmem>>
      %dma_start3A_423 = arith.constant 0 : i32
      %dma_start3A_424 = arith.constant 0 : i32
      %dma_start3A_425 = tpu.memref_slice %arg12[%dma_start3A_423, %dma_start3A_424] : memref<100000x8xf32, #tpu.memory_space<vmem_shared>> -> memref<100000x8xf32, #tpu.memory_space<vmem_shared>>
      tpu.enqueue_indirect_dma source(%dma_start3A_419 : memref<128x8xf32, #tpu.memory_space<vmem>>) target(%dma_start3A_425 : memref<100000x8xf32, #tpu.memory_space<vmem_shared>>) offsets(%dma_start3A_422 : memref<128xi32, #tpu.memory_space<vmem>>) semaphore(%arg21 : memref<!tpu.dma_semaphore, #tpu.memory_space<semaphore_mem>>) {add = true}
      %dma_start3A_426 = arith.constant 7 : i32
      %dma_start3A_427 = arith.constant 896 : i32
      %dma_start3A_428 = arith.constant 0 : i32
      %dma_start3A_429 = tpu.memref_slice %arg17[%dma_start3A_427, %dma_start3A_428] : memref<1024x8xf32, #tpu.memory_space<vmem>> -> memref<128x8xf32, #tpu.memory_space<vmem>>
      %dma_start3A_430 = arith.constant 0 : i32
      %dma_start3A_431 = tpu.memref_slice %arg14[%dma_start3A_426, %dma_start3A_430] : memref<8x128xi32, #tpu.memory_space<vmem>> -> memref<1x128xi32, #tpu.memory_space<vmem>>
      %dma_start3A_432 = tpu.memref_squeeze %dma_start3A_431 : memref<1x128xi32, #tpu.memory_space<vmem>> -> memref<128xi32, #tpu.memory_space<vmem>>
      %dma_start3A_433 = arith.constant 0 : i32
      %dma_start3A_434 = arith.constant 0 : i32
      %dma_start3A_435 = tpu.memref_slice %arg12[%dma_start3A_433, %dma_start3A_434] : memref<100000x8xf32, #tpu.memory_space<vmem_shared>> -> memref<100000x8xf32, #tpu.memory_space<vmem_shared>>
      tpu.enqueue_indirect_dma source(%dma_start3A_429 : memref<128x8xf32, #tpu.memory_space<vmem>>) target(%dma_start3A_435 : memref<100000x8xf32, #tpu.memory_space<vmem_shared>>) offsets(%dma_start3A_432 : memref<128xi32, #tpu.memory_space<vmem>>) semaphore(%arg21 : memref<!tpu.dma_semaphore, #tpu.memory_space<semaphore_mem>>) {add = true}
      %dma_wait3A_436 = arith.constant 0 : i32
      %dma_wait3A_437 = arith.constant 0 : i32
      %dma_wait3A_438 = arith.constant 0 : i32
      %dma_wait3A_439 = tpu.memref_slice %arg17[%dma_wait3A_437, %dma_wait3A_438] : memref<1024x8xf32, #tpu.memory_space<vmem>> -> memref<128x8xf32, #tpu.memory_space<vmem>>
      %dma_wait3A_440 = arith.constant 0 : i32
      %dma_wait3A_441 = tpu.memref_slice %arg14[%dma_wait3A_436, %dma_wait3A_440] : memref<8x128xi32, #tpu.memory_space<vmem>> -> memref<1x128xi32, #tpu.memory_space<vmem>>
      %dma_wait3A_442 = tpu.memref_squeeze %dma_wait3A_441 : memref<1x128xi32, #tpu.memory_space<vmem>> -> memref<128xi32, #tpu.memory_space<vmem>>
      %dma_wait3A_443 = arith.constant 0 : i32
      %dma_wait3A_444 = arith.constant 0 : i32
      %dma_wait3A_445 = tpu.memref_slice %arg12[%dma_wait3A_443, %dma_wait3A_444] : memref<100000x8xf32, #tpu.memory_space<vmem_shared>> -> memref<100000x8xf32, #tpu.memory_space<vmem_shared>>
      tpu.wait_indirect_dma semaphore(%arg21 : memref<!tpu.dma_semaphore, #tpu.memory_space<semaphore_mem>>) src(%dma_wait3A_439 : memref<128x8xf32, #tpu.memory_space<vmem>>) dst(%dma_wait3A_445 : memref<100000x8xf32, #tpu.memory_space<vmem_shared>>)
      %dma_wait3A_446 = arith.constant 1 : i32
      %dma_wait3A_447 = arith.constant 128 : i32
      %dma_wait3A_448 = arith.constant 0 : i32
      %dma_wait3A_449 = tpu.memref_slice %arg17[%dma_wait3A_447, %dma_wait3A_448] : memref<1024x8xf32, #tpu.memory_space<vmem>> -> memref<128x8xf32, #tpu.memory_space<vmem>>
      %dma_wait3A_450 = arith.constant 0 : i32
      %dma_wait3A_451 = tpu.memref_slice %arg14[%dma_wait3A_446, %dma_wait3A_450] : memref<8x128xi32, #tpu.memory_space<vmem>> -> memref<1x128xi32, #tpu.memory_space<vmem>>
      %dma_wait3A_452 = tpu.memref_squeeze %dma_wait3A_451 : memref<1x128xi32, #tpu.memory_space<vmem>> -> memref<128xi32, #tpu.memory_space<vmem>>
      %dma_wait3A_453 = arith.constant 0 : i32
      %dma_wait3A_454 = arith.constant 0 : i32
      %dma_wait3A_455 = tpu.memref_slice %arg12[%dma_wait3A_453, %dma_wait3A_454] : memref<100000x8xf32, #tpu.memory_space<vmem_shared>> -> memref<100000x8xf32, #tpu.memory_space<vmem_shared>>
      tpu.wait_indirect_dma semaphore(%arg21 : memref<!tpu.dma_semaphore, #tpu.memory_space<semaphore_mem>>) src(%dma_wait3A_449 : memref<128x8xf32, #tpu.memory_space<vmem>>) dst(%dma_wait3A_455 : memref<100000x8xf32, #tpu.memory_space<vmem_shared>>)
      %dma_wait3A_456 = arith.constant 2 : i32
      %dma_wait3A_457 = arith.constant 256 : i32
      %dma_wait3A_458 = arith.constant 0 : i32
      %dma_wait3A_459 = tpu.memref_slice %arg17[%dma_wait3A_457, %dma_wait3A_458] : memref<1024x8xf32, #tpu.memory_space<vmem>> -> memref<128x8xf32, #tpu.memory_space<vmem>>
      %dma_wait3A_460 = arith.constant 0 : i32
      %dma_wait3A_461 = tpu.memref_slice %arg14[%dma_wait3A_456, %dma_wait3A_460] : memref<8x128xi32, #tpu.memory_space<vmem>> -> memref<1x128xi32, #tpu.memory_space<vmem>>
      %dma_wait3A_462 = tpu.memref_squeeze %dma_wait3A_461 : memref<1x128xi32, #tpu.memory_space<vmem>> -> memref<128xi32, #tpu.memory_space<vmem>>
      %dma_wait3A_463 = arith.constant 0 : i32
      %dma_wait3A_464 = arith.constant 0 : i32
      %dma_wait3A_465 = tpu.memref_slice %arg12[%dma_wait3A_463, %dma_wait3A_464] : memref<100000x8xf32, #tpu.memory_space<vmem_shared>> -> memref<100000x8xf32, #tpu.memory_space<vmem_shared>>
      tpu.wait_indirect_dma semaphore(%arg21 : memref<!tpu.dma_semaphore, #tpu.memory_space<semaphore_mem>>) src(%dma_wait3A_459 : memref<128x8xf32, #tpu.memory_space<vmem>>) dst(%dma_wait3A_465 : memref<100000x8xf32, #tpu.memory_space<vmem_shared>>)
      %dma_wait3A_466 = arith.constant 3 : i32
      %dma_wait3A_467 = arith.constant 384 : i32
      %dma_wait3A_468 = arith.constant 0 : i32
      %dma_wait3A_469 = tpu.memref_slice %arg17[%dma_wait3A_467, %dma_wait3A_468] : memref<1024x8xf32, #tpu.memory_space<vmem>> -> memref<128x8xf32, #tpu.memory_space<vmem>>
      %dma_wait3A_470 = arith.constant 0 : i32
      %dma_wait3A_471 = tpu.memref_slice %arg14[%dma_wait3A_466, %dma_wait3A_470] : memref<8x128xi32, #tpu.memory_space<vmem>> -> memref<1x128xi32, #tpu.memory_space<vmem>>
      %dma_wait3A_472 = tpu.memref_squeeze %dma_wait3A_471 : memref<1x128xi32, #tpu.memory_space<vmem>> -> memref<128xi32, #tpu.memory_space<vmem>>
      %dma_wait3A_473 = arith.constant 0 : i32
      %dma_wait3A_474 = arith.constant 0 : i32
      %dma_wait3A_475 = tpu.memref_slice %arg12[%dma_wait3A_473, %dma_wait3A_474] : memref<100000x8xf32, #tpu.memory_space<vmem_shared>> -> memref<100000x8xf32, #tpu.memory_space<vmem_shared>>
      tpu.wait_indirect_dma semaphore(%arg21 : memref<!tpu.dma_semaphore, #tpu.memory_space<semaphore_mem>>) src(%dma_wait3A_469 : memref<128x8xf32, #tpu.memory_space<vmem>>) dst(%dma_wait3A_475 : memref<100000x8xf32, #tpu.memory_space<vmem_shared>>)
      %dma_wait3A_476 = arith.constant 4 : i32
      %dma_wait3A_477 = arith.constant 512 : i32
      %dma_wait3A_478 = arith.constant 0 : i32
      %dma_wait3A_479 = tpu.memref_slice %arg17[%dma_wait3A_477, %dma_wait3A_478] : memref<1024x8xf32, #tpu.memory_space<vmem>> -> memref<128x8xf32, #tpu.memory_space<vmem>>
      %dma_wait3A_480 = arith.constant 0 : i32
      %dma_wait3A_481 = tpu.memref_slice %arg14[%dma_wait3A_476, %dma_wait3A_480] : memref<8x128xi32, #tpu.memory_space<vmem>> -> memref<1x128xi32, #tpu.memory_space<vmem>>
      %dma_wait3A_482 = tpu.memref_squeeze %dma_wait3A_481 : memref<1x128xi32, #tpu.memory_space<vmem>> -> memref<128xi32, #tpu.memory_space<vmem>>
      %dma_wait3A_483 = arith.constant 0 : i32
      %dma_wait3A_484 = arith.constant 0 : i32
      %dma_wait3A_485 = tpu.memref_slice %arg12[%dma_wait3A_483, %dma_wait3A_484] : memref<100000x8xf32, #tpu.memory_space<vmem_shared>> -> memref<100000x8xf32, #tpu.memory_space<vmem_shared>>
      tpu.wait_indirect_dma semaphore(%arg21 : memref<!tpu.dma_semaphore, #tpu.memory_space<semaphore_mem>>) src(%dma_wait3A_479 : memref<128x8xf32, #tpu.memory_space<vmem>>) dst(%dma_wait3A_485 : memref<100000x8xf32, #tpu.memory_space<vmem_shared>>)
      %dma_wait3A_486 = arith.constant 5 : i32
      %dma_wait3A_487 = arith.constant 640 : i32
      %dma_wait3A_488 = arith.constant 0 : i32
      %dma_wait3A_489 = tpu.memref_slice %arg17[%dma_wait3A_487, %dma_wait3A_488] : memref<1024x8xf32, #tpu.memory_space<vmem>> -> memref<128x8xf32, #tpu.memory_space<vmem>>
      %dma_wait3A_490 = arith.constant 0 : i32
      %dma_wait3A_491 = tpu.memref_slice %arg14[%dma_wait3A_486, %dma_wait3A_490] : memref<8x128xi32, #tpu.memory_space<vmem>> -> memref<1x128xi32, #tpu.memory_space<vmem>>
      %dma_wait3A_492 = tpu.memref_squeeze %dma_wait3A_491 : memref<1x128xi32, #tpu.memory_space<vmem>> -> memref<128xi32, #tpu.memory_space<vmem>>
      %dma_wait3A_493 = arith.constant 0 : i32
      %dma_wait3A_494 = arith.constant 0 : i32
      %dma_wait3A_495 = tpu.memref_slice %arg12[%dma_wait3A_493, %dma_wait3A_494] : memref<100000x8xf32, #tpu.memory_space<vmem_shared>> -> memref<100000x8xf32, #tpu.memory_space<vmem_shared>>
      tpu.wait_indirect_dma semaphore(%arg21 : memref<!tpu.dma_semaphore, #tpu.memory_space<semaphore_mem>>) src(%dma_wait3A_489 : memref<128x8xf32, #tpu.memory_space<vmem>>) dst(%dma_wait3A_495 : memref<100000x8xf32, #tpu.memory_space<vmem_shared>>)
      %dma_wait3A_496 = arith.constant 6 : i32
      %dma_wait3A_497 = arith.constant 768 : i32
      %dma_wait3A_498 = arith.constant 0 : i32
      %dma_wait3A_499 = tpu.memref_slice %arg17[%dma_wait3A_497, %dma_wait3A_498] : memref<1024x8xf32, #tpu.memory_space<vmem>> -> memref<128x8xf32, #tpu.memory_space<vmem>>
      %dma_wait3A_500 = arith.constant 0 : i32
      %dma_wait3A_501 = tpu.memref_slice %arg14[%dma_wait3A_496, %dma_wait3A_500] : memref<8x128xi32, #tpu.memory_space<vmem>> -> memref<1x128xi32, #tpu.memory_space<vmem>>
      %dma_wait3A_502 = tpu.memref_squeeze %dma_wait3A_501 : memref<1x128xi32, #tpu.memory_space<vmem>> -> memref<128xi32, #tpu.memory_space<vmem>>
      %dma_wait3A_503 = arith.constant 0 : i32
      %dma_wait3A_504 = arith.constant 0 : i32
      %dma_wait3A_505 = tpu.memref_slice %arg12[%dma_wait3A_503, %dma_wait3A_504] : memref<100000x8xf32, #tpu.memory_space<vmem_shared>> -> memref<100000x8xf32, #tpu.memory_space<vmem_shared>>
      tpu.wait_indirect_dma semaphore(%arg21 : memref<!tpu.dma_semaphore, #tpu.memory_space<semaphore_mem>>) src(%dma_wait3A_499 : memref<128x8xf32, #tpu.memory_space<vmem>>) dst(%dma_wait3A_505 : memref<100000x8xf32, #tpu.memory_space<vmem_shared>>)
      %dma_wait3A_506 = arith.constant 7 : i32
      %dma_wait3A_507 = arith.constant 896 : i32
      %dma_wait3A_508 = arith.constant 0 : i32
      %dma_wait3A_509 = tpu.memref_slice %arg17[%dma_wait3A_507, %dma_wait3A_508] : memref<1024x8xf32, #tpu.memory_space<vmem>> -> memref<128x8xf32, #tpu.memory_space<vmem>>
      %dma_wait3A_510 = arith.constant 0 : i32
      %dma_wait3A_511 = tpu.memref_slice %arg14[%dma_wait3A_506, %dma_wait3A_510] : memref<8x128xi32, #tpu.memory_space<vmem>> -> memref<1x128xi32, #tpu.memory_space<vmem>>
      %dma_wait3A_512 = tpu.memref_squeeze %dma_wait3A_511 : memref<1x128xi32, #tpu.memory_space<vmem>> -> memref<128xi32, #tpu.memory_space<vmem>>
      %dma_wait3A_513 = arith.constant 0 : i32
      %dma_wait3A_514 = arith.constant 0 : i32
      %dma_wait3A_515 = tpu.memref_slice %arg12[%dma_wait3A_513, %dma_wait3A_514] : memref<100000x8xf32, #tpu.memory_space<vmem_shared>> -> memref<100000x8xf32, #tpu.memory_space<vmem_shared>>
      tpu.wait_indirect_dma semaphore(%arg21 : memref<!tpu.dma_semaphore, #tpu.memory_space<semaphore_mem>>) src(%dma_wait3A_509 : memref<128x8xf32, #tpu.memory_space<vmem>>) dst(%dma_wait3A_515 : memref<100000x8xf32, #tpu.memory_space<vmem_shared>>)
    }
    %while3A_28 = arith.constant 1 : i32
    scf.for %while3A_61 = %while3A_26 to %while3A_22 step %while3A_28  : i32 {
      %mul3A_62 = arith.constant 32 : i32
      %mul3A_63 = arith.muli %while3A_61, %mul3A_62 : i32
      %add3A_64 = arith.addi %add3A, %mul3A_63 : i32
      "tpu.region"() ({
        %run_scoped3A = tpu.sem_alloc : memref<!tpu.dma_semaphore, #tpu.memory_space<semaphore_mem>>
        %dma_start3A_516 = arith.constant 0 : i32
        %dma_start3A_517 = arith.constant 0 : i32
        %dma_start3A_518 = tpu.memref_slice %arg2[%add3A_64, %dma_start3A_516, %dma_start3A_517] : memref<3125x8x128xi32, #tpu.memory_space<hbm>> -> memref<1x8x128xi32, #tpu.memory_space<hbm>>
        %dma_start3A_519 = tpu.memref_squeeze %dma_start3A_518 : memref<1x8x128xi32, #tpu.memory_space<hbm>> -> memref<8x128xi32, #tpu.memory_space<hbm>>
        %dma_start3A_520 = arith.constant 0 : i32
        %dma_start3A_521 = arith.constant 0 : i32
        %dma_start3A_522 = tpu.memref_slice %arg2[%add3A_64, %dma_start3A_520, %dma_start3A_521] : memref<3125x8x128xi32, #tpu.memory_space<hbm>> -> memref<1x8x128xi32, #tpu.memory_space<hbm>>
        %dma_start3A_523 = tpu.memref_squeeze %dma_start3A_522 : memref<1x8x128xi32, #tpu.memory_space<hbm>> -> memref<8x128xi32, #tpu.memory_space<hbm>>
        tpu.enqueue_dma source(%dma_start3A_523 : memref<8x128xi32, #tpu.memory_space<hbm>>) target(%arg13 : memref<8x128xi32, #tpu.memory_space<vmem>>) target_semaphore(%run_scoped3A : memref<!tpu.dma_semaphore, #tpu.memory_space<semaphore_mem>>)
        %dma_wait3A_524 = arith.constant 0 : i32
        %dma_wait3A_525 = arith.constant 0 : i32
        %dma_wait3A_526 = tpu.memref_slice %arg2[%add3A_64, %dma_wait3A_524, %dma_wait3A_525] : memref<3125x8x128xi32, #tpu.memory_space<hbm>> -> memref<1x8x128xi32, #tpu.memory_space<hbm>>
        %dma_wait3A_527 = tpu.memref_squeeze %dma_wait3A_526 : memref<1x8x128xi32, #tpu.memory_space<hbm>> -> memref<8x128xi32, #tpu.memory_space<hbm>>
        %dma_wait3A_528 = arith.constant 0 : i32
        %dma_wait3A_529 = arith.constant 0 : i32
        %dma_wait3A_530 = tpu.memref_slice %arg2[%add3A_64, %dma_wait3A_528, %dma_wait3A_529] : memref<3125x8x128xi32, #tpu.memory_space<hbm>> -> memref<1x8x128xi32, #tpu.memory_space<hbm>>
        %dma_wait3A_531 = tpu.memref_squeeze %dma_wait3A_530 : memref<1x8x128xi32, #tpu.memory_space<hbm>> -> memref<8x128xi32, #tpu.memory_space<hbm>>
        tpu.wait_dma2 semaphore(%run_scoped3A : memref<!tpu.dma_semaphore, #tpu.memory_space<semaphore_mem>>) src(%dma_wait3A_531 : memref<8x128xi32, #tpu.memory_space<hbm>>) dst(%arg13 : memref<8x128xi32, #tpu.memory_space<vmem>>)
        tpu.yield
      }) : () -> ()
      "tpu.region"() ({
        %run_scoped3A = tpu.sem_alloc : memref<!tpu.dma_semaphore, #tpu.memory_space<semaphore_mem>>
        %dma_start3A_516 = arith.constant 0 : i32
        %dma_start3A_517 = arith.constant 0 : i32
        %dma_start3A_518 = tpu.memref_slice %arg3[%add3A_64, %dma_start3A_516, %dma_start3A_517] : memref<3125x8x128xi32, #tpu.memory_space<hbm>> -> memref<1x8x128xi32, #tpu.memory_space<hbm>>
        %dma_start3A_519 = tpu.memref_squeeze %dma_start3A_518 : memref<1x8x128xi32, #tpu.memory_space<hbm>> -> memref<8x128xi32, #tpu.memory_space<hbm>>
        %dma_start3A_520 = arith.constant 0 : i32
        %dma_start3A_521 = arith.constant 0 : i32
        %dma_start3A_522 = tpu.memref_slice %arg3[%add3A_64, %dma_start3A_520, %dma_start3A_521] : memref<3125x8x128xi32, #tpu.memory_space<hbm>> -> memref<1x8x128xi32, #tpu.memory_space<hbm>>
        %dma_start3A_523 = tpu.memref_squeeze %dma_start3A_522 : memref<1x8x128xi32, #tpu.memory_space<hbm>> -> memref<8x128xi32, #tpu.memory_space<hbm>>
        tpu.enqueue_dma source(%dma_start3A_523 : memref<8x128xi32, #tpu.memory_space<hbm>>) target(%arg14 : memref<8x128xi32, #tpu.memory_space<vmem>>) target_semaphore(%run_scoped3A : memref<!tpu.dma_semaphore, #tpu.memory_space<semaphore_mem>>)
        %dma_wait3A_524 = arith.constant 0 : i32
        %dma_wait3A_525 = arith.constant 0 : i32
        %dma_wait3A_526 = tpu.memref_slice %arg3[%add3A_64, %dma_wait3A_524, %dma_wait3A_525] : memref<3125x8x128xi32, #tpu.memory_space<hbm>> -> memref<1x8x128xi32, #tpu.memory_space<hbm>>
        %dma_wait3A_527 = tpu.memref_squeeze %dma_wait3A_526 : memref<1x8x128xi32, #tpu.memory_space<hbm>> -> memref<8x128xi32, #tpu.memory_space<hbm>>
        %dma_wait3A_528 = arith.constant 0 : i32
        %dma_wait3A_529 = arith.constant 0 : i32
        %dma_wait3A_530 = tpu.memref_slice %arg3[%add3A_64, %dma_wait3A_528, %dma_wait3A_529] : memref<3125x8x128xi32, #tpu.memory_space<hbm>> -> memref<1x8x128xi32, #tpu.memory_space<hbm>>
        %dma_wait3A_531 = tpu.memref_squeeze %dma_wait3A_530 : memref<1x8x128xi32, #tpu.memory_space<hbm>> -> memref<8x128xi32, #tpu.memory_space<hbm>>
        tpu.wait_dma2 semaphore(%run_scoped3A : memref<!tpu.dma_semaphore, #tpu.memory_space<semaphore_mem>>) src(%dma_wait3A_531 : memref<8x128xi32, #tpu.memory_space<hbm>>) dst(%arg14 : memref<8x128xi32, #tpu.memory_space<vmem>>)
        tpu.yield
      }) : () -> ()
      "tpu.region"() ({
        %run_scoped3A = tpu.sem_alloc : memref<!tpu.dma_semaphore, #tpu.memory_space<semaphore_mem>>
        %dma_start3A_516 = arith.constant 0 : i32
        %dma_start3A_517 = tpu.memref_slice %arg4[%add3A_64, %dma_start3A_516] : memref<3125x1024xf32, #tpu.memory_space<hbm>> -> memref<1x1024xf32, #tpu.memory_space<hbm>>
        %dma_start3A_518 = tpu.memref_squeeze %dma_start3A_517 : memref<1x1024xf32, #tpu.memory_space<hbm>> -> memref<1024xf32, #tpu.memory_space<hbm>>
        %dma_start3A_519 = arith.constant 0 : i32
        %dma_start3A_520 = tpu.memref_slice %arg4[%add3A_64, %dma_start3A_519] : memref<3125x1024xf32, #tpu.memory_space<hbm>> -> memref<1x1024xf32, #tpu.memory_space<hbm>>
        %dma_start3A_521 = tpu.memref_squeeze %dma_start3A_520 : memref<1x1024xf32, #tpu.memory_space<hbm>> -> memref<1024xf32, #tpu.memory_space<hbm>>
        tpu.enqueue_dma source(%dma_start3A_521 : memref<1024xf32, #tpu.memory_space<hbm>>) target(%arg15 : memref<1024xf32, #tpu.memory_space<vmem>>) target_semaphore(%run_scoped3A : memref<!tpu.dma_semaphore, #tpu.memory_space<semaphore_mem>>)
        %dma_wait3A_522 = arith.constant 0 : i32
        %dma_wait3A_523 = tpu.memref_slice %arg4[%add3A_64, %dma_wait3A_522] : memref<3125x1024xf32, #tpu.memory_space<hbm>> -> memref<1x1024xf32, #tpu.memory_space<hbm>>
        %dma_wait3A_524 = tpu.memref_squeeze %dma_wait3A_523 : memref<1x1024xf32, #tpu.memory_space<hbm>> -> memref<1024xf32, #tpu.memory_space<hbm>>
        %dma_wait3A_525 = arith.constant 0 : i32
        %dma_wait3A_526 = tpu.memref_slice %arg4[%add3A_64, %dma_wait3A_525] : memref<3125x1024xf32, #tpu.memory_space<hbm>> -> memref<1x1024xf32, #tpu.memory_space<hbm>>
        %dma_wait3A_527 = tpu.memref_squeeze %dma_wait3A_526 : memref<1x1024xf32, #tpu.memory_space<hbm>> -> memref<1024xf32, #tpu.memory_space<hbm>>
        tpu.wait_dma2 semaphore(%run_scoped3A : memref<!tpu.dma_semaphore, #tpu.memory_space<semaphore_mem>>) src(%dma_wait3A_527 : memref<1024xf32, #tpu.memory_space<hbm>>) dst(%arg15 : memref<1024xf32, #tpu.memory_space<vmem>>)
        tpu.yield
      }) : () -> ()
      %dma_start3A = arith.constant 0 : i32
      %dma_start3A_65 = arith.constant 0 : i32
      %dma_start3A_66 = arith.constant 0 : i32
      %dma_start3A_67 = tpu.memref_slice %arg16[%dma_start3A_65, %dma_start3A_66] : memref<1024x8xf32, #tpu.memory_space<vmem>> -> memref<128x8xf32, #tpu.memory_space<vmem>>
      %dma_start3A_68 = arith.constant 0 : i32
      %dma_start3A_69 = tpu.memref_slice %arg13[%dma_start3A, %dma_start3A_68] : memref<8x128xi32, #tpu.memory_space<vmem>> -> memref<1x128xi32, #tpu.memory_space<vmem>>
      %dma_start3A_70 = tpu.memref_squeeze %dma_start3A_69 : memref<1x128xi32, #tpu.memory_space<vmem>> -> memref<128xi32, #tpu.memory_space<vmem>>
      %dma_start3A_71 = arith.constant 0 : i32
      %dma_start3A_72 = arith.constant 0 : i32
      %dma_start3A_73 = tpu.memref_slice %arg10[%dma_start3A_71, %dma_start3A_72] : memref<100000x8xf32, #tpu.memory_space<vmem_shared>> -> memref<100000x8xf32, #tpu.memory_space<vmem_shared>>
      tpu.enqueue_indirect_dma source(%dma_start3A_73 : memref<100000x8xf32, #tpu.memory_space<vmem_shared>>) target(%dma_start3A_67 : memref<128x8xf32, #tpu.memory_space<vmem>>) offsets(%dma_start3A_70 : memref<128xi32, #tpu.memory_space<vmem>>) semaphore(%arg19 : memref<!tpu.dma_semaphore, #tpu.memory_space<semaphore_mem>>)
      %dma_start3A_74 = arith.constant 0 : i32
      %dma_start3A_75 = arith.constant 0 : i32
      %dma_start3A_76 = tpu.memref_slice %arg18[%dma_start3A_75] : memref<1024xf32, #tpu.memory_space<vmem>> -> memref<128xf32, #tpu.memory_space<vmem>>
      %dma_start3A_77 = arith.constant 0 : i32
      %dma_start3A_78 = tpu.memref_slice %arg14[%dma_start3A_74, %dma_start3A_77] : memref<8x128xi32, #tpu.memory_space<vmem>> -> memref<1x128xi32, #tpu.memory_space<vmem>>
      %dma_start3A_79 = tpu.memref_squeeze %dma_start3A_78 : memref<1x128xi32, #tpu.memory_space<vmem>> -> memref<128xi32, #tpu.memory_space<vmem>>
      %dma_start3A_80 = arith.constant 0 : i32
      %dma_start3A_81 = tpu.memref_slice %arg11[%dma_start3A_80] : memref<100000xf32, #tpu.memory_space<vmem_shared>> -> memref<100000xf32, #tpu.memory_space<vmem_shared>>
      tpu.enqueue_indirect_dma source(%dma_start3A_81 : memref<100000xf32, #tpu.memory_space<vmem_shared>>) target(%dma_start3A_76 : memref<128xf32, #tpu.memory_space<vmem>>) offsets(%dma_start3A_79 : memref<128xi32, #tpu.memory_space<vmem>>) semaphore(%arg20 : memref<!tpu.dma_semaphore, #tpu.memory_space<semaphore_mem>>)
      %dma_start3A_82 = arith.constant 1 : i32
      %dma_start3A_83 = arith.constant 128 : i32
      %dma_start3A_84 = arith.constant 0 : i32
      %dma_start3A_85 = tpu.memref_slice %arg16[%dma_start3A_83, %dma_start3A_84] : memref<1024x8xf32, #tpu.memory_space<vmem>> -> memref<128x8xf32, #tpu.memory_space<vmem>>
      %dma_start3A_86 = arith.constant 0 : i32
      %dma_start3A_87 = tpu.memref_slice %arg13[%dma_start3A_82, %dma_start3A_86] : memref<8x128xi32, #tpu.memory_space<vmem>> -> memref<1x128xi32, #tpu.memory_space<vmem>>
      %dma_start3A_88 = tpu.memref_squeeze %dma_start3A_87 : memref<1x128xi32, #tpu.memory_space<vmem>> -> memref<128xi32, #tpu.memory_space<vmem>>
      %dma_start3A_89 = arith.constant 0 : i32
      %dma_start3A_90 = arith.constant 0 : i32
      %dma_start3A_91 = tpu.memref_slice %arg10[%dma_start3A_89, %dma_start3A_90] : memref<100000x8xf32, #tpu.memory_space<vmem_shared>> -> memref<100000x8xf32, #tpu.memory_space<vmem_shared>>
      tpu.enqueue_indirect_dma source(%dma_start3A_91 : memref<100000x8xf32, #tpu.memory_space<vmem_shared>>) target(%dma_start3A_85 : memref<128x8xf32, #tpu.memory_space<vmem>>) offsets(%dma_start3A_88 : memref<128xi32, #tpu.memory_space<vmem>>) semaphore(%arg19 : memref<!tpu.dma_semaphore, #tpu.memory_space<semaphore_mem>>)
      %dma_start3A_92 = arith.constant 1 : i32
      %dma_start3A_93 = arith.constant 128 : i32
      %dma_start3A_94 = tpu.memref_slice %arg18[%dma_start3A_93] : memref<1024xf32, #tpu.memory_space<vmem>> -> memref<128xf32, #tpu.memory_space<vmem>>
      %dma_start3A_95 = arith.constant 0 : i32
      %dma_start3A_96 = tpu.memref_slice %arg14[%dma_start3A_92, %dma_start3A_95] : memref<8x128xi32, #tpu.memory_space<vmem>> -> memref<1x128xi32, #tpu.memory_space<vmem>>
      %dma_start3A_97 = tpu.memref_squeeze %dma_start3A_96 : memref<1x128xi32, #tpu.memory_space<vmem>> -> memref<128xi32, #tpu.memory_space<vmem>>
      %dma_start3A_98 = arith.constant 0 : i32
      %dma_start3A_99 = tpu.memref_slice %arg11[%dma_start3A_98] : memref<100000xf32, #tpu.memory_space<vmem_shared>> -> memref<100000xf32, #tpu.memory_space<vmem_shared>>
      tpu.enqueue_indirect_dma source(%dma_start3A_99 : memref<100000xf32, #tpu.memory_space<vmem_shared>>) target(%dma_start3A_94 : memref<128xf32, #tpu.memory_space<vmem>>) offsets(%dma_start3A_97 : memref<128xi32, #tpu.memory_space<vmem>>) semaphore(%arg20 : memref<!tpu.dma_semaphore, #tpu.memory_space<semaphore_mem>>)
      %dma_start3A_100 = arith.constant 2 : i32
      %dma_start3A_101 = arith.constant 256 : i32
      %dma_start3A_102 = arith.constant 0 : i32
      %dma_start3A_103 = tpu.memref_slice %arg16[%dma_start3A_101, %dma_start3A_102] : memref<1024x8xf32, #tpu.memory_space<vmem>> -> memref<128x8xf32, #tpu.memory_space<vmem>>
      %dma_start3A_104 = arith.constant 0 : i32
      %dma_start3A_105 = tpu.memref_slice %arg13[%dma_start3A_100, %dma_start3A_104] : memref<8x128xi32, #tpu.memory_space<vmem>> -> memref<1x128xi32, #tpu.memory_space<vmem>>
      %dma_start3A_106 = tpu.memref_squeeze %dma_start3A_105 : memref<1x128xi32, #tpu.memory_space<vmem>> -> memref<128xi32, #tpu.memory_space<vmem>>
      %dma_start3A_107 = arith.constant 0 : i32
      %dma_start3A_108 = arith.constant 0 : i32
      %dma_start3A_109 = tpu.memref_slice %arg10[%dma_start3A_107, %dma_start3A_108] : memref<100000x8xf32, #tpu.memory_space<vmem_shared>> -> memref<100000x8xf32, #tpu.memory_space<vmem_shared>>
      tpu.enqueue_indirect_dma source(%dma_start3A_109 : memref<100000x8xf32, #tpu.memory_space<vmem_shared>>) target(%dma_start3A_103 : memref<128x8xf32, #tpu.memory_space<vmem>>) offsets(%dma_start3A_106 : memref<128xi32, #tpu.memory_space<vmem>>) semaphore(%arg19 : memref<!tpu.dma_semaphore, #tpu.memory_space<semaphore_mem>>)
      %dma_start3A_110 = arith.constant 2 : i32
      %dma_start3A_111 = arith.constant 256 : i32
      %dma_start3A_112 = tpu.memref_slice %arg18[%dma_start3A_111] : memref<1024xf32, #tpu.memory_space<vmem>> -> memref<128xf32, #tpu.memory_space<vmem>>
      %dma_start3A_113 = arith.constant 0 : i32
      %dma_start3A_114 = tpu.memref_slice %arg14[%dma_start3A_110, %dma_start3A_113] : memref<8x128xi32, #tpu.memory_space<vmem>> -> memref<1x128xi32, #tpu.memory_space<vmem>>
      %dma_start3A_115 = tpu.memref_squeeze %dma_start3A_114 : memref<1x128xi32, #tpu.memory_space<vmem>> -> memref<128xi32, #tpu.memory_space<vmem>>
      %dma_start3A_116 = arith.constant 0 : i32
      %dma_start3A_117 = tpu.memref_slice %arg11[%dma_start3A_116] : memref<100000xf32, #tpu.memory_space<vmem_shared>> -> memref<100000xf32, #tpu.memory_space<vmem_shared>>
      tpu.enqueue_indirect_dma source(%dma_start3A_117 : memref<100000xf32, #tpu.memory_space<vmem_shared>>) target(%dma_start3A_112 : memref<128xf32, #tpu.memory_space<vmem>>) offsets(%dma_start3A_115 : memref<128xi32, #tpu.memory_space<vmem>>) semaphore(%arg20 : memref<!tpu.dma_semaphore, #tpu.memory_space<semaphore_mem>>)
      %dma_start3A_118 = arith.constant 3 : i32
      %dma_start3A_119 = arith.constant 384 : i32
      %dma_start3A_120 = arith.constant 0 : i32
      %dma_start3A_121 = tpu.memref_slice %arg16[%dma_start3A_119, %dma_start3A_120] : memref<1024x8xf32, #tpu.memory_space<vmem>> -> memref<128x8xf32, #tpu.memory_space<vmem>>
      %dma_start3A_122 = arith.constant 0 : i32
      %dma_start3A_123 = tpu.memref_slice %arg13[%dma_start3A_118, %dma_start3A_122] : memref<8x128xi32, #tpu.memory_space<vmem>> -> memref<1x128xi32, #tpu.memory_space<vmem>>
      %dma_start3A_124 = tpu.memref_squeeze %dma_start3A_123 : memref<1x128xi32, #tpu.memory_space<vmem>> -> memref<128xi32, #tpu.memory_space<vmem>>
      %dma_start3A_125 = arith.constant 0 : i32
      %dma_start3A_126 = arith.constant 0 : i32
      %dma_start3A_127 = tpu.memref_slice %arg10[%dma_start3A_125, %dma_start3A_126] : memref<100000x8xf32, #tpu.memory_space<vmem_shared>> -> memref<100000x8xf32, #tpu.memory_space<vmem_shared>>
      tpu.enqueue_indirect_dma source(%dma_start3A_127 : memref<100000x8xf32, #tpu.memory_space<vmem_shared>>) target(%dma_start3A_121 : memref<128x8xf32, #tpu.memory_space<vmem>>) offsets(%dma_start3A_124 : memref<128xi32, #tpu.memory_space<vmem>>) semaphore(%arg19 : memref<!tpu.dma_semaphore, #tpu.memory_space<semaphore_mem>>)
      %dma_start3A_128 = arith.constant 3 : i32
      %dma_start3A_129 = arith.constant 384 : i32
      %dma_start3A_130 = tpu.memref_slice %arg18[%dma_start3A_129] : memref<1024xf32, #tpu.memory_space<vmem>> -> memref<128xf32, #tpu.memory_space<vmem>>
      %dma_start3A_131 = arith.constant 0 : i32
      %dma_start3A_132 = tpu.memref_slice %arg14[%dma_start3A_128, %dma_start3A_131] : memref<8x128xi32, #tpu.memory_space<vmem>> -> memref<1x128xi32, #tpu.memory_space<vmem>>
      %dma_start3A_133 = tpu.memref_squeeze %dma_start3A_132 : memref<1x128xi32, #tpu.memory_space<vmem>> -> memref<128xi32, #tpu.memory_space<vmem>>
      %dma_start3A_134 = arith.constant 0 : i32
      %dma_start3A_135 = tpu.memref_slice %arg11[%dma_start3A_134] : memref<100000xf32, #tpu.memory_space<vmem_shared>> -> memref<100000xf32, #tpu.memory_space<vmem_shared>>
      tpu.enqueue_indirect_dma source(%dma_start3A_135 : memref<100000xf32, #tpu.memory_space<vmem_shared>>) target(%dma_start3A_130 : memref<128xf32, #tpu.memory_space<vmem>>) offsets(%dma_start3A_133 : memref<128xi32, #tpu.memory_space<vmem>>) semaphore(%arg20 : memref<!tpu.dma_semaphore, #tpu.memory_space<semaphore_mem>>)
      %dma_start3A_136 = arith.constant 4 : i32
      %dma_start3A_137 = arith.constant 512 : i32
      %dma_start3A_138 = arith.constant 0 : i32
      %dma_start3A_139 = tpu.memref_slice %arg16[%dma_start3A_137, %dma_start3A_138] : memref<1024x8xf32, #tpu.memory_space<vmem>> -> memref<128x8xf32, #tpu.memory_space<vmem>>
      %dma_start3A_140 = arith.constant 0 : i32
      %dma_start3A_141 = tpu.memref_slice %arg13[%dma_start3A_136, %dma_start3A_140] : memref<8x128xi32, #tpu.memory_space<vmem>> -> memref<1x128xi32, #tpu.memory_space<vmem>>
      %dma_start3A_142 = tpu.memref_squeeze %dma_start3A_141 : memref<1x128xi32, #tpu.memory_space<vmem>> -> memref<128xi32, #tpu.memory_space<vmem>>
      %dma_start3A_143 = arith.constant 0 : i32
      %dma_start3A_144 = arith.constant 0 : i32
      %dma_start3A_145 = tpu.memref_slice %arg10[%dma_start3A_143, %dma_start3A_144] : memref<100000x8xf32, #tpu.memory_space<vmem_shared>> -> memref<100000x8xf32, #tpu.memory_space<vmem_shared>>
      tpu.enqueue_indirect_dma source(%dma_start3A_145 : memref<100000x8xf32, #tpu.memory_space<vmem_shared>>) target(%dma_start3A_139 : memref<128x8xf32, #tpu.memory_space<vmem>>) offsets(%dma_start3A_142 : memref<128xi32, #tpu.memory_space<vmem>>) semaphore(%arg19 : memref<!tpu.dma_semaphore, #tpu.memory_space<semaphore_mem>>)
      %dma_start3A_146 = arith.constant 4 : i32
      %dma_start3A_147 = arith.constant 512 : i32
      %dma_start3A_148 = tpu.memref_slice %arg18[%dma_start3A_147] : memref<1024xf32, #tpu.memory_space<vmem>> -> memref<128xf32, #tpu.memory_space<vmem>>
      %dma_start3A_149 = arith.constant 0 : i32
      %dma_start3A_150 = tpu.memref_slice %arg14[%dma_start3A_146, %dma_start3A_149] : memref<8x128xi32, #tpu.memory_space<vmem>> -> memref<1x128xi32, #tpu.memory_space<vmem>>
      %dma_start3A_151 = tpu.memref_squeeze %dma_start3A_150 : memref<1x128xi32, #tpu.memory_space<vmem>> -> memref<128xi32, #tpu.memory_space<vmem>>
      %dma_start3A_152 = arith.constant 0 : i32
      %dma_start3A_153 = tpu.memref_slice %arg11[%dma_start3A_152] : memref<100000xf32, #tpu.memory_space<vmem_shared>> -> memref<100000xf32, #tpu.memory_space<vmem_shared>>
      tpu.enqueue_indirect_dma source(%dma_start3A_153 : memref<100000xf32, #tpu.memory_space<vmem_shared>>) target(%dma_start3A_148 : memref<128xf32, #tpu.memory_space<vmem>>) offsets(%dma_start3A_151 : memref<128xi32, #tpu.memory_space<vmem>>) semaphore(%arg20 : memref<!tpu.dma_semaphore, #tpu.memory_space<semaphore_mem>>)
      %dma_start3A_154 = arith.constant 5 : i32
      %dma_start3A_155 = arith.constant 640 : i32
      %dma_start3A_156 = arith.constant 0 : i32
      %dma_start3A_157 = tpu.memref_slice %arg16[%dma_start3A_155, %dma_start3A_156] : memref<1024x8xf32, #tpu.memory_space<vmem>> -> memref<128x8xf32, #tpu.memory_space<vmem>>
      %dma_start3A_158 = arith.constant 0 : i32
      %dma_start3A_159 = tpu.memref_slice %arg13[%dma_start3A_154, %dma_start3A_158] : memref<8x128xi32, #tpu.memory_space<vmem>> -> memref<1x128xi32, #tpu.memory_space<vmem>>
      %dma_start3A_160 = tpu.memref_squeeze %dma_start3A_159 : memref<1x128xi32, #tpu.memory_space<vmem>> -> memref<128xi32, #tpu.memory_space<vmem>>
      %dma_start3A_161 = arith.constant 0 : i32
      %dma_start3A_162 = arith.constant 0 : i32
      %dma_start3A_163 = tpu.memref_slice %arg10[%dma_start3A_161, %dma_start3A_162] : memref<100000x8xf32, #tpu.memory_space<vmem_shared>> -> memref<100000x8xf32, #tpu.memory_space<vmem_shared>>
      tpu.enqueue_indirect_dma source(%dma_start3A_163 : memref<100000x8xf32, #tpu.memory_space<vmem_shared>>) target(%dma_start3A_157 : memref<128x8xf32, #tpu.memory_space<vmem>>) offsets(%dma_start3A_160 : memref<128xi32, #tpu.memory_space<vmem>>) semaphore(%arg19 : memref<!tpu.dma_semaphore, #tpu.memory_space<semaphore_mem>>)
      %dma_start3A_164 = arith.constant 5 : i32
      %dma_start3A_165 = arith.constant 640 : i32
      %dma_start3A_166 = tpu.memref_slice %arg18[%dma_start3A_165] : memref<1024xf32, #tpu.memory_space<vmem>> -> memref<128xf32, #tpu.memory_space<vmem>>
      %dma_start3A_167 = arith.constant 0 : i32
      %dma_start3A_168 = tpu.memref_slice %arg14[%dma_start3A_164, %dma_start3A_167] : memref<8x128xi32, #tpu.memory_space<vmem>> -> memref<1x128xi32, #tpu.memory_space<vmem>>
      %dma_start3A_169 = tpu.memref_squeeze %dma_start3A_168 : memref<1x128xi32, #tpu.memory_space<vmem>> -> memref<128xi32, #tpu.memory_space<vmem>>
      %dma_start3A_170 = arith.constant 0 : i32
      %dma_start3A_171 = tpu.memref_slice %arg11[%dma_start3A_170] : memref<100000xf32, #tpu.memory_space<vmem_shared>> -> memref<100000xf32, #tpu.memory_space<vmem_shared>>
      tpu.enqueue_indirect_dma source(%dma_start3A_171 : memref<100000xf32, #tpu.memory_space<vmem_shared>>) target(%dma_start3A_166 : memref<128xf32, #tpu.memory_space<vmem>>) offsets(%dma_start3A_169 : memref<128xi32, #tpu.memory_space<vmem>>) semaphore(%arg20 : memref<!tpu.dma_semaphore, #tpu.memory_space<semaphore_mem>>)
      %dma_start3A_172 = arith.constant 6 : i32
      %dma_start3A_173 = arith.constant 768 : i32
      %dma_start3A_174 = arith.constant 0 : i32
      %dma_start3A_175 = tpu.memref_slice %arg16[%dma_start3A_173, %dma_start3A_174] : memref<1024x8xf32, #tpu.memory_space<vmem>> -> memref<128x8xf32, #tpu.memory_space<vmem>>
      %dma_start3A_176 = arith.constant 0 : i32
      %dma_start3A_177 = tpu.memref_slice %arg13[%dma_start3A_172, %dma_start3A_176] : memref<8x128xi32, #tpu.memory_space<vmem>> -> memref<1x128xi32, #tpu.memory_space<vmem>>
      %dma_start3A_178 = tpu.memref_squeeze %dma_start3A_177 : memref<1x128xi32, #tpu.memory_space<vmem>> -> memref<128xi32, #tpu.memory_space<vmem>>
      %dma_start3A_179 = arith.constant 0 : i32
      %dma_start3A_180 = arith.constant 0 : i32
      %dma_start3A_181 = tpu.memref_slice %arg10[%dma_start3A_179, %dma_start3A_180] : memref<100000x8xf32, #tpu.memory_space<vmem_shared>> -> memref<100000x8xf32, #tpu.memory_space<vmem_shared>>
      tpu.enqueue_indirect_dma source(%dma_start3A_181 : memref<100000x8xf32, #tpu.memory_space<vmem_shared>>) target(%dma_start3A_175 : memref<128x8xf32, #tpu.memory_space<vmem>>) offsets(%dma_start3A_178 : memref<128xi32, #tpu.memory_space<vmem>>) semaphore(%arg19 : memref<!tpu.dma_semaphore, #tpu.memory_space<semaphore_mem>>)
      %dma_start3A_182 = arith.constant 6 : i32
      %dma_start3A_183 = arith.constant 768 : i32
      %dma_start3A_184 = tpu.memref_slice %arg18[%dma_start3A_183] : memref<1024xf32, #tpu.memory_space<vmem>> -> memref<128xf32, #tpu.memory_space<vmem>>
      %dma_start3A_185 = arith.constant 0 : i32
      %dma_start3A_186 = tpu.memref_slice %arg14[%dma_start3A_182, %dma_start3A_185] : memref<8x128xi32, #tpu.memory_space<vmem>> -> memref<1x128xi32, #tpu.memory_space<vmem>>
      %dma_start3A_187 = tpu.memref_squeeze %dma_start3A_186 : memref<1x128xi32, #tpu.memory_space<vmem>> -> memref<128xi32, #tpu.memory_space<vmem>>
      %dma_start3A_188 = arith.constant 0 : i32
      %dma_start3A_189 = tpu.memref_slice %arg11[%dma_start3A_188] : memref<100000xf32, #tpu.memory_space<vmem_shared>> -> memref<100000xf32, #tpu.memory_space<vmem_shared>>
      tpu.enqueue_indirect_dma source(%dma_start3A_189 : memref<100000xf32, #tpu.memory_space<vmem_shared>>) target(%dma_start3A_184 : memref<128xf32, #tpu.memory_space<vmem>>) offsets(%dma_start3A_187 : memref<128xi32, #tpu.memory_space<vmem>>) semaphore(%arg20 : memref<!tpu.dma_semaphore, #tpu.memory_space<semaphore_mem>>)
      %dma_start3A_190 = arith.constant 7 : i32
      %dma_start3A_191 = arith.constant 896 : i32
      %dma_start3A_192 = arith.constant 0 : i32
      %dma_start3A_193 = tpu.memref_slice %arg16[%dma_start3A_191, %dma_start3A_192] : memref<1024x8xf32, #tpu.memory_space<vmem>> -> memref<128x8xf32, #tpu.memory_space<vmem>>
      %dma_start3A_194 = arith.constant 0 : i32
      %dma_start3A_195 = tpu.memref_slice %arg13[%dma_start3A_190, %dma_start3A_194] : memref<8x128xi32, #tpu.memory_space<vmem>> -> memref<1x128xi32, #tpu.memory_space<vmem>>
      %dma_start3A_196 = tpu.memref_squeeze %dma_start3A_195 : memref<1x128xi32, #tpu.memory_space<vmem>> -> memref<128xi32, #tpu.memory_space<vmem>>
      %dma_start3A_197 = arith.constant 0 : i32
      %dma_start3A_198 = arith.constant 0 : i32
      %dma_start3A_199 = tpu.memref_slice %arg10[%dma_start3A_197, %dma_start3A_198] : memref<100000x8xf32, #tpu.memory_space<vmem_shared>> -> memref<100000x8xf32, #tpu.memory_space<vmem_shared>>
      tpu.enqueue_indirect_dma source(%dma_start3A_199 : memref<100000x8xf32, #tpu.memory_space<vmem_shared>>) target(%dma_start3A_193 : memref<128x8xf32, #tpu.memory_space<vmem>>) offsets(%dma_start3A_196 : memref<128xi32, #tpu.memory_space<vmem>>) semaphore(%arg19 : memref<!tpu.dma_semaphore, #tpu.memory_space<semaphore_mem>>)
      %dma_start3A_200 = arith.constant 7 : i32
      %dma_start3A_201 = arith.constant 896 : i32
      %dma_start3A_202 = tpu.memref_slice %arg18[%dma_start3A_201] : memref<1024xf32, #tpu.memory_space<vmem>> -> memref<128xf32, #tpu.memory_space<vmem>>
      %dma_start3A_203 = arith.constant 0 : i32
      %dma_start3A_204 = tpu.memref_slice %arg14[%dma_start3A_200, %dma_start3A_203] : memref<8x128xi32, #tpu.memory_space<vmem>> -> memref<1x128xi32, #tpu.memory_space<vmem>>
      %dma_start3A_205 = tpu.memref_squeeze %dma_start3A_204 : memref<1x128xi32, #tpu.memory_space<vmem>> -> memref<128xi32, #tpu.memory_space<vmem>>
      %dma_start3A_206 = arith.constant 0 : i32
      %dma_start3A_207 = tpu.memref_slice %arg11[%dma_start3A_206] : memref<100000xf32, #tpu.memory_space<vmem_shared>> -> memref<100000xf32, #tpu.memory_space<vmem_shared>>
      tpu.enqueue_indirect_dma source(%dma_start3A_207 : memref<100000xf32, #tpu.memory_space<vmem_shared>>) target(%dma_start3A_202 : memref<128xf32, #tpu.memory_space<vmem>>) offsets(%dma_start3A_205 : memref<128xi32, #tpu.memory_space<vmem>>) semaphore(%arg20 : memref<!tpu.dma_semaphore, #tpu.memory_space<semaphore_mem>>)
      %dma_wait3A = arith.constant 0 : i32
      %dma_wait3A_208 = arith.constant 0 : i32
      %dma_wait3A_209 = arith.constant 0 : i32
      %dma_wait3A_210 = tpu.memref_slice %arg16[%dma_wait3A_208, %dma_wait3A_209] : memref<1024x8xf32, #tpu.memory_space<vmem>> -> memref<128x8xf32, #tpu.memory_space<vmem>>
      %dma_wait3A_211 = arith.constant 0 : i32
      %dma_wait3A_212 = tpu.memref_slice %arg13[%dma_wait3A, %dma_wait3A_211] : memref<8x128xi32, #tpu.memory_space<vmem>> -> memref<1x128xi32, #tpu.memory_space<vmem>>
      %dma_wait3A_213 = tpu.memref_squeeze %dma_wait3A_212 : memref<1x128xi32, #tpu.memory_space<vmem>> -> memref<128xi32, #tpu.memory_space<vmem>>
      %dma_wait3A_214 = arith.constant 0 : i32
      %dma_wait3A_215 = arith.constant 0 : i32
      %dma_wait3A_216 = tpu.memref_slice %arg10[%dma_wait3A_214, %dma_wait3A_215] : memref<100000x8xf32, #tpu.memory_space<vmem_shared>> -> memref<100000x8xf32, #tpu.memory_space<vmem_shared>>
      tpu.wait_indirect_dma semaphore(%arg19 : memref<!tpu.dma_semaphore, #tpu.memory_space<semaphore_mem>>) src(%dma_wait3A_216 : memref<100000x8xf32, #tpu.memory_space<vmem_shared>>) dst(%dma_wait3A_210 : memref<128x8xf32, #tpu.memory_space<vmem>>)
      %dma_wait3A_217 = arith.constant 0 : i32
      %dma_wait3A_218 = arith.constant 0 : i32
      %dma_wait3A_219 = tpu.memref_slice %arg18[%dma_wait3A_218] : memref<1024xf32, #tpu.memory_space<vmem>> -> memref<128xf32, #tpu.memory_space<vmem>>
      %dma_wait3A_220 = arith.constant 0 : i32
      %dma_wait3A_221 = tpu.memref_slice %arg14[%dma_wait3A_217, %dma_wait3A_220] : memref<8x128xi32, #tpu.memory_space<vmem>> -> memref<1x128xi32, #tpu.memory_space<vmem>>
      %dma_wait3A_222 = tpu.memref_squeeze %dma_wait3A_221 : memref<1x128xi32, #tpu.memory_space<vmem>> -> memref<128xi32, #tpu.memory_space<vmem>>
      %dma_wait3A_223 = arith.constant 0 : i32
      %dma_wait3A_224 = tpu.memref_slice %arg11[%dma_wait3A_223] : memref<100000xf32, #tpu.memory_space<vmem_shared>> -> memref<100000xf32, #tpu.memory_space<vmem_shared>>
      tpu.wait_indirect_dma semaphore(%arg20 : memref<!tpu.dma_semaphore, #tpu.memory_space<semaphore_mem>>) src(%dma_wait3A_224 : memref<100000xf32, #tpu.memory_space<vmem_shared>>) dst(%dma_wait3A_219 : memref<128xf32, #tpu.memory_space<vmem>>)
      %dma_wait3A_225 = arith.constant 1 : i32
      %dma_wait3A_226 = arith.constant 128 : i32
      %dma_wait3A_227 = arith.constant 0 : i32
      %dma_wait3A_228 = tpu.memref_slice %arg16[%dma_wait3A_226, %dma_wait3A_227] : memref<1024x8xf32, #tpu.memory_space<vmem>> -> memref<128x8xf32, #tpu.memory_space<vmem>>
      %dma_wait3A_229 = arith.constant 0 : i32
      %dma_wait3A_230 = tpu.memref_slice %arg13[%dma_wait3A_225, %dma_wait3A_229] : memref<8x128xi32, #tpu.memory_space<vmem>> -> memref<1x128xi32, #tpu.memory_space<vmem>>
      %dma_wait3A_231 = tpu.memref_squeeze %dma_wait3A_230 : memref<1x128xi32, #tpu.memory_space<vmem>> -> memref<128xi32, #tpu.memory_space<vmem>>
      %dma_wait3A_232 = arith.constant 0 : i32
      %dma_wait3A_233 = arith.constant 0 : i32
      %dma_wait3A_234 = tpu.memref_slice %arg10[%dma_wait3A_232, %dma_wait3A_233] : memref<100000x8xf32, #tpu.memory_space<vmem_shared>> -> memref<100000x8xf32, #tpu.memory_space<vmem_shared>>
      tpu.wait_indirect_dma semaphore(%arg19 : memref<!tpu.dma_semaphore, #tpu.memory_space<semaphore_mem>>) src(%dma_wait3A_234 : memref<100000x8xf32, #tpu.memory_space<vmem_shared>>) dst(%dma_wait3A_228 : memref<128x8xf32, #tpu.memory_space<vmem>>)
      %dma_wait3A_235 = arith.constant 1 : i32
      %dma_wait3A_236 = arith.constant 128 : i32
      %dma_wait3A_237 = tpu.memref_slice %arg18[%dma_wait3A_236] : memref<1024xf32, #tpu.memory_space<vmem>> -> memref<128xf32, #tpu.memory_space<vmem>>
      %dma_wait3A_238 = arith.constant 0 : i32
      %dma_wait3A_239 = tpu.memref_slice %arg14[%dma_wait3A_235, %dma_wait3A_238] : memref<8x128xi32, #tpu.memory_space<vmem>> -> memref<1x128xi32, #tpu.memory_space<vmem>>
      %dma_wait3A_240 = tpu.memref_squeeze %dma_wait3A_239 : memref<1x128xi32, #tpu.memory_space<vmem>> -> memref<128xi32, #tpu.memory_space<vmem>>
      %dma_wait3A_241 = arith.constant 0 : i32
      %dma_wait3A_242 = tpu.memref_slice %arg11[%dma_wait3A_241] : memref<100000xf32, #tpu.memory_space<vmem_shared>> -> memref<100000xf32, #tpu.memory_space<vmem_shared>>
      tpu.wait_indirect_dma semaphore(%arg20 : memref<!tpu.dma_semaphore, #tpu.memory_space<semaphore_mem>>) src(%dma_wait3A_242 : memref<100000xf32, #tpu.memory_space<vmem_shared>>) dst(%dma_wait3A_237 : memref<128xf32, #tpu.memory_space<vmem>>)
      %dma_wait3A_243 = arith.constant 2 : i32
      %dma_wait3A_244 = arith.constant 256 : i32
      %dma_wait3A_245 = arith.constant 0 : i32
      %dma_wait3A_246 = tpu.memref_slice %arg16[%dma_wait3A_244, %dma_wait3A_245] : memref<1024x8xf32, #tpu.memory_space<vmem>> -> memref<128x8xf32, #tpu.memory_space<vmem>>
      %dma_wait3A_247 = arith.constant 0 : i32
      %dma_wait3A_248 = tpu.memref_slice %arg13[%dma_wait3A_243, %dma_wait3A_247] : memref<8x128xi32, #tpu.memory_space<vmem>> -> memref<1x128xi32, #tpu.memory_space<vmem>>
      %dma_wait3A_249 = tpu.memref_squeeze %dma_wait3A_248 : memref<1x128xi32, #tpu.memory_space<vmem>> -> memref<128xi32, #tpu.memory_space<vmem>>
      %dma_wait3A_250 = arith.constant 0 : i32
      %dma_wait3A_251 = arith.constant 0 : i32
      %dma_wait3A_252 = tpu.memref_slice %arg10[%dma_wait3A_250, %dma_wait3A_251] : memref<100000x8xf32, #tpu.memory_space<vmem_shared>> -> memref<100000x8xf32, #tpu.memory_space<vmem_shared>>
      tpu.wait_indirect_dma semaphore(%arg19 : memref<!tpu.dma_semaphore, #tpu.memory_space<semaphore_mem>>) src(%dma_wait3A_252 : memref<100000x8xf32, #tpu.memory_space<vmem_shared>>) dst(%dma_wait3A_246 : memref<128x8xf32, #tpu.memory_space<vmem>>)
      %dma_wait3A_253 = arith.constant 2 : i32
      %dma_wait3A_254 = arith.constant 256 : i32
      %dma_wait3A_255 = tpu.memref_slice %arg18[%dma_wait3A_254] : memref<1024xf32, #tpu.memory_space<vmem>> -> memref<128xf32, #tpu.memory_space<vmem>>
      %dma_wait3A_256 = arith.constant 0 : i32
      %dma_wait3A_257 = tpu.memref_slice %arg14[%dma_wait3A_253, %dma_wait3A_256] : memref<8x128xi32, #tpu.memory_space<vmem>> -> memref<1x128xi32, #tpu.memory_space<vmem>>
      %dma_wait3A_258 = tpu.memref_squeeze %dma_wait3A_257 : memref<1x128xi32, #tpu.memory_space<vmem>> -> memref<128xi32, #tpu.memory_space<vmem>>
      %dma_wait3A_259 = arith.constant 0 : i32
      %dma_wait3A_260 = tpu.memref_slice %arg11[%dma_wait3A_259] : memref<100000xf32, #tpu.memory_space<vmem_shared>> -> memref<100000xf32, #tpu.memory_space<vmem_shared>>
      tpu.wait_indirect_dma semaphore(%arg20 : memref<!tpu.dma_semaphore, #tpu.memory_space<semaphore_mem>>) src(%dma_wait3A_260 : memref<100000xf32, #tpu.memory_space<vmem_shared>>) dst(%dma_wait3A_255 : memref<128xf32, #tpu.memory_space<vmem>>)
      %dma_wait3A_261 = arith.constant 3 : i32
      %dma_wait3A_262 = arith.constant 384 : i32
      %dma_wait3A_263 = arith.constant 0 : i32
      %dma_wait3A_264 = tpu.memref_slice %arg16[%dma_wait3A_262, %dma_wait3A_263] : memref<1024x8xf32, #tpu.memory_space<vmem>> -> memref<128x8xf32, #tpu.memory_space<vmem>>
      %dma_wait3A_265 = arith.constant 0 : i32
      %dma_wait3A_266 = tpu.memref_slice %arg13[%dma_wait3A_261, %dma_wait3A_265] : memref<8x128xi32, #tpu.memory_space<vmem>> -> memref<1x128xi32, #tpu.memory_space<vmem>>
      %dma_wait3A_267 = tpu.memref_squeeze %dma_wait3A_266 : memref<1x128xi32, #tpu.memory_space<vmem>> -> memref<128xi32, #tpu.memory_space<vmem>>
      %dma_wait3A_268 = arith.constant 0 : i32
      %dma_wait3A_269 = arith.constant 0 : i32
      %dma_wait3A_270 = tpu.memref_slice %arg10[%dma_wait3A_268, %dma_wait3A_269] : memref<100000x8xf32, #tpu.memory_space<vmem_shared>> -> memref<100000x8xf32, #tpu.memory_space<vmem_shared>>
      tpu.wait_indirect_dma semaphore(%arg19 : memref<!tpu.dma_semaphore, #tpu.memory_space<semaphore_mem>>) src(%dma_wait3A_270 : memref<100000x8xf32, #tpu.memory_space<vmem_shared>>) dst(%dma_wait3A_264 : memref<128x8xf32, #tpu.memory_space<vmem>>)
      %dma_wait3A_271 = arith.constant 3 : i32
      %dma_wait3A_272 = arith.constant 384 : i32
      %dma_wait3A_273 = tpu.memref_slice %arg18[%dma_wait3A_272] : memref<1024xf32, #tpu.memory_space<vmem>> -> memref<128xf32, #tpu.memory_space<vmem>>
      %dma_wait3A_274 = arith.constant 0 : i32
      %dma_wait3A_275 = tpu.memref_slice %arg14[%dma_wait3A_271, %dma_wait3A_274] : memref<8x128xi32, #tpu.memory_space<vmem>> -> memref<1x128xi32, #tpu.memory_space<vmem>>
      %dma_wait3A_276 = tpu.memref_squeeze %dma_wait3A_275 : memref<1x128xi32, #tpu.memory_space<vmem>> -> memref<128xi32, #tpu.memory_space<vmem>>
      %dma_wait3A_277 = arith.constant 0 : i32
      %dma_wait3A_278 = tpu.memref_slice %arg11[%dma_wait3A_277] : memref<100000xf32, #tpu.memory_space<vmem_shared>> -> memref<100000xf32, #tpu.memory_space<vmem_shared>>
      tpu.wait_indirect_dma semaphore(%arg20 : memref<!tpu.dma_semaphore, #tpu.memory_space<semaphore_mem>>) src(%dma_wait3A_278 : memref<100000xf32, #tpu.memory_space<vmem_shared>>) dst(%dma_wait3A_273 : memref<128xf32, #tpu.memory_space<vmem>>)
      %dma_wait3A_279 = arith.constant 4 : i32
      %dma_wait3A_280 = arith.constant 512 : i32
      %dma_wait3A_281 = arith.constant 0 : i32
      %dma_wait3A_282 = tpu.memref_slice %arg16[%dma_wait3A_280, %dma_wait3A_281] : memref<1024x8xf32, #tpu.memory_space<vmem>> -> memref<128x8xf32, #tpu.memory_space<vmem>>
      %dma_wait3A_283 = arith.constant 0 : i32
      %dma_wait3A_284 = tpu.memref_slice %arg13[%dma_wait3A_279, %dma_wait3A_283] : memref<8x128xi32, #tpu.memory_space<vmem>> -> memref<1x128xi32, #tpu.memory_space<vmem>>
      %dma_wait3A_285 = tpu.memref_squeeze %dma_wait3A_284 : memref<1x128xi32, #tpu.memory_space<vmem>> -> memref<128xi32, #tpu.memory_space<vmem>>
      %dma_wait3A_286 = arith.constant 0 : i32
      %dma_wait3A_287 = arith.constant 0 : i32
      %dma_wait3A_288 = tpu.memref_slice %arg10[%dma_wait3A_286, %dma_wait3A_287] : memref<100000x8xf32, #tpu.memory_space<vmem_shared>> -> memref<100000x8xf32, #tpu.memory_space<vmem_shared>>
      tpu.wait_indirect_dma semaphore(%arg19 : memref<!tpu.dma_semaphore, #tpu.memory_space<semaphore_mem>>) src(%dma_wait3A_288 : memref<100000x8xf32, #tpu.memory_space<vmem_shared>>) dst(%dma_wait3A_282 : memref<128x8xf32, #tpu.memory_space<vmem>>)
      %dma_wait3A_289 = arith.constant 4 : i32
      %dma_wait3A_290 = arith.constant 512 : i32
      %dma_wait3A_291 = tpu.memref_slice %arg18[%dma_wait3A_290] : memref<1024xf32, #tpu.memory_space<vmem>> -> memref<128xf32, #tpu.memory_space<vmem>>
      %dma_wait3A_292 = arith.constant 0 : i32
      %dma_wait3A_293 = tpu.memref_slice %arg14[%dma_wait3A_289, %dma_wait3A_292] : memref<8x128xi32, #tpu.memory_space<vmem>> -> memref<1x128xi32, #tpu.memory_space<vmem>>
      %dma_wait3A_294 = tpu.memref_squeeze %dma_wait3A_293 : memref<1x128xi32, #tpu.memory_space<vmem>> -> memref<128xi32, #tpu.memory_space<vmem>>
      %dma_wait3A_295 = arith.constant 0 : i32
      %dma_wait3A_296 = tpu.memref_slice %arg11[%dma_wait3A_295] : memref<100000xf32, #tpu.memory_space<vmem_shared>> -> memref<100000xf32, #tpu.memory_space<vmem_shared>>
      tpu.wait_indirect_dma semaphore(%arg20 : memref<!tpu.dma_semaphore, #tpu.memory_space<semaphore_mem>>) src(%dma_wait3A_296 : memref<100000xf32, #tpu.memory_space<vmem_shared>>) dst(%dma_wait3A_291 : memref<128xf32, #tpu.memory_space<vmem>>)
      %dma_wait3A_297 = arith.constant 5 : i32
      %dma_wait3A_298 = arith.constant 640 : i32
      %dma_wait3A_299 = arith.constant 0 : i32
      %dma_wait3A_300 = tpu.memref_slice %arg16[%dma_wait3A_298, %dma_wait3A_299] : memref<1024x8xf32, #tpu.memory_space<vmem>> -> memref<128x8xf32, #tpu.memory_space<vmem>>
      %dma_wait3A_301 = arith.constant 0 : i32
      %dma_wait3A_302 = tpu.memref_slice %arg13[%dma_wait3A_297, %dma_wait3A_301] : memref<8x128xi32, #tpu.memory_space<vmem>> -> memref<1x128xi32, #tpu.memory_space<vmem>>
      %dma_wait3A_303 = tpu.memref_squeeze %dma_wait3A_302 : memref<1x128xi32, #tpu.memory_space<vmem>> -> memref<128xi32, #tpu.memory_space<vmem>>
      %dma_wait3A_304 = arith.constant 0 : i32
      %dma_wait3A_305 = arith.constant 0 : i32
      %dma_wait3A_306 = tpu.memref_slice %arg10[%dma_wait3A_304, %dma_wait3A_305] : memref<100000x8xf32, #tpu.memory_space<vmem_shared>> -> memref<100000x8xf32, #tpu.memory_space<vmem_shared>>
      tpu.wait_indirect_dma semaphore(%arg19 : memref<!tpu.dma_semaphore, #tpu.memory_space<semaphore_mem>>) src(%dma_wait3A_306 : memref<100000x8xf32, #tpu.memory_space<vmem_shared>>) dst(%dma_wait3A_300 : memref<128x8xf32, #tpu.memory_space<vmem>>)
      %dma_wait3A_307 = arith.constant 5 : i32
      %dma_wait3A_308 = arith.constant 640 : i32
      %dma_wait3A_309 = tpu.memref_slice %arg18[%dma_wait3A_308] : memref<1024xf32, #tpu.memory_space<vmem>> -> memref<128xf32, #tpu.memory_space<vmem>>
      %dma_wait3A_310 = arith.constant 0 : i32
      %dma_wait3A_311 = tpu.memref_slice %arg14[%dma_wait3A_307, %dma_wait3A_310] : memref<8x128xi32, #tpu.memory_space<vmem>> -> memref<1x128xi32, #tpu.memory_space<vmem>>
      %dma_wait3A_312 = tpu.memref_squeeze %dma_wait3A_311 : memref<1x128xi32, #tpu.memory_space<vmem>> -> memref<128xi32, #tpu.memory_space<vmem>>
      %dma_wait3A_313 = arith.constant 0 : i32
      %dma_wait3A_314 = tpu.memref_slice %arg11[%dma_wait3A_313] : memref<100000xf32, #tpu.memory_space<vmem_shared>> -> memref<100000xf32, #tpu.memory_space<vmem_shared>>
      tpu.wait_indirect_dma semaphore(%arg20 : memref<!tpu.dma_semaphore, #tpu.memory_space<semaphore_mem>>) src(%dma_wait3A_314 : memref<100000xf32, #tpu.memory_space<vmem_shared>>) dst(%dma_wait3A_309 : memref<128xf32, #tpu.memory_space<vmem>>)
      %dma_wait3A_315 = arith.constant 6 : i32
      %dma_wait3A_316 = arith.constant 768 : i32
      %dma_wait3A_317 = arith.constant 0 : i32
      %dma_wait3A_318 = tpu.memref_slice %arg16[%dma_wait3A_316, %dma_wait3A_317] : memref<1024x8xf32, #tpu.memory_space<vmem>> -> memref<128x8xf32, #tpu.memory_space<vmem>>
      %dma_wait3A_319 = arith.constant 0 : i32
      %dma_wait3A_320 = tpu.memref_slice %arg13[%dma_wait3A_315, %dma_wait3A_319] : memref<8x128xi32, #tpu.memory_space<vmem>> -> memref<1x128xi32, #tpu.memory_space<vmem>>
      %dma_wait3A_321 = tpu.memref_squeeze %dma_wait3A_320 : memref<1x128xi32, #tpu.memory_space<vmem>> -> memref<128xi32, #tpu.memory_space<vmem>>
      %dma_wait3A_322 = arith.constant 0 : i32
      %dma_wait3A_323 = arith.constant 0 : i32
      %dma_wait3A_324 = tpu.memref_slice %arg10[%dma_wait3A_322, %dma_wait3A_323] : memref<100000x8xf32, #tpu.memory_space<vmem_shared>> -> memref<100000x8xf32, #tpu.memory_space<vmem_shared>>
      tpu.wait_indirect_dma semaphore(%arg19 : memref<!tpu.dma_semaphore, #tpu.memory_space<semaphore_mem>>) src(%dma_wait3A_324 : memref<100000x8xf32, #tpu.memory_space<vmem_shared>>) dst(%dma_wait3A_318 : memref<128x8xf32, #tpu.memory_space<vmem>>)
      %dma_wait3A_325 = arith.constant 6 : i32
      %dma_wait3A_326 = arith.constant 768 : i32
      %dma_wait3A_327 = tpu.memref_slice %arg18[%dma_wait3A_326] : memref<1024xf32, #tpu.memory_space<vmem>> -> memref<128xf32, #tpu.memory_space<vmem>>
      %dma_wait3A_328 = arith.constant 0 : i32
      %dma_wait3A_329 = tpu.memref_slice %arg14[%dma_wait3A_325, %dma_wait3A_328] : memref<8x128xi32, #tpu.memory_space<vmem>> -> memref<1x128xi32, #tpu.memory_space<vmem>>
      %dma_wait3A_330 = tpu.memref_squeeze %dma_wait3A_329 : memref<1x128xi32, #tpu.memory_space<vmem>> -> memref<128xi32, #tpu.memory_space<vmem>>
      %dma_wait3A_331 = arith.constant 0 : i32
      %dma_wait3A_332 = tpu.memref_slice %arg11[%dma_wait3A_331] : memref<100000xf32, #tpu.memory_space<vmem_shared>> -> memref<100000xf32, #tpu.memory_space<vmem_shared>>
      tpu.wait_indirect_dma semaphore(%arg20 : memref<!tpu.dma_semaphore, #tpu.memory_space<semaphore_mem>>) src(%dma_wait3A_332 : memref<100000xf32, #tpu.memory_space<vmem_shared>>) dst(%dma_wait3A_327 : memref<128xf32, #tpu.memory_space<vmem>>)
      %dma_wait3A_333 = arith.constant 7 : i32
      %dma_wait3A_334 = arith.constant 896 : i32
      %dma_wait3A_335 = arith.constant 0 : i32
      %dma_wait3A_336 = tpu.memref_slice %arg16[%dma_wait3A_334, %dma_wait3A_335] : memref<1024x8xf32, #tpu.memory_space<vmem>> -> memref<128x8xf32, #tpu.memory_space<vmem>>
      %dma_wait3A_337 = arith.constant 0 : i32
      %dma_wait3A_338 = tpu.memref_slice %arg13[%dma_wait3A_333, %dma_wait3A_337] : memref<8x128xi32, #tpu.memory_space<vmem>> -> memref<1x128xi32, #tpu.memory_space<vmem>>
      %dma_wait3A_339 = tpu.memref_squeeze %dma_wait3A_338 : memref<1x128xi32, #tpu.memory_space<vmem>> -> memref<128xi32, #tpu.memory_space<vmem>>
      %dma_wait3A_340 = arith.constant 0 : i32
      %dma_wait3A_341 = arith.constant 0 : i32
      %dma_wait3A_342 = tpu.memref_slice %arg10[%dma_wait3A_340, %dma_wait3A_341] : memref<100000x8xf32, #tpu.memory_space<vmem_shared>> -> memref<100000x8xf32, #tpu.memory_space<vmem_shared>>
      tpu.wait_indirect_dma semaphore(%arg19 : memref<!tpu.dma_semaphore, #tpu.memory_space<semaphore_mem>>) src(%dma_wait3A_342 : memref<100000x8xf32, #tpu.memory_space<vmem_shared>>) dst(%dma_wait3A_336 : memref<128x8xf32, #tpu.memory_space<vmem>>)
      %dma_wait3A_343 = arith.constant 7 : i32
      %dma_wait3A_344 = arith.constant 896 : i32
      %dma_wait3A_345 = tpu.memref_slice %arg18[%dma_wait3A_344] : memref<1024xf32, #tpu.memory_space<vmem>> -> memref<128xf32, #tpu.memory_space<vmem>>
      %dma_wait3A_346 = arith.constant 0 : i32
      %dma_wait3A_347 = tpu.memref_slice %arg14[%dma_wait3A_343, %dma_wait3A_346] : memref<8x128xi32, #tpu.memory_space<vmem>> -> memref<1x128xi32, #tpu.memory_space<vmem>>
      %dma_wait3A_348 = tpu.memref_squeeze %dma_wait3A_347 : memref<1x128xi32, #tpu.memory_space<vmem>> -> memref<128xi32, #tpu.memory_space<vmem>>
      %dma_wait3A_349 = arith.constant 0 : i32
      %dma_wait3A_350 = tpu.memref_slice %arg11[%dma_wait3A_349] : memref<100000xf32, #tpu.memory_space<vmem_shared>> -> memref<100000xf32, #tpu.memory_space<vmem_shared>>
      tpu.wait_indirect_dma semaphore(%arg20 : memref<!tpu.dma_semaphore, #tpu.memory_space<semaphore_mem>>) src(%dma_wait3A_350 : memref<100000xf32, #tpu.memory_space<vmem_shared>>) dst(%dma_wait3A_345 : memref<128xf32, #tpu.memory_space<vmem>>)
      %scan3A = arith.constant 0 : i32
      %scan3A_351 = arith.constant 0 : i32
      %scan3A_352 = arith.constant 64 : i32
      %scan3A_353 = arith.addi %scan3A_351, %scan3A_352 : i32
      %scan3A_354 = arith.constant 1 : i32
      scf.for %scan3A_516 = %scan3A_351 to %scan3A_353 step %scan3A_354  : i32 {
        %mul3A_517 = arith.constant 16 : i32
        %mul3A_518 = arith.muli %scan3A_516, %mul3A_517 : i32
        %add3A_519 = vector.broadcast %mul3A_518 : i32 to vector<16xi32>
        %add3A_520 = arith.addi %add3A_519, %iota3A : vector<16xi32>
        %get3A = arith.index_cast %mul3A_518 : i32 to index
        %get3A_521 = tpu.vector_load %arg15[%get3A] {strides = array<i32>} : memref<1024xf32, #tpu.memory_space<vmem>>, vector<16xf32>,
        %get3A_522 = arith.index_cast %mul3A_518 : i32 to index
        %get3A_523 = tpu.vector_load %arg18[%get3A_522] {strides = array<i32>} : memref<1024xf32, #tpu.memory_space<vmem>>, vector<16xf32>,
        %gather3A = tpu.vector_load_idx %arg16[%add3A_520, %broadcast_in_dim3A_14] : memref<1024x8xf32, #tpu.memory_space<vmem>>[vector<16xi32>, vector<16xi32>], vector<16xf32>,
        %add3A_524 = arith.addf %gather3A, %get3A_523 : vector<16xf32>
        %add3A_525 = arith.addf %add3A_524, %get3A_521 : vector<16xf32>
        %ge3A = arith.constant 0.000000e+00 : f32
        %ge3A_526 = vector.broadcast %ge3A : f32 to vector<16xf32>
        %ge3A_527 = arith.cmpf oge, %add3A_525, %ge3A_526 : vector<16xf32>
        %mul3A_528 = arith.constant 2.000000e-01 : f32
        %mul3A_529 = vector.broadcast %mul3A_528 : f32 to vector<16xf32>
        %mul3A_530 = arith.mulf %add3A_525, %mul3A_529 : vector<16xf32>
        %select_n3A_531 = arith.select %ge3A_527, %add3A_525, %mul3A_530 : vector<16xi1>, vector<16xf32>
        %exp3A = math.exp %select_n3A_531 : vector<16xf32>
        %broadcast_in_dim3A_532 = arith.constant 0 : i32
        %broadcast_in_dim3A_533 = vector.broadcast %broadcast_in_dim3A_532 : i32 to vector<16xi32>
        %gather3A_534 = tpu.vector_load_idx %arg16[%add3A_520, %broadcast_in_dim3A_533] : memref<1024x8xf32, #tpu.memory_space<vmem>>[vector<16xi32>, vector<16xi32>], vector<16xf32>,
        %mul3A_535 = arith.mulf %gather3A_534, %exp3A : vector<16xf32>
        tpu.vector_store_idx %arg17[%add3A_520, %broadcast_in_dim3A_533], %mul3A_535 : memref<1024x8xf32, #tpu.memory_space<vmem>>[vector<16xi32>, vector<16xi32>], vector<16xf32>,
        %broadcast_in_dim3A_536 = arith.constant 1 : i32
        %broadcast_in_dim3A_537 = vector.broadcast %broadcast_in_dim3A_536 : i32 to vector<16xi32>
        %gather3A_538 = tpu.vector_load_idx %arg16[%add3A_520, %broadcast_in_dim3A_537] : memref<1024x8xf32, #tpu.memory_space<vmem>>[vector<16xi32>, vector<16xi32>], vector<16xf32>,
        %mul3A_539 = arith.mulf %gather3A_538, %exp3A : vector<16xf32>
        tpu.vector_store_idx %arg17[%add3A_520, %broadcast_in_dim3A_537], %mul3A_539 : memref<1024x8xf32, #tpu.memory_space<vmem>>[vector<16xi32>, vector<16xi32>], vector<16xf32>,
        %broadcast_in_dim3A_540 = arith.constant 2 : i32
        %broadcast_in_dim3A_541 = vector.broadcast %broadcast_in_dim3A_540 : i32 to vector<16xi32>
        %gather3A_542 = tpu.vector_load_idx %arg16[%add3A_520, %broadcast_in_dim3A_541] : memref<1024x8xf32, #tpu.memory_space<vmem>>[vector<16xi32>, vector<16xi32>], vector<16xf32>,
        %mul3A_543 = arith.mulf %gather3A_542, %exp3A : vector<16xf32>
        tpu.vector_store_idx %arg17[%add3A_520, %broadcast_in_dim3A_541], %mul3A_543 : memref<1024x8xf32, #tpu.memory_space<vmem>>[vector<16xi32>, vector<16xi32>], vector<16xf32>,
        %broadcast_in_dim3A_544 = arith.constant 3 : i32
        %broadcast_in_dim3A_545 = vector.broadcast %broadcast_in_dim3A_544 : i32 to vector<16xi32>
        %gather3A_546 = tpu.vector_load_idx %arg16[%add3A_520, %broadcast_in_dim3A_545] : memref<1024x8xf32, #tpu.memory_space<vmem>>[vector<16xi32>, vector<16xi32>], vector<16xf32>,
        %mul3A_547 = arith.mulf %gather3A_546, %exp3A : vector<16xf32>
        tpu.vector_store_idx %arg17[%add3A_520, %broadcast_in_dim3A_545], %mul3A_547 : memref<1024x8xf32, #tpu.memory_space<vmem>>[vector<16xi32>, vector<16xi32>], vector<16xf32>,
        %broadcast_in_dim3A_548 = arith.constant 4 : i32
        %broadcast_in_dim3A_549 = vector.broadcast %broadcast_in_dim3A_548 : i32 to vector<16xi32>
        %gather3A_550 = tpu.vector_load_idx %arg16[%add3A_520, %broadcast_in_dim3A_549] : memref<1024x8xf32, #tpu.memory_space<vmem>>[vector<16xi32>, vector<16xi32>], vector<16xf32>,
        %mul3A_551 = arith.mulf %gather3A_550, %exp3A : vector<16xf32>
        tpu.vector_store_idx %arg17[%add3A_520, %broadcast_in_dim3A_549], %mul3A_551 : memref<1024x8xf32, #tpu.memory_space<vmem>>[vector<16xi32>, vector<16xi32>], vector<16xf32>,
        %broadcast_in_dim3A_552 = arith.constant 5 : i32
        %broadcast_in_dim3A_553 = vector.broadcast %broadcast_in_dim3A_552 : i32 to vector<16xi32>
        %gather3A_554 = tpu.vector_load_idx %arg16[%add3A_520, %broadcast_in_dim3A_553] : memref<1024x8xf32, #tpu.memory_space<vmem>>[vector<16xi32>, vector<16xi32>], vector<16xf32>,
        %mul3A_555 = arith.mulf %gather3A_554, %exp3A : vector<16xf32>
        tpu.vector_store_idx %arg17[%add3A_520, %broadcast_in_dim3A_553], %mul3A_555 : memref<1024x8xf32, #tpu.memory_space<vmem>>[vector<16xi32>, vector<16xi32>], vector<16xf32>,
        tpu.vector_store_idx %arg17[%add3A_520, %broadcast_in_dim3A_14], %exp3A : memref<1024x8xf32, #tpu.memory_space<vmem>>[vector<16xi32>, vector<16xi32>], vector<16xf32>,
        tpu.vector_store_idx %arg17[%add3A_520, %broadcast_in_dim3A_16], %exp3A : memref<1024x8xf32, #tpu.memory_space<vmem>>[vector<16xi32>, vector<16xi32>], vector<16xf32>,
      }
      %scan3A_355 = arith.constant 64 : i32
      %dma_start3A_356 = arith.constant 0 : i32
      %dma_start3A_357 = arith.constant 0 : i32
      %dma_start3A_358 = arith.constant 0 : i32
      %dma_start3A_359 = tpu.memref_slice %arg17[%dma_start3A_357, %dma_start3A_358] : memref<1024x8xf32, #tpu.memory_space<vmem>> -> memref<128x8xf32, #tpu.memory_space<vmem>>
      %dma_start3A_360 = arith.constant 0 : i32
      %dma_start3A_361 = tpu.memref_slice %arg14[%dma_start3A_356, %dma_start3A_360] : memref<8x128xi32, #tpu.memory_space<vmem>> -> memref<1x128xi32, #tpu.memory_space<vmem>>
      %dma_start3A_362 = tpu.memref_squeeze %dma_start3A_361 : memref<1x128xi32, #tpu.memory_space<vmem>> -> memref<128xi32, #tpu.memory_space<vmem>>
      %dma_start3A_363 = arith.constant 0 : i32
      %dma_start3A_364 = arith.constant 0 : i32
      %dma_start3A_365 = tpu.memref_slice %arg12[%dma_start3A_363, %dma_start3A_364] : memref<100000x8xf32, #tpu.memory_space<vmem_shared>> -> memref<100000x8xf32, #tpu.memory_space<vmem_shared>>
      tpu.enqueue_indirect_dma source(%dma_start3A_359 : memref<128x8xf32, #tpu.memory_space<vmem>>) target(%dma_start3A_365 : memref<100000x8xf32, #tpu.memory_space<vmem_shared>>) offsets(%dma_start3A_362 : memref<128xi32, #tpu.memory_space<vmem>>) semaphore(%arg21 : memref<!tpu.dma_semaphore, #tpu.memory_space<semaphore_mem>>) {add = true}
      %dma_start3A_366 = arith.constant 1 : i32
      %dma_start3A_367 = arith.constant 128 : i32
      %dma_start3A_368 = arith.constant 0 : i32
      %dma_start3A_369 = tpu.memref_slice %arg17[%dma_start3A_367, %dma_start3A_368] : memref<1024x8xf32, #tpu.memory_space<vmem>> -> memref<128x8xf32, #tpu.memory_space<vmem>>
      %dma_start3A_370 = arith.constant 0 : i32
      %dma_start3A_371 = tpu.memref_slice %arg14[%dma_start3A_366, %dma_start3A_370] : memref<8x128xi32, #tpu.memory_space<vmem>> -> memref<1x128xi32, #tpu.memory_space<vmem>>
      %dma_start3A_372 = tpu.memref_squeeze %dma_start3A_371 : memref<1x128xi32, #tpu.memory_space<vmem>> -> memref<128xi32, #tpu.memory_space<vmem>>
      %dma_start3A_373 = arith.constant 0 : i32
      %dma_start3A_374 = arith.constant 0 : i32
      %dma_start3A_375 = tpu.memref_slice %arg12[%dma_start3A_373, %dma_start3A_374] : memref<100000x8xf32, #tpu.memory_space<vmem_shared>> -> memref<100000x8xf32, #tpu.memory_space<vmem_shared>>
      tpu.enqueue_indirect_dma source(%dma_start3A_369 : memref<128x8xf32, #tpu.memory_space<vmem>>) target(%dma_start3A_375 : memref<100000x8xf32, #tpu.memory_space<vmem_shared>>) offsets(%dma_start3A_372 : memref<128xi32, #tpu.memory_space<vmem>>) semaphore(%arg21 : memref<!tpu.dma_semaphore, #tpu.memory_space<semaphore_mem>>) {add = true}
      %dma_start3A_376 = arith.constant 2 : i32
      %dma_start3A_377 = arith.constant 256 : i32
      %dma_start3A_378 = arith.constant 0 : i32
      %dma_start3A_379 = tpu.memref_slice %arg17[%dma_start3A_377, %dma_start3A_378] : memref<1024x8xf32, #tpu.memory_space<vmem>> -> memref<128x8xf32, #tpu.memory_space<vmem>>
      %dma_start3A_380 = arith.constant 0 : i32
      %dma_start3A_381 = tpu.memref_slice %arg14[%dma_start3A_376, %dma_start3A_380] : memref<8x128xi32, #tpu.memory_space<vmem>> -> memref<1x128xi32, #tpu.memory_space<vmem>>
      %dma_start3A_382 = tpu.memref_squeeze %dma_start3A_381 : memref<1x128xi32, #tpu.memory_space<vmem>> -> memref<128xi32, #tpu.memory_space<vmem>>
      %dma_start3A_383 = arith.constant 0 : i32
      %dma_start3A_384 = arith.constant 0 : i32
      %dma_start3A_385 = tpu.memref_slice %arg12[%dma_start3A_383, %dma_start3A_384] : memref<100000x8xf32, #tpu.memory_space<vmem_shared>> -> memref<100000x8xf32, #tpu.memory_space<vmem_shared>>
      tpu.enqueue_indirect_dma source(%dma_start3A_379 : memref<128x8xf32, #tpu.memory_space<vmem>>) target(%dma_start3A_385 : memref<100000x8xf32, #tpu.memory_space<vmem_shared>>) offsets(%dma_start3A_382 : memref<128xi32, #tpu.memory_space<vmem>>) semaphore(%arg21 : memref<!tpu.dma_semaphore, #tpu.memory_space<semaphore_mem>>) {add = true}
      %dma_start3A_386 = arith.constant 3 : i32
      %dma_start3A_387 = arith.constant 384 : i32
      %dma_start3A_388 = arith.constant 0 : i32
      %dma_start3A_389 = tpu.memref_slice %arg17[%dma_start3A_387, %dma_start3A_388] : memref<1024x8xf32, #tpu.memory_space<vmem>> -> memref<128x8xf32, #tpu.memory_space<vmem>>
      %dma_start3A_390 = arith.constant 0 : i32
      %dma_start3A_391 = tpu.memref_slice %arg14[%dma_start3A_386, %dma_start3A_390] : memref<8x128xi32, #tpu.memory_space<vmem>> -> memref<1x128xi32, #tpu.memory_space<vmem>>
      %dma_start3A_392 = tpu.memref_squeeze %dma_start3A_391 : memref<1x128xi32, #tpu.memory_space<vmem>> -> memref<128xi32, #tpu.memory_space<vmem>>
      %dma_start3A_393 = arith.constant 0 : i32
      %dma_start3A_394 = arith.constant 0 : i32
      %dma_start3A_395 = tpu.memref_slice %arg12[%dma_start3A_393, %dma_start3A_394] : memref<100000x8xf32, #tpu.memory_space<vmem_shared>> -> memref<100000x8xf32, #tpu.memory_space<vmem_shared>>
      tpu.enqueue_indirect_dma source(%dma_start3A_389 : memref<128x8xf32, #tpu.memory_space<vmem>>) target(%dma_start3A_395 : memref<100000x8xf32, #tpu.memory_space<vmem_shared>>) offsets(%dma_start3A_392 : memref<128xi32, #tpu.memory_space<vmem>>) semaphore(%arg21 : memref<!tpu.dma_semaphore, #tpu.memory_space<semaphore_mem>>) {add = true}
      %dma_start3A_396 = arith.constant 4 : i32
      %dma_start3A_397 = arith.constant 512 : i32
      %dma_start3A_398 = arith.constant 0 : i32
      %dma_start3A_399 = tpu.memref_slice %arg17[%dma_start3A_397, %dma_start3A_398] : memref<1024x8xf32, #tpu.memory_space<vmem>> -> memref<128x8xf32, #tpu.memory_space<vmem>>
      %dma_start3A_400 = arith.constant 0 : i32
      %dma_start3A_401 = tpu.memref_slice %arg14[%dma_start3A_396, %dma_start3A_400] : memref<8x128xi32, #tpu.memory_space<vmem>> -> memref<1x128xi32, #tpu.memory_space<vmem>>
      %dma_start3A_402 = tpu.memref_squeeze %dma_start3A_401 : memref<1x128xi32, #tpu.memory_space<vmem>> -> memref<128xi32, #tpu.memory_space<vmem>>
      %dma_start3A_403 = arith.constant 0 : i32
      %dma_start3A_404 = arith.constant 0 : i32
      %dma_start3A_405 = tpu.memref_slice %arg12[%dma_start3A_403, %dma_start3A_404] : memref<100000x8xf32, #tpu.memory_space<vmem_shared>> -> memref<100000x8xf32, #tpu.memory_space<vmem_shared>>
      tpu.enqueue_indirect_dma source(%dma_start3A_399 : memref<128x8xf32, #tpu.memory_space<vmem>>) target(%dma_start3A_405 : memref<100000x8xf32, #tpu.memory_space<vmem_shared>>) offsets(%dma_start3A_402 : memref<128xi32, #tpu.memory_space<vmem>>) semaphore(%arg21 : memref<!tpu.dma_semaphore, #tpu.memory_space<semaphore_mem>>) {add = true}
      %dma_start3A_406 = arith.constant 5 : i32
      %dma_start3A_407 = arith.constant 640 : i32
      %dma_start3A_408 = arith.constant 0 : i32
      %dma_start3A_409 = tpu.memref_slice %arg17[%dma_start3A_407, %dma_start3A_408] : memref<1024x8xf32, #tpu.memory_space<vmem>> -> memref<128x8xf32, #tpu.memory_space<vmem>>
      %dma_start3A_410 = arith.constant 0 : i32
      %dma_start3A_411 = tpu.memref_slice %arg14[%dma_start3A_406, %dma_start3A_410] : memref<8x128xi32, #tpu.memory_space<vmem>> -> memref<1x128xi32, #tpu.memory_space<vmem>>
      %dma_start3A_412 = tpu.memref_squeeze %dma_start3A_411 : memref<1x128xi32, #tpu.memory_space<vmem>> -> memref<128xi32, #tpu.memory_space<vmem>>
      %dma_start3A_413 = arith.constant 0 : i32
      %dma_start3A_414 = arith.constant 0 : i32
      %dma_start3A_415 = tpu.memref_slice %arg12[%dma_start3A_413, %dma_start3A_414] : memref<100000x8xf32, #tpu.memory_space<vmem_shared>> -> memref<100000x8xf32, #tpu.memory_space<vmem_shared>>
      tpu.enqueue_indirect_dma source(%dma_start3A_409 : memref<128x8xf32, #tpu.memory_space<vmem>>) target(%dma_start3A_415 : memref<100000x8xf32, #tpu.memory_space<vmem_shared>>) offsets(%dma_start3A_412 : memref<128xi32, #tpu.memory_space<vmem>>) semaphore(%arg21 : memref<!tpu.dma_semaphore, #tpu.memory_space<semaphore_mem>>) {add = true}
      %dma_start3A_416 = arith.constant 6 : i32
      %dma_start3A_417 = arith.constant 768 : i32
      %dma_start3A_418 = arith.constant 0 : i32
      %dma_start3A_419 = tpu.memref_slice %arg17[%dma_start3A_417, %dma_start3A_418] : memref<1024x8xf32, #tpu.memory_space<vmem>> -> memref<128x8xf32, #tpu.memory_space<vmem>>
      %dma_start3A_420 = arith.constant 0 : i32
      %dma_start3A_421 = tpu.memref_slice %arg14[%dma_start3A_416, %dma_start3A_420] : memref<8x128xi32, #tpu.memory_space<vmem>> -> memref<1x128xi32, #tpu.memory_space<vmem>>
      %dma_start3A_422 = tpu.memref_squeeze %dma_start3A_421 : memref<1x128xi32, #tpu.memory_space<vmem>> -> memref<128xi32, #tpu.memory_space<vmem>>
      %dma_start3A_423 = arith.constant 0 : i32
      %dma_start3A_424 = arith.constant 0 : i32
      %dma_start3A_425 = tpu.memref_slice %arg12[%dma_start3A_423, %dma_start3A_424] : memref<100000x8xf32, #tpu.memory_space<vmem_shared>> -> memref<100000x8xf32, #tpu.memory_space<vmem_shared>>
      tpu.enqueue_indirect_dma source(%dma_start3A_419 : memref<128x8xf32, #tpu.memory_space<vmem>>) target(%dma_start3A_425 : memref<100000x8xf32, #tpu.memory_space<vmem_shared>>) offsets(%dma_start3A_422 : memref<128xi32, #tpu.memory_space<vmem>>) semaphore(%arg21 : memref<!tpu.dma_semaphore, #tpu.memory_space<semaphore_mem>>) {add = true}
      %dma_start3A_426 = arith.constant 7 : i32
      %dma_start3A_427 = arith.constant 896 : i32
      %dma_start3A_428 = arith.constant 0 : i32
      %dma_start3A_429 = tpu.memref_slice %arg17[%dma_start3A_427, %dma_start3A_428] : memref<1024x8xf32, #tpu.memory_space<vmem>> -> memref<128x8xf32, #tpu.memory_space<vmem>>
      %dma_start3A_430 = arith.constant 0 : i32
      %dma_start3A_431 = tpu.memref_slice %arg14[%dma_start3A_426, %dma_start3A_430] : memref<8x128xi32, #tpu.memory_space<vmem>> -> memref<1x128xi32, #tpu.memory_space<vmem>>
      %dma_start3A_432 = tpu.memref_squeeze %dma_start3A_431 : memref<1x128xi32, #tpu.memory_space<vmem>> -> memref<128xi32, #tpu.memory_space<vmem>>
      %dma_start3A_433 = arith.constant 0 : i32
      %dma_start3A_434 = arith.constant 0 : i32
      %dma_start3A_435 = tpu.memref_slice %arg12[%dma_start3A_433, %dma_start3A_434] : memref<100000x8xf32, #tpu.memory_space<vmem_shared>> -> memref<100000x8xf32, #tpu.memory_space<vmem_shared>>
      tpu.enqueue_indirect_dma source(%dma_start3A_429 : memref<128x8xf32, #tpu.memory_space<vmem>>) target(%dma_start3A_435 : memref<100000x8xf32, #tpu.memory_space<vmem_shared>>) offsets(%dma_start3A_432 : memref<128xi32, #tpu.memory_space<vmem>>) semaphore(%arg21 : memref<!tpu.dma_semaphore, #tpu.memory_space<semaphore_mem>>) {add = true}
      %dma_wait3A_436 = arith.constant 0 : i32
      %dma_wait3A_437 = arith.constant 0 : i32
      %dma_wait3A_438 = arith.constant 0 : i32
      %dma_wait3A_439 = tpu.memref_slice %arg17[%dma_wait3A_437, %dma_wait3A_438] : memref<1024x8xf32, #tpu.memory_space<vmem>> -> memref<128x8xf32, #tpu.memory_space<vmem>>
      %dma_wait3A_440 = arith.constant 0 : i32
      %dma_wait3A_441 = tpu.memref_slice %arg14[%dma_wait3A_436, %dma_wait3A_440] : memref<8x128xi32, #tpu.memory_space<vmem>> -> memref<1x128xi32, #tpu.memory_space<vmem>>
      %dma_wait3A_442 = tpu.memref_squeeze %dma_wait3A_441 : memref<1x128xi32, #tpu.memory_space<vmem>> -> memref<128xi32, #tpu.memory_space<vmem>>
      %dma_wait3A_443 = arith.constant 0 : i32
      %dma_wait3A_444 = arith.constant 0 : i32
      %dma_wait3A_445 = tpu.memref_slice %arg12[%dma_wait3A_443, %dma_wait3A_444] : memref<100000x8xf32, #tpu.memory_space<vmem_shared>> -> memref<100000x8xf32, #tpu.memory_space<vmem_shared>>
      tpu.wait_indirect_dma semaphore(%arg21 : memref<!tpu.dma_semaphore, #tpu.memory_space<semaphore_mem>>) src(%dma_wait3A_439 : memref<128x8xf32, #tpu.memory_space<vmem>>) dst(%dma_wait3A_445 : memref<100000x8xf32, #tpu.memory_space<vmem_shared>>)
      %dma_wait3A_446 = arith.constant 1 : i32
      %dma_wait3A_447 = arith.constant 128 : i32
      %dma_wait3A_448 = arith.constant 0 : i32
      %dma_wait3A_449 = tpu.memref_slice %arg17[%dma_wait3A_447, %dma_wait3A_448] : memref<1024x8xf32, #tpu.memory_space<vmem>> -> memref<128x8xf32, #tpu.memory_space<vmem>>
      %dma_wait3A_450 = arith.constant 0 : i32
      %dma_wait3A_451 = tpu.memref_slice %arg14[%dma_wait3A_446, %dma_wait3A_450] : memref<8x128xi32, #tpu.memory_space<vmem>> -> memref<1x128xi32, #tpu.memory_space<vmem>>
      %dma_wait3A_452 = tpu.memref_squeeze %dma_wait3A_451 : memref<1x128xi32, #tpu.memory_space<vmem>> -> memref<128xi32, #tpu.memory_space<vmem>>
      %dma_wait3A_453 = arith.constant 0 : i32
      %dma_wait3A_454 = arith.constant 0 : i32
      %dma_wait3A_455 = tpu.memref_slice %arg12[%dma_wait3A_453, %dma_wait3A_454] : memref<100000x8xf32, #tpu.memory_space<vmem_shared>> -> memref<100000x8xf32, #tpu.memory_space<vmem_shared>>
      tpu.wait_indirect_dma semaphore(%arg21 : memref<!tpu.dma_semaphore, #tpu.memory_space<semaphore_mem>>) src(%dma_wait3A_449 : memref<128x8xf32, #tpu.memory_space<vmem>>) dst(%dma_wait3A_455 : memref<100000x8xf32, #tpu.memory_space<vmem_shared>>)
      %dma_wait3A_456 = arith.constant 2 : i32
      %dma_wait3A_457 = arith.constant 256 : i32
      %dma_wait3A_458 = arith.constant 0 : i32
      %dma_wait3A_459 = tpu.memref_slice %arg17[%dma_wait3A_457, %dma_wait3A_458] : memref<1024x8xf32, #tpu.memory_space<vmem>> -> memref<128x8xf32, #tpu.memory_space<vmem>>
      %dma_wait3A_460 = arith.constant 0 : i32
      %dma_wait3A_461 = tpu.memref_slice %arg14[%dma_wait3A_456, %dma_wait3A_460] : memref<8x128xi32, #tpu.memory_space<vmem>> -> memref<1x128xi32, #tpu.memory_space<vmem>>
      %dma_wait3A_462 = tpu.memref_squeeze %dma_wait3A_461 : memref<1x128xi32, #tpu.memory_space<vmem>> -> memref<128xi32, #tpu.memory_space<vmem>>
      %dma_wait3A_463 = arith.constant 0 : i32
      %dma_wait3A_464 = arith.constant 0 : i32
      %dma_wait3A_465 = tpu.memref_slice %arg12[%dma_wait3A_463, %dma_wait3A_464] : memref<100000x8xf32, #tpu.memory_space<vmem_shared>> -> memref<100000x8xf32, #tpu.memory_space<vmem_shared>>
      tpu.wait_indirect_dma semaphore(%arg21 : memref<!tpu.dma_semaphore, #tpu.memory_space<semaphore_mem>>) src(%dma_wait3A_459 : memref<128x8xf32, #tpu.memory_space<vmem>>) dst(%dma_wait3A_465 : memref<100000x8xf32, #tpu.memory_space<vmem_shared>>)
      %dma_wait3A_466 = arith.constant 3 : i32
      %dma_wait3A_467 = arith.constant 384 : i32
      %dma_wait3A_468 = arith.constant 0 : i32
      %dma_wait3A_469 = tpu.memref_slice %arg17[%dma_wait3A_467, %dma_wait3A_468] : memref<1024x8xf32, #tpu.memory_space<vmem>> -> memref<128x8xf32, #tpu.memory_space<vmem>>
      %dma_wait3A_470 = arith.constant 0 : i32
      %dma_wait3A_471 = tpu.memref_slice %arg14[%dma_wait3A_466, %dma_wait3A_470] : memref<8x128xi32, #tpu.memory_space<vmem>> -> memref<1x128xi32, #tpu.memory_space<vmem>>
      %dma_wait3A_472 = tpu.memref_squeeze %dma_wait3A_471 : memref<1x128xi32, #tpu.memory_space<vmem>> -> memref<128xi32, #tpu.memory_space<vmem>>
      %dma_wait3A_473 = arith.constant 0 : i32
      %dma_wait3A_474 = arith.constant 0 : i32
      %dma_wait3A_475 = tpu.memref_slice %arg12[%dma_wait3A_473, %dma_wait3A_474] : memref<100000x8xf32, #tpu.memory_space<vmem_shared>> -> memref<100000x8xf32, #tpu.memory_space<vmem_shared>>
      tpu.wait_indirect_dma semaphore(%arg21 : memref<!tpu.dma_semaphore, #tpu.memory_space<semaphore_mem>>) src(%dma_wait3A_469 : memref<128x8xf32, #tpu.memory_space<vmem>>) dst(%dma_wait3A_475 : memref<100000x8xf32, #tpu.memory_space<vmem_shared>>)
      %dma_wait3A_476 = arith.constant 4 : i32
      %dma_wait3A_477 = arith.constant 512 : i32
      %dma_wait3A_478 = arith.constant 0 : i32
      %dma_wait3A_479 = tpu.memref_slice %arg17[%dma_wait3A_477, %dma_wait3A_478] : memref<1024x8xf32, #tpu.memory_space<vmem>> -> memref<128x8xf32, #tpu.memory_space<vmem>>
      %dma_wait3A_480 = arith.constant 0 : i32
      %dma_wait3A_481 = tpu.memref_slice %arg14[%dma_wait3A_476, %dma_wait3A_480] : memref<8x128xi32, #tpu.memory_space<vmem>> -> memref<1x128xi32, #tpu.memory_space<vmem>>
      %dma_wait3A_482 = tpu.memref_squeeze %dma_wait3A_481 : memref<1x128xi32, #tpu.memory_space<vmem>> -> memref<128xi32, #tpu.memory_space<vmem>>
      %dma_wait3A_483 = arith.constant 0 : i32
      %dma_wait3A_484 = arith.constant 0 : i32
      %dma_wait3A_485 = tpu.memref_slice %arg12[%dma_wait3A_483, %dma_wait3A_484] : memref<100000x8xf32, #tpu.memory_space<vmem_shared>> -> memref<100000x8xf32, #tpu.memory_space<vmem_shared>>
      tpu.wait_indirect_dma semaphore(%arg21 : memref<!tpu.dma_semaphore, #tpu.memory_space<semaphore_mem>>) src(%dma_wait3A_479 : memref<128x8xf32, #tpu.memory_space<vmem>>) dst(%dma_wait3A_485 : memref<100000x8xf32, #tpu.memory_space<vmem_shared>>)
      %dma_wait3A_486 = arith.constant 5 : i32
      %dma_wait3A_487 = arith.constant 640 : i32
      %dma_wait3A_488 = arith.constant 0 : i32
      %dma_wait3A_489 = tpu.memref_slice %arg17[%dma_wait3A_487, %dma_wait3A_488] : memref<1024x8xf32, #tpu.memory_space<vmem>> -> memref<128x8xf32, #tpu.memory_space<vmem>>
      %dma_wait3A_490 = arith.constant 0 : i32
      %dma_wait3A_491 = tpu.memref_slice %arg14[%dma_wait3A_486, %dma_wait3A_490] : memref<8x128xi32, #tpu.memory_space<vmem>> -> memref<1x128xi32, #tpu.memory_space<vmem>>
      %dma_wait3A_492 = tpu.memref_squeeze %dma_wait3A_491 : memref<1x128xi32, #tpu.memory_space<vmem>> -> memref<128xi32, #tpu.memory_space<vmem>>
      %dma_wait3A_493 = arith.constant 0 : i32
      %dma_wait3A_494 = arith.constant 0 : i32
      %dma_wait3A_495 = tpu.memref_slice %arg12[%dma_wait3A_493, %dma_wait3A_494] : memref<100000x8xf32, #tpu.memory_space<vmem_shared>> -> memref<100000x8xf32, #tpu.memory_space<vmem_shared>>
      tpu.wait_indirect_dma semaphore(%arg21 : memref<!tpu.dma_semaphore, #tpu.memory_space<semaphore_mem>>) src(%dma_wait3A_489 : memref<128x8xf32, #tpu.memory_space<vmem>>) dst(%dma_wait3A_495 : memref<100000x8xf32, #tpu.memory_space<vmem_shared>>)
      %dma_wait3A_496 = arith.constant 6 : i32
      %dma_wait3A_497 = arith.constant 768 : i32
      %dma_wait3A_498 = arith.constant 0 : i32
      %dma_wait3A_499 = tpu.memref_slice %arg17[%dma_wait3A_497, %dma_wait3A_498] : memref<1024x8xf32, #tpu.memory_space<vmem>> -> memref<128x8xf32, #tpu.memory_space<vmem>>
      %dma_wait3A_500 = arith.constant 0 : i32
      %dma_wait3A_501 = tpu.memref_slice %arg14[%dma_wait3A_496, %dma_wait3A_500] : memref<8x128xi32, #tpu.memory_space<vmem>> -> memref<1x128xi32, #tpu.memory_space<vmem>>
      %dma_wait3A_502 = tpu.memref_squeeze %dma_wait3A_501 : memref<1x128xi32, #tpu.memory_space<vmem>> -> memref<128xi32, #tpu.memory_space<vmem>>
      %dma_wait3A_503 = arith.constant 0 : i32
      %dma_wait3A_504 = arith.constant 0 : i32
      %dma_wait3A_505 = tpu.memref_slice %arg12[%dma_wait3A_503, %dma_wait3A_504] : memref<100000x8xf32, #tpu.memory_space<vmem_shared>> -> memref<100000x8xf32, #tpu.memory_space<vmem_shared>>
      tpu.wait_indirect_dma semaphore(%arg21 : memref<!tpu.dma_semaphore, #tpu.memory_space<semaphore_mem>>) src(%dma_wait3A_499 : memref<128x8xf32, #tpu.memory_space<vmem>>) dst(%dma_wait3A_505 : memref<100000x8xf32, #tpu.memory_space<vmem_shared>>)
      %dma_wait3A_506 = arith.constant 7 : i32
      %dma_wait3A_507 = arith.constant 896 : i32
      %dma_wait3A_508 = arith.constant 0 : i32
      %dma_wait3A_509 = tpu.memref_slice %arg17[%dma_wait3A_507, %dma_wait3A_508] : memref<1024x8xf32, #tpu.memory_space<vmem>> -> memref<128x8xf32, #tpu.memory_space<vmem>>
      %dma_wait3A_510 = arith.constant 0 : i32
      %dma_wait3A_511 = tpu.memref_slice %arg14[%dma_wait3A_506, %dma_wait3A_510] : memref<8x128xi32, #tpu.memory_space<vmem>> -> memref<1x128xi32, #tpu.memory_space<vmem>>
      %dma_wait3A_512 = tpu.memref_squeeze %dma_wait3A_511 : memref<1x128xi32, #tpu.memory_space<vmem>> -> memref<128xi32, #tpu.memory_space<vmem>>
      %dma_wait3A_513 = arith.constant 0 : i32
      %dma_wait3A_514 = arith.constant 0 : i32
      %dma_wait3A_515 = tpu.memref_slice %arg12[%dma_wait3A_513, %dma_wait3A_514] : memref<100000x8xf32, #tpu.memory_space<vmem_shared>> -> memref<100000x8xf32, #tpu.memory_space<vmem_shared>>
      tpu.wait_indirect_dma semaphore(%arg21 : memref<!tpu.dma_semaphore, #tpu.memory_space<semaphore_mem>>) src(%dma_wait3A_509 : memref<128x8xf32, #tpu.memory_space<vmem>>) dst(%dma_wait3A_515 : memref<100000x8xf32, #tpu.memory_space<vmem_shared>>)
    }
    %barrier3A_29 = arith.constant 0 : index
    tpu.barrier barrier_id(%barrier3A_29)
    %eq3A_30 = arith.constant 0 : i32
    %eq3A_31 = arith.cmpi eq, %arg0, %eq3A_30 : i32
    %lt3A_32 = arith.constant 15 : i32
    %lt3A_33 = arith.cmpi slt, %arg1, %lt3A_32 : i32
    %and3A = arith.andi %eq3A_31, %lt3A_33 : i1
    %convert_element_type3A_34 = arith.extui %and3A : i1 to i32
    %cond3A_35 = arith.constant 0 : i32
    %cond3A_36 = arith.cmpi ne, %convert_element_type3A_34, %cond3A_35 : i32
    scf.if %cond3A_36 {
      "tpu.region"() ({
        %run_scoped3A = tpu.sem_alloc : memref<!tpu.dma_semaphore, #tpu.memory_space<semaphore_mem>>
        %dma_start3A = arith.constant 0 : i32
        %dma_start3A_61 = tpu.memref_slice %arg8[%multiple_of3A, %dma_start3A] : memref<100000x8xf32, #tpu.memory_space<hbm>> -> memref<6256x8xf32, #tpu.memory_space<hbm>>
        %dma_start3A_62 = arith.constant 0 : i32
        %dma_start3A_63 = tpu.memref_slice %arg12[%multiple_of3A, %dma_start3A_62] : memref<100000x8xf32, #tpu.memory_space<vmem_shared>> -> memref<6256x8xf32, #tpu.memory_space<vmem_shared>>
        tpu.enqueue_dma source(%dma_start3A_63 : memref<6256x8xf32, #tpu.memory_space<vmem_shared>>) target(%dma_start3A_61 : memref<6256x8xf32, #tpu.memory_space<hbm>>) target_semaphore(%run_scoped3A : memref<!tpu.dma_semaphore, #tpu.memory_space<semaphore_mem>>)
        %dma_wait3A = arith.constant 0 : i32
        %dma_wait3A_64 = tpu.memref_slice %arg8[%multiple_of3A, %dma_wait3A] : memref<100000x8xf32, #tpu.memory_space<hbm>> -> memref<6256x8xf32, #tpu.memory_space<hbm>>
        %dma_wait3A_65 = arith.constant 0 : i32
        %dma_wait3A_66 = tpu.memref_slice %arg12[%multiple_of3A, %dma_wait3A_65] : memref<100000x8xf32, #tpu.memory_space<vmem_shared>> -> memref<6256x8xf32, #tpu.memory_space<vmem_shared>>
        tpu.wait_dma2 semaphore(%run_scoped3A : memref<!tpu.dma_semaphore, #tpu.memory_space<semaphore_mem>>) src(%dma_wait3A_66 : memref<6256x8xf32, #tpu.memory_space<vmem_shared>>) dst(%dma_wait3A_64 : memref<6256x8xf32, #tpu.memory_space<hbm>>)
        tpu.yield
      }) : () -> ()
    } else {
    }
    %eq3A_37 = arith.constant 0 : i32
    %eq3A_38 = arith.cmpi eq, %arg0, %eq3A_37 : i32
    %eq3A_39 = arith.constant 15 : i32
    %eq3A_40 = arith.cmpi eq, %arg1, %eq3A_39 : i32
    %and3A_41 = arith.andi %eq3A_38, %eq3A_40 : i1
    %convert_element_type3A_42 = arith.extui %and3A_41 : i1 to i32
    %cond3A_43 = arith.constant 0 : i32
    %cond3A_44 = arith.cmpi ne, %convert_element_type3A_42, %cond3A_43 : i32
    scf.if %cond3A_44 {
      "tpu.region"() ({
        %run_scoped3A = tpu.sem_alloc : memref<!tpu.dma_semaphore, #tpu.memory_space<semaphore_mem>>
        %dma_start3A = arith.constant 0 : i32
        %dma_start3A_61 = tpu.memref_slice %arg8[%multiple_of3A, %dma_start3A] : memref<100000x8xf32, #tpu.memory_space<hbm>> -> memref<6160x8xf32, #tpu.memory_space<hbm>>
        %dma_start3A_62 = arith.constant 0 : i32
        %dma_start3A_63 = tpu.memref_slice %arg12[%multiple_of3A, %dma_start3A_62] : memref<100000x8xf32, #tpu.memory_space<vmem_shared>> -> memref<6160x8xf32, #tpu.memory_space<vmem_shared>>
        tpu.enqueue_dma source(%dma_start3A_63 : memref<6160x8xf32, #tpu.memory_space<vmem_shared>>) target(%dma_start3A_61 : memref<6160x8xf32, #tpu.memory_space<hbm>>) target_semaphore(%run_scoped3A : memref<!tpu.dma_semaphore, #tpu.memory_space<semaphore_mem>>)
        %dma_wait3A = arith.constant 0 : i32
        %dma_wait3A_64 = tpu.memref_slice %arg8[%multiple_of3A, %dma_wait3A] : memref<100000x8xf32, #tpu.memory_space<hbm>> -> memref<6160x8xf32, #tpu.memory_space<hbm>>
        %dma_wait3A_65 = arith.constant 0 : i32
        %dma_wait3A_66 = tpu.memref_slice %arg12[%multiple_of3A, %dma_wait3A_65] : memref<100000x8xf32, #tpu.memory_space<vmem_shared>> -> memref<6160x8xf32, #tpu.memory_space<vmem_shared>>
        tpu.wait_dma2 semaphore(%run_scoped3A : memref<!tpu.dma_semaphore, #tpu.memory_space<semaphore_mem>>) src(%dma_wait3A_66 : memref<6160x8xf32, #tpu.memory_space<vmem_shared>>) dst(%dma_wait3A_64 : memref<6160x8xf32, #tpu.memory_space<hbm>>)
        tpu.yield
      }) : () -> ()
    } else {
    }
    %eq3A_45 = arith.constant 1 : i32
    %eq3A_46 = arith.cmpi eq, %arg0, %eq3A_45 : i32
    %lt3A_47 = arith.constant 15 : i32
    %lt3A_48 = arith.cmpi slt, %arg1, %lt3A_47 : i32
    %and3A_49 = arith.andi %eq3A_46, %lt3A_48 : i1
    %convert_element_type3A_50 = arith.extui %and3A_49 : i1 to i32
    %cond3A_51 = arith.constant 0 : i32
    %cond3A_52 = arith.cmpi ne, %convert_element_type3A_50, %cond3A_51 : i32
    scf.if %cond3A_52 {
      "tpu.region"() ({
        %run_scoped3A = tpu.sem_alloc : memref<!tpu.dma_semaphore, #tpu.memory_space<semaphore_mem>>
        %dma_start3A = arith.constant 0 : i32
        %dma_start3A_61 = tpu.memref_slice %arg9[%multiple_of3A, %dma_start3A] : memref<100000x8xf32, #tpu.memory_space<hbm>> -> memref<6256x8xf32, #tpu.memory_space<hbm>>
        %dma_start3A_62 = arith.constant 0 : i32
        %dma_start3A_63 = tpu.memref_slice %arg12[%multiple_of3A, %dma_start3A_62] : memref<100000x8xf32, #tpu.memory_space<vmem_shared>> -> memref<6256x8xf32, #tpu.memory_space<vmem_shared>>
        tpu.enqueue_dma source(%dma_start3A_63 : memref<6256x8xf32, #tpu.memory_space<vmem_shared>>) target(%dma_start3A_61 : memref<6256x8xf32, #tpu.memory_space<hbm>>) target_semaphore(%run_scoped3A : memref<!tpu.dma_semaphore, #tpu.memory_space<semaphore_mem>>)
        %dma_wait3A = arith.constant 0 : i32
        %dma_wait3A_64 = tpu.memref_slice %arg9[%multiple_of3A, %dma_wait3A] : memref<100000x8xf32, #tpu.memory_space<hbm>> -> memref<6256x8xf32, #tpu.memory_space<hbm>>
        %dma_wait3A_65 = arith.constant 0 : i32
        %dma_wait3A_66 = tpu.memref_slice %arg12[%multiple_of3A, %dma_wait3A_65] : memref<100000x8xf32, #tpu.memory_space<vmem_shared>> -> memref<6256x8xf32, #tpu.memory_space<vmem_shared>>
        tpu.wait_dma2 semaphore(%run_scoped3A : memref<!tpu.dma_semaphore, #tpu.memory_space<semaphore_mem>>) src(%dma_wait3A_66 : memref<6256x8xf32, #tpu.memory_space<vmem_shared>>) dst(%dma_wait3A_64 : memref<6256x8xf32, #tpu.memory_space<hbm>>)
        tpu.yield
      }) : () -> ()
    } else {
    }
    %eq3A_53 = arith.constant 1 : i32
    %eq3A_54 = arith.cmpi eq, %arg0, %eq3A_53 : i32
    %eq3A_55 = arith.constant 15 : i32
    %eq3A_56 = arith.cmpi eq, %arg1, %eq3A_55 : i32
    %and3A_57 = arith.andi %eq3A_54, %eq3A_56 : i1
    %convert_element_type3A_58 = arith.extui %and3A_57 : i1 to i32
    %cond3A_59 = arith.constant 0 : i32
    %cond3A_60 = arith.cmpi ne, %convert_element_type3A_58, %cond3A_59 : i32
    scf.if %cond3A_60 {
      "tpu.region"() ({
        %run_scoped3A = tpu.sem_alloc : memref<!tpu.dma_semaphore, #tpu.memory_space<semaphore_mem>>
        %dma_start3A = arith.constant 0 : i32
        %dma_start3A_61 = tpu.memref_slice %arg9[%multiple_of3A, %dma_start3A] : memref<100000x8xf32, #tpu.memory_space<hbm>> -> memref<6160x8xf32, #tpu.memory_space<hbm>>
        %dma_start3A_62 = arith.constant 0 : i32
        %dma_start3A_63 = tpu.memref_slice %arg12[%multiple_of3A, %dma_start3A_62] : memref<100000x8xf32, #tpu.memory_space<vmem_shared>> -> memref<6160x8xf32, #tpu.memory_space<vmem_shared>>
        tpu.enqueue_dma source(%dma_start3A_63 : memref<6160x8xf32, #tpu.memory_space<vmem_shared>>) target(%dma_start3A_61 : memref<6160x8xf32, #tpu.memory_space<hbm>>) target_semaphore(%run_scoped3A : memref<!tpu.dma_semaphore, #tpu.memory_space<semaphore_mem>>)
        %dma_wait3A = arith.constant 0 : i32
        %dma_wait3A_64 = tpu.memref_slice %arg9[%multiple_of3A, %dma_wait3A] : memref<100000x8xf32, #tpu.memory_space<hbm>> -> memref<6160x8xf32, #tpu.memory_space<hbm>>
        %dma_wait3A_65 = arith.constant 0 : i32
        %dma_wait3A_66 = tpu.memref_slice %arg12[%multiple_of3A, %dma_wait3A_65] : memref<100000x8xf32, #tpu.memory_space<vmem_shared>> -> memref<6160x8xf32, #tpu.memory_space<vmem_shared>>
        tpu.wait_dma2 semaphore(%run_scoped3A : memref<!tpu.dma_semaphore, #tpu.memory_space<semaphore_mem>>) src(%dma_wait3A_66 : memref<6160x8xf32, #tpu.memory_space<vmem_shared>>) dst(%dma_wait3A_64 : memref<6160x8xf32, #tpu.memory_space<hbm>>)
        tpu.yield
      }) : () -> ()
    } else {
    }
    return
  }
}

#map = affine_map<(d0, d1) -> (0, 0, 0)>
#map1 = affine_map<(d0, d1) -> (0, 0)>
#map2 = affine_map<(d0, d1) -> (0)>
module attributes {stable_mosaic.version = 14 : i64} {
  func.func @_sc_edge_body(%arg0: i32, %arg1: i32, %arg2: memref<3125x8x128xi32, #tpu.memory_space<hbm>>, %arg3: memref<3125x8x128xi32, #tpu.memory_space<hbm>>, %arg4: memref<3125x1024xf32, #tpu.memory_space<hbm>>, %arg5: memref<100000x8xf32, #tpu.memory_space<hbm>>, %arg6: memref<100000xf32, #tpu.memory_space<hbm>>, %arg7: memref<100000x8xf32, #tpu.memory_space<hbm>>, %arg8: memref<100000x8xf32, #tpu.memory_space<hbm>>, %arg9: memref<100000x8xf32, #tpu.memory_space<hbm>>, %arg10: memref<100000x8xf32, #tpu.memory_space<vmem_shared>>, %arg11: memref<100000xf32, #tpu.memory_space<vmem_shared>>, %arg12: memref<100000x8xf32, #tpu.memory_space<vmem_shared>>, %arg13: memref<8x128xi32, #tpu.memory_space<vmem>>, %arg14: memref<8x128xi32, #tpu.memory_space<vmem>>, %arg15: memref<1024xf32, #tpu.memory_space<vmem>>, %arg16: memref<1024x8xf32, #tpu.memory_space<vmem>>, %arg17: memref<1024x8xf32, #tpu.memory_space<vmem>>, %arg18: memref<1024xf32, #tpu.memory_space<vmem>>, %arg19: memref<!tpu.dma_semaphore, #tpu.memory_space<semaphore_mem>>, %arg20: memref<!tpu.dma_semaphore, #tpu.memory_space<semaphore_mem>>, %arg21: memref<!tpu.dma_semaphore, #tpu.memory_space<semaphore_mem>>) attributes {dimension_semantics = [#tpu.dimension_semantics<core_parallel>, #tpu.dimension_semantics<subcore_parallel>], iteration_bounds = array<i64: 2, 16>, scalar_prefetch = 0 : i64, scratch_operands = 12 : i64, tpu.core_type = #tpu.core_type<sc_vector_subcore>, window_params = [{transform_indices = #map}, {transform_indices = #map}, {transform_indices = #map1}, {transform_indices = #map1}, {transform_indices = #map2}, {transform_indices = #map1}, {transform_indices = #map1}, {transform_indices = #map1}]} {
    %mul3A = arith.constant 16 : i32
    %mul3A_0 = arith.muli %arg0, %mul3A : i32
    %add3A = arith.addi %mul3A_0, %arg1 : i32
    %mul3A_1 = arith.constant 6256 : i32
    %mul3A_2 = arith.muli %arg1, %mul3A_1 : i32
    %multiple_of3A = tpu.assume_multiple %mul3A_2, 8 : i32
    %lt3A = arith.constant 15 : i32
    %lt3A_3 = arith.cmpi slt, %arg1, %lt3A : i32
    %convert_element_type3A = arith.extui %lt3A_3 : i1 to i32
    %cond3A = arith.constant 0 : i32
    %cond3A_4 = arith.cmpi ne, %convert_element_type3A, %cond3A : i32
    scf.if %cond3A_4 {
      "tpu.region"() ({
        %run_scoped3A = tpu.sem_alloc : memref<!tpu.dma_semaphore, #tpu.memory_space<semaphore_mem>>
        %dma_start3A = arith.constant 0 : i32
        %dma_start3A_61 = tpu.memref_slice %arg10[%multiple_of3A, %dma_start3A] : memref<100000x8xf32, #tpu.memory_space<vmem_shared>> -> memref<6256x8xf32, #tpu.memory_space<vmem_shared>>
        %dma_start3A_62 = arith.constant 0 : i32
        %dma_start3A_63 = tpu.memref_slice %arg5[%multiple_of3A, %dma_start3A_62] : memref<100000x8xf32, #tpu.memory_space<hbm>> -> memref<6256x8xf32, #tpu.memory_space<hbm>>
        tpu.enqueue_dma source(%dma_start3A_63 : memref<6256x8xf32, #tpu.memory_space<hbm>>) target(%dma_start3A_61 : memref<6256x8xf32, #tpu.memory_space<vmem_shared>>) target_semaphore(%run_scoped3A : memref<!tpu.dma_semaphore, #tpu.memory_space<semaphore_mem>>)
        %dma_wait3A = arith.constant 0 : i32
        %dma_wait3A_64 = tpu.memref_slice %arg10[%multiple_of3A, %dma_wait3A] : memref<100000x8xf32, #tpu.memory_space<vmem_shared>> -> memref<6256x8xf32, #tpu.memory_space<vmem_shared>>
        %dma_wait3A_65 = arith.constant 0 : i32
        %dma_wait3A_66 = tpu.memref_slice %arg5[%multiple_of3A, %dma_wait3A_65] : memref<100000x8xf32, #tpu.memory_space<hbm>> -> memref<6256x8xf32, #tpu.memory_space<hbm>>
        tpu.wait_dma2 semaphore(%run_scoped3A : memref<!tpu.dma_semaphore, #tpu.memory_space<semaphore_mem>>) src(%dma_wait3A_66 : memref<6256x8xf32, #tpu.memory_space<hbm>>) dst(%dma_wait3A_64 : memref<6256x8xf32, #tpu.memory_space<vmem_shared>>)
        tpu.yield
      }) : () -> ()
      "tpu.region"() ({
        %run_scoped3A = tpu.sem_alloc : memref<!tpu.dma_semaphore, #tpu.memory_space<semaphore_mem>>
        %dma_start3A = arith.constant 0 : i32
        %dma_start3A_61 = tpu.memref_slice %arg12[%multiple_of3A, %dma_start3A] : memref<100000x8xf32, #tpu.memory_space<vmem_shared>> -> memref<6256x8xf32, #tpu.memory_space<vmem_shared>>
        %dma_start3A_62 = arith.constant 0 : i32
        %dma_start3A_63 = tpu.memref_slice %arg7[%multiple_of3A, %dma_start3A_62] : memref<100000x8xf32, #tpu.memory_space<hbm>> -> memref<6256x8xf32, #tpu.memory_space<hbm>>
        tpu.enqueue_dma source(%dma_start3A_63 : memref<6256x8xf32, #tpu.memory_space<hbm>>) target(%dma_start3A_61 : memref<6256x8xf32, #tpu.memory_space<vmem_shared>>) target_semaphore(%run_scoped3A : memref<!tpu.dma_semaphore, #tpu.memory_space<semaphore_mem>>)
        %dma_wait3A = arith.constant 0 : i32
        %dma_wait3A_64 = tpu.memref_slice %arg12[%multiple_of3A, %dma_wait3A] : memref<100000x8xf32, #tpu.memory_space<vmem_shared>> -> memref<6256x8xf32, #tpu.memory_space<vmem_shared>>
        %dma_wait3A_65 = arith.constant 0 : i32
        %dma_wait3A_66 = tpu.memref_slice %arg7[%multiple_of3A, %dma_wait3A_65] : memref<100000x8xf32, #tpu.memory_space<hbm>> -> memref<6256x8xf32, #tpu.memory_space<hbm>>
        tpu.wait_dma2 semaphore(%run_scoped3A : memref<!tpu.dma_semaphore, #tpu.memory_space<semaphore_mem>>) src(%dma_wait3A_66 : memref<6256x8xf32, #tpu.memory_space<hbm>>) dst(%dma_wait3A_64 : memref<6256x8xf32, #tpu.memory_space<vmem_shared>>)
        tpu.yield
      }) : () -> ()
    } else {
    }
    %eq3A = arith.constant 15 : i32
    %eq3A_5 = arith.cmpi eq, %arg1, %eq3A : i32
    %convert_element_type3A_6 = arith.extui %eq3A_5 : i1 to i32
    %cond3A_7 = arith.constant 0 : i32
    %cond3A_8 = arith.cmpi ne, %convert_element_type3A_6, %cond3A_7 : i32
    scf.if %cond3A_8 {
      "tpu.region"() ({
        %run_scoped3A = tpu.sem_alloc : memref<!tpu.dma_semaphore, #tpu.memory_space<semaphore_mem>>
        %dma_start3A = arith.constant 0 : i32
        %dma_start3A_61 = tpu.memref_slice %arg10[%multiple_of3A, %dma_start3A] : memref<100000x8xf32, #tpu.memory_space<vmem_shared>> -> memref<6160x8xf32, #tpu.memory_space<vmem_shared>>
        %dma_start3A_62 = arith.constant 0 : i32
        %dma_start3A_63 = tpu.memref_slice %arg5[%multiple_of3A, %dma_start3A_62] : memref<100000x8xf32, #tpu.memory_space<hbm>> -> memref<6160x8xf32, #tpu.memory_space<hbm>>
        tpu.enqueue_dma source(%dma_start3A_63 : memref<6160x8xf32, #tpu.memory_space<hbm>>) target(%dma_start3A_61 : memref<6160x8xf32, #tpu.memory_space<vmem_shared>>) target_semaphore(%run_scoped3A : memref<!tpu.dma_semaphore, #tpu.memory_space<semaphore_mem>>)
        %dma_wait3A = arith.constant 0 : i32
        %dma_wait3A_64 = tpu.memref_slice %arg10[%multiple_of3A, %dma_wait3A] : memref<100000x8xf32, #tpu.memory_space<vmem_shared>> -> memref<6160x8xf32, #tpu.memory_space<vmem_shared>>
        %dma_wait3A_65 = arith.constant 0 : i32
        %dma_wait3A_66 = tpu.memref_slice %arg5[%multiple_of3A, %dma_wait3A_65] : memref<100000x8xf32, #tpu.memory_space<hbm>> -> memref<6160x8xf32, #tpu.memory_space<hbm>>
        tpu.wait_dma2 semaphore(%run_scoped3A : memref<!tpu.dma_semaphore, #tpu.memory_space<semaphore_mem>>) src(%dma_wait3A_66 : memref<6160x8xf32, #tpu.memory_space<hbm>>) dst(%dma_wait3A_64 : memref<6160x8xf32, #tpu.memory_space<vmem_shared>>)
        tpu.yield
      }) : () -> ()
      "tpu.region"() ({
        %run_scoped3A = tpu.sem_alloc : memref<!tpu.dma_semaphore, #tpu.memory_space<semaphore_mem>>
        %dma_start3A = arith.constant 0 : i32
        %dma_start3A_61 = tpu.memref_slice %arg12[%multiple_of3A, %dma_start3A] : memref<100000x8xf32, #tpu.memory_space<vmem_shared>> -> memref<6160x8xf32, #tpu.memory_space<vmem_shared>>
        %dma_start3A_62 = arith.constant 0 : i32
        %dma_start3A_63 = tpu.memref_slice %arg7[%multiple_of3A, %dma_start3A_62] : memref<100000x8xf32, #tpu.memory_space<hbm>> -> memref<6160x8xf32, #tpu.memory_space<hbm>>
        tpu.enqueue_dma source(%dma_start3A_63 : memref<6160x8xf32, #tpu.memory_space<hbm>>) target(%dma_start3A_61 : memref<6160x8xf32, #tpu.memory_space<vmem_shared>>) target_semaphore(%run_scoped3A : memref<!tpu.dma_semaphore, #tpu.memory_space<semaphore_mem>>)
        %dma_wait3A = arith.constant 0 : i32
        %dma_wait3A_64 = tpu.memref_slice %arg12[%multiple_of3A, %dma_wait3A] : memref<100000x8xf32, #tpu.memory_space<vmem_shared>> -> memref<6160x8xf32, #tpu.memory_space<vmem_shared>>
        %dma_wait3A_65 = arith.constant 0 : i32
        %dma_wait3A_66 = tpu.memref_slice %arg7[%multiple_of3A, %dma_wait3A_65] : memref<100000x8xf32, #tpu.memory_space<hbm>> -> memref<6160x8xf32, #tpu.memory_space<hbm>>
        tpu.wait_dma2 semaphore(%run_scoped3A : memref<!tpu.dma_semaphore, #tpu.memory_space<semaphore_mem>>) src(%dma_wait3A_66 : memref<6160x8xf32, #tpu.memory_space<hbm>>) dst(%dma_wait3A_64 : memref<6160x8xf32, #tpu.memory_space<vmem_shared>>)
        tpu.yield
      }) : () -> ()
    } else {
    }
    %eq3A_9 = arith.constant 0 : i32
    %eq3A_10 = arith.cmpi eq, %arg1, %eq3A_9 : i32
    %convert_element_type3A_11 = arith.extui %eq3A_10 : i1 to i32
    %cond3A_12 = arith.constant 0 : i32
    %cond3A_13 = arith.cmpi ne, %convert_element_type3A_11, %cond3A_12 : i32
    scf.if %cond3A_13 {
      "tpu.region"() ({
        %run_scoped3A = tpu.sem_alloc : memref<!tpu.dma_semaphore, #tpu.memory_space<semaphore_mem>>
        tpu.enqueue_dma source(%arg6 : memref<100000xf32, #tpu.memory_space<hbm>>) target(%arg11 : memref<100000xf32, #tpu.memory_space<vmem_shared>>) target_semaphore(%run_scoped3A : memref<!tpu.dma_semaphore, #tpu.memory_space<semaphore_mem>>)
        tpu.wait_dma2 semaphore(%run_scoped3A : memref<!tpu.dma_semaphore, #tpu.memory_space<semaphore_mem>>) src(%arg6 : memref<100000xf32, #tpu.memory_space<hbm>>) dst(%arg11 : memref<100000xf32, #tpu.memory_space<vmem_shared>>)
        tpu.yield
      }) : () -> ()
    } else {
    }
    %barrier3A = arith.constant 0 : index
    tpu.barrier barrier_id(%barrier3A)
    %iota3A = tpu.iota {dimensions = array<i32: 0>} : vector<16xi32>
    %broadcast_in_dim3A = arith.constant 6 : i32
    %broadcast_in_dim3A_14 = vector.broadcast %broadcast_in_dim3A : i32 to vector<16xi32>
    %broadcast_in_dim3A_15 = arith.constant 7 : i32
    %broadcast_in_dim3A_16 = vector.broadcast %broadcast_in_dim3A_15 : i32 to vector<16xi32>
    %lt3A_17 = arith.constant 21 : i32
    %lt3A_18 = arith.cmpi slt, %add3A, %lt3A_17 : i32
    %jit3A = arith.constant 98 : i32
    %jit3A_19 = arith.constant 97 : i32
    %select_n3A = arith.select %lt3A_18, %jit3A, %jit3A_19 : i32
    %while3A = arith.constant 0 : i32
    %while3A_20 = arith.constant 0 : i32
    %while3A_21 = arith.subi %select_n3A, %while3A_20 : i32
    %while3A_22 = arith.addi %while3A_20, %while3A_21 : i32
    %while3A_23 = arith.constant 1 : i32
    %while3A_24 = arith.divsi %while3A_21, %while3A_23 : i32
    %while3A_25 = arith.muli %while3A_24, %while3A_23 : i32
    %while3A_26 = arith.addi %while3A_20, %while3A_25 : i32
    %while3A_27 = arith.constant 1 : i32
    scf.for %while3A_61 = %while3A_20 to %while3A_26 step %while3A_27  : i32 {
      %mul3A_62 = arith.constant 32 : i32
      %mul3A_63 = arith.muli %while3A_61, %mul3A_62 : i32
      %add3A_64 = arith.addi %add3A, %mul3A_63 : i32
      "tpu.region"() ({
        %run_scoped3A = tpu.sem_alloc : memref<!tpu.dma_semaphore, #tpu.memory_space<semaphore_mem>>
        %dma_start3A_516 = arith.constant 0 : i32
        %dma_start3A_517 = arith.constant 0 : i32
        %dma_start3A_518 = tpu.memref_slice %arg2[%add3A_64, %dma_start3A_516, %dma_start3A_517] : memref<3125x8x128xi32, #tpu.memory_space<hbm>> -> memref<1x8x128xi32, #tpu.memory_space<hbm>>
        %dma_start3A_519 = tpu.memref_squeeze %dma_start3A_518 : memref<1x8x128xi32, #tpu.memory_space<hbm>> -> memref<8x128xi32, #tpu.memory_space<hbm>>
        %dma_start3A_520 = arith.constant 0 : i32
        %dma_start3A_521 = arith.constant 0 : i32
        %dma_start3A_522 = tpu.memref_slice %arg2[%add3A_64, %dma_start3A_520, %dma_start3A_521] : memref<3125x8x128xi32, #tpu.memory_space<hbm>> -> memref<1x8x128xi32, #tpu.memory_space<hbm>>
        %dma_start3A_523 = tpu.memref_squeeze %dma_start3A_522 : memref<1x8x128xi32, #tpu.memory_space<hbm>> -> memref<8x128xi32, #tpu.memory_space<hbm>>
        tpu.enqueue_dma source(%dma_start3A_523 : memref<8x128xi32, #tpu.memory_space<hbm>>) target(%arg13 : memref<8x128xi32, #tpu.memory_space<vmem>>) target_semaphore(%run_scoped3A : memref<!tpu.dma_semaphore, #tpu.memory_space<semaphore_mem>>)
        %dma_wait3A_524 = arith.constant 0 : i32
        %dma_wait3A_525 = arith.constant 0 : i32
        %dma_wait3A_526 = tpu.memref_slice %arg2[%add3A_64, %dma_wait3A_524, %dma_wait3A_525] : memref<3125x8x128xi32, #tpu.memory_space<hbm>> -> memref<1x8x128xi32, #tpu.memory_space<hbm>>
        %dma_wait3A_527 = tpu.memref_squeeze %dma_wait3A_526 : memref<1x8x128xi32, #tpu.memory_space<hbm>> -> memref<8x128xi32, #tpu.memory_space<hbm>>
        %dma_wait3A_528 = arith.constant 0 : i32
        %dma_wait3A_529 = arith.constant 0 : i32
        %dma_wait3A_530 = tpu.memref_slice %arg2[%add3A_64, %dma_wait3A_528, %dma_wait3A_529] : memref<3125x8x128xi32, #tpu.memory_space<hbm>> -> memref<1x8x128xi32, #tpu.memory_space<hbm>>
        %dma_wait3A_531 = tpu.memref_squeeze %dma_wait3A_530 : memref<1x8x128xi32, #tpu.memory_space<hbm>> -> memref<8x128xi32, #tpu.memory_space<hbm>>
        tpu.wait_dma2 semaphore(%run_scoped3A : memref<!tpu.dma_semaphore, #tpu.memory_space<semaphore_mem>>) src(%dma_wait3A_531 : memref<8x128xi32, #tpu.memory_space<hbm>>) dst(%arg13 : memref<8x128xi32, #tpu.memory_space<vmem>>)
        tpu.yield
      }) : () -> ()
      "tpu.region"() ({
        %run_scoped3A = tpu.sem_alloc : memref<!tpu.dma_semaphore, #tpu.memory_space<semaphore_mem>>
        %dma_start3A_516 = arith.constant 0 : i32
        %dma_start3A_517 = arith.constant 0 : i32
        %dma_start3A_518 = tpu.memref_slice %arg3[%add3A_64, %dma_start3A_516, %dma_start3A_517] : memref<3125x8x128xi32, #tpu.memory_space<hbm>> -> memref<1x8x128xi32, #tpu.memory_space<hbm>>
        %dma_start3A_519 = tpu.memref_squeeze %dma_start3A_518 : memref<1x8x128xi32, #tpu.memory_space<hbm>> -> memref<8x128xi32, #tpu.memory_space<hbm>>
        %dma_start3A_520 = arith.constant 0 : i32
        %dma_start3A_521 = arith.constant 0 : i32
        %dma_start3A_522 = tpu.memref_slice %arg3[%add3A_64, %dma_start3A_520, %dma_start3A_521] : memref<3125x8x128xi32, #tpu.memory_space<hbm>> -> memref<1x8x128xi32, #tpu.memory_space<hbm>>
        %dma_start3A_523 = tpu.memref_squeeze %dma_start3A_522 : memref<1x8x128xi32, #tpu.memory_space<hbm>> -> memref<8x128xi32, #tpu.memory_space<hbm>>
        tpu.enqueue_dma source(%dma_start3A_523 : memref<8x128xi32, #tpu.memory_space<hbm>>) target(%arg14 : memref<8x128xi32, #tpu.memory_space<vmem>>) target_semaphore(%run_scoped3A : memref<!tpu.dma_semaphore, #tpu.memory_space<semaphore_mem>>)
        %dma_wait3A_524 = arith.constant 0 : i32
        %dma_wait3A_525 = arith.constant 0 : i32
        %dma_wait3A_526 = tpu.memref_slice %arg3[%add3A_64, %dma_wait3A_524, %dma_wait3A_525] : memref<3125x8x128xi32, #tpu.memory_space<hbm>> -> memref<1x8x128xi32, #tpu.memory_space<hbm>>
        %dma_wait3A_527 = tpu.memref_squeeze %dma_wait3A_526 : memref<1x8x128xi32, #tpu.memory_space<hbm>> -> memref<8x128xi32, #tpu.memory_space<hbm>>
        %dma_wait3A_528 = arith.constant 0 : i32
        %dma_wait3A_529 = arith.constant 0 : i32
        %dma_wait3A_530 = tpu.memref_slice %arg3[%add3A_64, %dma_wait3A_528, %dma_wait3A_529] : memref<3125x8x128xi32, #tpu.memory_space<hbm>> -> memref<1x8x128xi32, #tpu.memory_space<hbm>>
        %dma_wait3A_531 = tpu.memref_squeeze %dma_wait3A_530 : memref<1x8x128xi32, #tpu.memory_space<hbm>> -> memref<8x128xi32, #tpu.memory_space<hbm>>
        tpu.wait_dma2 semaphore(%run_scoped3A : memref<!tpu.dma_semaphore, #tpu.memory_space<semaphore_mem>>) src(%dma_wait3A_531 : memref<8x128xi32, #tpu.memory_space<hbm>>) dst(%arg14 : memref<8x128xi32, #tpu.memory_space<vmem>>)
        tpu.yield
      }) : () -> ()
      "tpu.region"() ({
        %run_scoped3A = tpu.sem_alloc : memref<!tpu.dma_semaphore, #tpu.memory_space<semaphore_mem>>
        %dma_start3A_516 = arith.constant 0 : i32
        %dma_start3A_517 = tpu.memref_slice %arg4[%add3A_64, %dma_start3A_516] : memref<3125x1024xf32, #tpu.memory_space<hbm>> -> memref<1x1024xf32, #tpu.memory_space<hbm>>
        %dma_start3A_518 = tpu.memref_squeeze %dma_start3A_517 : memref<1x1024xf32, #tpu.memory_space<hbm>> -> memref<1024xf32, #tpu.memory_space<hbm>>
        %dma_start3A_519 = arith.constant 0 : i32
        %dma_start3A_520 = tpu.memref_slice %arg4[%add3A_64, %dma_start3A_519] : memref<3125x1024xf32, #tpu.memory_space<hbm>> -> memref<1x1024xf32, #tpu.memory_space<hbm>>
        %dma_start3A_521 = tpu.memref_squeeze %dma_start3A_520 : memref<1x1024xf32, #tpu.memory_space<hbm>> -> memref<1024xf32, #tpu.memory_space<hbm>>
        tpu.enqueue_dma source(%dma_start3A_521 : memref<1024xf32, #tpu.memory_space<hbm>>) target(%arg15 : memref<1024xf32, #tpu.memory_space<vmem>>) target_semaphore(%run_scoped3A : memref<!tpu.dma_semaphore, #tpu.memory_space<semaphore_mem>>)
        %dma_wait3A_522 = arith.constant 0 : i32
        %dma_wait3A_523 = tpu.memref_slice %arg4[%add3A_64, %dma_wait3A_522] : memref<3125x1024xf32, #tpu.memory_space<hbm>> -> memref<1x1024xf32, #tpu.memory_space<hbm>>
        %dma_wait3A_524 = tpu.memref_squeeze %dma_wait3A_523 : memref<1x1024xf32, #tpu.memory_space<hbm>> -> memref<1024xf32, #tpu.memory_space<hbm>>
        %dma_wait3A_525 = arith.constant 0 : i32
        %dma_wait3A_526 = tpu.memref_slice %arg4[%add3A_64, %dma_wait3A_525] : memref<3125x1024xf32, #tpu.memory_space<hbm>> -> memref<1x1024xf32, #tpu.memory_space<hbm>>
        %dma_wait3A_527 = tpu.memref_squeeze %dma_wait3A_526 : memref<1x1024xf32, #tpu.memory_space<hbm>> -> memref<1024xf32, #tpu.memory_space<hbm>>
        tpu.wait_dma2 semaphore(%run_scoped3A : memref<!tpu.dma_semaphore, #tpu.memory_space<semaphore_mem>>) src(%dma_wait3A_527 : memref<1024xf32, #tpu.memory_space<hbm>>) dst(%arg15 : memref<1024xf32, #tpu.memory_space<vmem>>)
        tpu.yield
      }) : () -> ()
      %dma_start3A = arith.constant 0 : i32
      %dma_start3A_65 = arith.constant 0 : i32
      %dma_start3A_66 = arith.constant 0 : i32
      %dma_start3A_67 = tpu.memref_slice %arg16[%dma_start3A_65, %dma_start3A_66] : memref<1024x8xf32, #tpu.memory_space<vmem>> -> memref<128x8xf32, #tpu.memory_space<vmem>>
      %dma_start3A_68 = arith.constant 0 : i32
      %dma_start3A_69 = tpu.memref_slice %arg13[%dma_start3A, %dma_start3A_68] : memref<8x128xi32, #tpu.memory_space<vmem>> -> memref<1x128xi32, #tpu.memory_space<vmem>>
      %dma_start3A_70 = tpu.memref_squeeze %dma_start3A_69 : memref<1x128xi32, #tpu.memory_space<vmem>> -> memref<128xi32, #tpu.memory_space<vmem>>
      %dma_start3A_71 = arith.constant 0 : i32
      %dma_start3A_72 = arith.constant 0 : i32
      %dma_start3A_73 = tpu.memref_slice %arg10[%dma_start3A_71, %dma_start3A_72] : memref<100000x8xf32, #tpu.memory_space<vmem_shared>> -> memref<100000x8xf32, #tpu.memory_space<vmem_shared>>
      tpu.enqueue_indirect_dma source(%dma_start3A_73 : memref<100000x8xf32, #tpu.memory_space<vmem_shared>>) target(%dma_start3A_67 : memref<128x8xf32, #tpu.memory_space<vmem>>) offsets(%dma_start3A_70 : memref<128xi32, #tpu.memory_space<vmem>>) semaphore(%arg19 : memref<!tpu.dma_semaphore, #tpu.memory_space<semaphore_mem>>)
      %dma_start3A_74 = arith.constant 0 : i32
      %dma_start3A_75 = arith.constant 0 : i32
      %dma_start3A_76 = tpu.memref_slice %arg18[%dma_start3A_75] : memref<1024xf32, #tpu.memory_space<vmem>> -> memref<128xf32, #tpu.memory_space<vmem>>
      %dma_start3A_77 = arith.constant 0 : i32
      %dma_start3A_78 = tpu.memref_slice %arg14[%dma_start3A_74, %dma_start3A_77] : memref<8x128xi32, #tpu.memory_space<vmem>> -> memref<1x128xi32, #tpu.memory_space<vmem>>
      %dma_start3A_79 = tpu.memref_squeeze %dma_start3A_78 : memref<1x128xi32, #tpu.memory_space<vmem>> -> memref<128xi32, #tpu.memory_space<vmem>>
      %dma_start3A_80 = arith.constant 0 : i32
      %dma_start3A_81 = tpu.memref_slice %arg11[%dma_start3A_80] : memref<100000xf32, #tpu.memory_space<vmem_shared>> -> memref<100000xf32, #tpu.memory_space<vmem_shared>>
      tpu.enqueue_indirect_dma source(%dma_start3A_81 : memref<100000xf32, #tpu.memory_space<vmem_shared>>) target(%dma_start3A_76 : memref<128xf32, #tpu.memory_space<vmem>>) offsets(%dma_start3A_79 : memref<128xi32, #tpu.memory_space<vmem>>) semaphore(%arg20 : memref<!tpu.dma_semaphore, #tpu.memory_space<semaphore_mem>>)
      %dma_start3A_82 = arith.constant 1 : i32
      %dma_start3A_83 = arith.constant 128 : i32
      %dma_start3A_84 = arith.constant 0 : i32
      %dma_start3A_85 = tpu.memref_slice %arg16[%dma_start3A_83, %dma_start3A_84] : memref<1024x8xf32, #tpu.memory_space<vmem>> -> memref<128x8xf32, #tpu.memory_space<vmem>>
      %dma_start3A_86 = arith.constant 0 : i32
      %dma_start3A_87 = tpu.memref_slice %arg13[%dma_start3A_82, %dma_start3A_86] : memref<8x128xi32, #tpu.memory_space<vmem>> -> memref<1x128xi32, #tpu.memory_space<vmem>>
      %dma_start3A_88 = tpu.memref_squeeze %dma_start3A_87 : memref<1x128xi32, #tpu.memory_space<vmem>> -> memref<128xi32, #tpu.memory_space<vmem>>
      %dma_start3A_89 = arith.constant 0 : i32
      %dma_start3A_90 = arith.constant 0 : i32
      %dma_start3A_91 = tpu.memref_slice %arg10[%dma_start3A_89, %dma_start3A_90] : memref<100000x8xf32, #tpu.memory_space<vmem_shared>> -> memref<100000x8xf32, #tpu.memory_space<vmem_shared>>
      tpu.enqueue_indirect_dma source(%dma_start3A_91 : memref<100000x8xf32, #tpu.memory_space<vmem_shared>>) target(%dma_start3A_85 : memref<128x8xf32, #tpu.memory_space<vmem>>) offsets(%dma_start3A_88 : memref<128xi32, #tpu.memory_space<vmem>>) semaphore(%arg19 : memref<!tpu.dma_semaphore, #tpu.memory_space<semaphore_mem>>)
      %dma_start3A_92 = arith.constant 1 : i32
      %dma_start3A_93 = arith.constant 128 : i32
      %dma_start3A_94 = tpu.memref_slice %arg18[%dma_start3A_93] : memref<1024xf32, #tpu.memory_space<vmem>> -> memref<128xf32, #tpu.memory_space<vmem>>
      %dma_start3A_95 = arith.constant 0 : i32
      %dma_start3A_96 = tpu.memref_slice %arg14[%dma_start3A_92, %dma_start3A_95] : memref<8x128xi32, #tpu.memory_space<vmem>> -> memref<1x128xi32, #tpu.memory_space<vmem>>
      %dma_start3A_97 = tpu.memref_squeeze %dma_start3A_96 : memref<1x128xi32, #tpu.memory_space<vmem>> -> memref<128xi32, #tpu.memory_space<vmem>>
      %dma_start3A_98 = arith.constant 0 : i32
      %dma_start3A_99 = tpu.memref_slice %arg11[%dma_start3A_98] : memref<100000xf32, #tpu.memory_space<vmem_shared>> -> memref<100000xf32, #tpu.memory_space<vmem_shared>>
      tpu.enqueue_indirect_dma source(%dma_start3A_99 : memref<100000xf32, #tpu.memory_space<vmem_shared>>) target(%dma_start3A_94 : memref<128xf32, #tpu.memory_space<vmem>>) offsets(%dma_start3A_97 : memref<128xi32, #tpu.memory_space<vmem>>) semaphore(%arg20 : memref<!tpu.dma_semaphore, #tpu.memory_space<semaphore_mem>>)
      %dma_start3A_100 = arith.constant 2 : i32
      %dma_start3A_101 = arith.constant 256 : i32
      %dma_start3A_102 = arith.constant 0 : i32
      %dma_start3A_103 = tpu.memref_slice %arg16[%dma_start3A_101, %dma_start3A_102] : memref<1024x8xf32, #tpu.memory_space<vmem>> -> memref<128x8xf32, #tpu.memory_space<vmem>>
      %dma_start3A_104 = arith.constant 0 : i32
      %dma_start3A_105 = tpu.memref_slice %arg13[%dma_start3A_100, %dma_start3A_104] : memref<8x128xi32, #tpu.memory_space<vmem>> -> memref<1x128xi32, #tpu.memory_space<vmem>>
      %dma_start3A_106 = tpu.memref_squeeze %dma_start3A_105 : memref<1x128xi32, #tpu.memory_space<vmem>> -> memref<128xi32, #tpu.memory_space<vmem>>
      %dma_start3A_107 = arith.constant 0 : i32
      %dma_start3A_108 = arith.constant 0 : i32
      %dma_start3A_109 = tpu.memref_slice %arg10[%dma_start3A_107, %dma_start3A_108] : memref<100000x8xf32, #tpu.memory_space<vmem_shared>> -> memref<100000x8xf32, #tpu.memory_space<vmem_shared>>
      tpu.enqueue_indirect_dma source(%dma_start3A_109 : memref<100000x8xf32, #tpu.memory_space<vmem_shared>>) target(%dma_start3A_103 : memref<128x8xf32, #tpu.memory_space<vmem>>) offsets(%dma_start3A_106 : memref<128xi32, #tpu.memory_space<vmem>>) semaphore(%arg19 : memref<!tpu.dma_semaphore, #tpu.memory_space<semaphore_mem>>)
      %dma_start3A_110 = arith.constant 2 : i32
      %dma_start3A_111 = arith.constant 256 : i32
      %dma_start3A_112 = tpu.memref_slice %arg18[%dma_start3A_111] : memref<1024xf32, #tpu.memory_space<vmem>> -> memref<128xf32, #tpu.memory_space<vmem>>
      %dma_start3A_113 = arith.constant 0 : i32
      %dma_start3A_114 = tpu.memref_slice %arg14[%dma_start3A_110, %dma_start3A_113] : memref<8x128xi32, #tpu.memory_space<vmem>> -> memref<1x128xi32, #tpu.memory_space<vmem>>
      %dma_start3A_115 = tpu.memref_squeeze %dma_start3A_114 : memref<1x128xi32, #tpu.memory_space<vmem>> -> memref<128xi32, #tpu.memory_space<vmem>>
      %dma_start3A_116 = arith.constant 0 : i32
      %dma_start3A_117 = tpu.memref_slice %arg11[%dma_start3A_116] : memref<100000xf32, #tpu.memory_space<vmem_shared>> -> memref<100000xf32, #tpu.memory_space<vmem_shared>>
      tpu.enqueue_indirect_dma source(%dma_start3A_117 : memref<100000xf32, #tpu.memory_space<vmem_shared>>) target(%dma_start3A_112 : memref<128xf32, #tpu.memory_space<vmem>>) offsets(%dma_start3A_115 : memref<128xi32, #tpu.memory_space<vmem>>) semaphore(%arg20 : memref<!tpu.dma_semaphore, #tpu.memory_space<semaphore_mem>>)
      %dma_start3A_118 = arith.constant 3 : i32
      %dma_start3A_119 = arith.constant 384 : i32
      %dma_start3A_120 = arith.constant 0 : i32
      %dma_start3A_121 = tpu.memref_slice %arg16[%dma_start3A_119, %dma_start3A_120] : memref<1024x8xf32, #tpu.memory_space<vmem>> -> memref<128x8xf32, #tpu.memory_space<vmem>>
      %dma_start3A_122 = arith.constant 0 : i32
      %dma_start3A_123 = tpu.memref_slice %arg13[%dma_start3A_118, %dma_start3A_122] : memref<8x128xi32, #tpu.memory_space<vmem>> -> memref<1x128xi32, #tpu.memory_space<vmem>>
      %dma_start3A_124 = tpu.memref_squeeze %dma_start3A_123 : memref<1x128xi32, #tpu.memory_space<vmem>> -> memref<128xi32, #tpu.memory_space<vmem>>
      %dma_start3A_125 = arith.constant 0 : i32
      %dma_start3A_126 = arith.constant 0 : i32
      %dma_start3A_127 = tpu.memref_slice %arg10[%dma_start3A_125, %dma_start3A_126] : memref<100000x8xf32, #tpu.memory_space<vmem_shared>> -> memref<100000x8xf32, #tpu.memory_space<vmem_shared>>
      tpu.enqueue_indirect_dma source(%dma_start3A_127 : memref<100000x8xf32, #tpu.memory_space<vmem_shared>>) target(%dma_start3A_121 : memref<128x8xf32, #tpu.memory_space<vmem>>) offsets(%dma_start3A_124 : memref<128xi32, #tpu.memory_space<vmem>>) semaphore(%arg19 : memref<!tpu.dma_semaphore, #tpu.memory_space<semaphore_mem>>)
      %dma_start3A_128 = arith.constant 3 : i32
      %dma_start3A_129 = arith.constant 384 : i32
      %dma_start3A_130 = tpu.memref_slice %arg18[%dma_start3A_129] : memref<1024xf32, #tpu.memory_space<vmem>> -> memref<128xf32, #tpu.memory_space<vmem>>
      %dma_start3A_131 = arith.constant 0 : i32
      %dma_start3A_132 = tpu.memref_slice %arg14[%dma_start3A_128, %dma_start3A_131] : memref<8x128xi32, #tpu.memory_space<vmem>> -> memref<1x128xi32, #tpu.memory_space<vmem>>
      %dma_start3A_133 = tpu.memref_squeeze %dma_start3A_132 : memref<1x128xi32, #tpu.memory_space<vmem>> -> memref<128xi32, #tpu.memory_space<vmem>>
      %dma_start3A_134 = arith.constant 0 : i32
      %dma_start3A_135 = tpu.memref_slice %arg11[%dma_start3A_134] : memref<100000xf32, #tpu.memory_space<vmem_shared>> -> memref<100000xf32, #tpu.memory_space<vmem_shared>>
      tpu.enqueue_indirect_dma source(%dma_start3A_135 : memref<100000xf32, #tpu.memory_space<vmem_shared>>) target(%dma_start3A_130 : memref<128xf32, #tpu.memory_space<vmem>>) offsets(%dma_start3A_133 : memref<128xi32, #tpu.memory_space<vmem>>) semaphore(%arg20 : memref<!tpu.dma_semaphore, #tpu.memory_space<semaphore_mem>>)
      %dma_start3A_136 = arith.constant 4 : i32
      %dma_start3A_137 = arith.constant 512 : i32
      %dma_start3A_138 = arith.constant 0 : i32
      %dma_start3A_139 = tpu.memref_slice %arg16[%dma_start3A_137, %dma_start3A_138] : memref<1024x8xf32, #tpu.memory_space<vmem>> -> memref<128x8xf32, #tpu.memory_space<vmem>>
      %dma_start3A_140 = arith.constant 0 : i32
      %dma_start3A_141 = tpu.memref_slice %arg13[%dma_start3A_136, %dma_start3A_140] : memref<8x128xi32, #tpu.memory_space<vmem>> -> memref<1x128xi32, #tpu.memory_space<vmem>>
      %dma_start3A_142 = tpu.memref_squeeze %dma_start3A_141 : memref<1x128xi32, #tpu.memory_space<vmem>> -> memref<128xi32, #tpu.memory_space<vmem>>
      %dma_start3A_143 = arith.constant 0 : i32
      %dma_start3A_144 = arith.constant 0 : i32
      %dma_start3A_145 = tpu.memref_slice %arg10[%dma_start3A_143, %dma_start3A_144] : memref<100000x8xf32, #tpu.memory_space<vmem_shared>> -> memref<100000x8xf32, #tpu.memory_space<vmem_shared>>
      tpu.enqueue_indirect_dma source(%dma_start3A_145 : memref<100000x8xf32, #tpu.memory_space<vmem_shared>>) target(%dma_start3A_139 : memref<128x8xf32, #tpu.memory_space<vmem>>) offsets(%dma_start3A_142 : memref<128xi32, #tpu.memory_space<vmem>>) semaphore(%arg19 : memref<!tpu.dma_semaphore, #tpu.memory_space<semaphore_mem>>)
      %dma_start3A_146 = arith.constant 4 : i32
      %dma_start3A_147 = arith.constant 512 : i32
      %dma_start3A_148 = tpu.memref_slice %arg18[%dma_start3A_147] : memref<1024xf32, #tpu.memory_space<vmem>> -> memref<128xf32, #tpu.memory_space<vmem>>
      %dma_start3A_149 = arith.constant 0 : i32
      %dma_start3A_150 = tpu.memref_slice %arg14[%dma_start3A_146, %dma_start3A_149] : memref<8x128xi32, #tpu.memory_space<vmem>> -> memref<1x128xi32, #tpu.memory_space<vmem>>
      %dma_start3A_151 = tpu.memref_squeeze %dma_start3A_150 : memref<1x128xi32, #tpu.memory_space<vmem>> -> memref<128xi32, #tpu.memory_space<vmem>>
      %dma_start3A_152 = arith.constant 0 : i32
      %dma_start3A_153 = tpu.memref_slice %arg11[%dma_start3A_152] : memref<100000xf32, #tpu.memory_space<vmem_shared>> -> memref<100000xf32, #tpu.memory_space<vmem_shared>>
      tpu.enqueue_indirect_dma source(%dma_start3A_153 : memref<100000xf32, #tpu.memory_space<vmem_shared>>) target(%dma_start3A_148 : memref<128xf32, #tpu.memory_space<vmem>>) offsets(%dma_start3A_151 : memref<128xi32, #tpu.memory_space<vmem>>) semaphore(%arg20 : memref<!tpu.dma_semaphore, #tpu.memory_space<semaphore_mem>>)
      %dma_start3A_154 = arith.constant 5 : i32
      %dma_start3A_155 = arith.constant 640 : i32
      %dma_start3A_156 = arith.constant 0 : i32
      %dma_start3A_157 = tpu.memref_slice %arg16[%dma_start3A_155, %dma_start3A_156] : memref<1024x8xf32, #tpu.memory_space<vmem>> -> memref<128x8xf32, #tpu.memory_space<vmem>>
      %dma_start3A_158 = arith.constant 0 : i32
      %dma_start3A_159 = tpu.memref_slice %arg13[%dma_start3A_154, %dma_start3A_158] : memref<8x128xi32, #tpu.memory_space<vmem>> -> memref<1x128xi32, #tpu.memory_space<vmem>>
      %dma_start3A_160 = tpu.memref_squeeze %dma_start3A_159 : memref<1x128xi32, #tpu.memory_space<vmem>> -> memref<128xi32, #tpu.memory_space<vmem>>
      %dma_start3A_161 = arith.constant 0 : i32
      %dma_start3A_162 = arith.constant 0 : i32
      %dma_start3A_163 = tpu.memref_slice %arg10[%dma_start3A_161, %dma_start3A_162] : memref<100000x8xf32, #tpu.memory_space<vmem_shared>> -> memref<100000x8xf32, #tpu.memory_space<vmem_shared>>
      tpu.enqueue_indirect_dma source(%dma_start3A_163 : memref<100000x8xf32, #tpu.memory_space<vmem_shared>>) target(%dma_start3A_157 : memref<128x8xf32, #tpu.memory_space<vmem>>) offsets(%dma_start3A_160 : memref<128xi32, #tpu.memory_space<vmem>>) semaphore(%arg19 : memref<!tpu.dma_semaphore, #tpu.memory_space<semaphore_mem>>)
      %dma_start3A_164 = arith.constant 5 : i32
      %dma_start3A_165 = arith.constant 640 : i32
      %dma_start3A_166 = tpu.memref_slice %arg18[%dma_start3A_165] : memref<1024xf32, #tpu.memory_space<vmem>> -> memref<128xf32, #tpu.memory_space<vmem>>
      %dma_start3A_167 = arith.constant 0 : i32
      %dma_start3A_168 = tpu.memref_slice %arg14[%dma_start3A_164, %dma_start3A_167] : memref<8x128xi32, #tpu.memory_space<vmem>> -> memref<1x128xi32, #tpu.memory_space<vmem>>
      %dma_start3A_169 = tpu.memref_squeeze %dma_start3A_168 : memref<1x128xi32, #tpu.memory_space<vmem>> -> memref<128xi32, #tpu.memory_space<vmem>>
      %dma_start3A_170 = arith.constant 0 : i32
      %dma_start3A_171 = tpu.memref_slice %arg11[%dma_start3A_170] : memref<100000xf32, #tpu.memory_space<vmem_shared>> -> memref<100000xf32, #tpu.memory_space<vmem_shared>>
      tpu.enqueue_indirect_dma source(%dma_start3A_171 : memref<100000xf32, #tpu.memory_space<vmem_shared>>) target(%dma_start3A_166 : memref<128xf32, #tpu.memory_space<vmem>>) offsets(%dma_start3A_169 : memref<128xi32, #tpu.memory_space<vmem>>) semaphore(%arg20 : memref<!tpu.dma_semaphore, #tpu.memory_space<semaphore_mem>>)
      %dma_start3A_172 = arith.constant 6 : i32
      %dma_start3A_173 = arith.constant 768 : i32
      %dma_start3A_174 = arith.constant 0 : i32
      %dma_start3A_175 = tpu.memref_slice %arg16[%dma_start3A_173, %dma_start3A_174] : memref<1024x8xf32, #tpu.memory_space<vmem>> -> memref<128x8xf32, #tpu.memory_space<vmem>>
      %dma_start3A_176 = arith.constant 0 : i32
      %dma_start3A_177 = tpu.memref_slice %arg13[%dma_start3A_172, %dma_start3A_176] : memref<8x128xi32, #tpu.memory_space<vmem>> -> memref<1x128xi32, #tpu.memory_space<vmem>>
      %dma_start3A_178 = tpu.memref_squeeze %dma_start3A_177 : memref<1x128xi32, #tpu.memory_space<vmem>> -> memref<128xi32, #tpu.memory_space<vmem>>
      %dma_start3A_179 = arith.constant 0 : i32
      %dma_start3A_180 = arith.constant 0 : i32
      %dma_start3A_181 = tpu.memref_slice %arg10[%dma_start3A_179, %dma_start3A_180] : memref<100000x8xf32, #tpu.memory_space<vmem_shared>> -> memref<100000x8xf32, #tpu.memory_space<vmem_shared>>
      tpu.enqueue_indirect_dma source(%dma_start3A_181 : memref<100000x8xf32, #tpu.memory_space<vmem_shared>>) target(%dma_start3A_175 : memref<128x8xf32, #tpu.memory_space<vmem>>) offsets(%dma_start3A_178 : memref<128xi32, #tpu.memory_space<vmem>>) semaphore(%arg19 : memref<!tpu.dma_semaphore, #tpu.memory_space<semaphore_mem>>)
      %dma_start3A_182 = arith.constant 6 : i32
      %dma_start3A_183 = arith.constant 768 : i32
      %dma_start3A_184 = tpu.memref_slice %arg18[%dma_start3A_183] : memref<1024xf32, #tpu.memory_space<vmem>> -> memref<128xf32, #tpu.memory_space<vmem>>
      %dma_start3A_185 = arith.constant 0 : i32
      %dma_start3A_186 = tpu.memref_slice %arg14[%dma_start3A_182, %dma_start3A_185] : memref<8x128xi32, #tpu.memory_space<vmem>> -> memref<1x128xi32, #tpu.memory_space<vmem>>
      %dma_start3A_187 = tpu.memref_squeeze %dma_start3A_186 : memref<1x128xi32, #tpu.memory_space<vmem>> -> memref<128xi32, #tpu.memory_space<vmem>>
      %dma_start3A_188 = arith.constant 0 : i32
      %dma_start3A_189 = tpu.memref_slice %arg11[%dma_start3A_188] : memref<100000xf32, #tpu.memory_space<vmem_shared>> -> memref<100000xf32, #tpu.memory_space<vmem_shared>>
      tpu.enqueue_indirect_dma source(%dma_start3A_189 : memref<100000xf32, #tpu.memory_space<vmem_shared>>) target(%dma_start3A_184 : memref<128xf32, #tpu.memory_space<vmem>>) offsets(%dma_start3A_187 : memref<128xi32, #tpu.memory_space<vmem>>) semaphore(%arg20 : memref<!tpu.dma_semaphore, #tpu.memory_space<semaphore_mem>>)
      %dma_start3A_190 = arith.constant 7 : i32
      %dma_start3A_191 = arith.constant 896 : i32
      %dma_start3A_192 = arith.constant 0 : i32
      %dma_start3A_193 = tpu.memref_slice %arg16[%dma_start3A_191, %dma_start3A_192] : memref<1024x8xf32, #tpu.memory_space<vmem>> -> memref<128x8xf32, #tpu.memory_space<vmem>>
      %dma_start3A_194 = arith.constant 0 : i32
      %dma_start3A_195 = tpu.memref_slice %arg13[%dma_start3A_190, %dma_start3A_194] : memref<8x128xi32, #tpu.memory_space<vmem>> -> memref<1x128xi32, #tpu.memory_space<vmem>>
      %dma_start3A_196 = tpu.memref_squeeze %dma_start3A_195 : memref<1x128xi32, #tpu.memory_space<vmem>> -> memref<128xi32, #tpu.memory_space<vmem>>
      %dma_start3A_197 = arith.constant 0 : i32
      %dma_start3A_198 = arith.constant 0 : i32
      %dma_start3A_199 = tpu.memref_slice %arg10[%dma_start3A_197, %dma_start3A_198] : memref<100000x8xf32, #tpu.memory_space<vmem_shared>> -> memref<100000x8xf32, #tpu.memory_space<vmem_shared>>
      tpu.enqueue_indirect_dma source(%dma_start3A_199 : memref<100000x8xf32, #tpu.memory_space<vmem_shared>>) target(%dma_start3A_193 : memref<128x8xf32, #tpu.memory_space<vmem>>) offsets(%dma_start3A_196 : memref<128xi32, #tpu.memory_space<vmem>>) semaphore(%arg19 : memref<!tpu.dma_semaphore, #tpu.memory_space<semaphore_mem>>)
      %dma_start3A_200 = arith.constant 7 : i32
      %dma_start3A_201 = arith.constant 896 : i32
      %dma_start3A_202 = tpu.memref_slice %arg18[%dma_start3A_201] : memref<1024xf32, #tpu.memory_space<vmem>> -> memref<128xf32, #tpu.memory_space<vmem>>
      %dma_start3A_203 = arith.constant 0 : i32
      %dma_start3A_204 = tpu.memref_slice %arg14[%dma_start3A_200, %dma_start3A_203] : memref<8x128xi32, #tpu.memory_space<vmem>> -> memref<1x128xi32, #tpu.memory_space<vmem>>
      %dma_start3A_205 = tpu.memref_squeeze %dma_start3A_204 : memref<1x128xi32, #tpu.memory_space<vmem>> -> memref<128xi32, #tpu.memory_space<vmem>>
      %dma_start3A_206 = arith.constant 0 : i32
      %dma_start3A_207 = tpu.memref_slice %arg11[%dma_start3A_206] : memref<100000xf32, #tpu.memory_space<vmem_shared>> -> memref<100000xf32, #tpu.memory_space<vmem_shared>>
      tpu.enqueue_indirect_dma source(%dma_start3A_207 : memref<100000xf32, #tpu.memory_space<vmem_shared>>) target(%dma_start3A_202 : memref<128xf32, #tpu.memory_space<vmem>>) offsets(%dma_start3A_205 : memref<128xi32, #tpu.memory_space<vmem>>) semaphore(%arg20 : memref<!tpu.dma_semaphore, #tpu.memory_space<semaphore_mem>>)
      %dma_wait3A = arith.constant 0 : i32
      %dma_wait3A_208 = arith.constant 0 : i32
      %dma_wait3A_209 = arith.constant 0 : i32
      %dma_wait3A_210 = tpu.memref_slice %arg16[%dma_wait3A_208, %dma_wait3A_209] : memref<1024x8xf32, #tpu.memory_space<vmem>> -> memref<128x8xf32, #tpu.memory_space<vmem>>
      %dma_wait3A_211 = arith.constant 0 : i32
      %dma_wait3A_212 = tpu.memref_slice %arg13[%dma_wait3A, %dma_wait3A_211] : memref<8x128xi32, #tpu.memory_space<vmem>> -> memref<1x128xi32, #tpu.memory_space<vmem>>
      %dma_wait3A_213 = tpu.memref_squeeze %dma_wait3A_212 : memref<1x128xi32, #tpu.memory_space<vmem>> -> memref<128xi32, #tpu.memory_space<vmem>>
      %dma_wait3A_214 = arith.constant 0 : i32
      %dma_wait3A_215 = arith.constant 0 : i32
      %dma_wait3A_216 = tpu.memref_slice %arg10[%dma_wait3A_214, %dma_wait3A_215] : memref<100000x8xf32, #tpu.memory_space<vmem_shared>> -> memref<100000x8xf32, #tpu.memory_space<vmem_shared>>
      tpu.wait_indirect_dma semaphore(%arg19 : memref<!tpu.dma_semaphore, #tpu.memory_space<semaphore_mem>>) src(%dma_wait3A_216 : memref<100000x8xf32, #tpu.memory_space<vmem_shared>>) dst(%dma_wait3A_210 : memref<128x8xf32, #tpu.memory_space<vmem>>)
      %dma_wait3A_217 = arith.constant 0 : i32
      %dma_wait3A_218 = arith.constant 0 : i32
      %dma_wait3A_219 = tpu.memref_slice %arg18[%dma_wait3A_218] : memref<1024xf32, #tpu.memory_space<vmem>> -> memref<128xf32, #tpu.memory_space<vmem>>
      %dma_wait3A_220 = arith.constant 0 : i32
      %dma_wait3A_221 = tpu.memref_slice %arg14[%dma_wait3A_217, %dma_wait3A_220] : memref<8x128xi32, #tpu.memory_space<vmem>> -> memref<1x128xi32, #tpu.memory_space<vmem>>
      %dma_wait3A_222 = tpu.memref_squeeze %dma_wait3A_221 : memref<1x128xi32, #tpu.memory_space<vmem>> -> memref<128xi32, #tpu.memory_space<vmem>>
      %dma_wait3A_223 = arith.constant 0 : i32
      %dma_wait3A_224 = tpu.memref_slice %arg11[%dma_wait3A_223] : memref<100000xf32, #tpu.memory_space<vmem_shared>> -> memref<100000xf32, #tpu.memory_space<vmem_shared>>
      tpu.wait_indirect_dma semaphore(%arg20 : memref<!tpu.dma_semaphore, #tpu.memory_space<semaphore_mem>>) src(%dma_wait3A_224 : memref<100000xf32, #tpu.memory_space<vmem_shared>>) dst(%dma_wait3A_219 : memref<128xf32, #tpu.memory_space<vmem>>)
      %dma_wait3A_225 = arith.constant 1 : i32
      %dma_wait3A_226 = arith.constant 128 : i32
      %dma_wait3A_227 = arith.constant 0 : i32
      %dma_wait3A_228 = tpu.memref_slice %arg16[%dma_wait3A_226, %dma_wait3A_227] : memref<1024x8xf32, #tpu.memory_space<vmem>> -> memref<128x8xf32, #tpu.memory_space<vmem>>
      %dma_wait3A_229 = arith.constant 0 : i32
      %dma_wait3A_230 = tpu.memref_slice %arg13[%dma_wait3A_225, %dma_wait3A_229] : memref<8x128xi32, #tpu.memory_space<vmem>> -> memref<1x128xi32, #tpu.memory_space<vmem>>
      %dma_wait3A_231 = tpu.memref_squeeze %dma_wait3A_230 : memref<1x128xi32, #tpu.memory_space<vmem>> -> memref<128xi32, #tpu.memory_space<vmem>>
      %dma_wait3A_232 = arith.constant 0 : i32
      %dma_wait3A_233 = arith.constant 0 : i32
      %dma_wait3A_234 = tpu.memref_slice %arg10[%dma_wait3A_232, %dma_wait3A_233] : memref<100000x8xf32, #tpu.memory_space<vmem_shared>> -> memref<100000x8xf32, #tpu.memory_space<vmem_shared>>
      tpu.wait_indirect_dma semaphore(%arg19 : memref<!tpu.dma_semaphore, #tpu.memory_space<semaphore_mem>>) src(%dma_wait3A_234 : memref<100000x8xf32, #tpu.memory_space<vmem_shared>>) dst(%dma_wait3A_228 : memref<128x8xf32, #tpu.memory_space<vmem>>)
      %dma_wait3A_235 = arith.constant 1 : i32
      %dma_wait3A_236 = arith.constant 128 : i32
      %dma_wait3A_237 = tpu.memref_slice %arg18[%dma_wait3A_236] : memref<1024xf32, #tpu.memory_space<vmem>> -> memref<128xf32, #tpu.memory_space<vmem>>
      %dma_wait3A_238 = arith.constant 0 : i32
      %dma_wait3A_239 = tpu.memref_slice %arg14[%dma_wait3A_235, %dma_wait3A_238] : memref<8x128xi32, #tpu.memory_space<vmem>> -> memref<1x128xi32, #tpu.memory_space<vmem>>
      %dma_wait3A_240 = tpu.memref_squeeze %dma_wait3A_239 : memref<1x128xi32, #tpu.memory_space<vmem>> -> memref<128xi32, #tpu.memory_space<vmem>>
      %dma_wait3A_241 = arith.constant 0 : i32
      %dma_wait3A_242 = tpu.memref_slice %arg11[%dma_wait3A_241] : memref<100000xf32, #tpu.memory_space<vmem_shared>> -> memref<100000xf32, #tpu.memory_space<vmem_shared>>
      tpu.wait_indirect_dma semaphore(%arg20 : memref<!tpu.dma_semaphore, #tpu.memory_space<semaphore_mem>>) src(%dma_wait3A_242 : memref<100000xf32, #tpu.memory_space<vmem_shared>>) dst(%dma_wait3A_237 : memref<128xf32, #tpu.memory_space<vmem>>)
      %dma_wait3A_243 = arith.constant 2 : i32
      %dma_wait3A_244 = arith.constant 256 : i32
      %dma_wait3A_245 = arith.constant 0 : i32
      %dma_wait3A_246 = tpu.memref_slice %arg16[%dma_wait3A_244, %dma_wait3A_245] : memref<1024x8xf32, #tpu.memory_space<vmem>> -> memref<128x8xf32, #tpu.memory_space<vmem>>
      %dma_wait3A_247 = arith.constant 0 : i32
      %dma_wait3A_248 = tpu.memref_slice %arg13[%dma_wait3A_243, %dma_wait3A_247] : memref<8x128xi32, #tpu.memory_space<vmem>> -> memref<1x128xi32, #tpu.memory_space<vmem>>
      %dma_wait3A_249 = tpu.memref_squeeze %dma_wait3A_248 : memref<1x128xi32, #tpu.memory_space<vmem>> -> memref<128xi32, #tpu.memory_space<vmem>>
      %dma_wait3A_250 = arith.constant 0 : i32
      %dma_wait3A_251 = arith.constant 0 : i32
      %dma_wait3A_252 = tpu.memref_slice %arg10[%dma_wait3A_250, %dma_wait3A_251] : memref<100000x8xf32, #tpu.memory_space<vmem_shared>> -> memref<100000x8xf32, #tpu.memory_space<vmem_shared>>
      tpu.wait_indirect_dma semaphore(%arg19 : memref<!tpu.dma_semaphore, #tpu.memory_space<semaphore_mem>>) src(%dma_wait3A_252 : memref<100000x8xf32, #tpu.memory_space<vmem_shared>>) dst(%dma_wait3A_246 : memref<128x8xf32, #tpu.memory_space<vmem>>)
      %dma_wait3A_253 = arith.constant 2 : i32
      %dma_wait3A_254 = arith.constant 256 : i32
      %dma_wait3A_255 = tpu.memref_slice %arg18[%dma_wait3A_254] : memref<1024xf32, #tpu.memory_space<vmem>> -> memref<128xf32, #tpu.memory_space<vmem>>
      %dma_wait3A_256 = arith.constant 0 : i32
      %dma_wait3A_257 = tpu.memref_slice %arg14[%dma_wait3A_253, %dma_wait3A_256] : memref<8x128xi32, #tpu.memory_space<vmem>> -> memref<1x128xi32, #tpu.memory_space<vmem>>
      %dma_wait3A_258 = tpu.memref_squeeze %dma_wait3A_257 : memref<1x128xi32, #tpu.memory_space<vmem>> -> memref<128xi32, #tpu.memory_space<vmem>>
      %dma_wait3A_259 = arith.constant 0 : i32
      %dma_wait3A_260 = tpu.memref_slice %arg11[%dma_wait3A_259] : memref<100000xf32, #tpu.memory_space<vmem_shared>> -> memref<100000xf32, #tpu.memory_space<vmem_shared>>
      tpu.wait_indirect_dma semaphore(%arg20 : memref<!tpu.dma_semaphore, #tpu.memory_space<semaphore_mem>>) src(%dma_wait3A_260 : memref<100000xf32, #tpu.memory_space<vmem_shared>>) dst(%dma_wait3A_255 : memref<128xf32, #tpu.memory_space<vmem>>)
      %dma_wait3A_261 = arith.constant 3 : i32
      %dma_wait3A_262 = arith.constant 384 : i32
      %dma_wait3A_263 = arith.constant 0 : i32
      %dma_wait3A_264 = tpu.memref_slice %arg16[%dma_wait3A_262, %dma_wait3A_263] : memref<1024x8xf32, #tpu.memory_space<vmem>> -> memref<128x8xf32, #tpu.memory_space<vmem>>
      %dma_wait3A_265 = arith.constant 0 : i32
      %dma_wait3A_266 = tpu.memref_slice %arg13[%dma_wait3A_261, %dma_wait3A_265] : memref<8x128xi32, #tpu.memory_space<vmem>> -> memref<1x128xi32, #tpu.memory_space<vmem>>
      %dma_wait3A_267 = tpu.memref_squeeze %dma_wait3A_266 : memref<1x128xi32, #tpu.memory_space<vmem>> -> memref<128xi32, #tpu.memory_space<vmem>>
      %dma_wait3A_268 = arith.constant 0 : i32
      %dma_wait3A_269 = arith.constant 0 : i32
      %dma_wait3A_270 = tpu.memref_slice %arg10[%dma_wait3A_268, %dma_wait3A_269] : memref<100000x8xf32, #tpu.memory_space<vmem_shared>> -> memref<100000x8xf32, #tpu.memory_space<vmem_shared>>
      tpu.wait_indirect_dma semaphore(%arg19 : memref<!tpu.dma_semaphore, #tpu.memory_space<semaphore_mem>>) src(%dma_wait3A_270 : memref<100000x8xf32, #tpu.memory_space<vmem_shared>>) dst(%dma_wait3A_264 : memref<128x8xf32, #tpu.memory_space<vmem>>)
      %dma_wait3A_271 = arith.constant 3 : i32
      %dma_wait3A_272 = arith.constant 384 : i32
      %dma_wait3A_273 = tpu.memref_slice %arg18[%dma_wait3A_272] : memref<1024xf32, #tpu.memory_space<vmem>> -> memref<128xf32, #tpu.memory_space<vmem>>
      %dma_wait3A_274 = arith.constant 0 : i32
      %dma_wait3A_275 = tpu.memref_slice %arg14[%dma_wait3A_271, %dma_wait3A_274] : memref<8x128xi32, #tpu.memory_space<vmem>> -> memref<1x128xi32, #tpu.memory_space<vmem>>
      %dma_wait3A_276 = tpu.memref_squeeze %dma_wait3A_275 : memref<1x128xi32, #tpu.memory_space<vmem>> -> memref<128xi32, #tpu.memory_space<vmem>>
      %dma_wait3A_277 = arith.constant 0 : i32
      %dma_wait3A_278 = tpu.memref_slice %arg11[%dma_wait3A_277] : memref<100000xf32, #tpu.memory_space<vmem_shared>> -> memref<100000xf32, #tpu.memory_space<vmem_shared>>
      tpu.wait_indirect_dma semaphore(%arg20 : memref<!tpu.dma_semaphore, #tpu.memory_space<semaphore_mem>>) src(%dma_wait3A_278 : memref<100000xf32, #tpu.memory_space<vmem_shared>>) dst(%dma_wait3A_273 : memref<128xf32, #tpu.memory_space<vmem>>)
      %dma_wait3A_279 = arith.constant 4 : i32
      %dma_wait3A_280 = arith.constant 512 : i32
      %dma_wait3A_281 = arith.constant 0 : i32
      %dma_wait3A_282 = tpu.memref_slice %arg16[%dma_wait3A_280, %dma_wait3A_281] : memref<1024x8xf32, #tpu.memory_space<vmem>> -> memref<128x8xf32, #tpu.memory_space<vmem>>
      %dma_wait3A_283 = arith.constant 0 : i32
      %dma_wait3A_284 = tpu.memref_slice %arg13[%dma_wait3A_279, %dma_wait3A_283] : memref<8x128xi32, #tpu.memory_space<vmem>> -> memref<1x128xi32, #tpu.memory_space<vmem>>
      %dma_wait3A_285 = tpu.memref_squeeze %dma_wait3A_284 : memref<1x128xi32, #tpu.memory_space<vmem>> -> memref<128xi32, #tpu.memory_space<vmem>>
      %dma_wait3A_286 = arith.constant 0 : i32
      %dma_wait3A_287 = arith.constant 0 : i32
      %dma_wait3A_288 = tpu.memref_slice %arg10[%dma_wait3A_286, %dma_wait3A_287] : memref<100000x8xf32, #tpu.memory_space<vmem_shared>> -> memref<100000x8xf32, #tpu.memory_space<vmem_shared>>
      tpu.wait_indirect_dma semaphore(%arg19 : memref<!tpu.dma_semaphore, #tpu.memory_space<semaphore_mem>>) src(%dma_wait3A_288 : memref<100000x8xf32, #tpu.memory_space<vmem_shared>>) dst(%dma_wait3A_282 : memref<128x8xf32, #tpu.memory_space<vmem>>)
      %dma_wait3A_289 = arith.constant 4 : i32
      %dma_wait3A_290 = arith.constant 512 : i32
      %dma_wait3A_291 = tpu.memref_slice %arg18[%dma_wait3A_290] : memref<1024xf32, #tpu.memory_space<vmem>> -> memref<128xf32, #tpu.memory_space<vmem>>
      %dma_wait3A_292 = arith.constant 0 : i32
      %dma_wait3A_293 = tpu.memref_slice %arg14[%dma_wait3A_289, %dma_wait3A_292] : memref<8x128xi32, #tpu.memory_space<vmem>> -> memref<1x128xi32, #tpu.memory_space<vmem>>
      %dma_wait3A_294 = tpu.memref_squeeze %dma_wait3A_293 : memref<1x128xi32, #tpu.memory_space<vmem>> -> memref<128xi32, #tpu.memory_space<vmem>>
      %dma_wait3A_295 = arith.constant 0 : i32
      %dma_wait3A_296 = tpu.memref_slice %arg11[%dma_wait3A_295] : memref<100000xf32, #tpu.memory_space<vmem_shared>> -> memref<100000xf32, #tpu.memory_space<vmem_shared>>
      tpu.wait_indirect_dma semaphore(%arg20 : memref<!tpu.dma_semaphore, #tpu.memory_space<semaphore_mem>>) src(%dma_wait3A_296 : memref<100000xf32, #tpu.memory_space<vmem_shared>>) dst(%dma_wait3A_291 : memref<128xf32, #tpu.memory_space<vmem>>)
      %dma_wait3A_297 = arith.constant 5 : i32
      %dma_wait3A_298 = arith.constant 640 : i32
      %dma_wait3A_299 = arith.constant 0 : i32
      %dma_wait3A_300 = tpu.memref_slice %arg16[%dma_wait3A_298, %dma_wait3A_299] : memref<1024x8xf32, #tpu.memory_space<vmem>> -> memref<128x8xf32, #tpu.memory_space<vmem>>
      %dma_wait3A_301 = arith.constant 0 : i32
      %dma_wait3A_302 = tpu.memref_slice %arg13[%dma_wait3A_297, %dma_wait3A_301] : memref<8x128xi32, #tpu.memory_space<vmem>> -> memref<1x128xi32, #tpu.memory_space<vmem>>
      %dma_wait3A_303 = tpu.memref_squeeze %dma_wait3A_302 : memref<1x128xi32, #tpu.memory_space<vmem>> -> memref<128xi32, #tpu.memory_space<vmem>>
      %dma_wait3A_304 = arith.constant 0 : i32
      %dma_wait3A_305 = arith.constant 0 : i32
      %dma_wait3A_306 = tpu.memref_slice %arg10[%dma_wait3A_304, %dma_wait3A_305] : memref<100000x8xf32, #tpu.memory_space<vmem_shared>> -> memref<100000x8xf32, #tpu.memory_space<vmem_shared>>
      tpu.wait_indirect_dma semaphore(%arg19 : memref<!tpu.dma_semaphore, #tpu.memory_space<semaphore_mem>>) src(%dma_wait3A_306 : memref<100000x8xf32, #tpu.memory_space<vmem_shared>>) dst(%dma_wait3A_300 : memref<128x8xf32, #tpu.memory_space<vmem>>)
      %dma_wait3A_307 = arith.constant 5 : i32
      %dma_wait3A_308 = arith.constant 640 : i32
      %dma_wait3A_309 = tpu.memref_slice %arg18[%dma_wait3A_308] : memref<1024xf32, #tpu.memory_space<vmem>> -> memref<128xf32, #tpu.memory_space<vmem>>
      %dma_wait3A_310 = arith.constant 0 : i32
      %dma_wait3A_311 = tpu.memref_slice %arg14[%dma_wait3A_307, %dma_wait3A_310] : memref<8x128xi32, #tpu.memory_space<vmem>> -> memref<1x128xi32, #tpu.memory_space<vmem>>
      %dma_wait3A_312 = tpu.memref_squeeze %dma_wait3A_311 : memref<1x128xi32, #tpu.memory_space<vmem>> -> memref<128xi32, #tpu.memory_space<vmem>>
      %dma_wait3A_313 = arith.constant 0 : i32
      %dma_wait3A_314 = tpu.memref_slice %arg11[%dma_wait3A_313] : memref<100000xf32, #tpu.memory_space<vmem_shared>> -> memref<100000xf32, #tpu.memory_space<vmem_shared>>
      tpu.wait_indirect_dma semaphore(%arg20 : memref<!tpu.dma_semaphore, #tpu.memory_space<semaphore_mem>>) src(%dma_wait3A_314 : memref<100000xf32, #tpu.memory_space<vmem_shared>>) dst(%dma_wait3A_309 : memref<128xf32, #tpu.memory_space<vmem>>)
      %dma_wait3A_315 = arith.constant 6 : i32
      %dma_wait3A_316 = arith.constant 768 : i32
      %dma_wait3A_317 = arith.constant 0 : i32
      %dma_wait3A_318 = tpu.memref_slice %arg16[%dma_wait3A_316, %dma_wait3A_317] : memref<1024x8xf32, #tpu.memory_space<vmem>> -> memref<128x8xf32, #tpu.memory_space<vmem>>
      %dma_wait3A_319 = arith.constant 0 : i32
      %dma_wait3A_320 = tpu.memref_slice %arg13[%dma_wait3A_315, %dma_wait3A_319] : memref<8x128xi32, #tpu.memory_space<vmem>> -> memref<1x128xi32, #tpu.memory_space<vmem>>
      %dma_wait3A_321 = tpu.memref_squeeze %dma_wait3A_320 : memref<1x128xi32, #tpu.memory_space<vmem>> -> memref<128xi32, #tpu.memory_space<vmem>>
      %dma_wait3A_322 = arith.constant 0 : i32
      %dma_wait3A_323 = arith.constant 0 : i32
      %dma_wait3A_324 = tpu.memref_slice %arg10[%dma_wait3A_322, %dma_wait3A_323] : memref<100000x8xf32, #tpu.memory_space<vmem_shared>> -> memref<100000x8xf32, #tpu.memory_space<vmem_shared>>
      tpu.wait_indirect_dma semaphore(%arg19 : memref<!tpu.dma_semaphore, #tpu.memory_space<semaphore_mem>>) src(%dma_wait3A_324 : memref<100000x8xf32, #tpu.memory_space<vmem_shared>>) dst(%dma_wait3A_318 : memref<128x8xf32, #tpu.memory_space<vmem>>)
      %dma_wait3A_325 = arith.constant 6 : i32
      %dma_wait3A_326 = arith.constant 768 : i32
      %dma_wait3A_327 = tpu.memref_slice %arg18[%dma_wait3A_326] : memref<1024xf32, #tpu.memory_space<vmem>> -> memref<128xf32, #tpu.memory_space<vmem>>
      %dma_wait3A_328 = arith.constant 0 : i32
      %dma_wait3A_329 = tpu.memref_slice %arg14[%dma_wait3A_325, %dma_wait3A_328] : memref<8x128xi32, #tpu.memory_space<vmem>> -> memref<1x128xi32, #tpu.memory_space<vmem>>
      %dma_wait3A_330 = tpu.memref_squeeze %dma_wait3A_329 : memref<1x128xi32, #tpu.memory_space<vmem>> -> memref<128xi32, #tpu.memory_space<vmem>>
      %dma_wait3A_331 = arith.constant 0 : i32
      %dma_wait3A_332 = tpu.memref_slice %arg11[%dma_wait3A_331] : memref<100000xf32, #tpu.memory_space<vmem_shared>> -> memref<100000xf32, #tpu.memory_space<vmem_shared>>
      tpu.wait_indirect_dma semaphore(%arg20 : memref<!tpu.dma_semaphore, #tpu.memory_space<semaphore_mem>>) src(%dma_wait3A_332 : memref<100000xf32, #tpu.memory_space<vmem_shared>>) dst(%dma_wait3A_327 : memref<128xf32, #tpu.memory_space<vmem>>)
      %dma_wait3A_333 = arith.constant 7 : i32
      %dma_wait3A_334 = arith.constant 896 : i32
      %dma_wait3A_335 = arith.constant 0 : i32
      %dma_wait3A_336 = tpu.memref_slice %arg16[%dma_wait3A_334, %dma_wait3A_335] : memref<1024x8xf32, #tpu.memory_space<vmem>> -> memref<128x8xf32, #tpu.memory_space<vmem>>
      %dma_wait3A_337 = arith.constant 0 : i32
      %dma_wait3A_338 = tpu.memref_slice %arg13[%dma_wait3A_333, %dma_wait3A_337] : memref<8x128xi32, #tpu.memory_space<vmem>> -> memref<1x128xi32, #tpu.memory_space<vmem>>
      %dma_wait3A_339 = tpu.memref_squeeze %dma_wait3A_338 : memref<1x128xi32, #tpu.memory_space<vmem>> -> memref<128xi32, #tpu.memory_space<vmem>>
      %dma_wait3A_340 = arith.constant 0 : i32
      %dma_wait3A_341 = arith.constant 0 : i32
      %dma_wait3A_342 = tpu.memref_slice %arg10[%dma_wait3A_340, %dma_wait3A_341] : memref<100000x8xf32, #tpu.memory_space<vmem_shared>> -> memref<100000x8xf32, #tpu.memory_space<vmem_shared>>
      tpu.wait_indirect_dma semaphore(%arg19 : memref<!tpu.dma_semaphore, #tpu.memory_space<semaphore_mem>>) src(%dma_wait3A_342 : memref<100000x8xf32, #tpu.memory_space<vmem_shared>>) dst(%dma_wait3A_336 : memref<128x8xf32, #tpu.memory_space<vmem>>)
      %dma_wait3A_343 = arith.constant 7 : i32
      %dma_wait3A_344 = arith.constant 896 : i32
      %dma_wait3A_345 = tpu.memref_slice %arg18[%dma_wait3A_344] : memref<1024xf32, #tpu.memory_space<vmem>> -> memref<128xf32, #tpu.memory_space<vmem>>
      %dma_wait3A_346 = arith.constant 0 : i32
      %dma_wait3A_347 = tpu.memref_slice %arg14[%dma_wait3A_343, %dma_wait3A_346] : memref<8x128xi32, #tpu.memory_space<vmem>> -> memref<1x128xi32, #tpu.memory_space<vmem>>
      %dma_wait3A_348 = tpu.memref_squeeze %dma_wait3A_347 : memref<1x128xi32, #tpu.memory_space<vmem>> -> memref<128xi32, #tpu.memory_space<vmem>>
      %dma_wait3A_349 = arith.constant 0 : i32
      %dma_wait3A_350 = tpu.memref_slice %arg11[%dma_wait3A_349] : memref<100000xf32, #tpu.memory_space<vmem_shared>> -> memref<100000xf32, #tpu.memory_space<vmem_shared>>
      tpu.wait_indirect_dma semaphore(%arg20 : memref<!tpu.dma_semaphore, #tpu.memory_space<semaphore_mem>>) src(%dma_wait3A_350 : memref<100000xf32, #tpu.memory_space<vmem_shared>>) dst(%dma_wait3A_345 : memref<128xf32, #tpu.memory_space<vmem>>)
      %scan3A = arith.constant 0 : i32
      %scan3A_351 = arith.constant 0 : i32
      %scan3A_352 = arith.constant 64 : i32
      %scan3A_353 = arith.addi %scan3A_351, %scan3A_352 : i32
      %scan3A_354 = arith.constant 1 : i32
      scf.for %scan3A_516 = %scan3A_351 to %scan3A_353 step %scan3A_354  : i32 {
        %mul3A_517 = arith.constant 16 : i32
        %mul3A_518 = arith.muli %scan3A_516, %mul3A_517 : i32
        %add3A_519 = vector.broadcast %mul3A_518 : i32 to vector<16xi32>
        %add3A_520 = arith.addi %add3A_519, %iota3A : vector<16xi32>
        %get3A = arith.index_cast %mul3A_518 : i32 to index
        %get3A_521 = tpu.vector_load %arg15[%get3A] {strides = array<i32>} : memref<1024xf32, #tpu.memory_space<vmem>>, vector<16xf32>,
        %get3A_522 = arith.index_cast %mul3A_518 : i32 to index
        %get3A_523 = tpu.vector_load %arg18[%get3A_522] {strides = array<i32>} : memref<1024xf32, #tpu.memory_space<vmem>>, vector<16xf32>,
        %gather3A = tpu.vector_load_idx %arg16[%add3A_520, %broadcast_in_dim3A_14] : memref<1024x8xf32, #tpu.memory_space<vmem>>[vector<16xi32>, vector<16xi32>], vector<16xf32>,
        %add3A_524 = arith.addf %gather3A, %get3A_523 : vector<16xf32>
        %add3A_525 = arith.addf %add3A_524, %get3A_521 : vector<16xf32>
        %ge3A = arith.constant 0.000000e+00 : f32
        %ge3A_526 = vector.broadcast %ge3A : f32 to vector<16xf32>
        %ge3A_527 = arith.cmpf oge, %add3A_525, %ge3A_526 : vector<16xf32>
        %mul3A_528 = arith.constant 2.000000e-01 : f32
        %mul3A_529 = vector.broadcast %mul3A_528 : f32 to vector<16xf32>
        %mul3A_530 = arith.mulf %add3A_525, %mul3A_529 : vector<16xf32>
        %select_n3A_531 = arith.select %ge3A_527, %add3A_525, %mul3A_530 : vector<16xi1>, vector<16xf32>
        %exp3A = math.exp %select_n3A_531 : vector<16xf32>
        %broadcast_in_dim3A_532 = arith.constant 0 : i32
        %broadcast_in_dim3A_533 = vector.broadcast %broadcast_in_dim3A_532 : i32 to vector<16xi32>
        %gather3A_534 = tpu.vector_load_idx %arg16[%add3A_520, %broadcast_in_dim3A_533] : memref<1024x8xf32, #tpu.memory_space<vmem>>[vector<16xi32>, vector<16xi32>], vector<16xf32>,
        %mul3A_535 = arith.mulf %gather3A_534, %exp3A : vector<16xf32>
        tpu.vector_store_idx %arg17[%add3A_520, %broadcast_in_dim3A_533], %mul3A_535 : memref<1024x8xf32, #tpu.memory_space<vmem>>[vector<16xi32>, vector<16xi32>], vector<16xf32>,
        %broadcast_in_dim3A_536 = arith.constant 1 : i32
        %broadcast_in_dim3A_537 = vector.broadcast %broadcast_in_dim3A_536 : i32 to vector<16xi32>
        %gather3A_538 = tpu.vector_load_idx %arg16[%add3A_520, %broadcast_in_dim3A_537] : memref<1024x8xf32, #tpu.memory_space<vmem>>[vector<16xi32>, vector<16xi32>], vector<16xf32>,
        %mul3A_539 = arith.mulf %gather3A_538, %exp3A : vector<16xf32>
        tpu.vector_store_idx %arg17[%add3A_520, %broadcast_in_dim3A_537], %mul3A_539 : memref<1024x8xf32, #tpu.memory_space<vmem>>[vector<16xi32>, vector<16xi32>], vector<16xf32>,
        %broadcast_in_dim3A_540 = arith.constant 2 : i32
        %broadcast_in_dim3A_541 = vector.broadcast %broadcast_in_dim3A_540 : i32 to vector<16xi32>
        %gather3A_542 = tpu.vector_load_idx %arg16[%add3A_520, %broadcast_in_dim3A_541] : memref<1024x8xf32, #tpu.memory_space<vmem>>[vector<16xi32>, vector<16xi32>], vector<16xf32>,
        %mul3A_543 = arith.mulf %gather3A_542, %exp3A : vector<16xf32>
        tpu.vector_store_idx %arg17[%add3A_520, %broadcast_in_dim3A_541], %mul3A_543 : memref<1024x8xf32, #tpu.memory_space<vmem>>[vector<16xi32>, vector<16xi32>], vector<16xf32>,
        %broadcast_in_dim3A_544 = arith.constant 3 : i32
        %broadcast_in_dim3A_545 = vector.broadcast %broadcast_in_dim3A_544 : i32 to vector<16xi32>
        %gather3A_546 = tpu.vector_load_idx %arg16[%add3A_520, %broadcast_in_dim3A_545] : memref<1024x8xf32, #tpu.memory_space<vmem>>[vector<16xi32>, vector<16xi32>], vector<16xf32>,
        %mul3A_547 = arith.mulf %gather3A_546, %exp3A : vector<16xf32>
        tpu.vector_store_idx %arg17[%add3A_520, %broadcast_in_dim3A_545], %mul3A_547 : memref<1024x8xf32, #tpu.memory_space<vmem>>[vector<16xi32>, vector<16xi32>], vector<16xf32>,
        %broadcast_in_dim3A_548 = arith.constant 4 : i32
        %broadcast_in_dim3A_549 = vector.broadcast %broadcast_in_dim3A_548 : i32 to vector<16xi32>
        %gather3A_550 = tpu.vector_load_idx %arg16[%add3A_520, %broadcast_in_dim3A_549] : memref<1024x8xf32, #tpu.memory_space<vmem>>[vector<16xi32>, vector<16xi32>], vector<16xf32>,
        %mul3A_551 = arith.mulf %gather3A_550, %exp3A : vector<16xf32>
        tpu.vector_store_idx %arg17[%add3A_520, %broadcast_in_dim3A_549], %mul3A_551 : memref<1024x8xf32, #tpu.memory_space<vmem>>[vector<16xi32>, vector<16xi32>], vector<16xf32>,
        %broadcast_in_dim3A_552 = arith.constant 5 : i32
        %broadcast_in_dim3A_553 = vector.broadcast %broadcast_in_dim3A_552 : i32 to vector<16xi32>
        %gather3A_554 = tpu.vector_load_idx %arg16[%add3A_520, %broadcast_in_dim3A_553] : memref<1024x8xf32, #tpu.memory_space<vmem>>[vector<16xi32>, vector<16xi32>], vector<16xf32>,
        %mul3A_555 = arith.mulf %gather3A_554, %exp3A : vector<16xf32>
        tpu.vector_store_idx %arg17[%add3A_520, %broadcast_in_dim3A_553], %mul3A_555 : memref<1024x8xf32, #tpu.memory_space<vmem>>[vector<16xi32>, vector<16xi32>], vector<16xf32>,
        tpu.vector_store_idx %arg17[%add3A_520, %broadcast_in_dim3A_14], %exp3A : memref<1024x8xf32, #tpu.memory_space<vmem>>[vector<16xi32>, vector<16xi32>], vector<16xf32>,
        tpu.vector_store_idx %arg17[%add3A_520, %broadcast_in_dim3A_16], %exp3A : memref<1024x8xf32, #tpu.memory_space<vmem>>[vector<16xi32>, vector<16xi32>], vector<16xf32>,
      }
      %scan3A_355 = arith.constant 64 : i32
      %dma_start3A_356 = arith.constant 0 : i32
      %dma_start3A_357 = arith.constant 0 : i32
      %dma_start3A_358 = arith.constant 0 : i32
      %dma_start3A_359 = tpu.memref_slice %arg17[%dma_start3A_357, %dma_start3A_358] : memref<1024x8xf32, #tpu.memory_space<vmem>> -> memref<128x8xf32, #tpu.memory_space<vmem>>
      %dma_start3A_360 = arith.constant 0 : i32
      %dma_start3A_361 = tpu.memref_slice %arg14[%dma_start3A_356, %dma_start3A_360] : memref<8x128xi32, #tpu.memory_space<vmem>> -> memref<1x128xi32, #tpu.memory_space<vmem>>
      %dma_start3A_362 = tpu.memref_squeeze %dma_start3A_361 : memref<1x128xi32, #tpu.memory_space<vmem>> -> memref<128xi32, #tpu.memory_space<vmem>>
      %dma_start3A_363 = arith.constant 0 : i32
      %dma_start3A_364 = arith.constant 0 : i32
      %dma_start3A_365 = tpu.memref_slice %arg12[%dma_start3A_363, %dma_start3A_364] : memref<100000x8xf32, #tpu.memory_space<vmem_shared>> -> memref<100000x8xf32, #tpu.memory_space<vmem_shared>>
      tpu.enqueue_indirect_dma source(%dma_start3A_359 : memref<128x8xf32, #tpu.memory_space<vmem>>) target(%dma_start3A_365 : memref<100000x8xf32, #tpu.memory_space<vmem_shared>>) offsets(%dma_start3A_362 : memref<128xi32, #tpu.memory_space<vmem>>) semaphore(%arg21 : memref<!tpu.dma_semaphore, #tpu.memory_space<semaphore_mem>>) {add = true}
      %dma_start3A_366 = arith.constant 1 : i32
      %dma_start3A_367 = arith.constant 128 : i32
      %dma_start3A_368 = arith.constant 0 : i32
      %dma_start3A_369 = tpu.memref_slice %arg17[%dma_start3A_367, %dma_start3A_368] : memref<1024x8xf32, #tpu.memory_space<vmem>> -> memref<128x8xf32, #tpu.memory_space<vmem>>
      %dma_start3A_370 = arith.constant 0 : i32
      %dma_start3A_371 = tpu.memref_slice %arg14[%dma_start3A_366, %dma_start3A_370] : memref<8x128xi32, #tpu.memory_space<vmem>> -> memref<1x128xi32, #tpu.memory_space<vmem>>
      %dma_start3A_372 = tpu.memref_squeeze %dma_start3A_371 : memref<1x128xi32, #tpu.memory_space<vmem>> -> memref<128xi32, #tpu.memory_space<vmem>>
      %dma_start3A_373 = arith.constant 0 : i32
      %dma_start3A_374 = arith.constant 0 : i32
      %dma_start3A_375 = tpu.memref_slice %arg12[%dma_start3A_373, %dma_start3A_374] : memref<100000x8xf32, #tpu.memory_space<vmem_shared>> -> memref<100000x8xf32, #tpu.memory_space<vmem_shared>>
      tpu.enqueue_indirect_dma source(%dma_start3A_369 : memref<128x8xf32, #tpu.memory_space<vmem>>) target(%dma_start3A_375 : memref<100000x8xf32, #tpu.memory_space<vmem_shared>>) offsets(%dma_start3A_372 : memref<128xi32, #tpu.memory_space<vmem>>) semaphore(%arg21 : memref<!tpu.dma_semaphore, #tpu.memory_space<semaphore_mem>>) {add = true}
      %dma_start3A_376 = arith.constant 2 : i32
      %dma_start3A_377 = arith.constant 256 : i32
      %dma_start3A_378 = arith.constant 0 : i32
      %dma_start3A_379 = tpu.memref_slice %arg17[%dma_start3A_377, %dma_start3A_378] : memref<1024x8xf32, #tpu.memory_space<vmem>> -> memref<128x8xf32, #tpu.memory_space<vmem>>
      %dma_start3A_380 = arith.constant 0 : i32
      %dma_start3A_381 = tpu.memref_slice %arg14[%dma_start3A_376, %dma_start3A_380] : memref<8x128xi32, #tpu.memory_space<vmem>> -> memref<1x128xi32, #tpu.memory_space<vmem>>
      %dma_start3A_382 = tpu.memref_squeeze %dma_start3A_381 : memref<1x128xi32, #tpu.memory_space<vmem>> -> memref<128xi32, #tpu.memory_space<vmem>>
      %dma_start3A_383 = arith.constant 0 : i32
      %dma_start3A_384 = arith.constant 0 : i32
      %dma_start3A_385 = tpu.memref_slice %arg12[%dma_start3A_383, %dma_start3A_384] : memref<100000x8xf32, #tpu.memory_space<vmem_shared>> -> memref<100000x8xf32, #tpu.memory_space<vmem_shared>>
      tpu.enqueue_indirect_dma source(%dma_start3A_379 : memref<128x8xf32, #tpu.memory_space<vmem>>) target(%dma_start3A_385 : memref<100000x8xf32, #tpu.memory_space<vmem_shared>>) offsets(%dma_start3A_382 : memref<128xi32, #tpu.memory_space<vmem>>) semaphore(%arg21 : memref<!tpu.dma_semaphore, #tpu.memory_space<semaphore_mem>>) {add = true}
      %dma_start3A_386 = arith.constant 3 : i32
      %dma_start3A_387 = arith.constant 384 : i32
      %dma_start3A_388 = arith.constant 0 : i32
      %dma_start3A_389 = tpu.memref_slice %arg17[%dma_start3A_387, %dma_start3A_388] : memref<1024x8xf32, #tpu.memory_space<vmem>> -> memref<128x8xf32, #tpu.memory_space<vmem>>
      %dma_start3A_390 = arith.constant 0 : i32
      %dma_start3A_391 = tpu.memref_slice %arg14[%dma_start3A_386, %dma_start3A_390] : memref<8x128xi32, #tpu.memory_space<vmem>> -> memref<1x128xi32, #tpu.memory_space<vmem>>
      %dma_start3A_392 = tpu.memref_squeeze %dma_start3A_391 : memref<1x128xi32, #tpu.memory_space<vmem>> -> memref<128xi32, #tpu.memory_space<vmem>>
      %dma_start3A_393 = arith.constant 0 : i32
      %dma_start3A_394 = arith.constant 0 : i32
      %dma_start3A_395 = tpu.memref_slice %arg12[%dma_start3A_393, %dma_start3A_394] : memref<100000x8xf32, #tpu.memory_space<vmem_shared>> -> memref<100000x8xf32, #tpu.memory_space<vmem_shared>>
      tpu.enqueue_indirect_dma source(%dma_start3A_389 : memref<128x8xf32, #tpu.memory_space<vmem>>) target(%dma_start3A_395 : memref<100000x8xf32, #tpu.memory_space<vmem_shared>>) offsets(%dma_start3A_392 : memref<128xi32, #tpu.memory_space<vmem>>) semaphore(%arg21 : memref<!tpu.dma_semaphore, #tpu.memory_space<semaphore_mem>>) {add = true}
      %dma_start3A_396 = arith.constant 4 : i32
      %dma_start3A_397 = arith.constant 512 : i32
      %dma_start3A_398 = arith.constant 0 : i32
      %dma_start3A_399 = tpu.memref_slice %arg17[%dma_start3A_397, %dma_start3A_398] : memref<1024x8xf32, #tpu.memory_space<vmem>> -> memref<128x8xf32, #tpu.memory_space<vmem>>
      %dma_start3A_400 = arith.constant 0 : i32
      %dma_start3A_401 = tpu.memref_slice %arg14[%dma_start3A_396, %dma_start3A_400] : memref<8x128xi32, #tpu.memory_space<vmem>> -> memref<1x128xi32, #tpu.memory_space<vmem>>
      %dma_start3A_402 = tpu.memref_squeeze %dma_start3A_401 : memref<1x128xi32, #tpu.memory_space<vmem>> -> memref<128xi32, #tpu.memory_space<vmem>>
      %dma_start3A_403 = arith.constant 0 : i32
      %dma_start3A_404 = arith.constant 0 : i32
      %dma_start3A_405 = tpu.memref_slice %arg12[%dma_start3A_403, %dma_start3A_404] : memref<100000x8xf32, #tpu.memory_space<vmem_shared>> -> memref<100000x8xf32, #tpu.memory_space<vmem_shared>>
      tpu.enqueue_indirect_dma source(%dma_start3A_399 : memref<128x8xf32, #tpu.memory_space<vmem>>) target(%dma_start3A_405 : memref<100000x8xf32, #tpu.memory_space<vmem_shared>>) offsets(%dma_start3A_402 : memref<128xi32, #tpu.memory_space<vmem>>) semaphore(%arg21 : memref<!tpu.dma_semaphore, #tpu.memory_space<semaphore_mem>>) {add = true}
      %dma_start3A_406 = arith.constant 5 : i32
      %dma_start3A_407 = arith.constant 640 : i32
      %dma_start3A_408 = arith.constant 0 : i32
      %dma_start3A_409 = tpu.memref_slice %arg17[%dma_start3A_407, %dma_start3A_408] : memref<1024x8xf32, #tpu.memory_space<vmem>> -> memref<128x8xf32, #tpu.memory_space<vmem>>
      %dma_start3A_410 = arith.constant 0 : i32
      %dma_start3A_411 = tpu.memref_slice %arg14[%dma_start3A_406, %dma_start3A_410] : memref<8x128xi32, #tpu.memory_space<vmem>> -> memref<1x128xi32, #tpu.memory_space<vmem>>
      %dma_start3A_412 = tpu.memref_squeeze %dma_start3A_411 : memref<1x128xi32, #tpu.memory_space<vmem>> -> memref<128xi32, #tpu.memory_space<vmem>>
      %dma_start3A_413 = arith.constant 0 : i32
      %dma_start3A_414 = arith.constant 0 : i32
      %dma_start3A_415 = tpu.memref_slice %arg12[%dma_start3A_413, %dma_start3A_414] : memref<100000x8xf32, #tpu.memory_space<vmem_shared>> -> memref<100000x8xf32, #tpu.memory_space<vmem_shared>>
      tpu.enqueue_indirect_dma source(%dma_start3A_409 : memref<128x8xf32, #tpu.memory_space<vmem>>) target(%dma_start3A_415 : memref<100000x8xf32, #tpu.memory_space<vmem_shared>>) offsets(%dma_start3A_412 : memref<128xi32, #tpu.memory_space<vmem>>) semaphore(%arg21 : memref<!tpu.dma_semaphore, #tpu.memory_space<semaphore_mem>>) {add = true}
      %dma_start3A_416 = arith.constant 6 : i32
      %dma_start3A_417 = arith.constant 768 : i32
      %dma_start3A_418 = arith.constant 0 : i32
      %dma_start3A_419 = tpu.memref_slice %arg17[%dma_start3A_417, %dma_start3A_418] : memref<1024x8xf32, #tpu.memory_space<vmem>> -> memref<128x8xf32, #tpu.memory_space<vmem>>
      %dma_start3A_420 = arith.constant 0 : i32
      %dma_start3A_421 = tpu.memref_slice %arg14[%dma_start3A_416, %dma_start3A_420] : memref<8x128xi32, #tpu.memory_space<vmem>> -> memref<1x128xi32, #tpu.memory_space<vmem>>
      %dma_start3A_422 = tpu.memref_squeeze %dma_start3A_421 : memref<1x128xi32, #tpu.memory_space<vmem>> -> memref<128xi32, #tpu.memory_space<vmem>>
      %dma_start3A_423 = arith.constant 0 : i32
      %dma_start3A_424 = arith.constant 0 : i32
      %dma_start3A_425 = tpu.memref_slice %arg12[%dma_start3A_423, %dma_start3A_424] : memref<100000x8xf32, #tpu.memory_space<vmem_shared>> -> memref<100000x8xf32, #tpu.memory_space<vmem_shared>>
      tpu.enqueue_indirect_dma source(%dma_start3A_419 : memref<128x8xf32, #tpu.memory_space<vmem>>) target(%dma_start3A_425 : memref<100000x8xf32, #tpu.memory_space<vmem_shared>>) offsets(%dma_start3A_422 : memref<128xi32, #tpu.memory_space<vmem>>) semaphore(%arg21 : memref<!tpu.dma_semaphore, #tpu.memory_space<semaphore_mem>>) {add = true}
      %dma_start3A_426 = arith.constant 7 : i32
      %dma_start3A_427 = arith.constant 896 : i32
      %dma_start3A_428 = arith.constant 0 : i32
      %dma_start3A_429 = tpu.memref_slice %arg17[%dma_start3A_427, %dma_start3A_428] : memref<1024x8xf32, #tpu.memory_space<vmem>> -> memref<128x8xf32, #tpu.memory_space<vmem>>
      %dma_start3A_430 = arith.constant 0 : i32
      %dma_start3A_431 = tpu.memref_slice %arg14[%dma_start3A_426, %dma_start3A_430] : memref<8x128xi32, #tpu.memory_space<vmem>> -> memref<1x128xi32, #tpu.memory_space<vmem>>
      %dma_start3A_432 = tpu.memref_squeeze %dma_start3A_431 : memref<1x128xi32, #tpu.memory_space<vmem>> -> memref<128xi32, #tpu.memory_space<vmem>>
      %dma_start3A_433 = arith.constant 0 : i32
      %dma_start3A_434 = arith.constant 0 : i32
      %dma_start3A_435 = tpu.memref_slice %arg12[%dma_start3A_433, %dma_start3A_434] : memref<100000x8xf32, #tpu.memory_space<vmem_shared>> -> memref<100000x8xf32, #tpu.memory_space<vmem_shared>>
      tpu.enqueue_indirect_dma source(%dma_start3A_429 : memref<128x8xf32, #tpu.memory_space<vmem>>) target(%dma_start3A_435 : memref<100000x8xf32, #tpu.memory_space<vmem_shared>>) offsets(%dma_start3A_432 : memref<128xi32, #tpu.memory_space<vmem>>) semaphore(%arg21 : memref<!tpu.dma_semaphore, #tpu.memory_space<semaphore_mem>>) {add = true}
      %dma_wait3A_436 = arith.constant 0 : i32
      %dma_wait3A_437 = arith.constant 0 : i32
      %dma_wait3A_438 = arith.constant 0 : i32
      %dma_wait3A_439 = tpu.memref_slice %arg17[%dma_wait3A_437, %dma_wait3A_438] : memref<1024x8xf32, #tpu.memory_space<vmem>> -> memref<128x8xf32, #tpu.memory_space<vmem>>
      %dma_wait3A_440 = arith.constant 0 : i32
      %dma_wait3A_441 = tpu.memref_slice %arg14[%dma_wait3A_436, %dma_wait3A_440] : memref<8x128xi32, #tpu.memory_space<vmem>> -> memref<1x128xi32, #tpu.memory_space<vmem>>
      %dma_wait3A_442 = tpu.memref_squeeze %dma_wait3A_441 : memref<1x128xi32, #tpu.memory_space<vmem>> -> memref<128xi32, #tpu.memory_space<vmem>>
      %dma_wait3A_443 = arith.constant 0 : i32
      %dma_wait3A_444 = arith.constant 0 : i32
      %dma_wait3A_445 = tpu.memref_slice %arg12[%dma_wait3A_443, %dma_wait3A_444] : memref<100000x8xf32, #tpu.memory_space<vmem_shared>> -> memref<100000x8xf32, #tpu.memory_space<vmem_shared>>
      tpu.wait_indirect_dma semaphore(%arg21 : memref<!tpu.dma_semaphore, #tpu.memory_space<semaphore_mem>>) src(%dma_wait3A_439 : memref<128x8xf32, #tpu.memory_space<vmem>>) dst(%dma_wait3A_445 : memref<100000x8xf32, #tpu.memory_space<vmem_shared>>)
      %dma_wait3A_446 = arith.constant 1 : i32
      %dma_wait3A_447 = arith.constant 128 : i32
      %dma_wait3A_448 = arith.constant 0 : i32
      %dma_wait3A_449 = tpu.memref_slice %arg17[%dma_wait3A_447, %dma_wait3A_448] : memref<1024x8xf32, #tpu.memory_space<vmem>> -> memref<128x8xf32, #tpu.memory_space<vmem>>
      %dma_wait3A_450 = arith.constant 0 : i32
      %dma_wait3A_451 = tpu.memref_slice %arg14[%dma_wait3A_446, %dma_wait3A_450] : memref<8x128xi32, #tpu.memory_space<vmem>> -> memref<1x128xi32, #tpu.memory_space<vmem>>
      %dma_wait3A_452 = tpu.memref_squeeze %dma_wait3A_451 : memref<1x128xi32, #tpu.memory_space<vmem>> -> memref<128xi32, #tpu.memory_space<vmem>>
      %dma_wait3A_453 = arith.constant 0 : i32
      %dma_wait3A_454 = arith.constant 0 : i32
      %dma_wait3A_455 = tpu.memref_slice %arg12[%dma_wait3A_453, %dma_wait3A_454] : memref<100000x8xf32, #tpu.memory_space<vmem_shared>> -> memref<100000x8xf32, #tpu.memory_space<vmem_shared>>
      tpu.wait_indirect_dma semaphore(%arg21 : memref<!tpu.dma_semaphore, #tpu.memory_space<semaphore_mem>>) src(%dma_wait3A_449 : memref<128x8xf32, #tpu.memory_space<vmem>>) dst(%dma_wait3A_455 : memref<100000x8xf32, #tpu.memory_space<vmem_shared>>)
      %dma_wait3A_456 = arith.constant 2 : i32
      %dma_wait3A_457 = arith.constant 256 : i32
      %dma_wait3A_458 = arith.constant 0 : i32
      %dma_wait3A_459 = tpu.memref_slice %arg17[%dma_wait3A_457, %dma_wait3A_458] : memref<1024x8xf32, #tpu.memory_space<vmem>> -> memref<128x8xf32, #tpu.memory_space<vmem>>
      %dma_wait3A_460 = arith.constant 0 : i32
      %dma_wait3A_461 = tpu.memref_slice %arg14[%dma_wait3A_456, %dma_wait3A_460] : memref<8x128xi32, #tpu.memory_space<vmem>> -> memref<1x128xi32, #tpu.memory_space<vmem>>
      %dma_wait3A_462 = tpu.memref_squeeze %dma_wait3A_461 : memref<1x128xi32, #tpu.memory_space<vmem>> -> memref<128xi32, #tpu.memory_space<vmem>>
      %dma_wait3A_463 = arith.constant 0 : i32
      %dma_wait3A_464 = arith.constant 0 : i32
      %dma_wait3A_465 = tpu.memref_slice %arg12[%dma_wait3A_463, %dma_wait3A_464] : memref<100000x8xf32, #tpu.memory_space<vmem_shared>> -> memref<100000x8xf32, #tpu.memory_space<vmem_shared>>
      tpu.wait_indirect_dma semaphore(%arg21 : memref<!tpu.dma_semaphore, #tpu.memory_space<semaphore_mem>>) src(%dma_wait3A_459 : memref<128x8xf32, #tpu.memory_space<vmem>>) dst(%dma_wait3A_465 : memref<100000x8xf32, #tpu.memory_space<vmem_shared>>)
      %dma_wait3A_466 = arith.constant 3 : i32
      %dma_wait3A_467 = arith.constant 384 : i32
      %dma_wait3A_468 = arith.constant 0 : i32
      %dma_wait3A_469 = tpu.memref_slice %arg17[%dma_wait3A_467, %dma_wait3A_468] : memref<1024x8xf32, #tpu.memory_space<vmem>> -> memref<128x8xf32, #tpu.memory_space<vmem>>
      %dma_wait3A_470 = arith.constant 0 : i32
      %dma_wait3A_471 = tpu.memref_slice %arg14[%dma_wait3A_466, %dma_wait3A_470] : memref<8x128xi32, #tpu.memory_space<vmem>> -> memref<1x128xi32, #tpu.memory_space<vmem>>
      %dma_wait3A_472 = tpu.memref_squeeze %dma_wait3A_471 : memref<1x128xi32, #tpu.memory_space<vmem>> -> memref<128xi32, #tpu.memory_space<vmem>>
      %dma_wait3A_473 = arith.constant 0 : i32
      %dma_wait3A_474 = arith.constant 0 : i32
      %dma_wait3A_475 = tpu.memref_slice %arg12[%dma_wait3A_473, %dma_wait3A_474] : memref<100000x8xf32, #tpu.memory_space<vmem_shared>> -> memref<100000x8xf32, #tpu.memory_space<vmem_shared>>
      tpu.wait_indirect_dma semaphore(%arg21 : memref<!tpu.dma_semaphore, #tpu.memory_space<semaphore_mem>>) src(%dma_wait3A_469 : memref<128x8xf32, #tpu.memory_space<vmem>>) dst(%dma_wait3A_475 : memref<100000x8xf32, #tpu.memory_space<vmem_shared>>)
      %dma_wait3A_476 = arith.constant 4 : i32
      %dma_wait3A_477 = arith.constant 512 : i32
      %dma_wait3A_478 = arith.constant 0 : i32
      %dma_wait3A_479 = tpu.memref_slice %arg17[%dma_wait3A_477, %dma_wait3A_478] : memref<1024x8xf32, #tpu.memory_space<vmem>> -> memref<128x8xf32, #tpu.memory_space<vmem>>
      %dma_wait3A_480 = arith.constant 0 : i32
      %dma_wait3A_481 = tpu.memref_slice %arg14[%dma_wait3A_476, %dma_wait3A_480] : memref<8x128xi32, #tpu.memory_space<vmem>> -> memref<1x128xi32, #tpu.memory_space<vmem>>
      %dma_wait3A_482 = tpu.memref_squeeze %dma_wait3A_481 : memref<1x128xi32, #tpu.memory_space<vmem>> -> memref<128xi32, #tpu.memory_space<vmem>>
      %dma_wait3A_483 = arith.constant 0 : i32
      %dma_wait3A_484 = arith.constant 0 : i32
      %dma_wait3A_485 = tpu.memref_slice %arg12[%dma_wait3A_483, %dma_wait3A_484] : memref<100000x8xf32, #tpu.memory_space<vmem_shared>> -> memref<100000x8xf32, #tpu.memory_space<vmem_shared>>
      tpu.wait_indirect_dma semaphore(%arg21 : memref<!tpu.dma_semaphore, #tpu.memory_space<semaphore_mem>>) src(%dma_wait3A_479 : memref<128x8xf32, #tpu.memory_space<vmem>>) dst(%dma_wait3A_485 : memref<100000x8xf32, #tpu.memory_space<vmem_shared>>)
      %dma_wait3A_486 = arith.constant 5 : i32
      %dma_wait3A_487 = arith.constant 640 : i32
      %dma_wait3A_488 = arith.constant 0 : i32
      %dma_wait3A_489 = tpu.memref_slice %arg17[%dma_wait3A_487, %dma_wait3A_488] : memref<1024x8xf32, #tpu.memory_space<vmem>> -> memref<128x8xf32, #tpu.memory_space<vmem>>
      %dma_wait3A_490 = arith.constant 0 : i32
      %dma_wait3A_491 = tpu.memref_slice %arg14[%dma_wait3A_486, %dma_wait3A_490] : memref<8x128xi32, #tpu.memory_space<vmem>> -> memref<1x128xi32, #tpu.memory_space<vmem>>
      %dma_wait3A_492 = tpu.memref_squeeze %dma_wait3A_491 : memref<1x128xi32, #tpu.memory_space<vmem>> -> memref<128xi32, #tpu.memory_space<vmem>>
      %dma_wait3A_493 = arith.constant 0 : i32
      %dma_wait3A_494 = arith.constant 0 : i32
      %dma_wait3A_495 = tpu.memref_slice %arg12[%dma_wait3A_493, %dma_wait3A_494] : memref<100000x8xf32, #tpu.memory_space<vmem_shared>> -> memref<100000x8xf32, #tpu.memory_space<vmem_shared>>
      tpu.wait_indirect_dma semaphore(%arg21 : memref<!tpu.dma_semaphore, #tpu.memory_space<semaphore_mem>>) src(%dma_wait3A_489 : memref<128x8xf32, #tpu.memory_space<vmem>>) dst(%dma_wait3A_495 : memref<100000x8xf32, #tpu.memory_space<vmem_shared>>)
      %dma_wait3A_496 = arith.constant 6 : i32
      %dma_wait3A_497 = arith.constant 768 : i32
      %dma_wait3A_498 = arith.constant 0 : i32
      %dma_wait3A_499 = tpu.memref_slice %arg17[%dma_wait3A_497, %dma_wait3A_498] : memref<1024x8xf32, #tpu.memory_space<vmem>> -> memref<128x8xf32, #tpu.memory_space<vmem>>
      %dma_wait3A_500 = arith.constant 0 : i32
      %dma_wait3A_501 = tpu.memref_slice %arg14[%dma_wait3A_496, %dma_wait3A_500] : memref<8x128xi32, #tpu.memory_space<vmem>> -> memref<1x128xi32, #tpu.memory_space<vmem>>
      %dma_wait3A_502 = tpu.memref_squeeze %dma_wait3A_501 : memref<1x128xi32, #tpu.memory_space<vmem>> -> memref<128xi32, #tpu.memory_space<vmem>>
      %dma_wait3A_503 = arith.constant 0 : i32
      %dma_wait3A_504 = arith.constant 0 : i32
      %dma_wait3A_505 = tpu.memref_slice %arg12[%dma_wait3A_503, %dma_wait3A_504] : memref<100000x8xf32, #tpu.memory_space<vmem_shared>> -> memref<100000x8xf32, #tpu.memory_space<vmem_shared>>
      tpu.wait_indirect_dma semaphore(%arg21 : memref<!tpu.dma_semaphore, #tpu.memory_space<semaphore_mem>>) src(%dma_wait3A_499 : memref<128x8xf32, #tpu.memory_space<vmem>>) dst(%dma_wait3A_505 : memref<100000x8xf32, #tpu.memory_space<vmem_shared>>)
      %dma_wait3A_506 = arith.constant 7 : i32
      %dma_wait3A_507 = arith.constant 896 : i32
      %dma_wait3A_508 = arith.constant 0 : i32
      %dma_wait3A_509 = tpu.memref_slice %arg17[%dma_wait3A_507, %dma_wait3A_508] : memref<1024x8xf32, #tpu.memory_space<vmem>> -> memref<128x8xf32, #tpu.memory_space<vmem>>
      %dma_wait3A_510 = arith.constant 0 : i32
      %dma_wait3A_511 = tpu.memref_slice %arg14[%dma_wait3A_506, %dma_wait3A_510] : memref<8x128xi32, #tpu.memory_space<vmem>> -> memref<1x128xi32, #tpu.memory_space<vmem>>
      %dma_wait3A_512 = tpu.memref_squeeze %dma_wait3A_511 : memref<1x128xi32, #tpu.memory_space<vmem>> -> memref<128xi32, #tpu.memory_space<vmem>>
      %dma_wait3A_513 = arith.constant 0 : i32
      %dma_wait3A_514 = arith.constant 0 : i32
      %dma_wait3A_515 = tpu.memref_slice %arg12[%dma_wait3A_513, %dma_wait3A_514] : memref<100000x8xf32, #tpu.memory_space<vmem_shared>> -> memref<100000x8xf32, #tpu.memory_space<vmem_shared>>
      tpu.wait_indirect_dma semaphore(%arg21 : memref<!tpu.dma_semaphore, #tpu.memory_space<semaphore_mem>>) src(%dma_wait3A_509 : memref<128x8xf32, #tpu.memory_space<vmem>>) dst(%dma_wait3A_515 : memref<100000x8xf32, #tpu.memory_space<vmem_shared>>)
    }
    %while3A_28 = arith.constant 1 : i32
    scf.for %while3A_61 = %while3A_26 to %while3A_22 step %while3A_28  : i32 {
      %mul3A_62 = arith.constant 32 : i32
      %mul3A_63 = arith.muli %while3A_61, %mul3A_62 : i32
      %add3A_64 = arith.addi %add3A, %mul3A_63 : i32
      "tpu.region"() ({
        %run_scoped3A = tpu.sem_alloc : memref<!tpu.dma_semaphore, #tpu.memory_space<semaphore_mem>>
        %dma_start3A_516 = arith.constant 0 : i32
        %dma_start3A_517 = arith.constant 0 : i32
        %dma_start3A_518 = tpu.memref_slice %arg2[%add3A_64, %dma_start3A_516, %dma_start3A_517] : memref<3125x8x128xi32, #tpu.memory_space<hbm>> -> memref<1x8x128xi32, #tpu.memory_space<hbm>>
        %dma_start3A_519 = tpu.memref_squeeze %dma_start3A_518 : memref<1x8x128xi32, #tpu.memory_space<hbm>> -> memref<8x128xi32, #tpu.memory_space<hbm>>
        %dma_start3A_520 = arith.constant 0 : i32
        %dma_start3A_521 = arith.constant 0 : i32
        %dma_start3A_522 = tpu.memref_slice %arg2[%add3A_64, %dma_start3A_520, %dma_start3A_521] : memref<3125x8x128xi32, #tpu.memory_space<hbm>> -> memref<1x8x128xi32, #tpu.memory_space<hbm>>
        %dma_start3A_523 = tpu.memref_squeeze %dma_start3A_522 : memref<1x8x128xi32, #tpu.memory_space<hbm>> -> memref<8x128xi32, #tpu.memory_space<hbm>>
        tpu.enqueue_dma source(%dma_start3A_523 : memref<8x128xi32, #tpu.memory_space<hbm>>) target(%arg13 : memref<8x128xi32, #tpu.memory_space<vmem>>) target_semaphore(%run_scoped3A : memref<!tpu.dma_semaphore, #tpu.memory_space<semaphore_mem>>)
        %dma_wait3A_524 = arith.constant 0 : i32
        %dma_wait3A_525 = arith.constant 0 : i32
        %dma_wait3A_526 = tpu.memref_slice %arg2[%add3A_64, %dma_wait3A_524, %dma_wait3A_525] : memref<3125x8x128xi32, #tpu.memory_space<hbm>> -> memref<1x8x128xi32, #tpu.memory_space<hbm>>
        %dma_wait3A_527 = tpu.memref_squeeze %dma_wait3A_526 : memref<1x8x128xi32, #tpu.memory_space<hbm>> -> memref<8x128xi32, #tpu.memory_space<hbm>>
        %dma_wait3A_528 = arith.constant 0 : i32
        %dma_wait3A_529 = arith.constant 0 : i32
        %dma_wait3A_530 = tpu.memref_slice %arg2[%add3A_64, %dma_wait3A_528, %dma_wait3A_529] : memref<3125x8x128xi32, #tpu.memory_space<hbm>> -> memref<1x8x128xi32, #tpu.memory_space<hbm>>
        %dma_wait3A_531 = tpu.memref_squeeze %dma_wait3A_530 : memref<1x8x128xi32, #tpu.memory_space<hbm>> -> memref<8x128xi32, #tpu.memory_space<hbm>>
        tpu.wait_dma2 semaphore(%run_scoped3A : memref<!tpu.dma_semaphore, #tpu.memory_space<semaphore_mem>>) src(%dma_wait3A_531 : memref<8x128xi32, #tpu.memory_space<hbm>>) dst(%arg13 : memref<8x128xi32, #tpu.memory_space<vmem>>)
        tpu.yield
      }) : () -> ()
      "tpu.region"() ({
        %run_scoped3A = tpu.sem_alloc : memref<!tpu.dma_semaphore, #tpu.memory_space<semaphore_mem>>
        %dma_start3A_516 = arith.constant 0 : i32
        %dma_start3A_517 = arith.constant 0 : i32
        %dma_start3A_518 = tpu.memref_slice %arg3[%add3A_64, %dma_start3A_516, %dma_start3A_517] : memref<3125x8x128xi32, #tpu.memory_space<hbm>> -> memref<1x8x128xi32, #tpu.memory_space<hbm>>
        %dma_start3A_519 = tpu.memref_squeeze %dma_start3A_518 : memref<1x8x128xi32, #tpu.memory_space<hbm>> -> memref<8x128xi32, #tpu.memory_space<hbm>>
        %dma_start3A_520 = arith.constant 0 : i32
        %dma_start3A_521 = arith.constant 0 : i32
        %dma_start3A_522 = tpu.memref_slice %arg3[%add3A_64, %dma_start3A_520, %dma_start3A_521] : memref<3125x8x128xi32, #tpu.memory_space<hbm>> -> memref<1x8x128xi32, #tpu.memory_space<hbm>>
        %dma_start3A_523 = tpu.memref_squeeze %dma_start3A_522 : memref<1x8x128xi32, #tpu.memory_space<hbm>> -> memref<8x128xi32, #tpu.memory_space<hbm>>
        tpu.enqueue_dma source(%dma_start3A_523 : memref<8x128xi32, #tpu.memory_space<hbm>>) target(%arg14 : memref<8x128xi32, #tpu.memory_space<vmem>>) target_semaphore(%run_scoped3A : memref<!tpu.dma_semaphore, #tpu.memory_space<semaphore_mem>>)
        %dma_wait3A_524 = arith.constant 0 : i32
        %dma_wait3A_525 = arith.constant 0 : i32
        %dma_wait3A_526 = tpu.memref_slice %arg3[%add3A_64, %dma_wait3A_524, %dma_wait3A_525] : memref<3125x8x128xi32, #tpu.memory_space<hbm>> -> memref<1x8x128xi32, #tpu.memory_space<hbm>>
        %dma_wait3A_527 = tpu.memref_squeeze %dma_wait3A_526 : memref<1x8x128xi32, #tpu.memory_space<hbm>> -> memref<8x128xi32, #tpu.memory_space<hbm>>
        %dma_wait3A_528 = arith.constant 0 : i32
        %dma_wait3A_529 = arith.constant 0 : i32
        %dma_wait3A_530 = tpu.memref_slice %arg3[%add3A_64, %dma_wait3A_528, %dma_wait3A_529] : memref<3125x8x128xi32, #tpu.memory_space<hbm>> -> memref<1x8x128xi32, #tpu.memory_space<hbm>>
        %dma_wait3A_531 = tpu.memref_squeeze %dma_wait3A_530 : memref<1x8x128xi32, #tpu.memory_space<hbm>> -> memref<8x128xi32, #tpu.memory_space<hbm>>
        tpu.wait_dma2 semaphore(%run_scoped3A : memref<!tpu.dma_semaphore, #tpu.memory_space<semaphore_mem>>) src(%dma_wait3A_531 : memref<8x128xi32, #tpu.memory_space<hbm>>) dst(%arg14 : memref<8x128xi32, #tpu.memory_space<vmem>>)
        tpu.yield
      }) : () -> ()
      "tpu.region"() ({
        %run_scoped3A = tpu.sem_alloc : memref<!tpu.dma_semaphore, #tpu.memory_space<semaphore_mem>>
        %dma_start3A_516 = arith.constant 0 : i32
        %dma_start3A_517 = tpu.memref_slice %arg4[%add3A_64, %dma_start3A_516] : memref<3125x1024xf32, #tpu.memory_space<hbm>> -> memref<1x1024xf32, #tpu.memory_space<hbm>>
        %dma_start3A_518 = tpu.memref_squeeze %dma_start3A_517 : memref<1x1024xf32, #tpu.memory_space<hbm>> -> memref<1024xf32, #tpu.memory_space<hbm>>
        %dma_start3A_519 = arith.constant 0 : i32
        %dma_start3A_520 = tpu.memref_slice %arg4[%add3A_64, %dma_start3A_519] : memref<3125x1024xf32, #tpu.memory_space<hbm>> -> memref<1x1024xf32, #tpu.memory_space<hbm>>
        %dma_start3A_521 = tpu.memref_squeeze %dma_start3A_520 : memref<1x1024xf32, #tpu.memory_space<hbm>> -> memref<1024xf32, #tpu.memory_space<hbm>>
        tpu.enqueue_dma source(%dma_start3A_521 : memref<1024xf32, #tpu.memory_space<hbm>>) target(%arg15 : memref<1024xf32, #tpu.memory_space<vmem>>) target_semaphore(%run_scoped3A : memref<!tpu.dma_semaphore, #tpu.memory_space<semaphore_mem>>)
        %dma_wait3A_522 = arith.constant 0 : i32
        %dma_wait3A_523 = tpu.memref_slice %arg4[%add3A_64, %dma_wait3A_522] : memref<3125x1024xf32, #tpu.memory_space<hbm>> -> memref<1x1024xf32, #tpu.memory_space<hbm>>
        %dma_wait3A_524 = tpu.memref_squeeze %dma_wait3A_523 : memref<1x1024xf32, #tpu.memory_space<hbm>> -> memref<1024xf32, #tpu.memory_space<hbm>>
        %dma_wait3A_525 = arith.constant 0 : i32
        %dma_wait3A_526 = tpu.memref_slice %arg4[%add3A_64, %dma_wait3A_525] : memref<3125x1024xf32, #tpu.memory_space<hbm>> -> memref<1x1024xf32, #tpu.memory_space<hbm>>
        %dma_wait3A_527 = tpu.memref_squeeze %dma_wait3A_526 : memref<1x1024xf32, #tpu.memory_space<hbm>> -> memref<1024xf32, #tpu.memory_space<hbm>>
        tpu.wait_dma2 semaphore(%run_scoped3A : memref<!tpu.dma_semaphore, #tpu.memory_space<semaphore_mem>>) src(%dma_wait3A_527 : memref<1024xf32, #tpu.memory_space<hbm>>) dst(%arg15 : memref<1024xf32, #tpu.memory_space<vmem>>)
        tpu.yield
      }) : () -> ()
      %dma_start3A = arith.constant 0 : i32
      %dma_start3A_65 = arith.constant 0 : i32
      %dma_start3A_66 = arith.constant 0 : i32
      %dma_start3A_67 = tpu.memref_slice %arg16[%dma_start3A_65, %dma_start3A_66] : memref<1024x8xf32, #tpu.memory_space<vmem>> -> memref<128x8xf32, #tpu.memory_space<vmem>>
      %dma_start3A_68 = arith.constant 0 : i32
      %dma_start3A_69 = tpu.memref_slice %arg13[%dma_start3A, %dma_start3A_68] : memref<8x128xi32, #tpu.memory_space<vmem>> -> memref<1x128xi32, #tpu.memory_space<vmem>>
      %dma_start3A_70 = tpu.memref_squeeze %dma_start3A_69 : memref<1x128xi32, #tpu.memory_space<vmem>> -> memref<128xi32, #tpu.memory_space<vmem>>
      %dma_start3A_71 = arith.constant 0 : i32
      %dma_start3A_72 = arith.constant 0 : i32
      %dma_start3A_73 = tpu.memref_slice %arg10[%dma_start3A_71, %dma_start3A_72] : memref<100000x8xf32, #tpu.memory_space<vmem_shared>> -> memref<100000x8xf32, #tpu.memory_space<vmem_shared>>
      tpu.enqueue_indirect_dma source(%dma_start3A_73 : memref<100000x8xf32, #tpu.memory_space<vmem_shared>>) target(%dma_start3A_67 : memref<128x8xf32, #tpu.memory_space<vmem>>) offsets(%dma_start3A_70 : memref<128xi32, #tpu.memory_space<vmem>>) semaphore(%arg19 : memref<!tpu.dma_semaphore, #tpu.memory_space<semaphore_mem>>)
      %dma_start3A_74 = arith.constant 0 : i32
      %dma_start3A_75 = arith.constant 0 : i32
      %dma_start3A_76 = tpu.memref_slice %arg18[%dma_start3A_75] : memref<1024xf32, #tpu.memory_space<vmem>> -> memref<128xf32, #tpu.memory_space<vmem>>
      %dma_start3A_77 = arith.constant 0 : i32
      %dma_start3A_78 = tpu.memref_slice %arg14[%dma_start3A_74, %dma_start3A_77] : memref<8x128xi32, #tpu.memory_space<vmem>> -> memref<1x128xi32, #tpu.memory_space<vmem>>
      %dma_start3A_79 = tpu.memref_squeeze %dma_start3A_78 : memref<1x128xi32, #tpu.memory_space<vmem>> -> memref<128xi32, #tpu.memory_space<vmem>>
      %dma_start3A_80 = arith.constant 0 : i32
      %dma_start3A_81 = tpu.memref_slice %arg11[%dma_start3A_80] : memref<100000xf32, #tpu.memory_space<vmem_shared>> -> memref<100000xf32, #tpu.memory_space<vmem_shared>>
      tpu.enqueue_indirect_dma source(%dma_start3A_81 : memref<100000xf32, #tpu.memory_space<vmem_shared>>) target(%dma_start3A_76 : memref<128xf32, #tpu.memory_space<vmem>>) offsets(%dma_start3A_79 : memref<128xi32, #tpu.memory_space<vmem>>) semaphore(%arg20 : memref<!tpu.dma_semaphore, #tpu.memory_space<semaphore_mem>>)
      %dma_start3A_82 = arith.constant 1 : i32
      %dma_start3A_83 = arith.constant 128 : i32
      %dma_start3A_84 = arith.constant 0 : i32
      %dma_start3A_85 = tpu.memref_slice %arg16[%dma_start3A_83, %dma_start3A_84] : memref<1024x8xf32, #tpu.memory_space<vmem>> -> memref<128x8xf32, #tpu.memory_space<vmem>>
      %dma_start3A_86 = arith.constant 0 : i32
      %dma_start3A_87 = tpu.memref_slice %arg13[%dma_start3A_82, %dma_start3A_86] : memref<8x128xi32, #tpu.memory_space<vmem>> -> memref<1x128xi32, #tpu.memory_space<vmem>>
      %dma_start3A_88 = tpu.memref_squeeze %dma_start3A_87 : memref<1x128xi32, #tpu.memory_space<vmem>> -> memref<128xi32, #tpu.memory_space<vmem>>
      %dma_start3A_89 = arith.constant 0 : i32
      %dma_start3A_90 = arith.constant 0 : i32
      %dma_start3A_91 = tpu.memref_slice %arg10[%dma_start3A_89, %dma_start3A_90] : memref<100000x8xf32, #tpu.memory_space<vmem_shared>> -> memref<100000x8xf32, #tpu.memory_space<vmem_shared>>
      tpu.enqueue_indirect_dma source(%dma_start3A_91 : memref<100000x8xf32, #tpu.memory_space<vmem_shared>>) target(%dma_start3A_85 : memref<128x8xf32, #tpu.memory_space<vmem>>) offsets(%dma_start3A_88 : memref<128xi32, #tpu.memory_space<vmem>>) semaphore(%arg19 : memref<!tpu.dma_semaphore, #tpu.memory_space<semaphore_mem>>)
      %dma_start3A_92 = arith.constant 1 : i32
      %dma_start3A_93 = arith.constant 128 : i32
      %dma_start3A_94 = tpu.memref_slice %arg18[%dma_start3A_93] : memref<1024xf32, #tpu.memory_space<vmem>> -> memref<128xf32, #tpu.memory_space<vmem>>
      %dma_start3A_95 = arith.constant 0 : i32
      %dma_start3A_96 = tpu.memref_slice %arg14[%dma_start3A_92, %dma_start3A_95] : memref<8x128xi32, #tpu.memory_space<vmem>> -> memref<1x128xi32, #tpu.memory_space<vmem>>
      %dma_start3A_97 = tpu.memref_squeeze %dma_start3A_96 : memref<1x128xi32, #tpu.memory_space<vmem>> -> memref<128xi32, #tpu.memory_space<vmem>>
      %dma_start3A_98 = arith.constant 0 : i32
      %dma_start3A_99 = tpu.memref_slice %arg11[%dma_start3A_98] : memref<100000xf32, #tpu.memory_space<vmem_shared>> -> memref<100000xf32, #tpu.memory_space<vmem_shared>>
      tpu.enqueue_indirect_dma source(%dma_start3A_99 : memref<100000xf32, #tpu.memory_space<vmem_shared>>) target(%dma_start3A_94 : memref<128xf32, #tpu.memory_space<vmem>>) offsets(%dma_start3A_97 : memref<128xi32, #tpu.memory_space<vmem>>) semaphore(%arg20 : memref<!tpu.dma_semaphore, #tpu.memory_space<semaphore_mem>>)
      %dma_start3A_100 = arith.constant 2 : i32
      %dma_start3A_101 = arith.constant 256 : i32
      %dma_start3A_102 = arith.constant 0 : i32
      %dma_start3A_103 = tpu.memref_slice %arg16[%dma_start3A_101, %dma_start3A_102] : memref<1024x8xf32, #tpu.memory_space<vmem>> -> memref<128x8xf32, #tpu.memory_space<vmem>>
      %dma_start3A_104 = arith.constant 0 : i32
      %dma_start3A_105 = tpu.memref_slice %arg13[%dma_start3A_100, %dma_start3A_104] : memref<8x128xi32, #tpu.memory_space<vmem>> -> memref<1x128xi32, #tpu.memory_space<vmem>>
      %dma_start3A_106 = tpu.memref_squeeze %dma_start3A_105 : memref<1x128xi32, #tpu.memory_space<vmem>> -> memref<128xi32, #tpu.memory_space<vmem>>
      %dma_start3A_107 = arith.constant 0 : i32
      %dma_start3A_108 = arith.constant 0 : i32
      %dma_start3A_109 = tpu.memref_slice %arg10[%dma_start3A_107, %dma_start3A_108] : memref<100000x8xf32, #tpu.memory_space<vmem_shared>> -> memref<100000x8xf32, #tpu.memory_space<vmem_shared>>
      tpu.enqueue_indirect_dma source(%dma_start3A_109 : memref<100000x8xf32, #tpu.memory_space<vmem_shared>>) target(%dma_start3A_103 : memref<128x8xf32, #tpu.memory_space<vmem>>) offsets(%dma_start3A_106 : memref<128xi32, #tpu.memory_space<vmem>>) semaphore(%arg19 : memref<!tpu.dma_semaphore, #tpu.memory_space<semaphore_mem>>)
      %dma_start3A_110 = arith.constant 2 : i32
      %dma_start3A_111 = arith.constant 256 : i32
      %dma_start3A_112 = tpu.memref_slice %arg18[%dma_start3A_111] : memref<1024xf32, #tpu.memory_space<vmem>> -> memref<128xf32, #tpu.memory_space<vmem>>
      %dma_start3A_113 = arith.constant 0 : i32
      %dma_start3A_114 = tpu.memref_slice %arg14[%dma_start3A_110, %dma_start3A_113] : memref<8x128xi32, #tpu.memory_space<vmem>> -> memref<1x128xi32, #tpu.memory_space<vmem>>
      %dma_start3A_115 = tpu.memref_squeeze %dma_start3A_114 : memref<1x128xi32, #tpu.memory_space<vmem>> -> memref<128xi32, #tpu.memory_space<vmem>>
      %dma_start3A_116 = arith.constant 0 : i32
      %dma_start3A_117 = tpu.memref_slice %arg11[%dma_start3A_116] : memref<100000xf32, #tpu.memory_space<vmem_shared>> -> memref<100000xf32, #tpu.memory_space<vmem_shared>>
      tpu.enqueue_indirect_dma source(%dma_start3A_117 : memref<100000xf32, #tpu.memory_space<vmem_shared>>) target(%dma_start3A_112 : memref<128xf32, #tpu.memory_space<vmem>>) offsets(%dma_start3A_115 : memref<128xi32, #tpu.memory_space<vmem>>) semaphore(%arg20 : memref<!tpu.dma_semaphore, #tpu.memory_space<semaphore_mem>>)
      %dma_start3A_118 = arith.constant 3 : i32
      %dma_start3A_119 = arith.constant 384 : i32
      %dma_start3A_120 = arith.constant 0 : i32
      %dma_start3A_121 = tpu.memref_slice %arg16[%dma_start3A_119, %dma_start3A_120] : memref<1024x8xf32, #tpu.memory_space<vmem>> -> memref<128x8xf32, #tpu.memory_space<vmem>>
      %dma_start3A_122 = arith.constant 0 : i32
      %dma_start3A_123 = tpu.memref_slice %arg13[%dma_start3A_118, %dma_start3A_122] : memref<8x128xi32, #tpu.memory_space<vmem>> -> memref<1x128xi32, #tpu.memory_space<vmem>>
      %dma_start3A_124 = tpu.memref_squeeze %dma_start3A_123 : memref<1x128xi32, #tpu.memory_space<vmem>> -> memref<128xi32, #tpu.memory_space<vmem>>
      %dma_start3A_125 = arith.constant 0 : i32
      %dma_start3A_126 = arith.constant 0 : i32
      %dma_start3A_127 = tpu.memref_slice %arg10[%dma_start3A_125, %dma_start3A_126] : memref<100000x8xf32, #tpu.memory_space<vmem_shared>> -> memref<100000x8xf32, #tpu.memory_space<vmem_shared>>
      tpu.enqueue_indirect_dma source(%dma_start3A_127 : memref<100000x8xf32, #tpu.memory_space<vmem_shared>>) target(%dma_start3A_121 : memref<128x8xf32, #tpu.memory_space<vmem>>) offsets(%dma_start3A_124 : memref<128xi32, #tpu.memory_space<vmem>>) semaphore(%arg19 : memref<!tpu.dma_semaphore, #tpu.memory_space<semaphore_mem>>)
      %dma_start3A_128 = arith.constant 3 : i32
      %dma_start3A_129 = arith.constant 384 : i32
      %dma_start3A_130 = tpu.memref_slice %arg18[%dma_start3A_129] : memref<1024xf32, #tpu.memory_space<vmem>> -> memref<128xf32, #tpu.memory_space<vmem>>
      %dma_start3A_131 = arith.constant 0 : i32
      %dma_start3A_132 = tpu.memref_slice %arg14[%dma_start3A_128, %dma_start3A_131] : memref<8x128xi32, #tpu.memory_space<vmem>> -> memref<1x128xi32, #tpu.memory_space<vmem>>
      %dma_start3A_133 = tpu.memref_squeeze %dma_start3A_132 : memref<1x128xi32, #tpu.memory_space<vmem>> -> memref<128xi32, #tpu.memory_space<vmem>>
      %dma_start3A_134 = arith.constant 0 : i32
      %dma_start3A_135 = tpu.memref_slice %arg11[%dma_start3A_134] : memref<100000xf32, #tpu.memory_space<vmem_shared>> -> memref<100000xf32, #tpu.memory_space<vmem_shared>>
      tpu.enqueue_indirect_dma source(%dma_start3A_135 : memref<100000xf32, #tpu.memory_space<vmem_shared>>) target(%dma_start3A_130 : memref<128xf32, #tpu.memory_space<vmem>>) offsets(%dma_start3A_133 : memref<128xi32, #tpu.memory_space<vmem>>) semaphore(%arg20 : memref<!tpu.dma_semaphore, #tpu.memory_space<semaphore_mem>>)
      %dma_start3A_136 = arith.constant 4 : i32
      %dma_start3A_137 = arith.constant 512 : i32
      %dma_start3A_138 = arith.constant 0 : i32
      %dma_start3A_139 = tpu.memref_slice %arg16[%dma_start3A_137, %dma_start3A_138] : memref<1024x8xf32, #tpu.memory_space<vmem>> -> memref<128x8xf32, #tpu.memory_space<vmem>>
      %dma_start3A_140 = arith.constant 0 : i32
      %dma_start3A_141 = tpu.memref_slice %arg13[%dma_start3A_136, %dma_start3A_140] : memref<8x128xi32, #tpu.memory_space<vmem>> -> memref<1x128xi32, #tpu.memory_space<vmem>>
      %dma_start3A_142 = tpu.memref_squeeze %dma_start3A_141 : memref<1x128xi32, #tpu.memory_space<vmem>> -> memref<128xi32, #tpu.memory_space<vmem>>
      %dma_start3A_143 = arith.constant 0 : i32
      %dma_start3A_144 = arith.constant 0 : i32
      %dma_start3A_145 = tpu.memref_slice %arg10[%dma_start3A_143, %dma_start3A_144] : memref<100000x8xf32, #tpu.memory_space<vmem_shared>> -> memref<100000x8xf32, #tpu.memory_space<vmem_shared>>
      tpu.enqueue_indirect_dma source(%dma_start3A_145 : memref<100000x8xf32, #tpu.memory_space<vmem_shared>>) target(%dma_start3A_139 : memref<128x8xf32, #tpu.memory_space<vmem>>) offsets(%dma_start3A_142 : memref<128xi32, #tpu.memory_space<vmem>>) semaphore(%arg19 : memref<!tpu.dma_semaphore, #tpu.memory_space<semaphore_mem>>)
      %dma_start3A_146 = arith.constant 4 : i32
      %dma_start3A_147 = arith.constant 512 : i32
      %dma_start3A_148 = tpu.memref_slice %arg18[%dma_start3A_147] : memref<1024xf32, #tpu.memory_space<vmem>> -> memref<128xf32, #tpu.memory_space<vmem>>
      %dma_start3A_149 = arith.constant 0 : i32
      %dma_start3A_150 = tpu.memref_slice %arg14[%dma_start3A_146, %dma_start3A_149] : memref<8x128xi32, #tpu.memory_space<vmem>> -> memref<1x128xi32, #tpu.memory_space<vmem>>
      %dma_start3A_151 = tpu.memref_squeeze %dma_start3A_150 : memref<1x128xi32, #tpu.memory_space<vmem>> -> memref<128xi32, #tpu.memory_space<vmem>>
      %dma_start3A_152 = arith.constant 0 : i32
      %dma_start3A_153 = tpu.memref_slice %arg11[%dma_start3A_152] : memref<100000xf32, #tpu.memory_space<vmem_shared>> -> memref<100000xf32, #tpu.memory_space<vmem_shared>>
      tpu.enqueue_indirect_dma source(%dma_start3A_153 : memref<100000xf32, #tpu.memory_space<vmem_shared>>) target(%dma_start3A_148 : memref<128xf32, #tpu.memory_space<vmem>>) offsets(%dma_start3A_151 : memref<128xi32, #tpu.memory_space<vmem>>) semaphore(%arg20 : memref<!tpu.dma_semaphore, #tpu.memory_space<semaphore_mem>>)
      %dma_start3A_154 = arith.constant 5 : i32
      %dma_start3A_155 = arith.constant 640 : i32
      %dma_start3A_156 = arith.constant 0 : i32
      %dma_start3A_157 = tpu.memref_slice %arg16[%dma_start3A_155, %dma_start3A_156] : memref<1024x8xf32, #tpu.memory_space<vmem>> -> memref<128x8xf32, #tpu.memory_space<vmem>>
      %dma_start3A_158 = arith.constant 0 : i32
      %dma_start3A_159 = tpu.memref_slice %arg13[%dma_start3A_154, %dma_start3A_158] : memref<8x128xi32, #tpu.memory_space<vmem>> -> memref<1x128xi32, #tpu.memory_space<vmem>>
      %dma_start3A_160 = tpu.memref_squeeze %dma_start3A_159 : memref<1x128xi32, #tpu.memory_space<vmem>> -> memref<128xi32, #tpu.memory_space<vmem>>
      %dma_start3A_161 = arith.constant 0 : i32
      %dma_start3A_162 = arith.constant 0 : i32
      %dma_start3A_163 = tpu.memref_slice %arg10[%dma_start3A_161, %dma_start3A_162] : memref<100000x8xf32, #tpu.memory_space<vmem_shared>> -> memref<100000x8xf32, #tpu.memory_space<vmem_shared>>
      tpu.enqueue_indirect_dma source(%dma_start3A_163 : memref<100000x8xf32, #tpu.memory_space<vmem_shared>>) target(%dma_start3A_157 : memref<128x8xf32, #tpu.memory_space<vmem>>) offsets(%dma_start3A_160 : memref<128xi32, #tpu.memory_space<vmem>>) semaphore(%arg19 : memref<!tpu.dma_semaphore, #tpu.memory_space<semaphore_mem>>)
      %dma_start3A_164 = arith.constant 5 : i32
      %dma_start3A_165 = arith.constant 640 : i32
      %dma_start3A_166 = tpu.memref_slice %arg18[%dma_start3A_165] : memref<1024xf32, #tpu.memory_space<vmem>> -> memref<128xf32, #tpu.memory_space<vmem>>
      %dma_start3A_167 = arith.constant 0 : i32
      %dma_start3A_168 = tpu.memref_slice %arg14[%dma_start3A_164, %dma_start3A_167] : memref<8x128xi32, #tpu.memory_space<vmem>> -> memref<1x128xi32, #tpu.memory_space<vmem>>
      %dma_start3A_169 = tpu.memref_squeeze %dma_start3A_168 : memref<1x128xi32, #tpu.memory_space<vmem>> -> memref<128xi32, #tpu.memory_space<vmem>>
      %dma_start3A_170 = arith.constant 0 : i32
      %dma_start3A_171 = tpu.memref_slice %arg11[%dma_start3A_170] : memref<100000xf32, #tpu.memory_space<vmem_shared>> -> memref<100000xf32, #tpu.memory_space<vmem_shared>>
      tpu.enqueue_indirect_dma source(%dma_start3A_171 : memref<100000xf32, #tpu.memory_space<vmem_shared>>) target(%dma_start3A_166 : memref<128xf32, #tpu.memory_space<vmem>>) offsets(%dma_start3A_169 : memref<128xi32, #tpu.memory_space<vmem>>) semaphore(%arg20 : memref<!tpu.dma_semaphore, #tpu.memory_space<semaphore_mem>>)
      %dma_start3A_172 = arith.constant 6 : i32
      %dma_start3A_173 = arith.constant 768 : i32
      %dma_start3A_174 = arith.constant 0 : i32
      %dma_start3A_175 = tpu.memref_slice %arg16[%dma_start3A_173, %dma_start3A_174] : memref<1024x8xf32, #tpu.memory_space<vmem>> -> memref<128x8xf32, #tpu.memory_space<vmem>>
      %dma_start3A_176 = arith.constant 0 : i32
      %dma_start3A_177 = tpu.memref_slice %arg13[%dma_start3A_172, %dma_start3A_176] : memref<8x128xi32, #tpu.memory_space<vmem>> -> memref<1x128xi32, #tpu.memory_space<vmem>>
      %dma_start3A_178 = tpu.memref_squeeze %dma_start3A_177 : memref<1x128xi32, #tpu.memory_space<vmem>> -> memref<128xi32, #tpu.memory_space<vmem>>
      %dma_start3A_179 = arith.constant 0 : i32
      %dma_start3A_180 = arith.constant 0 : i32
      %dma_start3A_181 = tpu.memref_slice %arg10[%dma_start3A_179, %dma_start3A_180] : memref<100000x8xf32, #tpu.memory_space<vmem_shared>> -> memref<100000x8xf32, #tpu.memory_space<vmem_shared>>
      tpu.enqueue_indirect_dma source(%dma_start3A_181 : memref<100000x8xf32, #tpu.memory_space<vmem_shared>>) target(%dma_start3A_175 : memref<128x8xf32, #tpu.memory_space<vmem>>) offsets(%dma_start3A_178 : memref<128xi32, #tpu.memory_space<vmem>>) semaphore(%arg19 : memref<!tpu.dma_semaphore, #tpu.memory_space<semaphore_mem>>)
      %dma_start3A_182 = arith.constant 6 : i32
      %dma_start3A_183 = arith.constant 768 : i32
      %dma_start3A_184 = tpu.memref_slice %arg18[%dma_start3A_183] : memref<1024xf32, #tpu.memory_space<vmem>> -> memref<128xf32, #tpu.memory_space<vmem>>
      %dma_start3A_185 = arith.constant 0 : i32
      %dma_start3A_186 = tpu.memref_slice %arg14[%dma_start3A_182, %dma_start3A_185] : memref<8x128xi32, #tpu.memory_space<vmem>> -> memref<1x128xi32, #tpu.memory_space<vmem>>
      %dma_start3A_187 = tpu.memref_squeeze %dma_start3A_186 : memref<1x128xi32, #tpu.memory_space<vmem>> -> memref<128xi32, #tpu.memory_space<vmem>>
      %dma_start3A_188 = arith.constant 0 : i32
      %dma_start3A_189 = tpu.memref_slice %arg11[%dma_start3A_188] : memref<100000xf32, #tpu.memory_space<vmem_shared>> -> memref<100000xf32, #tpu.memory_space<vmem_shared>>
      tpu.enqueue_indirect_dma source(%dma_start3A_189 : memref<100000xf32, #tpu.memory_space<vmem_shared>>) target(%dma_start3A_184 : memref<128xf32, #tpu.memory_space<vmem>>) offsets(%dma_start3A_187 : memref<128xi32, #tpu.memory_space<vmem>>) semaphore(%arg20 : memref<!tpu.dma_semaphore, #tpu.memory_space<semaphore_mem>>)
      %dma_start3A_190 = arith.constant 7 : i32
      %dma_start3A_191 = arith.constant 896 : i32
      %dma_start3A_192 = arith.constant 0 : i32
      %dma_start3A_193 = tpu.memref_slice %arg16[%dma_start3A_191, %dma_start3A_192] : memref<1024x8xf32, #tpu.memory_space<vmem>> -> memref<128x8xf32, #tpu.memory_space<vmem>>
      %dma_start3A_194 = arith.constant 0 : i32
      %dma_start3A_195 = tpu.memref_slice %arg13[%dma_start3A_190, %dma_start3A_194] : memref<8x128xi32, #tpu.memory_space<vmem>> -> memref<1x128xi32, #tpu.memory_space<vmem>>
      %dma_start3A_196 = tpu.memref_squeeze %dma_start3A_195 : memref<1x128xi32, #tpu.memory_space<vmem>> -> memref<128xi32, #tpu.memory_space<vmem>>
      %dma_start3A_197 = arith.constant 0 : i32
      %dma_start3A_198 = arith.constant 0 : i32
      %dma_start3A_199 = tpu.memref_slice %arg10[%dma_start3A_197, %dma_start3A_198] : memref<100000x8xf32, #tpu.memory_space<vmem_shared>> -> memref<100000x8xf32, #tpu.memory_space<vmem_shared>>
      tpu.enqueue_indirect_dma source(%dma_start3A_199 : memref<100000x8xf32, #tpu.memory_space<vmem_shared>>) target(%dma_start3A_193 : memref<128x8xf32, #tpu.memory_space<vmem>>) offsets(%dma_start3A_196 : memref<128xi32, #tpu.memory_space<vmem>>) semaphore(%arg19 : memref<!tpu.dma_semaphore, #tpu.memory_space<semaphore_mem>>)
      %dma_start3A_200 = arith.constant 7 : i32
      %dma_start3A_201 = arith.constant 896 : i32
      %dma_start3A_202 = tpu.memref_slice %arg18[%dma_start3A_201] : memref<1024xf32, #tpu.memory_space<vmem>> -> memref<128xf32, #tpu.memory_space<vmem>>
      %dma_start3A_203 = arith.constant 0 : i32
      %dma_start3A_204 = tpu.memref_slice %arg14[%dma_start3A_200, %dma_start3A_203] : memref<8x128xi32, #tpu.memory_space<vmem>> -> memref<1x128xi32, #tpu.memory_space<vmem>>
      %dma_start3A_205 = tpu.memref_squeeze %dma_start3A_204 : memref<1x128xi32, #tpu.memory_space<vmem>> -> memref<128xi32, #tpu.memory_space<vmem>>
      %dma_start3A_206 = arith.constant 0 : i32
      %dma_start3A_207 = tpu.memref_slice %arg11[%dma_start3A_206] : memref<100000xf32, #tpu.memory_space<vmem_shared>> -> memref<100000xf32, #tpu.memory_space<vmem_shared>>
      tpu.enqueue_indirect_dma source(%dma_start3A_207 : memref<100000xf32, #tpu.memory_space<vmem_shared>>) target(%dma_start3A_202 : memref<128xf32, #tpu.memory_space<vmem>>) offsets(%dma_start3A_205 : memref<128xi32, #tpu.memory_space<vmem>>) semaphore(%arg20 : memref<!tpu.dma_semaphore, #tpu.memory_space<semaphore_mem>>)
      %dma_wait3A = arith.constant 0 : i32
      %dma_wait3A_208 = arith.constant 0 : i32
      %dma_wait3A_209 = arith.constant 0 : i32
      %dma_wait3A_210 = tpu.memref_slice %arg16[%dma_wait3A_208, %dma_wait3A_209] : memref<1024x8xf32, #tpu.memory_space<vmem>> -> memref<128x8xf32, #tpu.memory_space<vmem>>
      %dma_wait3A_211 = arith.constant 0 : i32
      %dma_wait3A_212 = tpu.memref_slice %arg13[%dma_wait3A, %dma_wait3A_211] : memref<8x128xi32, #tpu.memory_space<vmem>> -> memref<1x128xi32, #tpu.memory_space<vmem>>
      %dma_wait3A_213 = tpu.memref_squeeze %dma_wait3A_212 : memref<1x128xi32, #tpu.memory_space<vmem>> -> memref<128xi32, #tpu.memory_space<vmem>>
      %dma_wait3A_214 = arith.constant 0 : i32
      %dma_wait3A_215 = arith.constant 0 : i32
      %dma_wait3A_216 = tpu.memref_slice %arg10[%dma_wait3A_214, %dma_wait3A_215] : memref<100000x8xf32, #tpu.memory_space<vmem_shared>> -> memref<100000x8xf32, #tpu.memory_space<vmem_shared>>
      tpu.wait_indirect_dma semaphore(%arg19 : memref<!tpu.dma_semaphore, #tpu.memory_space<semaphore_mem>>) src(%dma_wait3A_216 : memref<100000x8xf32, #tpu.memory_space<vmem_shared>>) dst(%dma_wait3A_210 : memref<128x8xf32, #tpu.memory_space<vmem>>)
      %dma_wait3A_217 = arith.constant 0 : i32
      %dma_wait3A_218 = arith.constant 0 : i32
      %dma_wait3A_219 = tpu.memref_slice %arg18[%dma_wait3A_218] : memref<1024xf32, #tpu.memory_space<vmem>> -> memref<128xf32, #tpu.memory_space<vmem>>
      %dma_wait3A_220 = arith.constant 0 : i32
      %dma_wait3A_221 = tpu.memref_slice %arg14[%dma_wait3A_217, %dma_wait3A_220] : memref<8x128xi32, #tpu.memory_space<vmem>> -> memref<1x128xi32, #tpu.memory_space<vmem>>
      %dma_wait3A_222 = tpu.memref_squeeze %dma_wait3A_221 : memref<1x128xi32, #tpu.memory_space<vmem>> -> memref<128xi32, #tpu.memory_space<vmem>>
      %dma_wait3A_223 = arith.constant 0 : i32
      %dma_wait3A_224 = tpu.memref_slice %arg11[%dma_wait3A_223] : memref<100000xf32, #tpu.memory_space<vmem_shared>> -> memref<100000xf32, #tpu.memory_space<vmem_shared>>
      tpu.wait_indirect_dma semaphore(%arg20 : memref<!tpu.dma_semaphore, #tpu.memory_space<semaphore_mem>>) src(%dma_wait3A_224 : memref<100000xf32, #tpu.memory_space<vmem_shared>>) dst(%dma_wait3A_219 : memref<128xf32, #tpu.memory_space<vmem>>)
      %dma_wait3A_225 = arith.constant 1 : i32
      %dma_wait3A_226 = arith.constant 128 : i32
      %dma_wait3A_227 = arith.constant 0 : i32
      %dma_wait3A_228 = tpu.memref_slice %arg16[%dma_wait3A_226, %dma_wait3A_227] : memref<1024x8xf32, #tpu.memory_space<vmem>> -> memref<128x8xf32, #tpu.memory_space<vmem>>
      %dma_wait3A_229 = arith.constant 0 : i32
      %dma_wait3A_230 = tpu.memref_slice %arg13[%dma_wait3A_225, %dma_wait3A_229] : memref<8x128xi32, #tpu.memory_space<vmem>> -> memref<1x128xi32, #tpu.memory_space<vmem>>
      %dma_wait3A_231 = tpu.memref_squeeze %dma_wait3A_230 : memref<1x128xi32, #tpu.memory_space<vmem>> -> memref<128xi32, #tpu.memory_space<vmem>>
      %dma_wait3A_232 = arith.constant 0 : i32
      %dma_wait3A_233 = arith.constant 0 : i32
      %dma_wait3A_234 = tpu.memref_slice %arg10[%dma_wait3A_232, %dma_wait3A_233] : memref<100000x8xf32, #tpu.memory_space<vmem_shared>> -> memref<100000x8xf32, #tpu.memory_space<vmem_shared>>
      tpu.wait_indirect_dma semaphore(%arg19 : memref<!tpu.dma_semaphore, #tpu.memory_space<semaphore_mem>>) src(%dma_wait3A_234 : memref<100000x8xf32, #tpu.memory_space<vmem_shared>>) dst(%dma_wait3A_228 : memref<128x8xf32, #tpu.memory_space<vmem>>)
      %dma_wait3A_235 = arith.constant 1 : i32
      %dma_wait3A_236 = arith.constant 128 : i32
      %dma_wait3A_237 = tpu.memref_slice %arg18[%dma_wait3A_236] : memref<1024xf32, #tpu.memory_space<vmem>> -> memref<128xf32, #tpu.memory_space<vmem>>
      %dma_wait3A_238 = arith.constant 0 : i32
      %dma_wait3A_239 = tpu.memref_slice %arg14[%dma_wait3A_235, %dma_wait3A_238] : memref<8x128xi32, #tpu.memory_space<vmem>> -> memref<1x128xi32, #tpu.memory_space<vmem>>
      %dma_wait3A_240 = tpu.memref_squeeze %dma_wait3A_239 : memref<1x128xi32, #tpu.memory_space<vmem>> -> memref<128xi32, #tpu.memory_space<vmem>>
      %dma_wait3A_241 = arith.constant 0 : i32
      %dma_wait3A_242 = tpu.memref_slice %arg11[%dma_wait3A_241] : memref<100000xf32, #tpu.memory_space<vmem_shared>> -> memref<100000xf32, #tpu.memory_space<vmem_shared>>
      tpu.wait_indirect_dma semaphore(%arg20 : memref<!tpu.dma_semaphore, #tpu.memory_space<semaphore_mem>>) src(%dma_wait3A_242 : memref<100000xf32, #tpu.memory_space<vmem_shared>>) dst(%dma_wait3A_237 : memref<128xf32, #tpu.memory_space<vmem>>)
      %dma_wait3A_243 = arith.constant 2 : i32
      %dma_wait3A_244 = arith.constant 256 : i32
      %dma_wait3A_245 = arith.constant 0 : i32
      %dma_wait3A_246 = tpu.memref_slice %arg16[%dma_wait3A_244, %dma_wait3A_245] : memref<1024x8xf32, #tpu.memory_space<vmem>> -> memref<128x8xf32, #tpu.memory_space<vmem>>
      %dma_wait3A_247 = arith.constant 0 : i32
      %dma_wait3A_248 = tpu.memref_slice %arg13[%dma_wait3A_243, %dma_wait3A_247] : memref<8x128xi32, #tpu.memory_space<vmem>> -> memref<1x128xi32, #tpu.memory_space<vmem>>
      %dma_wait3A_249 = tpu.memref_squeeze %dma_wait3A_248 : memref<1x128xi32, #tpu.memory_space<vmem>> -> memref<128xi32, #tpu.memory_space<vmem>>
      %dma_wait3A_250 = arith.constant 0 : i32
      %dma_wait3A_251 = arith.constant 0 : i32
      %dma_wait3A_252 = tpu.memref_slice %arg10[%dma_wait3A_250, %dma_wait3A_251] : memref<100000x8xf32, #tpu.memory_space<vmem_shared>> -> memref<100000x8xf32, #tpu.memory_space<vmem_shared>>
      tpu.wait_indirect_dma semaphore(%arg19 : memref<!tpu.dma_semaphore, #tpu.memory_space<semaphore_mem>>) src(%dma_wait3A_252 : memref<100000x8xf32, #tpu.memory_space<vmem_shared>>) dst(%dma_wait3A_246 : memref<128x8xf32, #tpu.memory_space<vmem>>)
      %dma_wait3A_253 = arith.constant 2 : i32
      %dma_wait3A_254 = arith.constant 256 : i32
      %dma_wait3A_255 = tpu.memref_slice %arg18[%dma_wait3A_254] : memref<1024xf32, #tpu.memory_space<vmem>> -> memref<128xf32, #tpu.memory_space<vmem>>
      %dma_wait3A_256 = arith.constant 0 : i32
      %dma_wait3A_257 = tpu.memref_slice %arg14[%dma_wait3A_253, %dma_wait3A_256] : memref<8x128xi32, #tpu.memory_space<vmem>> -> memref<1x128xi32, #tpu.memory_space<vmem>>
      %dma_wait3A_258 = tpu.memref_squeeze %dma_wait3A_257 : memref<1x128xi32, #tpu.memory_space<vmem>> -> memref<128xi32, #tpu.memory_space<vmem>>
      %dma_wait3A_259 = arith.constant 0 : i32
      %dma_wait3A_260 = tpu.memref_slice %arg11[%dma_wait3A_259] : memref<100000xf32, #tpu.memory_space<vmem_shared>> -> memref<100000xf32, #tpu.memory_space<vmem_shared>>
      tpu.wait_indirect_dma semaphore(%arg20 : memref<!tpu.dma_semaphore, #tpu.memory_space<semaphore_mem>>) src(%dma_wait3A_260 : memref<100000xf32, #tpu.memory_space<vmem_shared>>) dst(%dma_wait3A_255 : memref<128xf32, #tpu.memory_space<vmem>>)
      %dma_wait3A_261 = arith.constant 3 : i32
      %dma_wait3A_262 = arith.constant 384 : i32
      %dma_wait3A_263 = arith.constant 0 : i32
      %dma_wait3A_264 = tpu.memref_slice %arg16[%dma_wait3A_262, %dma_wait3A_263] : memref<1024x8xf32, #tpu.memory_space<vmem>> -> memref<128x8xf32, #tpu.memory_space<vmem>>
      %dma_wait3A_265 = arith.constant 0 : i32
      %dma_wait3A_266 = tpu.memref_slice %arg13[%dma_wait3A_261, %dma_wait3A_265] : memref<8x128xi32, #tpu.memory_space<vmem>> -> memref<1x128xi32, #tpu.memory_space<vmem>>
      %dma_wait3A_267 = tpu.memref_squeeze %dma_wait3A_266 : memref<1x128xi32, #tpu.memory_space<vmem>> -> memref<128xi32, #tpu.memory_space<vmem>>
      %dma_wait3A_268 = arith.constant 0 : i32
      %dma_wait3A_269 = arith.constant 0 : i32
      %dma_wait3A_270 = tpu.memref_slice %arg10[%dma_wait3A_268, %dma_wait3A_269] : memref<100000x8xf32, #tpu.memory_space<vmem_shared>> -> memref<100000x8xf32, #tpu.memory_space<vmem_shared>>
      tpu.wait_indirect_dma semaphore(%arg19 : memref<!tpu.dma_semaphore, #tpu.memory_space<semaphore_mem>>) src(%dma_wait3A_270 : memref<100000x8xf32, #tpu.memory_space<vmem_shared>>) dst(%dma_wait3A_264 : memref<128x8xf32, #tpu.memory_space<vmem>>)
      %dma_wait3A_271 = arith.constant 3 : i32
      %dma_wait3A_272 = arith.constant 384 : i32
      %dma_wait3A_273 = tpu.memref_slice %arg18[%dma_wait3A_272] : memref<1024xf32, #tpu.memory_space<vmem>> -> memref<128xf32, #tpu.memory_space<vmem>>
      %dma_wait3A_274 = arith.constant 0 : i32
      %dma_wait3A_275 = tpu.memref_slice %arg14[%dma_wait3A_271, %dma_wait3A_274] : memref<8x128xi32, #tpu.memory_space<vmem>> -> memref<1x128xi32, #tpu.memory_space<vmem>>
      %dma_wait3A_276 = tpu.memref_squeeze %dma_wait3A_275 : memref<1x128xi32, #tpu.memory_space<vmem>> -> memref<128xi32, #tpu.memory_space<vmem>>
      %dma_wait3A_277 = arith.constant 0 : i32
      %dma_wait3A_278 = tpu.memref_slice %arg11[%dma_wait3A_277] : memref<100000xf32, #tpu.memory_space<vmem_shared>> -> memref<100000xf32, #tpu.memory_space<vmem_shared>>
      tpu.wait_indirect_dma semaphore(%arg20 : memref<!tpu.dma_semaphore, #tpu.memory_space<semaphore_mem>>) src(%dma_wait3A_278 : memref<100000xf32, #tpu.memory_space<vmem_shared>>) dst(%dma_wait3A_273 : memref<128xf32, #tpu.memory_space<vmem>>)
      %dma_wait3A_279 = arith.constant 4 : i32
      %dma_wait3A_280 = arith.constant 512 : i32
      %dma_wait3A_281 = arith.constant 0 : i32
      %dma_wait3A_282 = tpu.memref_slice %arg16[%dma_wait3A_280, %dma_wait3A_281] : memref<1024x8xf32, #tpu.memory_space<vmem>> -> memref<128x8xf32, #tpu.memory_space<vmem>>
      %dma_wait3A_283 = arith.constant 0 : i32
      %dma_wait3A_284 = tpu.memref_slice %arg13[%dma_wait3A_279, %dma_wait3A_283] : memref<8x128xi32, #tpu.memory_space<vmem>> -> memref<1x128xi32, #tpu.memory_space<vmem>>
      %dma_wait3A_285 = tpu.memref_squeeze %dma_wait3A_284 : memref<1x128xi32, #tpu.memory_space<vmem>> -> memref<128xi32, #tpu.memory_space<vmem>>
      %dma_wait3A_286 = arith.constant 0 : i32
      %dma_wait3A_287 = arith.constant 0 : i32
      %dma_wait3A_288 = tpu.memref_slice %arg10[%dma_wait3A_286, %dma_wait3A_287] : memref<100000x8xf32, #tpu.memory_space<vmem_shared>> -> memref<100000x8xf32, #tpu.memory_space<vmem_shared>>
      tpu.wait_indirect_dma semaphore(%arg19 : memref<!tpu.dma_semaphore, #tpu.memory_space<semaphore_mem>>) src(%dma_wait3A_288 : memref<100000x8xf32, #tpu.memory_space<vmem_shared>>) dst(%dma_wait3A_282 : memref<128x8xf32, #tpu.memory_space<vmem>>)
      %dma_wait3A_289 = arith.constant 4 : i32
      %dma_wait3A_290 = arith.constant 512 : i32
      %dma_wait3A_291 = tpu.memref_slice %arg18[%dma_wait3A_290] : memref<1024xf32, #tpu.memory_space<vmem>> -> memref<128xf32, #tpu.memory_space<vmem>>
      %dma_wait3A_292 = arith.constant 0 : i32
      %dma_wait3A_293 = tpu.memref_slice %arg14[%dma_wait3A_289, %dma_wait3A_292] : memref<8x128xi32, #tpu.memory_space<vmem>> -> memref<1x128xi32, #tpu.memory_space<vmem>>
      %dma_wait3A_294 = tpu.memref_squeeze %dma_wait3A_293 : memref<1x128xi32, #tpu.memory_space<vmem>> -> memref<128xi32, #tpu.memory_space<vmem>>
      %dma_wait3A_295 = arith.constant 0 : i32
      %dma_wait3A_296 = tpu.memref_slice %arg11[%dma_wait3A_295] : memref<100000xf32, #tpu.memory_space<vmem_shared>> -> memref<100000xf32, #tpu.memory_space<vmem_shared>>
      tpu.wait_indirect_dma semaphore(%arg20 : memref<!tpu.dma_semaphore, #tpu.memory_space<semaphore_mem>>) src(%dma_wait3A_296 : memref<100000xf32, #tpu.memory_space<vmem_shared>>) dst(%dma_wait3A_291 : memref<128xf32, #tpu.memory_space<vmem>>)
      %dma_wait3A_297 = arith.constant 5 : i32
      %dma_wait3A_298 = arith.constant 640 : i32
      %dma_wait3A_299 = arith.constant 0 : i32
      %dma_wait3A_300 = tpu.memref_slice %arg16[%dma_wait3A_298, %dma_wait3A_299] : memref<1024x8xf32, #tpu.memory_space<vmem>> -> memref<128x8xf32, #tpu.memory_space<vmem>>
      %dma_wait3A_301 = arith.constant 0 : i32
      %dma_wait3A_302 = tpu.memref_slice %arg13[%dma_wait3A_297, %dma_wait3A_301] : memref<8x128xi32, #tpu.memory_space<vmem>> -> memref<1x128xi32, #tpu.memory_space<vmem>>
      %dma_wait3A_303 = tpu.memref_squeeze %dma_wait3A_302 : memref<1x128xi32, #tpu.memory_space<vmem>> -> memref<128xi32, #tpu.memory_space<vmem>>
      %dma_wait3A_304 = arith.constant 0 : i32
      %dma_wait3A_305 = arith.constant 0 : i32
      %dma_wait3A_306 = tpu.memref_slice %arg10[%dma_wait3A_304, %dma_wait3A_305] : memref<100000x8xf32, #tpu.memory_space<vmem_shared>> -> memref<100000x8xf32, #tpu.memory_space<vmem_shared>>
      tpu.wait_indirect_dma semaphore(%arg19 : memref<!tpu.dma_semaphore, #tpu.memory_space<semaphore_mem>>) src(%dma_wait3A_306 : memref<100000x8xf32, #tpu.memory_space<vmem_shared>>) dst(%dma_wait3A_300 : memref<128x8xf32, #tpu.memory_space<vmem>>)
      %dma_wait3A_307 = arith.constant 5 : i32
      %dma_wait3A_308 = arith.constant 640 : i32
      %dma_wait3A_309 = tpu.memref_slice %arg18[%dma_wait3A_308] : memref<1024xf32, #tpu.memory_space<vmem>> -> memref<128xf32, #tpu.memory_space<vmem>>
      %dma_wait3A_310 = arith.constant 0 : i32
      %dma_wait3A_311 = tpu.memref_slice %arg14[%dma_wait3A_307, %dma_wait3A_310] : memref<8x128xi32, #tpu.memory_space<vmem>> -> memref<1x128xi32, #tpu.memory_space<vmem>>
      %dma_wait3A_312 = tpu.memref_squeeze %dma_wait3A_311 : memref<1x128xi32, #tpu.memory_space<vmem>> -> memref<128xi32, #tpu.memory_space<vmem>>
      %dma_wait3A_313 = arith.constant 0 : i32
      %dma_wait3A_314 = tpu.memref_slice %arg11[%dma_wait3A_313] : memref<100000xf32, #tpu.memory_space<vmem_shared>> -> memref<100000xf32, #tpu.memory_space<vmem_shared>>
      tpu.wait_indirect_dma semaphore(%arg20 : memref<!tpu.dma_semaphore, #tpu.memory_space<semaphore_mem>>) src(%dma_wait3A_314 : memref<100000xf32, #tpu.memory_space<vmem_shared>>) dst(%dma_wait3A_309 : memref<128xf32, #tpu.memory_space<vmem>>)
      %dma_wait3A_315 = arith.constant 6 : i32
      %dma_wait3A_316 = arith.constant 768 : i32
      %dma_wait3A_317 = arith.constant 0 : i32
      %dma_wait3A_318 = tpu.memref_slice %arg16[%dma_wait3A_316, %dma_wait3A_317] : memref<1024x8xf32, #tpu.memory_space<vmem>> -> memref<128x8xf32, #tpu.memory_space<vmem>>
      %dma_wait3A_319 = arith.constant 0 : i32
      %dma_wait3A_320 = tpu.memref_slice %arg13[%dma_wait3A_315, %dma_wait3A_319] : memref<8x128xi32, #tpu.memory_space<vmem>> -> memref<1x128xi32, #tpu.memory_space<vmem>>
      %dma_wait3A_321 = tpu.memref_squeeze %dma_wait3A_320 : memref<1x128xi32, #tpu.memory_space<vmem>> -> memref<128xi32, #tpu.memory_space<vmem>>
      %dma_wait3A_322 = arith.constant 0 : i32
      %dma_wait3A_323 = arith.constant 0 : i32
      %dma_wait3A_324 = tpu.memref_slice %arg10[%dma_wait3A_322, %dma_wait3A_323] : memref<100000x8xf32, #tpu.memory_space<vmem_shared>> -> memref<100000x8xf32, #tpu.memory_space<vmem_shared>>
      tpu.wait_indirect_dma semaphore(%arg19 : memref<!tpu.dma_semaphore, #tpu.memory_space<semaphore_mem>>) src(%dma_wait3A_324 : memref<100000x8xf32, #tpu.memory_space<vmem_shared>>) dst(%dma_wait3A_318 : memref<128x8xf32, #tpu.memory_space<vmem>>)
      %dma_wait3A_325 = arith.constant 6 : i32
      %dma_wait3A_326 = arith.constant 768 : i32
      %dma_wait3A_327 = tpu.memref_slice %arg18[%dma_wait3A_326] : memref<1024xf32, #tpu.memory_space<vmem>> -> memref<128xf32, #tpu.memory_space<vmem>>
      %dma_wait3A_328 = arith.constant 0 : i32
      %dma_wait3A_329 = tpu.memref_slice %arg14[%dma_wait3A_325, %dma_wait3A_328] : memref<8x128xi32, #tpu.memory_space<vmem>> -> memref<1x128xi32, #tpu.memory_space<vmem>>
      %dma_wait3A_330 = tpu.memref_squeeze %dma_wait3A_329 : memref<1x128xi32, #tpu.memory_space<vmem>> -> memref<128xi32, #tpu.memory_space<vmem>>
      %dma_wait3A_331 = arith.constant 0 : i32
      %dma_wait3A_332 = tpu.memref_slice %arg11[%dma_wait3A_331] : memref<100000xf32, #tpu.memory_space<vmem_shared>> -> memref<100000xf32, #tpu.memory_space<vmem_shared>>
      tpu.wait_indirect_dma semaphore(%arg20 : memref<!tpu.dma_semaphore, #tpu.memory_space<semaphore_mem>>) src(%dma_wait3A_332 : memref<100000xf32, #tpu.memory_space<vmem_shared>>) dst(%dma_wait3A_327 : memref<128xf32, #tpu.memory_space<vmem>>)
      %dma_wait3A_333 = arith.constant 7 : i32
      %dma_wait3A_334 = arith.constant 896 : i32
      %dma_wait3A_335 = arith.constant 0 : i32
      %dma_wait3A_336 = tpu.memref_slice %arg16[%dma_wait3A_334, %dma_wait3A_335] : memref<1024x8xf32, #tpu.memory_space<vmem>> -> memref<128x8xf32, #tpu.memory_space<vmem>>
      %dma_wait3A_337 = arith.constant 0 : i32
      %dma_wait3A_338 = tpu.memref_slice %arg13[%dma_wait3A_333, %dma_wait3A_337] : memref<8x128xi32, #tpu.memory_space<vmem>> -> memref<1x128xi32, #tpu.memory_space<vmem>>
      %dma_wait3A_339 = tpu.memref_squeeze %dma_wait3A_338 : memref<1x128xi32, #tpu.memory_space<vmem>> -> memref<128xi32, #tpu.memory_space<vmem>>
      %dma_wait3A_340 = arith.constant 0 : i32
      %dma_wait3A_341 = arith.constant 0 : i32
      %dma_wait3A_342 = tpu.memref_slice %arg10[%dma_wait3A_340, %dma_wait3A_341] : memref<100000x8xf32, #tpu.memory_space<vmem_shared>> -> memref<100000x8xf32, #tpu.memory_space<vmem_shared>>
      tpu.wait_indirect_dma semaphore(%arg19 : memref<!tpu.dma_semaphore, #tpu.memory_space<semaphore_mem>>) src(%dma_wait3A_342 : memref<100000x8xf32, #tpu.memory_space<vmem_shared>>) dst(%dma_wait3A_336 : memref<128x8xf32, #tpu.memory_space<vmem>>)
      %dma_wait3A_343 = arith.constant 7 : i32
      %dma_wait3A_344 = arith.constant 896 : i32
      %dma_wait3A_345 = tpu.memref_slice %arg18[%dma_wait3A_344] : memref<1024xf32, #tpu.memory_space<vmem>> -> memref<128xf32, #tpu.memory_space<vmem>>
      %dma_wait3A_346 = arith.constant 0 : i32
      %dma_wait3A_347 = tpu.memref_slice %arg14[%dma_wait3A_343, %dma_wait3A_346] : memref<8x128xi32, #tpu.memory_space<vmem>> -> memref<1x128xi32, #tpu.memory_space<vmem>>
      %dma_wait3A_348 = tpu.memref_squeeze %dma_wait3A_347 : memref<1x128xi32, #tpu.memory_space<vmem>> -> memref<128xi32, #tpu.memory_space<vmem>>
      %dma_wait3A_349 = arith.constant 0 : i32
      %dma_wait3A_350 = tpu.memref_slice %arg11[%dma_wait3A_349] : memref<100000xf32, #tpu.memory_space<vmem_shared>> -> memref<100000xf32, #tpu.memory_space<vmem_shared>>
      tpu.wait_indirect_dma semaphore(%arg20 : memref<!tpu.dma_semaphore, #tpu.memory_space<semaphore_mem>>) src(%dma_wait3A_350 : memref<100000xf32, #tpu.memory_space<vmem_shared>>) dst(%dma_wait3A_345 : memref<128xf32, #tpu.memory_space<vmem>>)
      %scan3A = arith.constant 0 : i32
      %scan3A_351 = arith.constant 0 : i32
      %scan3A_352 = arith.constant 64 : i32
      %scan3A_353 = arith.addi %scan3A_351, %scan3A_352 : i32
      %scan3A_354 = arith.constant 1 : i32
      scf.for %scan3A_516 = %scan3A_351 to %scan3A_353 step %scan3A_354  : i32 {
        %mul3A_517 = arith.constant 16 : i32
        %mul3A_518 = arith.muli %scan3A_516, %mul3A_517 : i32
        %add3A_519 = vector.broadcast %mul3A_518 : i32 to vector<16xi32>
        %add3A_520 = arith.addi %add3A_519, %iota3A : vector<16xi32>
        %get3A = arith.index_cast %mul3A_518 : i32 to index
        %get3A_521 = tpu.vector_load %arg15[%get3A] {strides = array<i32>} : memref<1024xf32, #tpu.memory_space<vmem>>, vector<16xf32>,
        %get3A_522 = arith.index_cast %mul3A_518 : i32 to index
        %get3A_523 = tpu.vector_load %arg18[%get3A_522] {strides = array<i32>} : memref<1024xf32, #tpu.memory_space<vmem>>, vector<16xf32>,
        %gather3A = tpu.vector_load_idx %arg16[%add3A_520, %broadcast_in_dim3A_14] : memref<1024x8xf32, #tpu.memory_space<vmem>>[vector<16xi32>, vector<16xi32>], vector<16xf32>,
        %add3A_524 = arith.addf %gather3A, %get3A_523 : vector<16xf32>
        %add3A_525 = arith.addf %add3A_524, %get3A_521 : vector<16xf32>
        %ge3A = arith.constant 0.000000e+00 : f32
        %ge3A_526 = vector.broadcast %ge3A : f32 to vector<16xf32>
        %ge3A_527 = arith.cmpf oge, %add3A_525, %ge3A_526 : vector<16xf32>
        %mul3A_528 = arith.constant 2.000000e-01 : f32
        %mul3A_529 = vector.broadcast %mul3A_528 : f32 to vector<16xf32>
        %mul3A_530 = arith.mulf %add3A_525, %mul3A_529 : vector<16xf32>
        %select_n3A_531 = arith.select %ge3A_527, %add3A_525, %mul3A_530 : vector<16xi1>, vector<16xf32>
        %exp3A = math.exp %select_n3A_531 : vector<16xf32>
        %broadcast_in_dim3A_532 = arith.constant 0 : i32
        %broadcast_in_dim3A_533 = vector.broadcast %broadcast_in_dim3A_532 : i32 to vector<16xi32>
        %gather3A_534 = tpu.vector_load_idx %arg16[%add3A_520, %broadcast_in_dim3A_533] : memref<1024x8xf32, #tpu.memory_space<vmem>>[vector<16xi32>, vector<16xi32>], vector<16xf32>,
        %mul3A_535 = arith.mulf %gather3A_534, %exp3A : vector<16xf32>
        tpu.vector_store_idx %arg17[%add3A_520, %broadcast_in_dim3A_533], %mul3A_535 : memref<1024x8xf32, #tpu.memory_space<vmem>>[vector<16xi32>, vector<16xi32>], vector<16xf32>,
        %broadcast_in_dim3A_536 = arith.constant 1 : i32
        %broadcast_in_dim3A_537 = vector.broadcast %broadcast_in_dim3A_536 : i32 to vector<16xi32>
        %gather3A_538 = tpu.vector_load_idx %arg16[%add3A_520, %broadcast_in_dim3A_537] : memref<1024x8xf32, #tpu.memory_space<vmem>>[vector<16xi32>, vector<16xi32>], vector<16xf32>,
        %mul3A_539 = arith.mulf %gather3A_538, %exp3A : vector<16xf32>
        tpu.vector_store_idx %arg17[%add3A_520, %broadcast_in_dim3A_537], %mul3A_539 : memref<1024x8xf32, #tpu.memory_space<vmem>>[vector<16xi32>, vector<16xi32>], vector<16xf32>,
        %broadcast_in_dim3A_540 = arith.constant 2 : i32
        %broadcast_in_dim3A_541 = vector.broadcast %broadcast_in_dim3A_540 : i32 to vector<16xi32>
        %gather3A_542 = tpu.vector_load_idx %arg16[%add3A_520, %broadcast_in_dim3A_541] : memref<1024x8xf32, #tpu.memory_space<vmem>>[vector<16xi32>, vector<16xi32>], vector<16xf32>,
        %mul3A_543 = arith.mulf %gather3A_542, %exp3A : vector<16xf32>
        tpu.vector_store_idx %arg17[%add3A_520, %broadcast_in_dim3A_541], %mul3A_543 : memref<1024x8xf32, #tpu.memory_space<vmem>>[vector<16xi32>, vector<16xi32>], vector<16xf32>,
        %broadcast_in_dim3A_544 = arith.constant 3 : i32
        %broadcast_in_dim3A_545 = vector.broadcast %broadcast_in_dim3A_544 : i32 to vector<16xi32>
        %gather3A_546 = tpu.vector_load_idx %arg16[%add3A_520, %broadcast_in_dim3A_545] : memref<1024x8xf32, #tpu.memory_space<vmem>>[vector<16xi32>, vector<16xi32>], vector<16xf32>,
        %mul3A_547 = arith.mulf %gather3A_546, %exp3A : vector<16xf32>
        tpu.vector_store_idx %arg17[%add3A_520, %broadcast_in_dim3A_545], %mul3A_547 : memref<1024x8xf32, #tpu.memory_space<vmem>>[vector<16xi32>, vector<16xi32>], vector<16xf32>,
        %broadcast_in_dim3A_548 = arith.constant 4 : i32
        %broadcast_in_dim3A_549 = vector.broadcast %broadcast_in_dim3A_548 : i32 to vector<16xi32>
        %gather3A_550 = tpu.vector_load_idx %arg16[%add3A_520, %broadcast_in_dim3A_549] : memref<1024x8xf32, #tpu.memory_space<vmem>>[vector<16xi32>, vector<16xi32>], vector<16xf32>,
        %mul3A_551 = arith.mulf %gather3A_550, %exp3A : vector<16xf32>
        tpu.vector_store_idx %arg17[%add3A_520, %broadcast_in_dim3A_549], %mul3A_551 : memref<1024x8xf32, #tpu.memory_space<vmem>>[vector<16xi32>, vector<16xi32>], vector<16xf32>,
        %broadcast_in_dim3A_552 = arith.constant 5 : i32
        %broadcast_in_dim3A_553 = vector.broadcast %broadcast_in_dim3A_552 : i32 to vector<16xi32>
        %gather3A_554 = tpu.vector_load_idx %arg16[%add3A_520, %broadcast_in_dim3A_553] : memref<1024x8xf32, #tpu.memory_space<vmem>>[vector<16xi32>, vector<16xi32>], vector<16xf32>,
        %mul3A_555 = arith.mulf %gather3A_554, %exp3A : vector<16xf32>
        tpu.vector_store_idx %arg17[%add3A_520, %broadcast_in_dim3A_553], %mul3A_555 : memref<1024x8xf32, #tpu.memory_space<vmem>>[vector<16xi32>, vector<16xi32>], vector<16xf32>,
        tpu.vector_store_idx %arg17[%add3A_520, %broadcast_in_dim3A_14], %exp3A : memref<1024x8xf32, #tpu.memory_space<vmem>>[vector<16xi32>, vector<16xi32>], vector<16xf32>,
        tpu.vector_store_idx %arg17[%add3A_520, %broadcast_in_dim3A_16], %exp3A : memref<1024x8xf32, #tpu.memory_space<vmem>>[vector<16xi32>, vector<16xi32>], vector<16xf32>,
      }
      %scan3A_355 = arith.constant 64 : i32
      %dma_start3A_356 = arith.constant 0 : i32
      %dma_start3A_357 = arith.constant 0 : i32
      %dma_start3A_358 = arith.constant 0 : i32
      %dma_start3A_359 = tpu.memref_slice %arg17[%dma_start3A_357, %dma_start3A_358] : memref<1024x8xf32, #tpu.memory_space<vmem>> -> memref<128x8xf32, #tpu.memory_space<vmem>>
      %dma_start3A_360 = arith.constant 0 : i32
      %dma_start3A_361 = tpu.memref_slice %arg14[%dma_start3A_356, %dma_start3A_360] : memref<8x128xi32, #tpu.memory_space<vmem>> -> memref<1x128xi32, #tpu.memory_space<vmem>>
      %dma_start3A_362 = tpu.memref_squeeze %dma_start3A_361 : memref<1x128xi32, #tpu.memory_space<vmem>> -> memref<128xi32, #tpu.memory_space<vmem>>
      %dma_start3A_363 = arith.constant 0 : i32
      %dma_start3A_364 = arith.constant 0 : i32
      %dma_start3A_365 = tpu.memref_slice %arg12[%dma_start3A_363, %dma_start3A_364] : memref<100000x8xf32, #tpu.memory_space<vmem_shared>> -> memref<100000x8xf32, #tpu.memory_space<vmem_shared>>
      tpu.enqueue_indirect_dma source(%dma_start3A_359 : memref<128x8xf32, #tpu.memory_space<vmem>>) target(%dma_start3A_365 : memref<100000x8xf32, #tpu.memory_space<vmem_shared>>) offsets(%dma_start3A_362 : memref<128xi32, #tpu.memory_space<vmem>>) semaphore(%arg21 : memref<!tpu.dma_semaphore, #tpu.memory_space<semaphore_mem>>) {add = true}
      %dma_start3A_366 = arith.constant 1 : i32
      %dma_start3A_367 = arith.constant 128 : i32
      %dma_start3A_368 = arith.constant 0 : i32
      %dma_start3A_369 = tpu.memref_slice %arg17[%dma_start3A_367, %dma_start3A_368] : memref<1024x8xf32, #tpu.memory_space<vmem>> -> memref<128x8xf32, #tpu.memory_space<vmem>>
      %dma_start3A_370 = arith.constant 0 : i32
      %dma_start3A_371 = tpu.memref_slice %arg14[%dma_start3A_366, %dma_start3A_370] : memref<8x128xi32, #tpu.memory_space<vmem>> -> memref<1x128xi32, #tpu.memory_space<vmem>>
      %dma_start3A_372 = tpu.memref_squeeze %dma_start3A_371 : memref<1x128xi32, #tpu.memory_space<vmem>> -> memref<128xi32, #tpu.memory_space<vmem>>
      %dma_start3A_373 = arith.constant 0 : i32
      %dma_start3A_374 = arith.constant 0 : i32
      %dma_start3A_375 = tpu.memref_slice %arg12[%dma_start3A_373, %dma_start3A_374] : memref<100000x8xf32, #tpu.memory_space<vmem_shared>> -> memref<100000x8xf32, #tpu.memory_space<vmem_shared>>
      tpu.enqueue_indirect_dma source(%dma_start3A_369 : memref<128x8xf32, #tpu.memory_space<vmem>>) target(%dma_start3A_375 : memref<100000x8xf32, #tpu.memory_space<vmem_shared>>) offsets(%dma_start3A_372 : memref<128xi32, #tpu.memory_space<vmem>>) semaphore(%arg21 : memref<!tpu.dma_semaphore, #tpu.memory_space<semaphore_mem>>) {add = true}
      %dma_start3A_376 = arith.constant 2 : i32
      %dma_start3A_377 = arith.constant 256 : i32
      %dma_start3A_378 = arith.constant 0 : i32
      %dma_start3A_379 = tpu.memref_slice %arg17[%dma_start3A_377, %dma_start3A_378] : memref<1024x8xf32, #tpu.memory_space<vmem>> -> memref<128x8xf32, #tpu.memory_space<vmem>>
      %dma_start3A_380 = arith.constant 0 : i32
      %dma_start3A_381 = tpu.memref_slice %arg14[%dma_start3A_376, %dma_start3A_380] : memref<8x128xi32, #tpu.memory_space<vmem>> -> memref<1x128xi32, #tpu.memory_space<vmem>>
      %dma_start3A_382 = tpu.memref_squeeze %dma_start3A_381 : memref<1x128xi32, #tpu.memory_space<vmem>> -> memref<128xi32, #tpu.memory_space<vmem>>
      %dma_start3A_383 = arith.constant 0 : i32
      %dma_start3A_384 = arith.constant 0 : i32
      %dma_start3A_385 = tpu.memref_slice %arg12[%dma_start3A_383, %dma_start3A_384] : memref<100000x8xf32, #tpu.memory_space<vmem_shared>> -> memref<100000x8xf32, #tpu.memory_space<vmem_shared>>
      tpu.enqueue_indirect_dma source(%dma_start3A_379 : memref<128x8xf32, #tpu.memory_space<vmem>>) target(%dma_start3A_385 : memref<100000x8xf32, #tpu.memory_space<vmem_shared>>) offsets(%dma_start3A_382 : memref<128xi32, #tpu.memory_space<vmem>>) semaphore(%arg21 : memref<!tpu.dma_semaphore, #tpu.memory_space<semaphore_mem>>) {add = true}
      %dma_start3A_386 = arith.constant 3 : i32
      %dma_start3A_387 = arith.constant 384 : i32
      %dma_start3A_388 = arith.constant 0 : i32
      %dma_start3A_389 = tpu.memref_slice %arg17[%dma_start3A_387, %dma_start3A_388] : memref<1024x8xf32, #tpu.memory_space<vmem>> -> memref<128x8xf32, #tpu.memory_space<vmem>>
      %dma_start3A_390 = arith.constant 0 : i32
      %dma_start3A_391 = tpu.memref_slice %arg14[%dma_start3A_386, %dma_start3A_390] : memref<8x128xi32, #tpu.memory_space<vmem>> -> memref<1x128xi32, #tpu.memory_space<vmem>>
      %dma_start3A_392 = tpu.memref_squeeze %dma_start3A_391 : memref<1x128xi32, #tpu.memory_space<vmem>> -> memref<128xi32, #tpu.memory_space<vmem>>
      %dma_start3A_393 = arith.constant 0 : i32
      %dma_start3A_394 = arith.constant 0 : i32
      %dma_start3A_395 = tpu.memref_slice %arg12[%dma_start3A_393, %dma_start3A_394] : memref<100000x8xf32, #tpu.memory_space<vmem_shared>> -> memref<100000x8xf32, #tpu.memory_space<vmem_shared>>
      tpu.enqueue_indirect_dma source(%dma_start3A_389 : memref<128x8xf32, #tpu.memory_space<vmem>>) target(%dma_start3A_395 : memref<100000x8xf32, #tpu.memory_space<vmem_shared>>) offsets(%dma_start3A_392 : memref<128xi32, #tpu.memory_space<vmem>>) semaphore(%arg21 : memref<!tpu.dma_semaphore, #tpu.memory_space<semaphore_mem>>) {add = true}
      %dma_start3A_396 = arith.constant 4 : i32
      %dma_start3A_397 = arith.constant 512 : i32
      %dma_start3A_398 = arith.constant 0 : i32
      %dma_start3A_399 = tpu.memref_slice %arg17[%dma_start3A_397, %dma_start3A_398] : memref<1024x8xf32, #tpu.memory_space<vmem>> -> memref<128x8xf32, #tpu.memory_space<vmem>>
      %dma_start3A_400 = arith.constant 0 : i32
      %dma_start3A_401 = tpu.memref_slice %arg14[%dma_start3A_396, %dma_start3A_400] : memref<8x128xi32, #tpu.memory_space<vmem>> -> memref<1x128xi32, #tpu.memory_space<vmem>>
      %dma_start3A_402 = tpu.memref_squeeze %dma_start3A_401 : memref<1x128xi32, #tpu.memory_space<vmem>> -> memref<128xi32, #tpu.memory_space<vmem>>
      %dma_start3A_403 = arith.constant 0 : i32
      %dma_start3A_404 = arith.constant 0 : i32
      %dma_start3A_405 = tpu.memref_slice %arg12[%dma_start3A_403, %dma_start3A_404] : memref<100000x8xf32, #tpu.memory_space<vmem_shared>> -> memref<100000x8xf32, #tpu.memory_space<vmem_shared>>
      tpu.enqueue_indirect_dma source(%dma_start3A_399 : memref<128x8xf32, #tpu.memory_space<vmem>>) target(%dma_start3A_405 : memref<100000x8xf32, #tpu.memory_space<vmem_shared>>) offsets(%dma_start3A_402 : memref<128xi32, #tpu.memory_space<vmem>>) semaphore(%arg21 : memref<!tpu.dma_semaphore, #tpu.memory_space<semaphore_mem>>) {add = true}
      %dma_start3A_406 = arith.constant 5 : i32
      %dma_start3A_407 = arith.constant 640 : i32
      %dma_start3A_408 = arith.constant 0 : i32
      %dma_start3A_409 = tpu.memref_slice %arg17[%dma_start3A_407, %dma_start3A_408] : memref<1024x8xf32, #tpu.memory_space<vmem>> -> memref<128x8xf32, #tpu.memory_space<vmem>>
      %dma_start3A_410 = arith.constant 0 : i32
      %dma_start3A_411 = tpu.memref_slice %arg14[%dma_start3A_406, %dma_start3A_410] : memref<8x128xi32, #tpu.memory_space<vmem>> -> memref<1x128xi32, #tpu.memory_space<vmem>>
      %dma_start3A_412 = tpu.memref_squeeze %dma_start3A_411 : memref<1x128xi32, #tpu.memory_space<vmem>> -> memref<128xi32, #tpu.memory_space<vmem>>
      %dma_start3A_413 = arith.constant 0 : i32
      %dma_start3A_414 = arith.constant 0 : i32
      %dma_start3A_415 = tpu.memref_slice %arg12[%dma_start3A_413, %dma_start3A_414] : memref<100000x8xf32, #tpu.memory_space<vmem_shared>> -> memref<100000x8xf32, #tpu.memory_space<vmem_shared>>
      tpu.enqueue_indirect_dma source(%dma_start3A_409 : memref<128x8xf32, #tpu.memory_space<vmem>>) target(%dma_start3A_415 : memref<100000x8xf32, #tpu.memory_space<vmem_shared>>) offsets(%dma_start3A_412 : memref<128xi32, #tpu.memory_space<vmem>>) semaphore(%arg21 : memref<!tpu.dma_semaphore, #tpu.memory_space<semaphore_mem>>) {add = true}
      %dma_start3A_416 = arith.constant 6 : i32
      %dma_start3A_417 = arith.constant 768 : i32
      %dma_start3A_418 = arith.constant 0 : i32
      %dma_start3A_419 = tpu.memref_slice %arg17[%dma_start3A_417, %dma_start3A_418] : memref<1024x8xf32, #tpu.memory_space<vmem>> -> memref<128x8xf32, #tpu.memory_space<vmem>>
      %dma_start3A_420 = arith.constant 0 : i32
      %dma_start3A_421 = tpu.memref_slice %arg14[%dma_start3A_416, %dma_start3A_420] : memref<8x128xi32, #tpu.memory_space<vmem>> -> memref<1x128xi32, #tpu.memory_space<vmem>>
      %dma_start3A_422 = tpu.memref_squeeze %dma_start3A_421 : memref<1x128xi32, #tpu.memory_space<vmem>> -> memref<128xi32, #tpu.memory_space<vmem>>
      %dma_start3A_423 = arith.constant 0 : i32
      %dma_start3A_424 = arith.constant 0 : i32
      %dma_start3A_425 = tpu.memref_slice %arg12[%dma_start3A_423, %dma_start3A_424] : memref<100000x8xf32, #tpu.memory_space<vmem_shared>> -> memref<100000x8xf32, #tpu.memory_space<vmem_shared>>
      tpu.enqueue_indirect_dma source(%dma_start3A_419 : memref<128x8xf32, #tpu.memory_space<vmem>>) target(%dma_start3A_425 : memref<100000x8xf32, #tpu.memory_space<vmem_shared>>) offsets(%dma_start3A_422 : memref<128xi32, #tpu.memory_space<vmem>>) semaphore(%arg21 : memref<!tpu.dma_semaphore, #tpu.memory_space<semaphore_mem>>) {add = true}
      %dma_start3A_426 = arith.constant 7 : i32
      %dma_start3A_427 = arith.constant 896 : i32
      %dma_start3A_428 = arith.constant 0 : i32
      %dma_start3A_429 = tpu.memref_slice %arg17[%dma_start3A_427, %dma_start3A_428] : memref<1024x8xf32, #tpu.memory_space<vmem>> -> memref<128x8xf32, #tpu.memory_space<vmem>>
      %dma_start3A_430 = arith.constant 0 : i32
      %dma_start3A_431 = tpu.memref_slice %arg14[%dma_start3A_426, %dma_start3A_430] : memref<8x128xi32, #tpu.memory_space<vmem>> -> memref<1x128xi32, #tpu.memory_space<vmem>>
      %dma_start3A_432 = tpu.memref_squeeze %dma_start3A_431 : memref<1x128xi32, #tpu.memory_space<vmem>> -> memref<128xi32, #tpu.memory_space<vmem>>
      %dma_start3A_433 = arith.constant 0 : i32
      %dma_start3A_434 = arith.constant 0 : i32
      %dma_start3A_435 = tpu.memref_slice %arg12[%dma_start3A_433, %dma_start3A_434] : memref<100000x8xf32, #tpu.memory_space<vmem_shared>> -> memref<100000x8xf32, #tpu.memory_space<vmem_shared>>
      tpu.enqueue_indirect_dma source(%dma_start3A_429 : memref<128x8xf32, #tpu.memory_space<vmem>>) target(%dma_start3A_435 : memref<100000x8xf32, #tpu.memory_space<vmem_shared>>) offsets(%dma_start3A_432 : memref<128xi32, #tpu.memory_space<vmem>>) semaphore(%arg21 : memref<!tpu.dma_semaphore, #tpu.memory_space<semaphore_mem>>) {add = true}
      %dma_wait3A_436 = arith.constant 0 : i32
      %dma_wait3A_437 = arith.constant 0 : i32
      %dma_wait3A_438 = arith.constant 0 : i32
      %dma_wait3A_439 = tpu.memref_slice %arg17[%dma_wait3A_437, %dma_wait3A_438] : memref<1024x8xf32, #tpu.memory_space<vmem>> -> memref<128x8xf32, #tpu.memory_space<vmem>>
      %dma_wait3A_440 = arith.constant 0 : i32
      %dma_wait3A_441 = tpu.memref_slice %arg14[%dma_wait3A_436, %dma_wait3A_440] : memref<8x128xi32, #tpu.memory_space<vmem>> -> memref<1x128xi32, #tpu.memory_space<vmem>>
      %dma_wait3A_442 = tpu.memref_squeeze %dma_wait3A_441 : memref<1x128xi32, #tpu.memory_space<vmem>> -> memref<128xi32, #tpu.memory_space<vmem>>
      %dma_wait3A_443 = arith.constant 0 : i32
      %dma_wait3A_444 = arith.constant 0 : i32
      %dma_wait3A_445 = tpu.memref_slice %arg12[%dma_wait3A_443, %dma_wait3A_444] : memref<100000x8xf32, #tpu.memory_space<vmem_shared>> -> memref<100000x8xf32, #tpu.memory_space<vmem_shared>>
      tpu.wait_indirect_dma semaphore(%arg21 : memref<!tpu.dma_semaphore, #tpu.memory_space<semaphore_mem>>) src(%dma_wait3A_439 : memref<128x8xf32, #tpu.memory_space<vmem>>) dst(%dma_wait3A_445 : memref<100000x8xf32, #tpu.memory_space<vmem_shared>>)
      %dma_wait3A_446 = arith.constant 1 : i32
      %dma_wait3A_447 = arith.constant 128 : i32
      %dma_wait3A_448 = arith.constant 0 : i32
      %dma_wait3A_449 = tpu.memref_slice %arg17[%dma_wait3A_447, %dma_wait3A_448] : memref<1024x8xf32, #tpu.memory_space<vmem>> -> memref<128x8xf32, #tpu.memory_space<vmem>>
      %dma_wait3A_450 = arith.constant 0 : i32
      %dma_wait3A_451 = tpu.memref_slice %arg14[%dma_wait3A_446, %dma_wait3A_450] : memref<8x128xi32, #tpu.memory_space<vmem>> -> memref<1x128xi32, #tpu.memory_space<vmem>>
      %dma_wait3A_452 = tpu.memref_squeeze %dma_wait3A_451 : memref<1x128xi32, #tpu.memory_space<vmem>> -> memref<128xi32, #tpu.memory_space<vmem>>
      %dma_wait3A_453 = arith.constant 0 : i32
      %dma_wait3A_454 = arith.constant 0 : i32
      %dma_wait3A_455 = tpu.memref_slice %arg12[%dma_wait3A_453, %dma_wait3A_454] : memref<100000x8xf32, #tpu.memory_space<vmem_shared>> -> memref<100000x8xf32, #tpu.memory_space<vmem_shared>>
      tpu.wait_indirect_dma semaphore(%arg21 : memref<!tpu.dma_semaphore, #tpu.memory_space<semaphore_mem>>) src(%dma_wait3A_449 : memref<128x8xf32, #tpu.memory_space<vmem>>) dst(%dma_wait3A_455 : memref<100000x8xf32, #tpu.memory_space<vmem_shared>>)
      %dma_wait3A_456 = arith.constant 2 : i32
      %dma_wait3A_457 = arith.constant 256 : i32
      %dma_wait3A_458 = arith.constant 0 : i32
      %dma_wait3A_459 = tpu.memref_slice %arg17[%dma_wait3A_457, %dma_wait3A_458] : memref<1024x8xf32, #tpu.memory_space<vmem>> -> memref<128x8xf32, #tpu.memory_space<vmem>>
      %dma_wait3A_460 = arith.constant 0 : i32
      %dma_wait3A_461 = tpu.memref_slice %arg14[%dma_wait3A_456, %dma_wait3A_460] : memref<8x128xi32, #tpu.memory_space<vmem>> -> memref<1x128xi32, #tpu.memory_space<vmem>>
      %dma_wait3A_462 = tpu.memref_squeeze %dma_wait3A_461 : memref<1x128xi32, #tpu.memory_space<vmem>> -> memref<128xi32, #tpu.memory_space<vmem>>
      %dma_wait3A_463 = arith.constant 0 : i32
      %dma_wait3A_464 = arith.constant 0 : i32
      %dma_wait3A_465 = tpu.memref_slice %arg12[%dma_wait3A_463, %dma_wait3A_464] : memref<100000x8xf32, #tpu.memory_space<vmem_shared>> -> memref<100000x8xf32, #tpu.memory_space<vmem_shared>>
      tpu.wait_indirect_dma semaphore(%arg21 : memref<!tpu.dma_semaphore, #tpu.memory_space<semaphore_mem>>) src(%dma_wait3A_459 : memref<128x8xf32, #tpu.memory_space<vmem>>) dst(%dma_wait3A_465 : memref<100000x8xf32, #tpu.memory_space<vmem_shared>>)
      %dma_wait3A_466 = arith.constant 3 : i32
      %dma_wait3A_467 = arith.constant 384 : i32
      %dma_wait3A_468 = arith.constant 0 : i32
      %dma_wait3A_469 = tpu.memref_slice %arg17[%dma_wait3A_467, %dma_wait3A_468] : memref<1024x8xf32, #tpu.memory_space<vmem>> -> memref<128x8xf32, #tpu.memory_space<vmem>>
      %dma_wait3A_470 = arith.constant 0 : i32
      %dma_wait3A_471 = tpu.memref_slice %arg14[%dma_wait3A_466, %dma_wait3A_470] : memref<8x128xi32, #tpu.memory_space<vmem>> -> memref<1x128xi32, #tpu.memory_space<vmem>>
      %dma_wait3A_472 = tpu.memref_squeeze %dma_wait3A_471 : memref<1x128xi32, #tpu.memory_space<vmem>> -> memref<128xi32, #tpu.memory_space<vmem>>
      %dma_wait3A_473 = arith.constant 0 : i32
      %dma_wait3A_474 = arith.constant 0 : i32
      %dma_wait3A_475 = tpu.memref_slice %arg12[%dma_wait3A_473, %dma_wait3A_474] : memref<100000x8xf32, #tpu.memory_space<vmem_shared>> -> memref<100000x8xf32, #tpu.memory_space<vmem_shared>>
      tpu.wait_indirect_dma semaphore(%arg21 : memref<!tpu.dma_semaphore, #tpu.memory_space<semaphore_mem>>) src(%dma_wait3A_469 : memref<128x8xf32, #tpu.memory_space<vmem>>) dst(%dma_wait3A_475 : memref<100000x8xf32, #tpu.memory_space<vmem_shared>>)
      %dma_wait3A_476 = arith.constant 4 : i32
      %dma_wait3A_477 = arith.constant 512 : i32
      %dma_wait3A_478 = arith.constant 0 : i32
      %dma_wait3A_479 = tpu.memref_slice %arg17[%dma_wait3A_477, %dma_wait3A_478] : memref<1024x8xf32, #tpu.memory_space<vmem>> -> memref<128x8xf32, #tpu.memory_space<vmem>>
      %dma_wait3A_480 = arith.constant 0 : i32
      %dma_wait3A_481 = tpu.memref_slice %arg14[%dma_wait3A_476, %dma_wait3A_480] : memref<8x128xi32, #tpu.memory_space<vmem>> -> memref<1x128xi32, #tpu.memory_space<vmem>>
      %dma_wait3A_482 = tpu.memref_squeeze %dma_wait3A_481 : memref<1x128xi32, #tpu.memory_space<vmem>> -> memref<128xi32, #tpu.memory_space<vmem>>
      %dma_wait3A_483 = arith.constant 0 : i32
      %dma_wait3A_484 = arith.constant 0 : i32
      %dma_wait3A_485 = tpu.memref_slice %arg12[%dma_wait3A_483, %dma_wait3A_484] : memref<100000x8xf32, #tpu.memory_space<vmem_shared>> -> memref<100000x8xf32, #tpu.memory_space<vmem_shared>>
      tpu.wait_indirect_dma semaphore(%arg21 : memref<!tpu.dma_semaphore, #tpu.memory_space<semaphore_mem>>) src(%dma_wait3A_479 : memref<128x8xf32, #tpu.memory_space<vmem>>) dst(%dma_wait3A_485 : memref<100000x8xf32, #tpu.memory_space<vmem_shared>>)
      %dma_wait3A_486 = arith.constant 5 : i32
      %dma_wait3A_487 = arith.constant 640 : i32
      %dma_wait3A_488 = arith.constant 0 : i32
      %dma_wait3A_489 = tpu.memref_slice %arg17[%dma_wait3A_487, %dma_wait3A_488] : memref<1024x8xf32, #tpu.memory_space<vmem>> -> memref<128x8xf32, #tpu.memory_space<vmem>>
      %dma_wait3A_490 = arith.constant 0 : i32
      %dma_wait3A_491 = tpu.memref_slice %arg14[%dma_wait3A_486, %dma_wait3A_490] : memref<8x128xi32, #tpu.memory_space<vmem>> -> memref<1x128xi32, #tpu.memory_space<vmem>>
      %dma_wait3A_492 = tpu.memref_squeeze %dma_wait3A_491 : memref<1x128xi32, #tpu.memory_space<vmem>> -> memref<128xi32, #tpu.memory_space<vmem>>
      %dma_wait3A_493 = arith.constant 0 : i32
      %dma_wait3A_494 = arith.constant 0 : i32
      %dma_wait3A_495 = tpu.memref_slice %arg12[%dma_wait3A_493, %dma_wait3A_494] : memref<100000x8xf32, #tpu.memory_space<vmem_shared>> -> memref<100000x8xf32, #tpu.memory_space<vmem_shared>>
      tpu.wait_indirect_dma semaphore(%arg21 : memref<!tpu.dma_semaphore, #tpu.memory_space<semaphore_mem>>) src(%dma_wait3A_489 : memref<128x8xf32, #tpu.memory_space<vmem>>) dst(%dma_wait3A_495 : memref<100000x8xf32, #tpu.memory_space<vmem_shared>>)
      %dma_wait3A_496 = arith.constant 6 : i32
      %dma_wait3A_497 = arith.constant 768 : i32
      %dma_wait3A_498 = arith.constant 0 : i32
      %dma_wait3A_499 = tpu.memref_slice %arg17[%dma_wait3A_497, %dma_wait3A_498] : memref<1024x8xf32, #tpu.memory_space<vmem>> -> memref<128x8xf32, #tpu.memory_space<vmem>>
      %dma_wait3A_500 = arith.constant 0 : i32
      %dma_wait3A_501 = tpu.memref_slice %arg14[%dma_wait3A_496, %dma_wait3A_500] : memref<8x128xi32, #tpu.memory_space<vmem>> -> memref<1x128xi32, #tpu.memory_space<vmem>>
      %dma_wait3A_502 = tpu.memref_squeeze %dma_wait3A_501 : memref<1x128xi32, #tpu.memory_space<vmem>> -> memref<128xi32, #tpu.memory_space<vmem>>
      %dma_wait3A_503 = arith.constant 0 : i32
      %dma_wait3A_504 = arith.constant 0 : i32
      %dma_wait3A_505 = tpu.memref_slice %arg12[%dma_wait3A_503, %dma_wait3A_504] : memref<100000x8xf32, #tpu.memory_space<vmem_shared>> -> memref<100000x8xf32, #tpu.memory_space<vmem_shared>>
      tpu.wait_indirect_dma semaphore(%arg21 : memref<!tpu.dma_semaphore, #tpu.memory_space<semaphore_mem>>) src(%dma_wait3A_499 : memref<128x8xf32, #tpu.memory_space<vmem>>) dst(%dma_wait3A_505 : memref<100000x8xf32, #tpu.memory_space<vmem_shared>>)
      %dma_wait3A_506 = arith.constant 7 : i32
      %dma_wait3A_507 = arith.constant 896 : i32
      %dma_wait3A_508 = arith.constant 0 : i32
      %dma_wait3A_509 = tpu.memref_slice %arg17[%dma_wait3A_507, %dma_wait3A_508] : memref<1024x8xf32, #tpu.memory_space<vmem>> -> memref<128x8xf32, #tpu.memory_space<vmem>>
      %dma_wait3A_510 = arith.constant 0 : i32
      %dma_wait3A_511 = tpu.memref_slice %arg14[%dma_wait3A_506, %dma_wait3A_510] : memref<8x128xi32, #tpu.memory_space<vmem>> -> memref<1x128xi32, #tpu.memory_space<vmem>>
      %dma_wait3A_512 = tpu.memref_squeeze %dma_wait3A_511 : memref<1x128xi32, #tpu.memory_space<vmem>> -> memref<128xi32, #tpu.memory_space<vmem>>
      %dma_wait3A_513 = arith.constant 0 : i32
      %dma_wait3A_514 = arith.constant 0 : i32
      %dma_wait3A_515 = tpu.memref_slice %arg12[%dma_wait3A_513, %dma_wait3A_514] : memref<100000x8xf32, #tpu.memory_space<vmem_shared>> -> memref<100000x8xf32, #tpu.memory_space<vmem_shared>>
      tpu.wait_indirect_dma semaphore(%arg21 : memref<!tpu.dma_semaphore, #tpu.memory_space<semaphore_mem>>) src(%dma_wait3A_509 : memref<128x8xf32, #tpu.memory_space<vmem>>) dst(%dma_wait3A_515 : memref<100000x8xf32, #tpu.memory_space<vmem_shared>>)
    }
    %barrier3A_29 = arith.constant 0 : index
    tpu.barrier barrier_id(%barrier3A_29)
    %eq3A_30 = arith.constant 0 : i32
    %eq3A_31 = arith.cmpi eq, %arg0, %eq3A_30 : i32
    %lt3A_32 = arith.constant 15 : i32
    %lt3A_33 = arith.cmpi slt, %arg1, %lt3A_32 : i32
    %and3A = arith.andi %eq3A_31, %lt3A_33 : i1
    %convert_element_type3A_34 = arith.extui %and3A : i1 to i32
    %cond3A_35 = arith.constant 0 : i32
    %cond3A_36 = arith.cmpi ne, %convert_element_type3A_34, %cond3A_35 : i32
    scf.if %cond3A_36 {
      "tpu.region"() ({
        %run_scoped3A = tpu.sem_alloc : memref<!tpu.dma_semaphore, #tpu.memory_space<semaphore_mem>>
        %dma_start3A = arith.constant 0 : i32
        %dma_start3A_61 = tpu.memref_slice %arg8[%multiple_of3A, %dma_start3A] : memref<100000x8xf32, #tpu.memory_space<hbm>> -> memref<6256x8xf32, #tpu.memory_space<hbm>>
        %dma_start3A_62 = arith.constant 0 : i32
        %dma_start3A_63 = tpu.memref_slice %arg12[%multiple_of3A, %dma_start3A_62] : memref<100000x8xf32, #tpu.memory_space<vmem_shared>> -> memref<6256x8xf32, #tpu.memory_space<vmem_shared>>
        tpu.enqueue_dma source(%dma_start3A_63 : memref<6256x8xf32, #tpu.memory_space<vmem_shared>>) target(%dma_start3A_61 : memref<6256x8xf32, #tpu.memory_space<hbm>>) target_semaphore(%run_scoped3A : memref<!tpu.dma_semaphore, #tpu.memory_space<semaphore_mem>>)
        %dma_wait3A = arith.constant 0 : i32
        %dma_wait3A_64 = tpu.memref_slice %arg8[%multiple_of3A, %dma_wait3A] : memref<100000x8xf32, #tpu.memory_space<hbm>> -> memref<6256x8xf32, #tpu.memory_space<hbm>>
        %dma_wait3A_65 = arith.constant 0 : i32
        %dma_wait3A_66 = tpu.memref_slice %arg12[%multiple_of3A, %dma_wait3A_65] : memref<100000x8xf32, #tpu.memory_space<vmem_shared>> -> memref<6256x8xf32, #tpu.memory_space<vmem_shared>>
        tpu.wait_dma2 semaphore(%run_scoped3A : memref<!tpu.dma_semaphore, #tpu.memory_space<semaphore_mem>>) src(%dma_wait3A_66 : memref<6256x8xf32, #tpu.memory_space<vmem_shared>>) dst(%dma_wait3A_64 : memref<6256x8xf32, #tpu.memory_space<hbm>>)
        tpu.yield
      }) : () -> ()
    } else {
    }
    %eq3A_37 = arith.constant 0 : i32
    %eq3A_38 = arith.cmpi eq, %arg0, %eq3A_37 : i32
    %eq3A_39 = arith.constant 15 : i32
    %eq3A_40 = arith.cmpi eq, %arg1, %eq3A_39 : i32
    %and3A_41 = arith.andi %eq3A_38, %eq3A_40 : i1
    %convert_element_type3A_42 = arith.extui %and3A_41 : i1 to i32
    %cond3A_43 = arith.constant 0 : i32
    %cond3A_44 = arith.cmpi ne, %convert_element_type3A_42, %cond3A_43 : i32
    scf.if %cond3A_44 {
      "tpu.region"() ({
        %run_scoped3A = tpu.sem_alloc : memref<!tpu.dma_semaphore, #tpu.memory_space<semaphore_mem>>
        %dma_start3A = arith.constant 0 : i32
        %dma_start3A_61 = tpu.memref_slice %arg8[%multiple_of3A, %dma_start3A] : memref<100000x8xf32, #tpu.memory_space<hbm>> -> memref<6160x8xf32, #tpu.memory_space<hbm>>
        %dma_start3A_62 = arith.constant 0 : i32
        %dma_start3A_63 = tpu.memref_slice %arg12[%multiple_of3A, %dma_start3A_62] : memref<100000x8xf32, #tpu.memory_space<vmem_shared>> -> memref<6160x8xf32, #tpu.memory_space<vmem_shared>>
        tpu.enqueue_dma source(%dma_start3A_63 : memref<6160x8xf32, #tpu.memory_space<vmem_shared>>) target(%dma_start3A_61 : memref<6160x8xf32, #tpu.memory_space<hbm>>) target_semaphore(%run_scoped3A : memref<!tpu.dma_semaphore, #tpu.memory_space<semaphore_mem>>)
        %dma_wait3A = arith.constant 0 : i32
        %dma_wait3A_64 = tpu.memref_slice %arg8[%multiple_of3A, %dma_wait3A] : memref<100000x8xf32, #tpu.memory_space<hbm>> -> memref<6160x8xf32, #tpu.memory_space<hbm>>
        %dma_wait3A_65 = arith.constant 0 : i32
        %dma_wait3A_66 = tpu.memref_slice %arg12[%multiple_of3A, %dma_wait3A_65] : memref<100000x8xf32, #tpu.memory_space<vmem_shared>> -> memref<6160x8xf32, #tpu.memory_space<vmem_shared>>
        tpu.wait_dma2 semaphore(%run_scoped3A : memref<!tpu.dma_semaphore, #tpu.memory_space<semaphore_mem>>) src(%dma_wait3A_66 : memref<6160x8xf32, #tpu.memory_space<vmem_shared>>) dst(%dma_wait3A_64 : memref<6160x8xf32, #tpu.memory_space<hbm>>)
        tpu.yield
      }) : () -> ()
    } else {
    }
    %eq3A_45 = arith.constant 1 : i32
    %eq3A_46 = arith.cmpi eq, %arg0, %eq3A_45 : i32
    %lt3A_47 = arith.constant 15 : i32
    %lt3A_48 = arith.cmpi slt, %arg1, %lt3A_47 : i32
    %and3A_49 = arith.andi %eq3A_46, %lt3A_48 : i1
    %convert_element_type3A_50 = arith.extui %and3A_49 : i1 to i32
    %cond3A_51 = arith.constant 0 : i32
    %cond3A_52 = arith.cmpi ne, %convert_element_type3A_50, %cond3A_51 : i32
    scf.if %cond3A_52 {
      "tpu.region"() ({
        %run_scoped3A = tpu.sem_alloc : memref<!tpu.dma_semaphore, #tpu.memory_space<semaphore_mem>>
        %dma_start3A = arith.constant 0 : i32
        %dma_start3A_61 = tpu.memref_slice %arg9[%multiple_of3A, %dma_start3A] : memref<100000x8xf32, #tpu.memory_space<hbm>> -> memref<6256x8xf32, #tpu.memory_space<hbm>>
        %dma_start3A_62 = arith.constant 0 : i32
        %dma_start3A_63 = tpu.memref_slice %arg12[%multiple_of3A, %dma_start3A_62] : memref<100000x8xf32, #tpu.memory_space<vmem_shared>> -> memref<6256x8xf32, #tpu.memory_space<vmem_shared>>
        tpu.enqueue_dma source(%dma_start3A_63 : memref<6256x8xf32, #tpu.memory_space<vmem_shared>>) target(%dma_start3A_61 : memref<6256x8xf32, #tpu.memory_space<hbm>>) target_semaphore(%run_scoped3A : memref<!tpu.dma_semaphore, #tpu.memory_space<semaphore_mem>>)
        %dma_wait3A = arith.constant 0 : i32
        %dma_wait3A_64 = tpu.memref_slice %arg9[%multiple_of3A, %dma_wait3A] : memref<100000x8xf32, #tpu.memory_space<hbm>> -> memref<6256x8xf32, #tpu.memory_space<hbm>>
        %dma_wait3A_65 = arith.constant 0 : i32
        %dma_wait3A_66 = tpu.memref_slice %arg12[%multiple_of3A, %dma_wait3A_65] : memref<100000x8xf32, #tpu.memory_space<vmem_shared>> -> memref<6256x8xf32, #tpu.memory_space<vmem_shared>>
        tpu.wait_dma2 semaphore(%run_scoped3A : memref<!tpu.dma_semaphore, #tpu.memory_space<semaphore_mem>>) src(%dma_wait3A_66 : memref<6256x8xf32, #tpu.memory_space<vmem_shared>>) dst(%dma_wait3A_64 : memref<6256x8xf32, #tpu.memory_space<hbm>>)
        tpu.yield
      }) : () -> ()
    } else {
    }
    %eq3A_53 = arith.constant 1 : i32
    %eq3A_54 = arith.cmpi eq, %arg0, %eq3A_53 : i32
    %eq3A_55 = arith.constant 15 : i32
    %eq3A_56 = arith.cmpi eq, %arg1, %eq3A_55 : i32
    %and3A_57 = arith.andi %eq3A_54, %eq3A_56 : i1
    %convert_element_type3A_58 = arith.extui %and3A_57 : i1 to i32
    %cond3A_59 = arith.constant 0 : i32
    %cond3A_60 = arith.cmpi ne, %convert_element_type3A_58, %cond3A_59 : i32
    scf.if %cond3A_60 {
      "tpu.region"() ({
        %run_scoped3A = tpu.sem_alloc : memref<!tpu.dma_semaphore, #tpu.memory_space<semaphore_mem>>
        %dma_start3A = arith.constant 0 : i32
        %dma_start3A_61 = tpu.memref_slice %arg9[%multiple_of3A, %dma_start3A] : memref<100000x8xf32, #tpu.memory_space<hbm>> -> memref<6160x8xf32, #tpu.memory_space<hbm>>
        %dma_start3A_62 = arith.constant 0 : i32
        %dma_start3A_63 = tpu.memref_slice %arg12[%multiple_of3A, %dma_start3A_62] : memref<100000x8xf32, #tpu.memory_space<vmem_shared>> -> memref<6160x8xf32, #tpu.memory_space<vmem_shared>>
        tpu.enqueue_dma source(%dma_start3A_63 : memref<6160x8xf32, #tpu.memory_space<vmem_shared>>) target(%dma_start3A_61 : memref<6160x8xf32, #tpu.memory_space<hbm>>) target_semaphore(%run_scoped3A : memref<!tpu.dma_semaphore, #tpu.memory_space<semaphore_mem>>)
        %dma_wait3A = arith.constant 0 : i32
        %dma_wait3A_64 = tpu.memref_slice %arg9[%multiple_of3A, %dma_wait3A] : memref<100000x8xf32, #tpu.memory_space<hbm>> -> memref<6160x8xf32, #tpu.memory_space<hbm>>
        %dma_wait3A_65 = arith.constant 0 : i32
        %dma_wait3A_66 = tpu.memref_slice %arg12[%multiple_of3A, %dma_wait3A_65] : memref<100000x8xf32, #tpu.memory_space<vmem_shared>> -> memref<6160x8xf32, #tpu.memory_space<vmem_shared>>
        tpu.wait_dma2 semaphore(%run_scoped3A : memref<!tpu.dma_semaphore, #tpu.memory_space<semaphore_mem>>) src(%dma_wait3A_66 : memref<6160x8xf32, #tpu.memory_space<vmem_shared>>) dst(%dma_wait3A_64 : memref<6160x8xf32, #tpu.memory_space<hbm>>)
        tpu.yield
      }) : () -> ()
    } else {
    }
    return
  }
}

module attributes {stable_mosaic.version = 14 : i64} {
  func.func @_k_aterm_body(%arg0: i32, %arg1: memref<1000x640xf32, #tpu.memory_space<vmem>>, %arg2: memref<1000x640xf32, #tpu.memory_space<vmem>>, %arg3: memref<2x2xf32, #tpu.memory_space<smem>>, %arg4: memref<1000x640xf32, #tpu.memory_space<vmem>>, %arg5: memref<1000x640xf32, #tpu.memory_space<vmem>>) attributes {dimension_semantics = [#tpu.dimension_semantics<arbitrary>], iteration_bounds = array<i64: 5>, scalar_prefetch = 0 : i64, scratch_operands = 0 : i64, tpu.core_type = #tpu.core_type<tc>, window_params = [{transform_indices = @transform_0, window_bounds = array<i64: 1000, 640>}, {transform_indices = @transform_1, window_bounds = array<i64: 1000, 640>}, {transform_indices = @transform_2, window_bounds = array<i64: 2, 2>}, {transform_indices = @transform_3, window_bounds = array<i64: 1000, 640>}, {transform_indices = @transform_4, window_bounds = array<i64: 1000, 640>}]} {
    %get3A = arith.constant 0 : index
    %get3A_0 = arith.constant 0 : index
    %get3A_1 = vector.load %arg1[%get3A, %get3A_0] : memref<1000x640xf32, #tpu.memory_space<vmem>>, vector<1000x640xf32>
    %get3A_2 = arith.constant 0 : index
    %get3A_3 = arith.constant 0 : index
    %get3A_4 = vector.load %arg2[%get3A_2, %get3A_3] : memref<1000x640xf32, #tpu.memory_space<vmem>>, vector<1000x640xf32>
    %get3A_5 = arith.constant 0 : index
    %get3A_6 = arith.constant 0 : index
    %get3A_7 = memref.load %arg3[%get3A_5, %get3A_6] : memref<2x2xf32, #tpu.memory_space<smem>>
    %mul3A = vector.broadcast %get3A_7 : f32 to vector<1000x640xf32>
    %mul3A_8 = arith.mulf %get3A_1, %mul3A : vector<1000x640xf32>
    %get3A_9 = arith.constant 0 : index
    %get3A_10 = arith.constant 1 : index
    %get3A_11 = memref.load %arg3[%get3A_9, %get3A_10] : memref<2x2xf32, #tpu.memory_space<smem>>
    %mul3A_12 = vector.broadcast %get3A_11 : f32 to vector<1000x640xf32>
    %mul3A_13 = arith.mulf %get3A_4, %mul3A_12 : vector<1000x640xf32>
    %add3A = arith.addf %mul3A_8, %mul3A_13 : vector<1000x640xf32>
    %swap3A = arith.constant 0 : index
    %swap3A_14 = arith.constant 0 : index
    %swap3A_15 = vector.load %arg4[%swap3A, %swap3A_14] : memref<1000x640xf32, #tpu.memory_space<vmem>>, vector<1000x640xf32>
    tpu.vector_store %arg4[%swap3A, %swap3A_14], %add3A {strides = array<i32>} : memref<1000x640xf32, #tpu.memory_space<vmem>>, vector<1000x640xf32>,
    %get3A_16 = arith.constant 1 : index
    %get3A_17 = arith.constant 0 : index
    %get3A_18 = memref.load %arg3[%get3A_16, %get3A_17] : memref<2x2xf32, #tpu.memory_space<smem>>
    %mul3A_19 = vector.broadcast %get3A_18 : f32 to vector<1000x640xf32>
    %mul3A_20 = arith.mulf %get3A_1, %mul3A_19 : vector<1000x640xf32>
    %get3A_21 = arith.constant 1 : index
    %get3A_22 = arith.constant 1 : index
    %get3A_23 = memref.load %arg3[%get3A_21, %get3A_22] : memref<2x2xf32, #tpu.memory_space<smem>>
    %mul3A_24 = vector.broadcast %get3A_23 : f32 to vector<1000x640xf32>
    %mul3A_25 = arith.mulf %get3A_4, %mul3A_24 : vector<1000x640xf32>
    %add3A_26 = arith.addf %mul3A_20, %mul3A_25 : vector<1000x640xf32>
    %swap3A_27 = arith.constant 0 : index
    %swap3A_28 = arith.constant 0 : index
    %swap3A_29 = vector.load %arg5[%swap3A_27, %swap3A_28] : memref<1000x640xf32, #tpu.memory_space<vmem>>, vector<1000x640xf32>
    tpu.vector_store %arg5[%swap3A_27, %swap3A_28], %add3A_26 {strides = array<i32>} : memref<1000x640xf32, #tpu.memory_space<vmem>>, vector<1000x640xf32>,
    return
  }
  func.func @transform_0(%arg0: i32) -> (i32, i32) {
    %c0_i32 = arith.constant 0 : i32
    %c0_i32_0 = arith.constant 0 : i32
    return %arg0, %c0_i32 : i32, i32
  }
  func.func @transform_1(%arg0: i32) -> (i32, i32) {
    %c0_i32 = arith.constant 0 : i32
    %c0_i32_0 = arith.constant 0 : i32
    return %arg0, %c0_i32 : i32, i32
  }
  func.func @transform_2(%arg0: i32) -> (i32, i32) {
    %c0_i32 = arith.constant 0 : i32
    %c0_i32_0 = arith.constant 0 : i32
    %c0_i32_1 = arith.constant 0 : i32
    return %c0_i32, %c0_i32_0 : i32, i32
  }
  func.func @transform_3(%arg0: i32) -> (i32, i32) {
    %c0_i32 = arith.constant 0 : i32
    %c0_i32_0 = arith.constant 0 : i32
    return %arg0, %c0_i32 : i32, i32
  }
  func.func @transform_4(%arg0: i32) -> (i32, i32) {
    %c0_i32 = arith.constant 0 : i32
    %c0_i32_0 = arith.constant 0 : i32
    return %arg0, %c0_i32 : i32, i32
  }
}

module attributes {stable_mosaic.version = 14 : i64} {
  func.func @_k_tables_body(%arg0: i32, %arg1: memref<2000x6xf32, #tpu.memory_space<vmem>>, %arg2: memref<6x6xf32, #tpu.memory_space<vmem>>, %arg3: memref<1x6xf32, #tpu.memory_space<vmem>>, %arg4: memref<1x6xf32, #tpu.memory_space<vmem>>, %arg5: memref<2000x8xf32, #tpu.memory_space<vmem>>, %arg6: memref<2000x1xf32, #tpu.memory_space<vmem>>) attributes {dimension_semantics = [#tpu.dimension_semantics<arbitrary>], iteration_bounds = array<i64: 50>, scalar_prefetch = 0 : i64, scratch_operands = 0 : i64, tpu.core_type = #tpu.core_type<tc>, window_params = [{transform_indices = @transform_0, window_bounds = array<i64: 2000, 6>}, {pipeline_mode = #tpu.pipeline_mode<synchronous>, transform_indices = @transform_1, window_bounds = array<i64: 6, 6>}, {pipeline_mode = #tpu.pipeline_mode<synchronous>, transform_indices = @transform_2, window_bounds = array<i64: 1, 6>}, {pipeline_mode = #tpu.pipeline_mode<synchronous>, transform_indices = @transform_3, window_bounds = array<i64: 1, 6>}, {transform_indices = @transform_4, window_bounds = array<i64: 2000, 8>}, {transform_indices = @transform_5, window_bounds = array<i64: 2000, 1>}]} {
    %get3A = arith.constant 0 : index
    %get3A_0 = arith.constant 0 : index
    %get3A_1 = vector.load %arg1[%get3A, %get3A_0] : memref<2000x6xf32, #tpu.memory_space<vmem>>, vector<2000x6xf32>
    %get3A_2 = arith.constant 0 : index
    %get3A_3 = arith.constant 0 : index
    %get3A_4 = vector.load %arg2[%get3A_2, %get3A_3] : memref<6x6xf32, #tpu.memory_space<vmem>>, vector<6x6xf32>
    %dot_general3A = arith.constant dense<0.000000e+00> : vector<2000x6xf32>
    %dot_general3A_5 = tpu.matmul %get3A_1, %get3A_4, %dot_general3A {dimension_numbers = #tpu.dot_dimension_numbers<[1], [0], [0], [1], [0, 0, 1, 1], [], []>, transpose_lhs_hint = false} : vector<2000x6xf32>, vector<6x6xf32>, vector<2000x6xf32> -> vector<2000x6xf32>
    %swap3A = arith.constant 0 : index
    %swap3A_6 = arith.constant 0 : index
    %swap3A_7 = vector.load %arg5[%swap3A, %swap3A_6] : memref<2000x8xf32, #tpu.memory_space<vmem>>, vector<2000x6xf32>
    tpu.vector_store %arg5[%swap3A, %swap3A_6], %dot_general3A_5 {strides = array<i32>} : memref<2000x8xf32, #tpu.memory_space<vmem>>, vector<2000x6xf32>,
    %get3A_8 = arith.constant 0 : index
    %get3A_9 = arith.constant 0 : index
    %get3A_10 = vector.load %arg3[%get3A_8, %get3A_9] : memref<1x6xf32, #tpu.memory_space<vmem>>, vector<1x6xf32>
    %mul3A = vector.broadcast %get3A_10 : vector<1x6xf32> to vector<2000x6xf32>
    %mul3A_11 = arith.mulf %dot_general3A_5, %mul3A : vector<2000x6xf32>
    %reduce_sum3A = arith.constant dense<0.000000e+00> : vector<2000xf32>
    %reduce_sum3A_12 = vector.multi_reduction <add>, %mul3A_11, %reduce_sum3A [1] : vector<2000x6xf32> to vector<2000xf32>
    %broadcast_in_dim3A = vector.shape_cast %reduce_sum3A_12 : vector<2000xf32> to vector<2000x1xf32>
    %swap3A_13 = arith.constant 0 : index
    %swap3A_14 = arith.constant 6 : index
    %swap3A_15 = vector.load %arg5[%swap3A_13, %swap3A_14] : memref<2000x8xf32, #tpu.memory_space<vmem>>, vector<2000x1xf32>
    tpu.vector_store %arg5[%swap3A_13, %swap3A_14], %broadcast_in_dim3A {strides = array<i32>} : memref<2000x8xf32, #tpu.memory_space<vmem>>, vector<2000x1xf32>,
    %broadcast_in_dim3A_16 = arith.constant 1.000000e+00 : f32
    %broadcast_in_dim3A_17 = vector.broadcast %broadcast_in_dim3A_16 : f32 to vector<2000x1xf32>
    %swap3A_18 = arith.constant 0 : index
    %swap3A_19 = arith.constant 7 : index
    %swap3A_20 = vector.load %arg5[%swap3A_18, %swap3A_19] : memref<2000x8xf32, #tpu.memory_space<vmem>>, vector<2000x1xf32>
    tpu.vector_store %arg5[%swap3A_18, %swap3A_19], %broadcast_in_dim3A_17 {strides = array<i32>} : memref<2000x8xf32, #tpu.memory_space<vmem>>, vector<2000x1xf32>,
    %get3A_21 = arith.constant 0 : index
    %get3A_22 = arith.constant 0 : index
    %get3A_23 = vector.load %arg4[%get3A_21, %get3A_22] : memref<1x6xf32, #tpu.memory_space<vmem>>, vector<1x6xf32>
    %mul3A_24 = vector.broadcast %get3A_23 : vector<1x6xf32> to vector<2000x6xf32>
    %mul3A_25 = arith.mulf %dot_general3A_5, %mul3A_24 : vector<2000x6xf32>
    %reduce_sum3A_26 = arith.constant dense<0.000000e+00> : vector<2000xf32>
    %reduce_sum3A_27 = vector.multi_reduction <add>, %mul3A_25, %reduce_sum3A_26 [1] : vector<2000x6xf32> to vector<2000xf32>
    %broadcast_in_dim3A_28 = vector.shape_cast %reduce_sum3A_27 : vector<2000xf32> to vector<2000x1xf32>
    %swap3A_29 = arith.constant 0 : index
    %swap3A_30 = arith.constant 0 : index
    %swap3A_31 = vector.load %arg6[%swap3A_29, %swap3A_30] : memref<2000x1xf32, #tpu.memory_space<vmem>>, vector<2000x1xf32>
    tpu.vector_store %arg6[%swap3A_29, %swap3A_30], %broadcast_in_dim3A_28 {strides = array<i32>} : memref<2000x1xf32, #tpu.memory_space<vmem>>, vector<2000x1xf32>,
    return
  }
  func.func @transform_0(%arg0: i32) -> (i32, i32) {
    %c0_i32 = arith.constant 0 : i32
    %c0_i32_0 = arith.constant 0 : i32
    return %arg0, %c0_i32 : i32, i32
  }
  func.func @transform_1(%arg0: i32) -> (i32, i32) {
    %c0_i32 = arith.constant 0 : i32
    %c0_i32_0 = arith.constant 0 : i32
    %c0_i32_1 = arith.constant 0 : i32
    return %c0_i32, %c0_i32_0 : i32, i32
  }
  func.func @transform_2(%arg0: i32) -> (i32, i32) {
    %c0_i32 = arith.constant 0 : i32
    %c0_i32_0 = arith.constant 0 : i32
    %c0_i32_1 = arith.constant 0 : i32
    return %c0_i32, %c0_i32_0 : i32, i32
  }
  func.func @transform_3(%arg0: i32) -> (i32, i32) {
    %c0_i32 = arith.constant 0 : i32
    %c0_i32_0 = arith.constant 0 : i32
    %c0_i32_1 = arith.constant 0 : i32
    return %c0_i32, %c0_i32_0 : i32, i32
  }
  func.func @transform_4(%arg0: i32) -> (i32, i32) {
    %c0_i32 = arith.constant 0 : i32
    %c0_i32_0 = arith.constant 0 : i32
    return %arg0, %c0_i32 : i32, i32
  }
  func.func @transform_5(%arg0: i32) -> (i32, i32) {
    %c0_i32 = arith.constant 0 : i32
    %c0_i32_0 = arith.constant 0 : i32
    return %arg0, %c0_i32 : i32, i32
  }
}

module attributes {stable_mosaic.version = 14 : i64} {
  func.func @_k_ff0_body(%arg0: i32, %arg1: memref<2000x6xf32, #tpu.memory_space<vmem>>, %arg2: memref<2xf32, #tpu.memory_space<smem>>, %arg3: memref<6x6xf32, #tpu.memory_space<vmem>>, %arg4: memref<1x6xf32, #tpu.memory_space<vmem>>, %arg5: memref<6x6xf32, #tpu.memory_space<vmem>>, %arg6: memref<1x6xf32, #tpu.memory_space<vmem>>, %arg7: memref<2000x6xf32, #tpu.memory_space<vmem>>, %arg8: memref<2000x6xf32, #tpu.memory_space<vmem>>, %arg9: memref<2000x6xf32, #tpu.memory_space<vmem>>, %arg10: memref<1x1x2xf32, #tpu.memory_space<vmem>>) attributes {dimension_semantics = [#tpu.dimension_semantics<arbitrary>], iteration_bounds = array<i64: 50>, scalar_prefetch = 0 : i64, scratch_operands = 0 : i64, tpu.core_type = #tpu.core_type<tc>, window_params = [{transform_indices = @transform_0, window_bounds = array<i64: 2000, 6>}, {transform_indices = @transform_1, window_bounds = array<i64: 2>}, {pipeline_mode = #tpu.pipeline_mode<synchronous>, transform_indices = @transform_2, window_bounds = array<i64: 6, 6>}, {pipeline_mode = #tpu.pipeline_mode<synchronous>, transform_indices = @transform_3, window_bounds = array<i64: 1, 6>}, {pipeline_mode = #tpu.pipeline_mode<synchronous>, transform_indices = @transform_4, window_bounds = array<i64: 6, 6>}, {pipeline_mode = #tpu.pipeline_mode<synchronous>, transform_indices = @transform_5, window_bounds = array<i64: 1, 6>}, {transform_indices = @transform_6, window_bounds = array<i64: 2000, 6>}, {transform_indices = @transform_7, window_bounds = array<i64: 2000, 6>}, {transform_indices = @transform_8, window_bounds = array<i64: 2000, 6>}, {transform_indices = @transform_9, window_bounds = array<i64: 1, 1, 2>}]} {
    %get3A = arith.constant 0 : index
    %get3A_0 = arith.constant 0 : index
    %get3A_1 = vector.load %arg1[%get3A, %get3A_0] : memref<2000x6xf32, #tpu.memory_space<vmem>>, vector<2000x6xf32>
    %get3A_2 = arith.constant 0 : index
    %get3A_3 = memref.load %arg2[%get3A_2] : memref<2xf32, #tpu.memory_space<smem>>
    %mul3A = vector.broadcast %get3A_3 : f32 to vector<2000x6xf32>
    %mul3A_4 = arith.mulf %get3A_1, %mul3A : vector<2000x6xf32>
    %get3A_5 = arith.constant 1 : index
    %get3A_6 = memref.load %arg2[%get3A_5] : memref<2xf32, #tpu.memory_space<smem>>
    %add3A = vector.broadcast %get3A_6 : f32 to vector<2000x6xf32>
    %add3A_7 = arith.addf %mul3A_4, %add3A : vector<2000x6xf32>
    %get3A_8 = arith.constant 0 : index
    %get3A_9 = arith.constant 0 : index
    %get3A_10 = vector.load %arg3[%get3A_8, %get3A_9] : memref<6x6xf32, #tpu.memory_space<vmem>>, vector<6x6xf32>
    %dot_general3A = arith.constant dense<0.000000e+00> : vector<2000x6xf32>
    %dot_general3A_11 = tpu.matmul %add3A_7, %get3A_10, %dot_general3A {dimension_numbers = #tpu.dot_dimension_numbers<[1], [0], [0], [1], [0, 0, 1, 1], [], []>, transpose_lhs_hint = false} : vector<2000x6xf32>, vector<6x6xf32>, vector<2000x6xf32> -> vector<2000x6xf32>
    %get3A_12 = arith.constant 0 : index
    %get3A_13 = arith.constant 0 : index
    %get3A_14 = vector.load %arg4[%get3A_12, %get3A_13] : memref<1x6xf32, #tpu.memory_space<vmem>>, vector<1x6xf32>
    %add3A_15 = vector.broadcast %get3A_14 : vector<1x6xf32> to vector<2000x6xf32>
    %add3A_16 = arith.addf %dot_general3A_11, %add3A_15 : vector<2000x6xf32>
    %ge3A = arith.constant 0.000000e+00 : f32
    %ge3A_17 = vector.broadcast %ge3A : f32 to vector<2000x6xf32>
    %ge3A_18 = arith.cmpf oge, %add3A_16, %ge3A_17 : vector<2000x6xf32>
    %mul3A_19 = arith.constant 0.00999999977 : f32
    %mul3A_20 = vector.broadcast %mul3A_19 : f32 to vector<2000x6xf32>
    %mul3A_21 = arith.mulf %mul3A_20, %add3A_16 : vector<2000x6xf32>
    %select_n3A = arith.select %ge3A_18, %add3A_16, %mul3A_21 : vector<2000x6xi1>, vector<2000x6xf32>
    %get3A_22 = arith.constant 0 : index
    %get3A_23 = arith.constant 0 : index
    %get3A_24 = vector.load %arg5[%get3A_22, %get3A_23] : memref<6x6xf32, #tpu.memory_space<vmem>>, vector<6x6xf32>
    %dot_general3A_25 = arith.constant dense<0.000000e+00> : vector<2000x6xf32>
    %dot_general3A_26 = tpu.matmul %select_n3A, %get3A_24, %dot_general3A_25 {dimension_numbers = #tpu.dot_dimension_numbers<[1], [0], [0], [1], [0, 0, 1, 1], [], []>, transpose_lhs_hint = false} : vector<2000x6xf32>, vector<6x6xf32>, vector<2000x6xf32> -> vector<2000x6xf32>
    %get3A_27 = arith.constant 0 : index
    %get3A_28 = arith.constant 0 : index
    %get3A_29 = vector.load %arg6[%get3A_27, %get3A_28] : memref<1x6xf32, #tpu.memory_space<vmem>>, vector<1x6xf32>
    %add3A_30 = vector.broadcast %get3A_29 : vector<1x6xf32> to vector<2000x6xf32>
    %add3A_31 = arith.addf %dot_general3A_26, %add3A_30 : vector<2000x6xf32>
    %add3A_32 = arith.addf %add3A_31, %add3A_7 : vector<2000x6xf32>
    %get3A_33 = arith.constant 0 : index
    %get3A_34 = arith.constant 0 : index
    %get3A_35 = vector.load %arg7[%get3A_33, %get3A_34] : memref<2000x6xf32, #tpu.memory_space<vmem>>, vector<2000x6xf32>
    %add3A_36 = arith.addf %add3A_32, %get3A_35 : vector<2000x6xf32>
    %swap3A = arith.constant 0 : index
    %swap3A_37 = arith.constant 0 : index
    %swap3A_38 = vector.load %arg8[%swap3A, %swap3A_37] : memref<2000x6xf32, #tpu.memory_space<vmem>>, vector<2000x6xf32>
    tpu.vector_store %arg8[%swap3A, %swap3A_37], %add3A_7 {strides = array<i32>} : memref<2000x6xf32, #tpu.memory_space<vmem>>, vector<2000x6xf32>,
    %swap3A_39 = arith.constant 0 : index
    %swap3A_40 = arith.constant 0 : index
    %swap3A_41 = vector.load %arg9[%swap3A_39, %swap3A_40] : memref<2000x6xf32, #tpu.memory_space<vmem>>, vector<2000x6xf32>
    tpu.vector_store %arg9[%swap3A_39, %swap3A_40], %add3A_36 {strides = array<i32>} : memref<2000x6xf32, #tpu.memory_space<vmem>>, vector<2000x6xf32>,
    %reduce_sum3A = vector.shape_cast %add3A_36 : vector<2000x6xf32> to vector<1x2000x6xf32>
    %reduce_sum3A_42 = arith.constant dense<0.000000e+00> : vector<1xf32>
    %reduce_sum3A_43 = vector.multi_reduction <add>, %reduce_sum3A, %reduce_sum3A_42 [1, 2] : vector<1x2000x6xf32> to vector<1xf32>
    %reduce_sum3A_44 = vector.shape_cast %reduce_sum3A_43 : vector<1xf32> to vector<1x1x1xf32>
    %reduce_sum3A_45 = vector.extract %reduce_sum3A_44[0, 0, 0] : f32 from vector<1x1x1xf32>
    %reshape3A = vector.broadcast %reduce_sum3A_45 : f32 to vector<1x1x1xf32>
    %mul3A_46 = arith.mulf %add3A_36, %add3A_36 : vector<2000x6xf32>
    %reduce_sum3A_47 = vector.shape_cast %mul3A_46 : vector<2000x6xf32> to vector<1x2000x6xf32>
    %reduce_sum3A_48 = arith.constant dense<0.000000e+00> : vector<1xf32>
    %reduce_sum3A_49 = vector.multi_reduction <add>, %reduce_sum3A_47, %reduce_sum3A_48 [1, 2] : vector<1x2000x6xf32> to vector<1xf32>
    %reduce_sum3A_50 = vector.shape_cast %reduce_sum3A_49 : vector<1xf32> to vector<1x1x1xf32>
    %reduce_sum3A_51 = vector.extract %reduce_sum3A_50[0, 0, 0] : f32 from vector<1x1x1xf32>
    %reshape3A_52 = vector.broadcast %reduce_sum3A_51 : f32 to vector<1x1x1xf32>
    %concatenate3A = tpu.concatenate %reshape3A, %reshape3A_52 in 2 : vector<1x1x1xf32>, vector<1x1x1xf32> -> vector<1x1x2xf32>
    %swap3A_53 = arith.constant 0 : index
    %swap3A_54 = arith.constant 0 : index
    %swap3A_55 = arith.constant 0 : index
    %swap3A_56 = vector.load %arg10[%swap3A_53, %swap3A_54, %swap3A_55] : memref<1x1x2xf32, #tpu.memory_space<vmem>>, vector<1x1x2xf32>
    tpu.vector_store %arg10[%swap3A_53, %swap3A_54, %swap3A_55], %concatenate3A {strides = array<i32>} : memref<1x1x2xf32, #tpu.memory_space<vmem>>, vector<1x1x2xf32>,
    return
  }
  func.func @transform_0(%arg0: i32) -> (i32, i32) {
    %c0_i32 = arith.constant 0 : i32
    %c0_i32_0 = arith.constant 0 : i32
    return %arg0, %c0_i32 : i32, i32
  }
  func.func @transform_1(%arg0: i32) -> i32 {
    %c0_i32 = arith.constant 0 : i32
    %c0_i32_0 = arith.constant 0 : i32
    return %c0_i32 : i32
  }
  func.func @transform_2(%arg0: i32) -> (i32, i32) {
    %c0_i32 = arith.constant 0 : i32
    %c0_i32_0 = arith.constant 0 : i32
    %c0_i32_1 = arith.constant 0 : i32
    return %c0_i32, %c0_i32_0 : i32, i32
  }
  func.func @transform_3(%arg0: i32) -> (i32, i32) {
    %c0_i32 = arith.constant 0 : i32
    %c0_i32_0 = arith.constant 0 : i32
    %c0_i32_1 = arith.constant 0 : i32
    return %c0_i32, %c0_i32_0 : i32, i32
  }
  func.func @transform_4(%arg0: i32) -> (i32, i32) {
    %c0_i32 = arith.constant 0 : i32
    %c0_i32_0 = arith.constant 0 : i32
    %c0_i32_1 = arith.constant 0 : i32
    return %c0_i32, %c0_i32_0 : i32, i32
  }
  func.func @transform_5(%arg0: i32) -> (i32, i32) {
    %c0_i32 = arith.constant 0 : i32
    %c0_i32_0 = arith.constant 0 : i32
    %c0_i32_1 = arith.constant 0 : i32
    return %c0_i32, %c0_i32_0 : i32, i32
  }
  func.func @transform_6(%arg0: i32) -> (i32, i32) {
    %c0_i32 = arith.constant 0 : i32
    %c0_i32_0 = arith.constant 0 : i32
    return %arg0, %c0_i32 : i32, i32
  }
  func.func @transform_7(%arg0: i32) -> (i32, i32) {
    %c0_i32 = arith.constant 0 : i32
    %c0_i32_0 = arith.constant 0 : i32
    return %arg0, %c0_i32 : i32, i32
  }
  func.func @transform_8(%arg0: i32) -> (i32, i32) {
    %c0_i32 = arith.constant 0 : i32
    %c0_i32_0 = arith.constant 0 : i32
    return %arg0, %c0_i32 : i32, i32
  }
  func.func @transform_9(%arg0: i32) -> (i32, i32, i32) {
    %c0_i32 = arith.constant 0 : i32
    %c0_i32_0 = arith.constant 0 : i32
    %c0_i32_1 = arith.constant 0 : i32
    return %arg0, %c0_i32, %c0_i32_0 : i32, i32, i32
  }
}

module attributes {stable_mosaic.version = 14 : i64} {
  func.func @_k_gat_out0_body(%arg0: i32, %arg1: memref<2000x8xf32, #tpu.memory_space<vmem>>, %arg2: memref<2000x8xf32, #tpu.memory_space<vmem>>, %arg3: memref<2000x6xf32, #tpu.memory_space<vmem>>, %arg4: memref<1x6xf32, #tpu.memory_space<vmem>>, %arg5: memref<2000x6xf32, #tpu.memory_space<vmem>>, %arg6: memref<1x1x2xf32, #tpu.memory_space<vmem>>) attributes {dimension_semantics = [#tpu.dimension_semantics<arbitrary>], iteration_bounds = array<i64: 50>, scalar_prefetch = 0 : i64, scratch_operands = 0 : i64, tpu.core_type = #tpu.core_type<tc>, window_params = [{transform_indices = @transform_0, window_bounds = array<i64: 2000, 8>}, {transform_indices = @transform_1, window_bounds = array<i64: 2000, 8>}, {transform_indices = @transform_2, window_bounds = array<i64: 2000, 6>}, {pipeline_mode = #tpu.pipeline_mode<synchronous>, transform_indices = @transform_3, window_bounds = array<i64: 1, 6>}, {transform_indices = @transform_4, window_bounds = array<i64: 2000, 6>}, {transform_indices = @transform_5, window_bounds = array<i64: 1, 1, 2>}]} {
    %get3A = arith.constant 0 : index
    %get3A_0 = arith.constant 0 : index
    %get3A_1 = vector.load %arg1[%get3A, %get3A_0] : memref<2000x8xf32, #tpu.memory_space<vmem>>, vector<2000x8xf32>
    %get3A_2 = arith.constant 0 : index
    %get3A_3 = arith.constant 0 : index
    %get3A_4 = vector.load %arg2[%get3A_2, %get3A_3] : memref<2000x8xf32, #tpu.memory_space<vmem>>, vector<2000x8xf32>
    %add3A = arith.addf %get3A_1, %get3A_4 : vector<2000x8xf32>
    %slice3A = vector.extract_strided_slice %add3A {offsets = [0, 0], sizes = [2000, 6], strides = [1, 1]} : vector<2000x8xf32> to vector<2000x6xf32>
    %slice3A_5 = vector.extract_strided_slice %add3A {offsets = [0, 7], sizes = [2000, 1], strides = [1, 1]} : vector<2000x8xf32> to vector<2000x1xf32>
    %add3A_6 = arith.constant 1.000000e-16 : f32
    %add3A_7 = vector.broadcast %add3A_6 : f32 to vector<2000x1xf32>
    %add3A_8 = arith.addf %slice3A_5, %add3A_7 : vector<2000x1xf32>
    %div3A = vector.broadcast %add3A_8 : vector<2000x1xf32> to vector<2000x6xf32>
    %div3A_9 = arith.divf %slice3A, %div3A : vector<2000x6xf32>
    %get3A_10 = arith.constant 0 : index
    %get3A_11 = arith.constant 0 : index
    %get3A_12 = vector.load %arg4[%get3A_10, %get3A_11] : memref<1x6xf32, #tpu.memory_space<vmem>>, vector<1x6xf32>
    %add3A_13 = vector.broadcast %get3A_12 : vector<1x6xf32> to vector<2000x6xf32>
    %add3A_14 = arith.addf %div3A_9, %add3A_13 : vector<2000x6xf32>
    %ge3A = arith.constant 0.000000e+00 : f32
    %ge3A_15 = vector.broadcast %ge3A : f32 to vector<2000x6xf32>
    %ge3A_16 = arith.cmpf oge, %add3A_14, %ge3A_15 : vector<2000x6xf32>
    %mul3A = arith.constant 0.00999999977 : f32
    %mul3A_17 = vector.broadcast %mul3A : f32 to vector<2000x6xf32>
    %mul3A_18 = arith.mulf %mul3A_17, %add3A_14 : vector<2000x6xf32>
    %select_n3A = arith.select %ge3A_16, %add3A_14, %mul3A_18 : vector<2000x6xi1>, vector<2000x6xf32>
    %get3A_19 = arith.constant 0 : index
    %get3A_20 = arith.constant 0 : index
    %get3A_21 = vector.load %arg3[%get3A_19, %get3A_20] : memref<2000x6xf32, #tpu.memory_space<vmem>>, vector<2000x6xf32>
    %add3A_22 = arith.addf %select_n3A, %get3A_21 : vector<2000x6xf32>
    %swap3A = arith.constant 0 : index
    %swap3A_23 = arith.constant 0 : index
    %swap3A_24 = vector.load %arg5[%swap3A, %swap3A_23] : memref<2000x6xf32, #tpu.memory_space<vmem>>, vector<2000x6xf32>
    tpu.vector_store %arg5[%swap3A, %swap3A_23], %add3A_22 {strides = array<i32>} : memref<2000x6xf32, #tpu.memory_space<vmem>>, vector<2000x6xf32>,
    %reduce_sum3A = vector.shape_cast %add3A_22 : vector<2000x6xf32> to vector<1x2000x6xf32>
    %reduce_sum3A_25 = arith.constant dense<0.000000e+00> : vector<1xf32>
    %reduce_sum3A_26 = vector.multi_reduction <add>, %reduce_sum3A, %reduce_sum3A_25 [1, 2] : vector<1x2000x6xf32> to vector<1xf32>
    %reduce_sum3A_27 = vector.shape_cast %reduce_sum3A_26 : vector<1xf32> to vector<1x1x1xf32>
    %reduce_sum3A_28 = vector.extract %reduce_sum3A_27[0, 0, 0] : f32 from vector<1x1x1xf32>
    %reshape3A = vector.broadcast %reduce_sum3A_28 : f32 to vector<1x1x1xf32>
    %mul3A_29 = arith.mulf %add3A_22, %add3A_22 : vector<2000x6xf32>
    %reduce_sum3A_30 = vector.shape_cast %mul3A_29 : vector<2000x6xf32> to vector<1x2000x6xf32>
    %reduce_sum3A_31 = arith.constant dense<0.000000e+00> : vector<1xf32>
    %reduce_sum3A_32 = vector.multi_reduction <add>, %reduce_sum3A_30, %reduce_sum3A_31 [1, 2] : vector<1x2000x6xf32> to vector<1xf32>
    %reduce_sum3A_33 = vector.shape_cast %reduce_sum3A_32 : vector<1xf32> to vector<1x1x1xf32>
    %reduce_sum3A_34 = vector.extract %reduce_sum3A_33[0, 0, 0] : f32 from vector<1x1x1xf32>
    %reshape3A_35 = vector.broadcast %reduce_sum3A_34 : f32 to vector<1x1x1xf32>
    %concatenate3A = tpu.concatenate %reshape3A, %reshape3A_35 in 2 : vector<1x1x1xf32>, vector<1x1x1xf32> -> vector<1x1x2xf32>
    %swap3A_36 = arith.constant 0 : index
    %swap3A_37 = arith.constant 0 : index
    %swap3A_38 = arith.constant 0 : index
    %swap3A_39 = vector.load %arg6[%swap3A_36, %swap3A_37, %swap3A_38] : memref<1x1x2xf32, #tpu.memory_space<vmem>>, vector<1x1x2xf32>
    tpu.vector_store %arg6[%swap3A_36, %swap3A_37, %swap3A_38], %concatenate3A {strides = array<i32>} : memref<1x1x2xf32, #tpu.memory_space<vmem>>, vector<1x1x2xf32>,
    return
  }
  func.func @transform_0(%arg0: i32) -> (i32, i32) {
    %c0_i32 = arith.constant 0 : i32
    %c0_i32_0 = arith.constant 0 : i32
    return %arg0, %c0_i32 : i32, i32
  }
  func.func @transform_1(%arg0: i32) -> (i32, i32) {
    %c0_i32 = arith.constant 0 : i32
    %c0_i32_0 = arith.constant 0 : i32
    return %arg0, %c0_i32 : i32, i32
  }
  func.func @transform_2(%arg0: i32) -> (i32, i32) {
    %c0_i32 = arith.constant 0 : i32
    %c0_i32_0 = arith.constant 0 : i32
    return %arg0, %c0_i32 : i32, i32
  }
  func.func @transform_3(%arg0: i32) -> (i32, i32) {
    %c0_i32 = arith.constant 0 : i32
    %c0_i32_0 = arith.constant 0 : i32
    %c0_i32_1 = arith.constant 0 : i32
    return %c0_i32, %c0_i32_0 : i32, i32
  }
  func.func @transform_4(%arg0: i32) -> (i32, i32) {
    %c0_i32 = arith.constant 0 : i32
    %c0_i32_0 = arith.constant 0 : i32
    return %arg0, %c0_i32 : i32, i32
  }
  func.func @transform_5(%arg0: i32) -> (i32, i32, i32) {
    %c0_i32 = arith.constant 0 : i32
    %c0_i32_0 = arith.constant 0 : i32
    %c0_i32_1 = arith.constant 0 : i32
    return %arg0, %c0_i32, %c0_i32_0 : i32, i32, i32
  }
}

module attributes {stable_mosaic.version = 14 : i64} {
  func.func @_k_next_tables_body(%arg0: i32, %arg1: memref<2000x6xf32, #tpu.memory_space<vmem>>, %arg2: memref<2xf32, #tpu.memory_space<smem>>, %arg3: memref<6x6xf32, #tpu.memory_space<vmem>>, %arg4: memref<1x6xf32, #tpu.memory_space<vmem>>, %arg5: memref<1x6xf32, #tpu.memory_space<vmem>>, %arg6: memref<2000x6xf32, #tpu.memory_space<vmem>>, %arg7: memref<2000x8xf32, #tpu.memory_space<vmem>>, %arg8: memref<2000x1xf32, #tpu.memory_space<vmem>>) attributes {dimension_semantics = [#tpu.dimension_semantics<arbitrary>], iteration_bounds = array<i64: 50>, scalar_prefetch = 0 : i64, scratch_operands = 0 : i64, tpu.core_type = #tpu.core_type<tc>, window_params = [{transform_indices = @transform_0, window_bounds = array<i64: 2000, 6>}, {transform_indices = @transform_1, window_bounds = array<i64: 2>}, {pipeline_mode = #tpu.pipeline_mode<synchronous>, transform_indices = @transform_2, window_bounds = array<i64: 6, 6>}, {pipeline_mode = #tpu.pipeline_mode<synchronous>, transform_indices = @transform_3, window_bounds = array<i64: 1, 6>}, {pipeline_mode = #tpu.pipeline_mode<synchronous>, transform_indices = @transform_4, window_bounds = array<i64: 1, 6>}, {transform_indices = @transform_5, window_bounds = array<i64: 2000, 6>}, {transform_indices = @transform_6, window_bounds = array<i64: 2000, 8>}, {transform_indices = @transform_7, window_bounds = array<i64: 2000, 1>}]} {
    %get3A = arith.constant 0 : index
    %get3A_0 = arith.constant 0 : index
    %get3A_1 = vector.load %arg1[%get3A, %get3A_0] : memref<2000x6xf32, #tpu.memory_space<vmem>>, vector<2000x6xf32>
    %get3A_2 = arith.constant 0 : index
    %get3A_3 = memref.load %arg2[%get3A_2] : memref<2xf32, #tpu.memory_space<smem>>
    %mul3A = vector.broadcast %get3A_3 : f32 to vector<2000x6xf32>
    %mul3A_4 = arith.mulf %get3A_1, %mul3A : vector<2000x6xf32>
    %get3A_5 = arith.constant 1 : index
    %get3A_6 = memref.load %arg2[%get3A_5] : memref<2xf32, #tpu.memory_space<smem>>
    %add3A = vector.broadcast %get3A_6 : f32 to vector<2000x6xf32>
    %add3A_7 = arith.addf %mul3A_4, %add3A : vector<2000x6xf32>
    %swap3A = arith.constant 0 : index
    %swap3A_8 = arith.constant 0 : index
    %swap3A_9 = vector.load %arg6[%swap3A, %swap3A_8] : memref<2000x6xf32, #tpu.memory_space<vmem>>, vector<2000x6xf32>
    tpu.vector_store %arg6[%swap3A, %swap3A_8], %add3A_7 {strides = array<i32>} : memref<2000x6xf32, #tpu.memory_space<vmem>>, vector<2000x6xf32>,
    %get3A_10 = arith.constant 0 : index
    %get3A_11 = arith.constant 0 : index
    %get3A_12 = vector.load %arg3[%get3A_10, %get3A_11] : memref<6x6xf32, #tpu.memory_space<vmem>>, vector<6x6xf32>
    %dot_general3A = arith.constant dense<0.000000e+00> : vector<2000x6xf32>
    %dot_general3A_13 = tpu.matmul %add3A_7, %get3A_12, %dot_general3A {dimension_numbers = #tpu.dot_dimension_numbers<[1], [0], [0], [1], [0, 0, 1, 1], [], []>, transpose_lhs_hint = false} : vector<2000x6xf32>, vector<6x6xf32>, vector<2000x6xf32> -> vector<2000x6xf32>
    %swap3A_14 = arith.constant 0 : index
    %swap3A_15 = arith.constant 0 : index
    %swap3A_16 = vector.load %arg7[%swap3A_14, %swap3A_15] : memref<2000x8xf32, #tpu.memory_space<vmem>>, vector<2000x6xf32>
    tpu.vector_store %arg7[%swap3A_14, %swap3A_15], %dot_general3A_13 {strides = array<i32>} : memref<2000x8xf32, #tpu.memory_space<vmem>>, vector<2000x6xf32>,
    %get3A_17 = arith.constant 0 : index
    %get3A_18 = arith.constant 0 : index
    %get3A_19 = vector.load %arg4[%get3A_17, %get3A_18] : memref<1x6xf32, #tpu.memory_space<vmem>>, vector<1x6xf32>
    %mul3A_20 = vector.broadcast %get3A_19 : vector<1x6xf32> to vector<2000x6xf32>
    %mul3A_21 = arith.mulf %dot_general3A_13, %mul3A_20 : vector<2000x6xf32>
    %reduce_sum3A = arith.constant dense<0.000000e+00> : vector<2000xf32>
    %reduce_sum3A_22 = vector.multi_reduction <add>, %mul3A_21, %reduce_sum3A [1] : vector<2000x6xf32> to vector<2000xf32>
    %broadcast_in_dim3A = vector.shape_cast %reduce_sum3A_22 : vector<2000xf32> to vector<2000x1xf32>
    %swap3A_23 = arith.constant 0 : index
    %swap3A_24 = arith.constant 6 : index
    %swap3A_25 = vector.load %arg7[%swap3A_23, %swap3A_24] : memref<2000x8xf32, #tpu.memory_space<vmem>>, vector<2000x1xf32>
    tpu.vector_store %arg7[%swap3A_23, %swap3A_24], %broadcast_in_dim3A {strides = array<i32>} : memref<2000x8xf32, #tpu.memory_space<vmem>>, vector<2000x1xf32>,
    %broadcast_in_dim3A_26 = arith.constant 1.000000e+00 : f32
    %broadcast_in_dim3A_27 = vector.broadcast %broadcast_in_dim3A_26 : f32 to vector<2000x1xf32>
    %swap3A_28 = arith.constant 0 : index
    %swap3A_29 = arith.constant 7 : index
    %swap3A_30 = vector.load %arg7[%swap3A_28, %swap3A_29] : memref<2000x8xf32, #tpu.memory_space<vmem>>, vector<2000x1xf32>
    tpu.vector_store %arg7[%swap3A_28, %swap3A_29], %broadcast_in_dim3A_27 {strides = array<i32>} : memref<2000x8xf32, #tpu.memory_space<vmem>>, vector<2000x1xf32>,
    %get3A_31 = arith.constant 0 : index
    %get3A_32 = arith.constant 0 : index
    %get3A_33 = vector.load %arg5[%get3A_31, %get3A_32] : memref<1x6xf32, #tpu.memory_space<vmem>>, vector<1x6xf32>
    %mul3A_34 = vector.broadcast %get3A_33 : vector<1x6xf32> to vector<2000x6xf32>
    %mul3A_35 = arith.mulf %dot_general3A_13, %mul3A_34 : vector<2000x6xf32>
    %reduce_sum3A_36 = arith.constant dense<0.000000e+00> : vector<2000xf32>
    %reduce_sum3A_37 = vector.multi_reduction <add>, %mul3A_35, %reduce_sum3A_36 [1] : vector<2000x6xf32> to vector<2000xf32>
    %broadcast_in_dim3A_38 = vector.shape_cast %reduce_sum3A_37 : vector<2000xf32> to vector<2000x1xf32>
    %swap3A_39 = arith.constant 0 : index
    %swap3A_40 = arith.constant 0 : index
    %swap3A_41 = vector.load %arg8[%swap3A_39, %swap3A_40] : memref<2000x1xf32, #tpu.memory_space<vmem>>, vector<2000x1xf32>
    tpu.vector_store %arg8[%swap3A_39, %swap3A_40], %broadcast_in_dim3A_38 {strides = array<i32>} : memref<2000x1xf32, #tpu.memory_space<vmem>>, vector<2000x1xf32>,
    return
  }
  func.func @transform_0(%arg0: i32) -> (i32, i32) {
    %c0_i32 = arith.constant 0 : i32
    %c0_i32_0 = arith.constant 0 : i32
    return %arg0, %c0_i32 : i32, i32
  }
  func.func @transform_1(%arg0: i32) -> i32 {
    %c0_i32 = arith.constant 0 : i32
    %c0_i32_0 = arith.constant 0 : i32
    return %c0_i32 : i32
  }
  func.func @transform_2(%arg0: i32) -> (i32, i32) {
    %c0_i32 = arith.constant 0 : i32
    %c0_i32_0 = arith.constant 0 : i32
    %c0_i32_1 = arith.constant 0 : i32
    return %c0_i32, %c0_i32_0 : i32, i32
  }
  func.func @transform_3(%arg0: i32) -> (i32, i32) {
    %c0_i32 = arith.constant 0 : i32
    %c0_i32_0 = arith.constant 0 : i32
    %c0_i32_1 = arith.constant 0 : i32
    return %c0_i32, %c0_i32_0 : i32, i32
  }
  func.func @transform_4(%arg0: i32) -> (i32, i32) {
    %c0_i32 = arith.constant 0 : i32
    %c0_i32_0 = arith.constant 0 : i32
    %c0_i32_1 = arith.constant 0 : i32
    return %c0_i32, %c0_i32_0 : i32, i32
  }
  func.func @transform_5(%arg0: i32) -> (i32, i32) {
    %c0_i32 = arith.constant 0 : i32
    %c0_i32_0 = arith.constant 0 : i32
    return %arg0, %c0_i32 : i32, i32
  }
  func.func @transform_6(%arg0: i32) -> (i32, i32) {
    %c0_i32 = arith.constant 0 : i32
    %c0_i32_0 = arith.constant 0 : i32
    return %arg0, %c0_i32 : i32, i32
  }
  func.func @transform_7(%arg0: i32) -> (i32, i32) {
    %c0_i32 = arith.constant 0 : i32
    %c0_i32_0 = arith.constant 0 : i32
    return %arg0, %c0_i32 : i32, i32
  }
}

module attributes {stable_mosaic.version = 14 : i64} {
  func.func @_k_gat_out1_body(%arg0: i32, %arg1: memref<2000x8xf32, #tpu.memory_space<vmem>>, %arg2: memref<2000x8xf32, #tpu.memory_space<vmem>>, %arg3: memref<2000x6xf32, #tpu.memory_space<vmem>>, %arg4: memref<2000x6xf32, #tpu.memory_space<vmem>>, %arg5: memref<2000x6xf32, #tpu.memory_space<vmem>>, %arg6: memref<1x6xf32, #tpu.memory_space<vmem>>, %arg7: memref<2000x6xf32, #tpu.memory_space<vmem>>, %arg8: memref<1x1x2xf32, #tpu.memory_space<vmem>>) attributes {dimension_semantics = [#tpu.dimension_semantics<arbitrary>], iteration_bounds = array<i64: 50>, scalar_prefetch = 0 : i64, scratch_operands = 0 : i64, tpu.core_type = #tpu.core_type<tc>, window_params = [{transform_indices = @transform_0, window_bounds = array<i64: 2000, 8>}, {transform_indices = @transform_1, window_bounds = array<i64: 2000, 8>}, {transform_indices = @transform_2, window_bounds = array<i64: 2000, 6>}, {transform_indices = @transform_3, window_bounds = array<i64: 2000, 6>}, {transform_indices = @transform_4, window_bounds = array<i64: 2000, 6>}, {pipeline_mode = #tpu.pipeline_mode<synchronous>, transform_indices = @transform_5, window_bounds = array<i64: 1, 6>}, {transform_indices = @transform_6, window_bounds = array<i64: 2000, 6>}, {transform_indices = @transform_7, window_bounds = array<i64: 1, 1, 2>}]} {
    %get3A = arith.constant 0 : index
    %get3A_0 = arith.constant 0 : index
    %get3A_1 = vector.load %arg1[%get3A, %get3A_0] : memref<2000x8xf32, #tpu.memory_space<vmem>>, vector<2000x8xf32>
    %get3A_2 = arith.constant 0 : index
    %get3A_3 = arith.constant 0 : index
    %get3A_4 = vector.load %arg2[%get3A_2, %get3A_3] : memref<2000x8xf32, #tpu.memory_space<vmem>>, vector<2000x8xf32>
    %add3A = arith.addf %get3A_1, %get3A_4 : vector<2000x8xf32>
    %slice3A = vector.extract_strided_slice %add3A {offsets = [0, 0], sizes = [2000, 6], strides = [1, 1]} : vector<2000x8xf32> to vector<2000x6xf32>
    %slice3A_5 = vector.extract_strided_slice %add3A {offsets = [0, 7], sizes = [2000, 1], strides = [1, 1]} : vector<2000x8xf32> to vector<2000x1xf32>
    %add3A_6 = arith.constant 1.000000e-16 : f32
    %add3A_7 = vector.broadcast %add3A_6 : f32 to vector<2000x1xf32>
    %add3A_8 = arith.addf %slice3A_5, %add3A_7 : vector<2000x1xf32>
    %div3A = vector.broadcast %add3A_8 : vector<2000x1xf32> to vector<2000x6xf32>
    %div3A_9 = arith.divf %slice3A, %div3A : vector<2000x6xf32>
    %get3A_10 = arith.constant 0 : index
    %get3A_11 = arith.constant 0 : index
    %get3A_12 = vector.load %arg6[%get3A_10, %get3A_11] : memref<1x6xf32, #tpu.memory_space<vmem>>, vector<1x6xf32>
    %add3A_13 = vector.broadcast %get3A_12 : vector<1x6xf32> to vector<2000x6xf32>
    %add3A_14 = arith.addf %div3A_9, %add3A_13 : vector<2000x6xf32>
    %ge3A = arith.constant 0.000000e+00 : f32
    %ge3A_15 = vector.broadcast %ge3A : f32 to vector<2000x6xf32>
    %ge3A_16 = arith.cmpf oge, %add3A_14, %ge3A_15 : vector<2000x6xf32>
    %mul3A = arith.constant 0.00999999977 : f32
    %mul3A_17 = vector.broadcast %mul3A : f32 to vector<2000x6xf32>
    %mul3A_18 = arith.mulf %mul3A_17, %add3A_14 : vector<2000x6xf32>
    %select_n3A = arith.select %ge3A_16, %add3A_14, %mul3A_18 : vector<2000x6xi1>, vector<2000x6xf32>
    %get3A_19 = arith.constant 0 : index
    %get3A_20 = arith.constant 0 : index
    %get3A_21 = vector.load %arg3[%get3A_19, %get3A_20] : memref<2000x6xf32, #tpu.memory_space<vmem>>, vector<2000x6xf32>
    %add3A_22 = arith.addf %select_n3A, %get3A_21 : vector<2000x6xf32>
    %get3A_23 = arith.constant 0 : index
    %get3A_24 = arith.constant 0 : index
    %get3A_25 = vector.load %arg4[%get3A_23, %get3A_24] : memref<2000x6xf32, #tpu.memory_space<vmem>>, vector<2000x6xf32>
    %add3A_26 = arith.addf %add3A_22, %get3A_25 : vector<2000x6xf32>
    %get3A_27 = arith.constant 0 : index
    %get3A_28 = arith.constant 0 : index
    %get3A_29 = vector.load %arg5[%get3A_27, %get3A_28] : memref<2000x6xf32, #tpu.memory_space<vmem>>, vector<2000x6xf32>
    %add3A_30 = arith.addf %add3A_26, %get3A_29 : vector<2000x6xf32>
    %swap3A = arith.constant 0 : index
    %swap3A_31 = arith.constant 0 : index
    %swap3A_32 = vector.load %arg7[%swap3A, %swap3A_31] : memref<2000x6xf32, #tpu.memory_space<vmem>>, vector<2000x6xf32>
    tpu.vector_store %arg7[%swap3A, %swap3A_31], %add3A_30 {strides = array<i32>} : memref<2000x6xf32, #tpu.memory_space<vmem>>, vector<2000x6xf32>,
    %reduce_sum3A = vector.shape_cast %add3A_30 : vector<2000x6xf32> to vector<1x2000x6xf32>
    %reduce_sum3A_33 = arith.constant dense<0.000000e+00> : vector<1xf32>
    %reduce_sum3A_34 = vector.multi_reduction <add>, %reduce_sum3A, %reduce_sum3A_33 [1, 2] : vector<1x2000x6xf32> to vector<1xf32>
    %reduce_sum3A_35 = vector.shape_cast %reduce_sum3A_34 : vector<1xf32> to vector<1x1x1xf32>
    %reduce_sum3A_36 = vector.extract %reduce_sum3A_35[0, 0, 0] : f32 from vector<1x1x1xf32>
    %reshape3A = vector.broadcast %reduce_sum3A_36 : f32 to vector<1x1x1xf32>
    %mul3A_37 = arith.mulf %add3A_30, %add3A_30 : vector<2000x6xf32>
    %reduce_sum3A_38 = vector.shape_cast %mul3A_37 : vector<2000x6xf32> to vector<1x2000x6xf32>
    %reduce_sum3A_39 = arith.constant dense<0.000000e+00> : vector<1xf32>
    %reduce_sum3A_40 = vector.multi_reduction <add>, %reduce_sum3A_38, %reduce_sum3A_39 [1, 2] : vector<1x2000x6xf32> to vector<1xf32>
    %reduce_sum3A_41 = vector.shape_cast %reduce_sum3A_40 : vector<1xf32> to vector<1x1x1xf32>
    %reduce_sum3A_42 = vector.extract %reduce_sum3A_41[0, 0, 0] : f32 from vector<1x1x1xf32>
    %reshape3A_43 = vector.broadcast %reduce_sum3A_42 : f32 to vector<1x1x1xf32>
    %concatenate3A = tpu.concatenate %reshape3A, %reshape3A_43 in 2 : vector<1x1x1xf32>, vector<1x1x1xf32> -> vector<1x1x2xf32>
    %swap3A_44 = arith.constant 0 : index
    %swap3A_45 = arith.constant 0 : index
    %swap3A_46 = arith.constant 0 : index
    %swap3A_47 = vector.load %arg8[%swap3A_44, %swap3A_45, %swap3A_46] : memref<1x1x2xf32, #tpu.memory_space<vmem>>, vector<1x1x2xf32>
    tpu.vector_store %arg8[%swap3A_44, %swap3A_45, %swap3A_46], %concatenate3A {strides = array<i32>} : memref<1x1x2xf32, #tpu.memory_space<vmem>>, vector<1x1x2xf32>,
    return
  }
  func.func @transform_0(%arg0: i32) -> (i32, i32) {
    %c0_i32 = arith.constant 0 : i32
    %c0_i32_0 = arith.constant 0 : i32
    return %arg0, %c0_i32 : i32, i32
  }
  func.func @transform_1(%arg0: i32) -> (i32, i32) {
    %c0_i32 = arith.constant 0 : i32
    %c0_i32_0 = arith.constant 0 : i32
    return %arg0, %c0_i32 : i32, i32
  }
  func.func @transform_2(%arg0: i32) -> (i32, i32) {
    %c0_i32 = arith.constant 0 : i32
    %c0_i32_0 = arith.constant 0 : i32
    return %arg0, %c0_i32 : i32, i32
  }
  func.func @transform_3(%arg0: i32) -> (i32, i32) {
    %c0_i32 = arith.constant 0 : i32
    %c0_i32_0 = arith.constant 0 : i32
    return %arg0, %c0_i32 : i32, i32
  }
  func.func @transform_4(%arg0: i32) -> (i32, i32) {
    %c0_i32 = arith.constant 0 : i32
    %c0_i32_0 = arith.constant 0 : i32
    return %arg0, %c0_i32 : i32, i32
  }
  func.func @transform_5(%arg0: i32) -> (i32, i32) {
    %c0_i32 = arith.constant 0 : i32
    %c0_i32_0 = arith.constant 0 : i32
    %c0_i32_1 = arith.constant 0 : i32
    return %c0_i32, %c0_i32_0 : i32, i32
  }
  func.func @transform_6(%arg0: i32) -> (i32, i32) {
    %c0_i32 = arith.constant 0 : i32
    %c0_i32_0 = arith.constant 0 : i32
    return %arg0, %c0_i32 : i32, i32
  }
  func.func @transform_7(%arg0: i32) -> (i32, i32, i32) {
    %c0_i32 = arith.constant 0 : i32
    %c0_i32_0 = arith.constant 0 : i32
    %c0_i32_1 = arith.constant 0 : i32
    return %arg0, %c0_i32, %c0_i32_0 : i32, i32, i32
  }
}

module attributes {stable_mosaic.version = 14 : i64} {
  func.func @_k_ff1_head_body(%arg0: i32, %arg1: memref<2000x6xf32, #tpu.memory_space<vmem>>, %arg2: memref<2xf32, #tpu.memory_space<smem>>, %arg3: memref<6x6xf32, #tpu.memory_space<vmem>>, %arg4: memref<1x6xf32, #tpu.memory_space<vmem>>, %arg5: memref<6x6xf32, #tpu.memory_space<vmem>>, %arg6: memref<1x6xf32, #tpu.memory_space<vmem>>, %arg7: memref<2000x6xf32, #tpu.memory_space<vmem>>, %arg8: memref<2000x6xf32, #tpu.memory_space<vmem>>, %arg9: memref<2000x6xf32, #tpu.memory_space<vmem>>, %arg10: memref<2x6xf32, #tpu.memory_space<vmem>>, %arg11: memref<1x2xf32, #tpu.memory_space<vmem>>, %arg12: memref<2000x2xf32, #tpu.memory_space<vmem>>) attributes {dimension_semantics = [#tpu.dimension_semantics<arbitrary>], iteration_bounds = array<i64: 50>, scalar_prefetch = 0 : i64, scratch_operands = 0 : i64, tpu.core_type = #tpu.core_type<tc>, window_params = [{transform_indices = @transform_0, window_bounds = array<i64: 2000, 6>}, {transform_indices = @transform_1, window_bounds = array<i64: 2>}, {pipeline_mode = #tpu.pipeline_mode<synchronous>, transform_indices = @transform_2, window_bounds = array<i64: 6, 6>}, {pipeline_mode = #tpu.pipeline_mode<synchronous>, transform_indices = @transform_3, window_bounds = array<i64: 1, 6>}, {pipeline_mode = #tpu.pipeline_mode<synchronous>, transform_indices = @transform_4, window_bounds = array<i64: 6, 6>}, {pipeline_mode = #tpu.pipeline_mode<synchronous>, transform_indices = @transform_5, window_bounds = array<i64: 1, 6>}, {transform_indices = @transform_6, window_bounds = array<i64: 2000, 6>}, {transform_indices = @transform_7, window_bounds = array<i64: 2000, 6>}, {transform_indices = @transform_8, window_bounds = array<i64: 2000, 6>}, {pipeline_mode = #tpu.pipeline_mode<synchronous>, transform_indices = @transform_9, window_bounds = array<i64: 2, 6>}, {pipeline_mode = #tpu.pipeline_mode<synchronous>, transform_indices = @transform_10, window_bounds = array<i64: 1, 2>}, {transform_indices = @transform_11, window_bounds = array<i64: 2000, 2>}]} {
    %get3A = arith.constant 0 : index
    %get3A_0 = arith.constant 0 : index
    %get3A_1 = vector.load %arg1[%get3A, %get3A_0] : memref<2000x6xf32, #tpu.memory_space<vmem>>, vector<2000x6xf32>
    %get3A_2 = arith.constant 0 : index
    %get3A_3 = memref.load %arg2[%get3A_2] : memref<2xf32, #tpu.memory_space<smem>>
    %mul3A = vector.broadcast %get3A_3 : f32 to vector<2000x6xf32>
    %mul3A_4 = arith.mulf %get3A_1, %mul3A : vector<2000x6xf32>
    %get3A_5 = arith.constant 1 : index
    %get3A_6 = memref.load %arg2[%get3A_5] : memref<2xf32, #tpu.memory_space<smem>>
    %add3A = vector.broadcast %get3A_6 : f32 to vector<2000x6xf32>
    %add3A_7 = arith.addf %mul3A_4, %add3A : vector<2000x6xf32>
    %get3A_8 = arith.constant 0 : index
    %get3A_9 = arith.constant 0 : index
    %get3A_10 = vector.load %arg3[%get3A_8, %get3A_9] : memref<6x6xf32, #tpu.memory_space<vmem>>, vector<6x6xf32>
    %dot_general3A = arith.constant dense<0.000000e+00> : vector<2000x6xf32>
    %dot_general3A_11 = tpu.matmul %add3A_7, %get3A_10, %dot_general3A {dimension_numbers = #tpu.dot_dimension_numbers<[1], [0], [0], [1], [0, 0, 1, 1], [], []>, transpose_lhs_hint = false} : vector<2000x6xf32>, vector<6x6xf32>, vector<2000x6xf32> -> vector<2000x6xf32>
    %get3A_12 = arith.constant 0 : index
    %get3A_13 = arith.constant 0 : index
    %get3A_14 = vector.load %arg4[%get3A_12, %get3A_13] : memref<1x6xf32, #tpu.memory_space<vmem>>, vector<1x6xf32>
    %add3A_15 = vector.broadcast %get3A_14 : vector<1x6xf32> to vector<2000x6xf32>
    %add3A_16 = arith.addf %dot_general3A_11, %add3A_15 : vector<2000x6xf32>
    %ge3A = arith.constant 0.000000e+00 : f32
    %ge3A_17 = vector.broadcast %ge3A : f32 to vector<2000x6xf32>
    %ge3A_18 = arith.cmpf oge, %add3A_16, %ge3A_17 : vector<2000x6xf32>
    %mul3A_19 = arith.constant 0.00999999977 : f32
    %mul3A_20 = vector.broadcast %mul3A_19 : f32 to vector<2000x6xf32>
    %mul3A_21 = arith.mulf %mul3A_20, %add3A_16 : vector<2000x6xf32>
    %select_n3A = arith.select %ge3A_18, %add3A_16, %mul3A_21 : vector<2000x6xi1>, vector<2000x6xf32>
    %get3A_22 = arith.constant 0 : index
    %get3A_23 = arith.constant 0 : index
    %get3A_24 = vector.load %arg5[%get3A_22, %get3A_23] : memref<6x6xf32, #tpu.memory_space<vmem>>, vector<6x6xf32>
    %dot_general3A_25 = arith.constant dense<0.000000e+00> : vector<2000x6xf32>
    %dot_general3A_26 = tpu.matmul %select_n3A, %get3A_24, %dot_general3A_25 {dimension_numbers = #tpu.dot_dimension_numbers<[1], [0], [0], [1], [0, 0, 1, 1], [], []>, transpose_lhs_hint = false} : vector<2000x6xf32>, vector<6x6xf32>, vector<2000x6xf32> -> vector<2000x6xf32>
    %get3A_27 = arith.constant 0 : index
    %get3A_28 = arith.constant 0 : index
    %get3A_29 = vector.load %arg6[%get3A_27, %get3A_28] : memref<1x6xf32, #tpu.memory_space<vmem>>, vector<1x6xf32>
    %add3A_30 = vector.broadcast %get3A_29 : vector<1x6xf32> to vector<2000x6xf32>
    %add3A_31 = arith.addf %dot_general3A_26, %add3A_30 : vector<2000x6xf32>
    %add3A_32 = arith.addf %add3A_31, %add3A_7 : vector<2000x6xf32>
    %get3A_33 = arith.constant 0 : index
    %get3A_34 = arith.constant 0 : index
    %get3A_35 = vector.load %arg7[%get3A_33, %get3A_34] : memref<2000x6xf32, #tpu.memory_space<vmem>>, vector<2000x6xf32>
    %add3A_36 = arith.addf %add3A_32, %get3A_35 : vector<2000x6xf32>
    %get3A_37 = arith.constant 0 : index
    %get3A_38 = arith.constant 0 : index
    %get3A_39 = vector.load %arg8[%get3A_37, %get3A_38] : memref<2000x6xf32, #tpu.memory_space<vmem>>, vector<2000x6xf32>
    %add3A_40 = arith.addf %add3A_36, %get3A_39 : vector<2000x6xf32>
    %get3A_41 = arith.constant 0 : index
    %get3A_42 = arith.constant 0 : index
    %get3A_43 = vector.load %arg9[%get3A_41, %get3A_42] : memref<2000x6xf32, #tpu.memory_space<vmem>>, vector<2000x6xf32>
    %add3A_44 = arith.addf %add3A_40, %get3A_43 : vector<2000x6xf32>
    %get3A_45 = arith.constant 0 : index
    %get3A_46 = arith.constant 0 : index
    %get3A_47 = vector.load %arg10[%get3A_45, %get3A_46] : memref<2x6xf32, #tpu.memory_space<vmem>>, vector<1x6xf32>
    %mul3A_48 = vector.broadcast %get3A_47 : vector<1x6xf32> to vector<2000x6xf32>
    %mul3A_49 = arith.mulf %add3A_44, %mul3A_48 : vector<2000x6xf32>
    %reduce_sum3A = arith.constant dense<0.000000e+00> : vector<2000xf32>
    %reduce_sum3A_50 = vector.multi_reduction <add>, %mul3A_49, %reduce_sum3A [1] : vector<2000x6xf32> to vector<2000xf32>
    %broadcast_in_dim3A = vector.shape_cast %reduce_sum3A_50 : vector<2000xf32> to vector<2000x1xf32>
    %get3A_51 = arith.constant 1 : index
    %get3A_52 = arith.constant 0 : index
    %get3A_53 = vector.load %arg10[%get3A_51, %get3A_52] : memref<2x6xf32, #tpu.memory_space<vmem>>, vector<1x6xf32>
    %mul3A_54 = vector.broadcast %get3A_53 : vector<1x6xf32> to vector<2000x6xf32>
    %mul3A_55 = arith.mulf %add3A_44, %mul3A_54 : vector<2000x6xf32>
    %reduce_sum3A_56 = arith.constant dense<0.000000e+00> : vector<2000xf32>
    %reduce_sum3A_57 = vector.multi_reduction <add>, %mul3A_55, %reduce_sum3A_56 [1] : vector<2000x6xf32> to vector<2000xf32>
    %broadcast_in_dim3A_58 = vector.shape_cast %reduce_sum3A_57 : vector<2000xf32> to vector<2000x1xf32>
    %concatenate3A = tpu.concatenate %broadcast_in_dim3A, %broadcast_in_dim3A_58 in 1 : vector<2000x1xf32>, vector<2000x1xf32> -> vector<2000x2xf32>
    %get3A_59 = arith.constant 0 : index
    %get3A_60 = arith.constant 0 : index
    %get3A_61 = vector.load %arg11[%get3A_59, %get3A_60] : memref<1x2xf32, #tpu.memory_space<vmem>>, vector<1x2xf32>
    %add3A_62 = vector.broadcast %get3A_61 : vector<1x2xf32> to vector<2000x2xf32>
    %add3A_63 = arith.addf %concatenate3A, %add3A_62 : vector<2000x2xf32>
    %swap3A = arith.constant 0 : index
    %swap3A_64 = arith.constant 0 : index
    %swap3A_65 = vector.load %arg12[%swap3A, %swap3A_64] : memref<2000x2xf32, #tpu.memory_space<vmem>>, vector<2000x2xf32>
    tpu.vector_store %arg12[%swap3A, %swap3A_64], %add3A_63 {strides = array<i32>} : memref<2000x2xf32, #tpu.memory_space<vmem>>, vector<2000x2xf32>,
    return
  }
  func.func @transform_0(%arg0: i32) -> (i32, i32) {
    %c0_i32 = arith.constant 0 : i32
    %c0_i32_0 = arith.constant 0 : i32
    return %arg0, %c0_i32 : i32, i32
  }
  func.func @transform_1(%arg0: i32) -> i32 {
    %c0_i32 = arith.constant 0 : i32
    %c0_i32_0 = arith.constant 0 : i32
    return %c0_i32 : i32
  }
  func.func @transform_2(%arg0: i32) -> (i32, i32) {
    %c0_i32 = arith.constant 0 : i32
    %c0_i32_0 = arith.constant 0 : i32
    %c0_i32_1 = arith.constant 0 : i32
    return %c0_i32, %c0_i32_0 : i32, i32
  }
  func.func @transform_3(%arg0: i32) -> (i32, i32) {
    %c0_i32 = arith.constant 0 : i32
    %c0_i32_0 = arith.constant 0 : i32
    %c0_i32_1 = arith.constant 0 : i32
    return %c0_i32, %c0_i32_0 : i32, i32
  }
  func.func @transform_4(%arg0: i32) -> (i32, i32) {
    %c0_i32 = arith.constant 0 : i32
    %c0_i32_0 = arith.constant 0 : i32
    %c0_i32_1 = arith.constant 0 : i32
    return %c0_i32, %c0_i32_0 : i32, i32
  }
  func.func @transform_5(%arg0: i32) -> (i32, i32) {
    %c0_i32 = arith.constant 0 : i32
    %c0_i32_0 = arith.constant 0 : i32
    %c0_i32_1 = arith.constant 0 : i32
    return %c0_i32, %c0_i32_0 : i32, i32
  }
  func.func @transform_6(%arg0: i32) -> (i32, i32) {
    %c0_i32 = arith.constant 0 : i32
    %c0_i32_0 = arith.constant 0 : i32
    return %arg0, %c0_i32 : i32, i32
  }
  func.func @transform_7(%arg0: i32) -> (i32, i32) {
    %c0_i32 = arith.constant 0 : i32
    %c0_i32_0 = arith.constant 0 : i32
    return %arg0, %c0_i32 : i32, i32
  }
  func.func @transform_8(%arg0: i32) -> (i32, i32) {
    %c0_i32 = arith.constant 0 : i32
    %c0_i32_0 = arith.constant 0 : i32
    return %arg0, %c0_i32 : i32, i32
  }
  func.func @transform_9(%arg0: i32) -> (i32, i32) {
    %c0_i32 = arith.constant 0 : i32
    %c0_i32_0 = arith.constant 0 : i32
    %c0_i32_1 = arith.constant 0 : i32
    return %c0_i32, %c0_i32_0 : i32, i32
  }
  func.func @transform_10(%arg0: i32) -> (i32, i32) {
    %c0_i32 = arith.constant 0 : i32
    %c0_i32_0 = arith.constant 0 : i32
    %c0_i32_1 = arith.constant 0 : i32
    return %c0_i32, %c0_i32_0 : i32, i32
  }
  func.func @transform_11(%arg0: i32) -> (i32, i32) {
    %c0_i32 = arith.constant 0 : i32
    %c0_i32_0 = arith.constant 0 : i32
    return %arg0, %c0_i32 : i32, i32
  }
}

</mosaic_0001>

<sc_bundles>
// kernel: kernel.11.cloned.1.call-start
scs
__scs_entry_jumppad:
0x0: {  	(pc) =	sbr.rel $0x88, $3  }
0x1: {  	(tag) =	ssettag $0x0;
	lr =	simm.s32 $0x1  }
0x2: {  	[smem:$0x3F84] =	sst lr;
	_ =	strace $0xD0000000  }
0x3: {  	_ = 	snop  }
0x4: {  	_ = 	snop  }
0x5: {  	_ = 	snop  }
0x6: {  	_ = 	snop  }
0x7: {  	_ = 	snop  }
__scs_overlays_trampoline_lowered:
0x8: {  	[smem:$0x3F93] =	sst s0  }
0x9: {  	[smem:$0x3F94] =	sst s1  }
0xa: {  	[smem:$0x3F95] =	sst s2  }
0xb: {  	[smem:$0x3F96] =	sst s3  }
0xc: {  	[smem:$0x3F97] =	sst s4  }
0xd: {  	[smem:$0x3F98] =	sst s5  }
0xe: {  	[smem:$0x3F99] =	sst s6  }
0xf: {  	[smem:$0x3F9A] =	sst s7  }
0x10: {  	[smem:$0x3F9B] =	sst s8  }
0x11: {  	[smem:$0x3F9C] =	sst s9;
	s0 =	simm.s32 @!p0 $0x0  }
0x12: {  	s1 =	sld [smem:$0x3F82];
	s0 =	simm.s32 @p0 $0x1  }
0x13: {  	[smem:$0x3F9D] =	sst s0;
	s0 =	simm.s32 @!p1 $0x0  }
0x14: {  	s2 =	sld [smem:$0x3F81];
	s0 =	simm.s32 @p1 $0x1  }
0x15: {  	[smem:$0x3F9E] =	sst s0;
	s0 =	simm.s32 @!p2 $0x0  }
0x16: {  	s3 =	sld [smem:$0x3FDB];
	s0 =	simm.s32 @p2 $0x1  }
0x17: {  	s4 =	simm.s32 $0x1BF5;
	[smem:$0x3FA0] =	sst s0  }
0x18: {  	s0 =	sld [smem:$0x3F83];
	_ =	swait.ge [sflag:s4], $0x0  }
0x19: {  	s7 =	sld [smem:$0x3F84]  }
0x1a: {  	s8 =	sadd.s32 $0xFFFFE003, lr  }
0x1b: {  	s9 =	sadd.s32 $0xFFFFFEF7, lr;
	s5 =	simm.s32 $0xFFFFFFFF;
	p2 =	slt.u32 s8, $0xFFFFF086  }
0x1c: {  	p1 =	slt.u32 s9, $0xF7A;
	s5 =	simm.s32 @!p2 $0x0  }
0x1d: {  	s5 =	simm.s32 @p1 $0x1;
	p0 =	seq.s32 s7, s2  }
0x1e: {  	s7 =	smul.u32 @!p0 $0xF7A, s2;
	p2 =	seq.s32 @!p0 s5, $0x0  }
0x1f: {  	s9 =	smul.u32 $0xF7A, s1;
	s8 =	simm.s32 @!p0 $0x1BF5;
	p2 =	por !p2, p0  }
0x20: {  	[sflag:s8] =	ssyncset.s32 @!p0 $0xFFFFF086;
	s6 =	sadd.s32 @!p0 s3, s7;
	s7 =	simm.s32 @!p0 $0x108  }
0x21: {  	s3 =	sadd.s32 s3, s9;
	s6 =	sadd.s32 @!p0 $0x88, s6;
	s7 =	simm.s32 @p2 $0x1082  }
0x22: {  	[simem:s7], [sflag:s8] =	dma.local @!p0 [hbm:s6], $0xF7A  }
0x23: {  	s9 =	sor.u32 $0xD0000000, s2;
	s6 =	simm.s32 $0x108;
	_ =	swait.ge @!p0 [sflag:s8], $0x0  }
0x24: {  	s3 =	sadd.s32 $0x88, s3;
	s6 =	simm.s32 @!p1 $0x1082;
	[sflag:s4] =	ssyncset.s32 $0xFFFFF086  }
0x25: {  	[simem:s6], [sflag:s4] =	dma.local [hbm:s3], $0xF7A  }
0x26: {  	[smem:$0x3F84] =	sst s1;
	(tag) =	ssettag s2;
	_ =	strace s9  }
0x27: {  	s1 =	sld [smem:$0x3F94]  }
0x28: {  	s2 =	sld [smem:$0x3F95]  }
0x29: {  	s4 =	sld [smem:$0x3F97]  }
0x2a: {  	p0 =	seq.s32 s5, $0x0;
	s5 =	sld [smem:$0x3F98]  }
0x2b: {  	s6 =	sld [smem:$0x3F99]  }
0x2c: {  	s7 =	sld [smem:$0x3F9A]  }
0x2d: {  	s3 =	simm.s32 $0x108;
	s8 =	sld [smem:$0x3F9B]  }
0x2e: {  	s3 =	simm.s32 @!p0 $0x1082;
	s9 =	sld [smem:$0x3F9C]  }
0x2f: {  	lr =	sadd.s32 s0, s3;
	s0 =	sld [smem:$0x3F93]  }
0x30: {  	s3 =	sld [smem:$0x3F96]  }
0x31: {  	[smem:$0x3F9F] =	sst s10  }
0x32: {  	s10 =	sld [smem:$0x3F9D];
	_ =	sdelay $0x3  }
0x33: {  	p0 =	seq.s32 s10, $0x1;
	s10 =	sld [smem:$0x3F9F];
	_ =	sdelay $0x3  }
0x34: {  	[smem:$0x3F9F] =	sst s10  }
0x35: {  	s10 =	sld [smem:$0x3F9E];
	_ =	sdelay $0x3  }
0x36: {  	p1 =	seq.s32 s10, $0x1;
	s10 =	sld [smem:$0x3F9F];
	_ =	sdelay $0x3  }
0x37: {  	[smem:$0x3F9F] =	sst s10  }
0x38: {  	s10 =	sld [smem:$0x3FA0]  }
0x39: {  	_ = 	snop;
	(pc) =	sbr.ind lr, $3  }
0x3a: {  	_ = 	snop  }
0x3b: {  	_ = 	snop  }
0x3c: {  	p2 =	seq.s32 s10, $0x1;
	s10 =	sld [smem:$0x3F9F]  }
0x3d: {  	_ =	shalt  }
0x3e: {  	_ =	shalt  }
0x3f: {  	_ =	shalt  }
0x40: {  	_ =	shalt  }
0x41: {  	_ =	shalt  }
0x42: {  	_ =	shalt  }
0x43: {  	_ =	shalt  }
0x44: {  	_ =	shalt  }
0x45: {  	_ =	shalt  }
0x46: {  	_ =	shalt  }
0x47: {  	_ =	shalt  }
0x48: {  	_ =	shalt  }
0x49: {  	_ =	shalt  }
0x4a: {  	_ =	shalt  }
0x4b: {  	_ =	shalt  }
0x4c: {  	_ =	shalt  }
0x4d: {  	_ =	shalt  }
0x4e: {  	_ =	shalt  }
0x4f: {  	_ =	shalt  }
0x50: {  	_ =	shalt  }
0x51: {  	_ =	shalt  }
0x52: {  	_ =	shalt  }
0x53: {  	_ =	shalt  }
0x54: {  	_ =	shalt  }
0x55: {  	_ =	shalt  }
0x56: {  	_ =	shalt  }
0x57: {  	_ =	shalt  }
0x58: {  	_ =	shalt  }
0x59: {  	_ =	shalt  }
0x5a: {  	_ =	shalt  }
0x5b: {  	_ =	shalt  }
0x5c: {  	_ =	shalt  }
0x5d: {  	_ =	shalt  }
0x5e: {  	_ =	shalt  }
0x5f: {  	_ =	shalt  }
0x60: {  	_ =	shalt  }
0x61: {  	_ =	shalt  }
0x62: {  	_ =	shalt  }
0x63: {  	_ =	shalt  }
0x64: {  	_ =	shalt  }
0x65: {  	_ =	shalt  }
0x66: {  	_ =	shalt  }
0x67: {  	_ =	shalt  }
0x68: {  	_ =	shalt  }
0x69: {  	_ =	shalt  }
0x6a: {  	_ =	shalt  }
0x6b: {  	_ =	shalt  }
0x6c: {  	_ =	shalt  }
0x6d: {  	_ =	shalt  }
0x6e: {  	_ =	shalt  }
0x6f: {  	_ =	shalt  }
0x70: {  	_ =	shalt  }
0x71: {  	_ =	shalt  }
0x72: {  	_ =	shalt  }
0x73: {  	_ =	shalt  }
0x74: {  	_ =	shalt  }
0x75: {  	_ =	shalt  }
0x76: {  	_ =	shalt  }
0x77: {  	_ =	shalt  }
0x78: {  	_ =	shalt  }
0x79: {  	_ =	shalt  }
0x7a: {  	_ =	shalt  }
0x7b: {  	_ =	shalt  }
0x7c: {  	_ =	shalt  }
0x7d: {  	_ =	shalt  }
0x7e: {  	_ =	shalt  }
0x7f: {  	_ =	shalt  }
0x80: {  	_ =	shalt  }
0x81: {  	_ =	shalt  }
0x82: {  	_ =	shalt  }
0x83: {  	_ =	shalt  }
0x84: {  	_ =	shalt  }
0x85: {  	_ =	shalt  }
0x86: {  	_ =	shalt  }
0x87: {  	_ =	shalt  }
.Lfunc_end0:
.L_simem_size_0:
called_computation_lowered:
.L_overlay_start_0:
0x88: {  	s2 =	sld [smem:$0x3FD9]  }
0x89: {  	s3 =	sld [smem:$0x3FFE];
	_ =	sdelay $0x1  }
0x8a: {  	s1 =	srdreg.scid  }
0x8b: {  	s0 =	sand.u32 $0x1, s1  }
0x8c: {  	s17 =	sshll.u32 s0, $0xA;
	s2 =	sadd.s32 s3, s2  }
0x8d: {  	s2 =	sadd.s32 s2, s17  }
0x8e: {  	[smem:$0x3FAB] =	sst s2  }
0x8f: {  	_ = 	snop  }
0x90: {  	s2 =	sld [smem:$0x3FD0];
	(tm) =	ssettm $0x1  }
0x91: {  	s18 =	sld [smem:$0x3FFB];
	_ =	sdelay $0x3  }
0x92: {  	_ =	strace s18  }
0x93: {  	s3 =	sld [smem:$0x3FFC];
	_ =	sdelay $0x3  }
0x94: {  	_ =	strace s3  }
0x95: {  	s3 =	sld [smem:$0x3FFD];
	_ =	sdelay $0x3  }
0x96: {  	_ =	strace s3  }
0x97: {  	_ =	strace $0x8FFFFFFF  }
0x98: {  	s19 =	sld [smem:$0x3FDB];
	_ =	sdelay $0x1  }
0x99: {  	s4 =	simm.s32 $_scs_section_size  }
0x9a: {  	s5 =	simm.s32 $_size__tile_overlayer_lowered;
	s6 =	simm.s32 $_tile_overlayer_lowered  }
0x9b: {  	s22 =	simm.s32 $0x1BFF;
	s21 =	sshll.u32 s6, $0x1;
	s3 =	sadd.s32 s4, s19  }
0x9c: {  	s7 =	simm.s32 $0x0;
	s20 =	sshll.u32 s5, $0x1;
	s5 =	sadd.s32 s21, s3  }
0x9d: {  	[timem:s7], [sflag:s22] =	dma.local [hbm:s5], s20  }
0x9e: {  	_ =	swait.ge [sflag:s22], s20  }
0x9f: {  	s4 =	ssub.s32 $0x0, s20;
	[sflag:s22] =	ssyncset.done $0x0  }
0xa0: {  	[sflag:s22] =	ssyncadd.s32 s4;
	_ =	sdelay $0x1  }
0xa1: {  	s23 =	simm.s32 $0x1B8B  }
0xa2: {  	_ =	swait.ge [sflag:s23], $0x1  }
0xa3: {  	[sflag:s23] =	ssyncset.done $0x0  }
0xa4: {  	s25 =	simm.s32 $0x1B8E;
	s24 =	sld [smem:$0x3FFE];
	[sflag:s23] =	ssyncadd.s32 $0xFFFFFFFF  }
0xa5: {  	s26 =	simm.s32 $execute0_lowered;
	[smem:$0x3FD2] =	sst s25  }
0xa6: {  	s5 =	sshll.u32 s26, $0x1;
	_ =	strace $0x80000046;
	[dreg:$0x1] =	wrdreg $0xFFFFFFFF  }
0xa7: {  	s28 =	simm.s32 $_size_execute0_lowered;
	s3 =	sadd.s32 s3, s5;
	[dreg:$0x0] =	wrdreg $0x0  }
0xa8: {  	s5 =	sshll.u32 s28, $0x1;
	[dreg:$0x2] =	wrdreg s3  }
0xa9: {  	[dreg:$0x3] =	wrdreg s5  }
0xaa: {  	[dreg:$0x4] =	wrdreg $0xC0  }
0xab: {  	_ =	task [dreg:s7], $0x5FFFF  }
0xac: {  	[dreg:$0x1] =	wrdreg $0xFFFFFFFF  }
0xad: {  	[dreg:$0x0] =	wrdreg $0x60  }
0xae: {  	[dreg:$0x2] =	wrdreg s24  }
0xaf: {  	[dreg:$0x3] =	wrdreg s2  }
0xb0: {  	[dreg:$0x4] =	wrdreg $0x0  }
0xb1: {  	[dreg:$0x5] =	wrdreg $0xDBC00  }
0xb2: {  	[dreg:$0x6] =	wrdreg $0xC3500  }
0xb3: {  	[dreg:$0x7] =	wrdreg $0x9  }
0xb4: {  	_ =	task.clear_ibuf [dreg:s7], $0x8FFFF;
	_ =	strace $0x90000046  }
0xb5: {  	s29 =	simm.s32 $0x9;
	_ =	strace $0x80000048  }
0xb6: {  	_ =	swait.ge [sflag:s29], $0x1  }
0xb7: {  	[sflag:s29] =	ssyncadd.s32 $0xFFFFFFFF  }
0xb8: {  	_ =	strace $0x90000048  }
0xb9: {  	_ =	sfence  }
0xba: {  	s30 =	sld [smem:$0x0];
	_ =	sdelay $0x2  }
0xbb: {  	s31 =	sshll.u32 s1, $0xD;
	s1 =	sshrl.u32 s1, $0x2  }
0xbc: {  	s3 =	sand.u32 $0x4000, s31;
	s1 =	sadd.s32 s1, s30  }
0xbd: {  	s0 =	sor.u32 s3, s0;
	s1 =	sshll.u32 s1, $0x11  }
0xbe: {  	s0 =	sor.u32 s1, s0  }
0xbf: {  	s0 =	sadd.s32 $0x8F2B, s0  }
0xc0: {  	[sflag:s0] =	ssyncadd.remote.s32 $0x1  }
0xc1: {  	_ =	sfence.sel $0xFFFF  }
0xc2: {  	[dreg:$0x0] =	wrdreg $0xFFFFFFFF;
	(pc) =	sbr.abs _section_cstart, $3  }
0xc3: {  	[dreg:$0x1] =	wrdreg $0xFFFFFFFF  }
0xc4: {  	_ =	task.clear_ibuf [dreg:s7], $0x2FFFF;
	_ =	strace $0x9FFFFFFF  }
0xc5: {  	(tm) =	ssettm $0x7FFFFFFF  }
tec
execute0_lowered:
.L_overlay_start_1:
0x0: {  	(tag) =	ssettag $0x1  }
0x1: {  	s0 =	rddreg [dreg:$0x0]  }
0x2: {  	s2 =	rddreg [dreg:$0x2]  }
0x3: {  	s3 =	rddreg [dreg:$0x3]  }
0x4: {  	s5 =	rddreg [dreg:$0x4];
	s18 =	simm.s32 $0x0;
	s15 =	stileid.u32  }
0x5: {  	s4 =	srdreg.scid;
	s28 =	simm.s32 $0x1A310;
	s29 =	simm.s32 $0x80  }
0x6: {  	s30 =	simm.s32 $0x1AB10;
	s31 =	simm.s32 $0x1A590;
	[smem:$0x7FF] =	sst s18  }
0x7: {  	s1 =	smul.u32 $0xC380, s15;
	s7 =	sadd.s32 $0x64400, s0;
	s8 =	sadd.s32 $0x2800, s0  }
0x8: {  	s4 =	sand.u32 $0x1, s4;
	s14 =	sadd.s32 $0x158C00, s0;
	s16 =	sadd.s32 $0x371E00, s0  }
0x9: {  	s9 =	sadd.s32 $0xC6000, s0;
	p3 =	seq.s32 s15, $0xF;
	s21 =	sadd.s32 $0x13EA90, s0  }
0xa: {  	s17 =	sadd.s32 $0xB7480, s3;
	_ =	strace $0x80000047;
	[dreg:$0x9] =	wrdreg s21  }
0xb: {  	p1 =	sne.s32 s15, $0xF;
	s11 =	ssub.s32 $0x2, s4;
	[dreg:$0xa] =	wrdreg s17  }
0xc: {  	s13 =	sshll.u32 s4, $0x4;
	s17 =	simm.s32 $0x62;
	[dreg:$0x7] =	wrdreg s14  }
0xd: {  	p4 =	seq.s32 s4, $0x0;
	p5 =	seq.s32 s4, $0x1;
	[dreg:$0x8] =	wrdreg s16  }
0xe: {  	s21 =	simm.s32 $0x1A490;
	s4 =	simm.s32 $0x2;
	s6 =	sshrl.u32 s1, $0x3  }
0xf: {  	s12 =	sshrl.u32 s11, $0x1;
	s20 =	sor.u32 s15, s13;
	s13 =	sadd.s32 $0xB7480, s2  }
0x10: {  	p2 =	por !p4, !p1;
	p4 =	por !p4, !p3;
	s10 =	sadd.s32 s6, s0  }
0x11: {  	s11 =	ssub.s32 s11, s12;
	s0 =	sadd.s32 $0x157290, s0;
	p0 =	slt.u32 s20, $0x15  }
0x12: {  	s19 =	sshll.u32 s20, $0xA;
	p2 =	por !p2, !p2;
	s24 =	sadd.s32 s14, s6  }
0x13: {  	p4 =	por !p4, !p4;
	s25 =	sadd.s32 s16, s6;
	s14 =	simm.s32 $0x1A410  }
0x14: {  	s12 =	simm.s32 $0x1A610;
	s16 =	simm.s32 $0x1CB10;
	[dreg:$0xb] =	wrdreg s0  }
0x15: {  	s20 =	simm.s32 $0x1E710;
	s0 =	sadd.s32 s1, s2;
	[dreg:$0xf] =	wrdreg s24  }
0x16: {  	s22 =	sadd.s32 $0x127C00, s10;
	s1 =	sadd.s32 s1, s3;
	[dreg:$0x10] =	wrdreg s25  }
0x17: {  	s23 =	sadd.s32 $0x140400, s10;
	s17 =	simm.s32 @!p0 $0x61;
	[dreg:$0xc] =	wrdreg s22  }
0x18: {  	s26 =	smax.u32 s11, $0x1;
	s25 =	simm.s32 $0x19F10;
	[dreg:$0xd] =	wrdreg s1  }
0x19: {  	s24 =	simm.s32 $0x1;
	[dreg:$0xe] =	wrdreg s23;
	s1 =	simm.s32 @!p3 $0x0  }
0x1a: {  	[dreg:$0x11] =	wrdreg s26;
	s0 =	sshrl.u32 @p1 s0, $0x3;
	s26 =	simm.s32 $0x4  }
0x1b: {  	s22 =	simm.s32 $0x1A690;
	s23 =	simm.s32 $0x3;
	s1 =	simm.s32 @p3 $0x1  }
.Ltmp0:
0x1c: {  	[dreg:$0x12] =	wrdreg s0;
	s0 =	sshrl.u32 @!p1 s13, $0x3;
	(pc) =	sbr.rel .LBB2_1-.Ltmp0, $4  }
0x1d: {  	s13 =	simm.s32 $0x1A510;
	[smem:$0x7FC] =	sst s1;
	s1 =	simm.s32 @!p5 $0x0  }
0x1e: {  	[dreg:$0x13] =	wrdreg s0;
	s1 =	simm.s32 @p5 $0x1;
	p5 =	por !p1, !p5  }
0x1f: {  	v0 =	vlaneseq.u32;
	[smem:$0x7FD] =	sst s1;
	p6 =	por !p5, !p5;
	p5 =	sne.s32 @p1 s15, $0x0  }
0x20: {  	v0 =	vmul.u32 $0x8, v0;
	s1 =	simm.s32 $0x1A390;
	p5 =	por p5, !p1;
	p6 =	por !p6, p4  }
.LBB2_7:
0x21: {  	s18 =	sadd.s32 $0x1, s18;
	s0 =	rddreg [dreg:$0x11]  }
0x22: {  	p0 =	sne.s32 s18, s0  }
.Ltmp1:
0x23: {  	_ = 	snop;
	(pc) =	sbr.rel @!p0 .LBB2_8-.Ltmp1, $1  }
0x24: {  	_ =	sdelay $0x3  }
.LBB2_1:
0x25: {  	[dreg:$0x6] =	wrdreg s18  }
0x26: {  	s0 =	sshll.u32 @p1 s15, $0x6;
	s6 =	rddreg [dreg:$0xc]  }
0x27: {  	s10 =	rddreg [dreg:$0x12];
	s0 =	sor.u32 @p1 $0x1C04, s0  }
0x28: {  	[spmem:s10], [sflag:s0] =	dma.local @p1 [hbm:s6], $0x1870  }
0x29: {  	s6 =	simm.s32 @p1 $0x4  }
0x2a: {  	_ =	swait.ge @p1 [sflag:s6], $0x1870  }
0x2b: {  	[sflag:s6] =	ssyncset.done @p1 $0x0;
	s10 =	rddreg [dreg:$0xd]  }
0x2c: {  	s11 =	rddreg [dreg:$0xe];
	[sflag:s6] =	ssyncadd.s32 @p1 $0xFFFFE790;
	s10 =	sshrl.u32 @p1 s10, $0x3  }
0x2d: {  	[spmem:s10], [sflag:s0] =	dma.local @p1 [hbm:s11], $0x1870  }
0x2e: {  	_ =	swait.ge @p1 [sflag:s6], $0x1870  }
0x2f: {  	[sflag:s6] =	ssyncset.done @p1 $0x0  }
0x30: {  	[sflag:s6] =	ssyncadd.s32 @p1 $0xFFFFE790  }
0x31: {  	s0 =	sshrl.u32 @!p5 s5, $0x3;
	s6 =	simm.s32 @!p5 $0x1C04;
	s10 =	rddreg [dreg:$0x1]  }
0x32: {  	[spmem:s0], [sflag:s6] =	dma.local @!p5 [hbm:s10], $0x30D4  }
0x33: {  	s0 =	simm.s32 @!p5 $0x4  }
0x34: {  	_ =	swait.ge @!p5 [sflag:s0], $0x30D4  }
0x35: {  	[sflag:s0] =	ssyncset.done @!p5 $0x0;
	s6 =	rddreg [dreg:$0x9]  }
0x36: {  	s10 =	rddreg [dreg:$0x13];
	[sflag:s0] =	ssyncadd.s32 @!p5 $0xFFFFCF2C;
	s0 =	simm.s32 @!p1 $0x1FC4  }
0x37: {  	[spmem:s10], [sflag:s0] =	dma.local @!p1 [hbm:s6], $0x1810  }
0x38: {  	s6 =	simm.s32 @!p1 $0x4  }
0x39: {  	_ =	swait.ge @!p1 [sflag:s6], $0x1810  }
0x3a: {  	[sflag:s6] =	ssyncset.done @!p1 $0x0;
	s10 =	rddreg [dreg:$0xa]  }
0x3b: {  	s11 =	rddreg [dreg:$0xb];
	[sflag:s6] =	ssyncadd.s32 @!p1 $0xFFFFE7F0;
	s10 =	sshrl.u32 @!p1 s10, $0x3  }
0x3c: {  	[spmem:s10], [sflag:s0] =	dma.local @!p1 [hbm:s11], $0x1810  }
0x3d: {  	_ =	swait.ge @!p1 [sflag:s6], $0x1810  }
0x3e: {  	[sflag:s6] =	ssyncset.done @!p1 $0x0  }
0x3f: {  	[sflag:s6] =	ssyncadd.s32 @!p1 $0xFFFFE7F0  }
0x40: {  	s6 =	simm.s32 $0x0;
	[bflag:$0x0] =	sbarrier.arrive $0xFFFF  }
.LBB2_2:
0x41: {  	s0 =	sshll.u32 s6, $0xF  }
0x42: {  	s0 =	sor.u32 s19, s0  }
0x43: {  	s0 =	sshrl.u32 s0, $0x3  }
0x44: {  	s11 =	simm.s32 $0x0;
	s10 =	sadd.s32 s7, s0  }
0x45: {  	[tilespmem:s25], [sflag:$0x4] =	stream.linear.gather [hbm4b:s10+s11], $0x400, $0x38;
	[tilespmem:$0x1EF10] =	vst v63  }
0x46: {  	_ =	swait.ge [sflag:s26], $0x400  }
0x47: {  	[sflag:s26] =	ssyncset.done $0x0  }
0x48: {  	s18 =	sadd.s32 s8, s0;
	[sflag:s26] =	ssyncadd.s32 $0xFFFFFC00  }
0x49: {  	[tilespmem:s28], [sflag:$0x4] =	stream.linear.gather [hbm4b:s18+s11], $0x400, $0x38;
	[tilespmem:$0x1EF10] =	vst v63  }
0x4a: {  	_ =	swait.ge [sflag:s26], $0x400  }
0x4b: {  	[sflag:s26] =	ssyncset.done $0x0  }
0x4c: {  	s15 =	sadd.s32 s9, s0;
	s0 =	simm.s32 $0x1A710;
	[sflag:s26] =	ssyncadd.s32 $0xFFFFFC00  }
0x4d: {  	[tilespmem:s0], [sflag:$0x4] =	stream.linear.gather [hbm4b:s15+s11], $0x400, $0x38;
	[tilespmem:$0x1EF10] =	vst v63  }
0x4e: {  	_ =	swait.ge [sflag:s26], $0x400  }
0x4f: {  	[sflag:s26] =	ssyncset.done $0x0  }
0x50: {  	[sflag:s26] =	ssyncadd.s32 $0xFFFFFC00  }
0x51: {  	[tilespmem:s30], [sflag:$0x1] =	stream.indirect.gather [spmem:s2], $0x8, s25, s29, $0xb8;
	[tilespmem:$0x1EF10] =	vst v63  }
0x52: {  	s10 =	simm.s32 $0x1EB10  }
0x53: {  	[tilespmem:s10], [sflag:$0x2] =	stream.indirect.gather [spmem:s5], $0x1, s28, s29, $0xb8;
	[tilespmem:$0x1EF10] =	vst v63  }
0x54: {  	s18 =	simm.s32 $0x1AF10;
	s15 =	simm.s32 $0x19F90  }
0x55: {  	[tilespmem:s18], [sflag:$0x1] =	stream.indirect.gather [spmem:s2], $0x8, s15, s29, $0xb8;
	[tilespmem:$0x1EF10] =	vst v63  }
0x56: {  	s18 =	simm.s32 $0x1EB90  }
0x57: {  	[tilespmem:s18], [sflag:$0x2] =	stream.indirect.gather [spmem:s5], $0x1, s1, s29, $0xb8;
	[tilespmem:$0x1EF10] =	vst v63  }
0x58: {  	s15 =	simm.s32 $0x1A010;
	s18 =	simm.s32 $0x1B310  }
0x59: {  	[tilespmem:s18], [sflag:$0x1] =	stream.indirect.gather [spmem:s2], $0x8, s15, s29, $0xb8;
	[tilespmem:$0x1EF10] =	vst v63  }
0x5a: {  	s18 =	simm.s32 $0x1EC10  }
0x5b: {  	[tilespmem:s18], [sflag:$0x2] =	stream.indirect.gather [spmem:s5], $0x1, s14, s29, $0xb8;
	[tilespmem:$0x1EF10] =	vst v63  }
0x5c: {  	s15 =	simm.s32 $0x1A090;
	s18 =	simm.s32 $0x1B710  }
0x5d: {  	[tilespmem:s18], [sflag:$0x1] =	stream.indirect.gather [spmem:s2], $0x8, s15, s29, $0xb8;
	[tilespmem:$0x1EF10] =	vst v63  }
0x5e: {  	s18 =	simm.s32 $0x1EC90  }
0x5f: {  	[tilespmem:s18], [sflag:$0x2] =	stream.indirect.gather [spmem:s5], $0x1, s21, s29, $0xb8;
	[tilespmem:$0x1EF10] =	vst v63  }
0x60: {  	s15 =	simm.s32 $0x1A110;
	s18 =	simm.s32 $0x1BB10  }
0x61: {  	[tilespmem:s18], [sflag:$0x1] =	stream.indirect.gather [spmem:s2], $0x8, s15, s29, $0xb8;
	[tilespmem:$0x1EF10] =	vst v63  }
0x62: {  	s18 =	simm.s32 $0x1ED10  }
0x63: {  	[tilespmem:s18], [sflag:$0x2] =	stream.indirect.gather [spmem:s5], $0x1, s13, s29, $0xb8;
	[tilespmem:$0x1EF10] =	vst v63  }
0x64: {  	s15 =	simm.s32 $0x1A190;
	s18 =	simm.s32 $0x1BF10  }
0x65: {  	[tilespmem:s18], [sflag:$0x1] =	stream.indirect.gather [spmem:s2], $0x8, s15, s29, $0xb8;
	[tilespmem:$0x1EF10] =	vst v63  }
0x66: {  	s18 =	simm.s32 $0x1ED90  }
0x67: {  	[tilespmem:s18], [sflag:$0x2] =	stream.indirect.gather [spmem:s5], $0x1, s31, s29, $0xb8;
	[tilespmem:$0x1EF10] =	vst v63  }
0x68: {  	s15 =	simm.s32 $0x1A210;
	s18 =	simm.s32 $0x1C310  }
0x69: {  	[tilespmem:s18], [sflag:$0x1] =	stream.indirect.gather [spmem:s2], $0x8, s15, s29, $0xb8;
	[tilespmem:$0x1EF10] =	vst v63  }
0x6a: {  	s18 =	simm.s32 $0x1EE10  }
0x6b: {  	[tilespmem:s18], [sflag:$0x2] =	stream.indirect.gather [spmem:s5], $0x1, s12, s29, $0xb8;
	[tilespmem:$0x1EF10] =	vst v63  }
0x6c: {  	s15 =	simm.s32 $0x1A290;
	s18 =	simm.s32 $0x1C710  }
0x6d: {  	[tilespmem:s18], [sflag:$0x1] =	stream.indirect.gather [spmem:s2], $0x8, s15, s29, $0xb8;
	[tilespmem:$0x1EF10] =	vst v63  }
0x6e: {  	s18 =	simm.s32 $0x1EE90  }
0x6f: {  	[tilespmem:s18], [sflag:$0x2] =	stream.indirect.gather [spmem:s5], $0x1, s22, s29, $0xb8;
	[tilespmem:$0x1EF10] =	vst v63  }
0x70: {  	_ =	swait.ge [sflag:s24], $0x400  }
0x71: {  	[sflag:s24] =	ssyncset.done $0x0  }
0x72: {  	[sflag:s24] =	ssyncadd.s32 $0xFFFFFC00  }
0x73: {  	_ =	swait.ge [sflag:s4], $0x80  }
0x74: {  	[sflag:s4] =	ssyncset.done $0x0  }
0x75: {  	[sflag:s4] =	ssyncadd.s32 $0xFFFFFF80  }
0x76: {  	_ =	swait.ge [sflag:s24], $0x400  }
0x77: {  	[sflag:s24] =	ssyncset.done $0x0  }
0x78: {  	[sflag:s24] =	ssyncadd.s32 $0xFFFFFC00  }
0x79: {  	_ =	swait.ge [sflag:s4], $0x80  }
0x7a: {  	[sflag:s4] =	ssyncset.done $0x0  }
0x7b: {  	[sflag:s4] =	ssyncadd.s32 $0xFFFFFF80  }
0x7c: {  	_ =	swait.ge [sflag:s24], $0x400  }
0x7d: {  	[sflag:s24] =	ssyncset.done $0x0  }
0x7e: {  	[sflag:s24] =	ssyncadd.s32 $0xFFFFFC00  }
0x7f: {  	_ =	swait.ge [sflag:s4], $0x80  }
0x80: {  	[sflag:s4] =	ssyncset.done $0x0  }
0x81: {  	[sflag:s4] =	ssyncadd.s32 $0xFFFFFF80  }
0x82: {  	_ =	swait.ge [sflag:s24], $0x400  }
0x83: {  	[sflag:s24] =	ssyncset.done $0x0  }
0x84: {  	[sflag:s24] =	ssyncadd.s32 $0xFFFFFC00  }
0x85: {  	_ =	swait.ge [sflag:s4], $0x80  }
0x86: {  	[sflag:s4] =	ssyncset.done $0x0  }
0x87: {  	[sflag:s4] =	ssyncadd.s32 $0xFFFFFF80  }
0x88: {  	_ =	swait.ge [sflag:s24], $0x400  }
0x89: {  	[sflag:s24] =	ssyncset.done $0x0  }
0x8a: {  	[sflag:s24] =	ssyncadd.s32 $0xFFFFFC00  }
0x8b: {  	_ =	swait.ge [sflag:s4], $0x80  }
0x8c: {  	[sflag:s4] =	ssyncset.done $0x0  }
0x8d: {  	[sflag:s4] =	ssyncadd.s32 $0xFFFFFF80  }
0x8e: {  	_ =	swait.ge [sflag:s24], $0x400  }
0x8f: {  	[sflag:s24] =	ssyncset.done $0x0  }
0x90: {  	[sflag:s24] =	ssyncadd.s32 $0xFFFFFC00  }
0x91: {  	_ =	swait.ge [sflag:s4], $0x80  }
0x92: {  	[sflag:s4] =	ssyncset.done $0x0  }
0x93: {  	[sflag:s4] =	ssyncadd.s32 $0xFFFFFF80  }
0x94: {  	_ =	swait.ge [sflag:s24], $0x400  }
0x95: {  	[sflag:s24] =	ssyncset.done $0x0  }
0x96: {  	[sflag:s24] =	ssyncadd.s32 $0xFFFFFC00  }
0x97: {  	_ =	swait.ge [sflag:s4], $0x80  }
0x98: {  	v1 =	vmov s11;
	[sflag:s4] =	ssyncset.done $0x0  }
0x99: {  	v1 =	vshll.u32 v1, $0x3;
	[sflag:s4] =	ssyncadd.s32 $0xFFFFFF80  }
0x9a: {  	v2 =	vor.u32 v0, v1;
	_ =	swait.ge [sflag:s24], $0x400  }
0x9b: {  	v6 =	vor.u32 $0x6, v2;
	[sflag:s24] =	ssyncset.done $0x0  }
0x9c: {  	[sflag:s24] =	ssyncadd.s32 $0xFFFFFC00  }
0x9d: {  	_ =	swait.ge [sflag:s4], $0x80  }
0x9e: {  	[sflag:s4] =	ssyncset.done $0x0  }
0x9f: {  	[sflag:s4] =	ssyncadd.s32 $0xFFFFFF80  }
0xa0: {  	v1 =	vld.idx.msk [tilespmem:v6+s30+$0x0], $0xffff  }
0xa1: {  	v3 =	vld [tilespmem:s10+$0x0];
	_ =	sdelay $0x1  }
0xa2: {  	v4 =	vld [tilespmem:s0+$0x0];
	_ =	sdelay $0x2  }
0xa3: {  	v1 =	vadd.f32 v1, v3;
	_ =	sdelay $0x1  }
0xa4: {  	v1 =	vadd.f32 v1, v4;
	_ =	sdelay $0x1  }
0xa5: {  	v3 =	vmul.f32 $2.000000030e-01, v1  }
0xa6: {  	vm0 =	vge.f32 v1, $0.0e+00  }
0xa7: {  	v1 =	vsel vm0, v1, v3  }
0xa8: {  	v1 =	vmul.f32 $1.442695020e+00, v1;
	_ =	sdelay $0x1  }
0xa9: {  	(erf) = vpow2.f32 v1;
	_ =	sdelay $0x4  }
0xaa: {  	v1 =	vld.idx.msk [tilespmem:v2+s30+$0x0], $0xffff;
	_ =	sdelay $0x2  }
0xab: {  	v4 =	vor.u32 $0x1, v2  }
0xac: {  	v3 =	vpop (erf)  }
0xad: {  	v1 =	vmul.f32 v3, v1;
	_ =	sdelay $0x1  }
0xae: {  	[tilespmem:v2+s16+$0x0] =	vst.idx.msk $0xffff, v1  }
0xaf: {  	v1 =	vld.idx.msk [tilespmem:v4+s30+$0x0], $0xffff;
	_ =	sdelay $0x2  }
0xb0: {  	v5 =	vor.u32 $0x2, v2;
	_ =	sdelay $0x1  }
0xb1: {  	v1 =	vmul.f32 v3, v1;
	_ =	sdelay $0x1  }
0xb2: {  	[tilespmem:v4+s16+$0x0] =	vst.idx.msk $0xffff, v1  }
0xb3: {  	v1 =	vld.idx.msk [tilespmem:v5+s30+$0x0], $0xffff;
	_ =	sdelay $0x2  }
0xb4: {  	v4 =	vor.u32 $0x3, v2;
	_ =	sdelay $0x1  }
0xb5: {  	v1 =	vmul.f32 v3, v1;
	_ =	sdelay $0x1  }
0xb6: {  	[tilespmem:v5+s16+$0x0] =	vst.idx.msk $0xffff, v1  }
0xb7: {  	v1 =	vld.idx.msk [tilespmem:v4+s30+$0x0], $0xffff;
	_ =	sdelay $0x2  }
0xb8: {  	v5 =	vor.u32 $0x4, v2;
	_ =	sdelay $0x1  }
0xb9: {  	v1 =	vmul.f32 v1, v3;
	_ =	sdelay $0x1  }
0xba: {  	[tilespmem:v4+s16+$0x0] =	vst.idx.msk $0xffff, v1  }
0xbb: {  	v1 =	vld.idx.msk [tilespmem:v5+s30+$0x0], $0xffff;
	_ =	sdelay $0x2  }
0xbc: {  	v7 =	vor.u32 $0x5, v2;
	_ =	sdelay $0x1  }
0xbd: {  	v1 =	vmul.f32 v1, v3;
	_ =	sdelay $0x1  }
0xbe: {  	[tilespmem:v5+s16+$0x0] =	vst.idx.msk $0xffff, v1  }
0xbf: {  	v1 =	vld.idx.msk [tilespmem:v7+s30+$0x0], $0xffff;
	_ =	sdelay $0x3  }
0xc0: {  	s18 =	simm.s32 $0x10  }
0xc1: {  	v4 =	vmov s18;
	v5 =	vmul.f32 v1, v3  }
0xc2: {  	v4 =	vshll.u32 v4, $0x3  }
0xc3: {  	v1 =	vor.u32 v0, v4;
	[tilespmem:v7+s16+$0x0] =	vst.idx.msk $0xffff, v5;
	v5 =	vor.u32 $0x7, v2  }
0xc4: {  	v4 =	vor.u32 $0x6, v1;
	_ =	sdelay $0x1  }
0xc5: {  	s11 =	simm.s32 $0x20;
	v2 =	vmov v4;
	[tilespmem:v6+s16+$0x0] =	vst.idx.msk $0xffff, v3  }
.LBB2_3:
0xc6: {  	s0 =	sadd.s32 $0x10, s0  }
0xc7: {  	[tilespmem:v5+s16+$0x0] =	vst.idx.msk $0xffff, v3;
	s10 =	sadd.s32 $0x10, s10;
	s15 =	smov.u32 s11;
	s18 =	sadd.s32 $0x10, s11  }
0xc8: {  	p0 =	sne.s32 s11, $0x3F0;
	v3 =	vld.idx.msk [tilespmem:v4+s30+$0x0], $0xffff  }
0xc9: {  	v4 =	vld [tilespmem:s10+$0x0];
	_ =	sdelay $0x1  }
0xca: {  	v5 =	vld [tilespmem:s0+$0x0];
	_ =	sdelay $0x2  }
0xcb: {  	v3 =	vadd.f32 v3, v4;
	_ =	sdelay $0x1  }
0xcc: {  	v3 =	vadd.f32 v3, v5;
	_ =	sdelay $0x1  }
0xcd: {  	v4 =	vmul.f32 $2.000000030e-01, v3  }
0xce: {  	vm0 =	vge.f32 v3, $0.0e+00  }
0xcf: {  	v3 =	vsel vm0, v3, v4  }
0xd0: {  	v3 =	vmul.f32 $1.442695020e+00, v3;
	_ =	sdelay $0x1  }
0xd1: {  	(erf) = vpow2.f32 v3;
	_ =	sdelay $0x3  }
0xd2: {  	v4 =	vld.idx.msk [tilespmem:v1+s30+$0x0], $0xffff;
	_ =	sdelay $0x3  }
0xd3: {  	v5 =	vor.u32 $0x1, v1  }
0xd4: {  	v3 =	vpop (erf)  }
0xd5: {  	v4 =	vmul.f32 v3, v4;
	_ =	sdelay $0x1  }
0xd6: {  	[tilespmem:v1+s16+$0x0] =	vst.idx.msk $0xffff, v4  }
0xd7: {  	v4 =	vld.idx.msk [tilespmem:v5+s30+$0x0], $0xffff;
	_ =	sdelay $0x3  }
0xd8: {  	v6 =	vor.u32 $0x2, v1;
	_ =	sdelay $0x1  }
0xd9: {  	v4 =	vmul.f32 v3, v4;
	_ =	sdelay $0x1  }
0xda: {  	[tilespmem:v5+s16+$0x0] =	vst.idx.msk $0xffff, v4  }
0xdb: {  	v4 =	vld.idx.msk [tilespmem:v6+s30+$0x0], $0xffff;
	_ =	sdelay $0x3  }
0xdc: {  	v5 =	vor.u32 $0x3, v1;
	_ =	sdelay $0x1  }
0xdd: {  	v4 =	vmul.f32 v3, v4;
	_ =	sdelay $0x1  }
0xde: {  	[tilespmem:v6+s16+$0x0] =	vst.idx.msk $0xffff, v4  }
0xdf: {  	v4 =	vld.idx.msk [tilespmem:v5+s30+$0x0], $0xffff;
	_ =	sdelay $0x3  }
0xe0: {  	v6 =	vor.u32 $0x4, v1;
	_ =	sdelay $0x1  }
0xe1: {  	v4 =	vmul.f32 v4, v3;
	_ =	sdelay $0x1  }
0xe2: {  	[tilespmem:v5+s16+$0x0] =	vst.idx.msk $0xffff, v4  }
0xe3: {  	v4 =	vld.idx.msk [tilespmem:v6+s30+$0x0], $0xffff;
	_ =	sdelay $0x3  }
0xe4: {  	v7 =	vor.u32 $0x5, v1;
	_ =	sdelay $0x1  }
0xe5: {  	v4 =	vmul.f32 v4, v3;
	_ =	sdelay $0x1  }
0xe6: {  	[tilespmem:v6+s16+$0x0] =	vst.idx.msk $0xffff, v4  }
0xe7: {  	v6 =	vld.idx.msk [tilespmem:v7+s30+$0x0], $0xffff;
	_ =	sdelay $0x2  }
0xe8: {  	v4 =	vmov s15  }
0xe9: {  	v4 =	vshll.u32 v4, $0x3  }
.Ltmp2:
0xea: {  	v5 =	vor.u32 $0x7, v1;
	v1 =	vor.u32 v0, v4;
	(pc) =	sbr.rel @p0 .LBB2_3-.Ltmp2, $3  }
0xeb: {  	v4 =	vor.u32 $0x6, v1;
	v6 =	vmul.f32 v6, v3;
	_ =	sdelay $0x1  }
0xec: {  	[tilespmem:v7+s16+$0x0] =	vst.idx.msk $0xffff, v6  }
0xed: {  	s11 =	smov.u32 s18;
	[tilespmem:v2+s16+$0x0] =	vst.idx.msk $0xffff, v3;
	v2 =	vmov v4  }
0xee: {  	_ =	sdelay $0x3  }
0xef: {  	[tilespmem:v5+s16+$0x0] =	vst.idx.msk $0xffff, v3  }
0xf0: {  	s10 =	sadd.s32 $0x10, s10;
	v3 =	vld.idx.msk [tilespmem:v4+s30+$0x0], $0xffff  }
0xf1: {  	v57 =	vld [tilespmem:s10+$0x0]  }
0xf2: {  	s0 =	sadd.s32 $0x10, s0  }
0xf3: {  	v5 =	vld [tilespmem:s0+$0x0];
	_ =	sdelay $0x2  }
0xf4: {  	v3 =	vadd.f32 v3, v57;
	_ =	sdelay $0x1  }
0xf5: {  	v3 =	vadd.f32 v3, v5;
	_ =	sdelay $0x1  }
0xf6: {  	v58 =	vmul.f32 $2.000000030e-01, v3  }
0xf7: {  	vm0 =	vge.f32 v3, $0.0e+00  }
0xf8: {  	v3 =	vsel vm0, v3, v58  }
0xf9: {  	v3 =	vmul.f32 $1.442695020e+00, v3;
	_ =	sdelay $0x1  }
0xfa: {  	(erf) = vpow2.f32 v3;
	_ =	sdelay $0x4  }
0xfb: {  	v3 =	vld.idx.msk [tilespmem:v1+s30+$0x0], $0xffff;
	_ =	sdelay $0x2  }
0xfc: {  	v59 =	vor.u32 $0x1, v1  }
0xfd: {  	v60 =	vpop (erf)  }
0xfe: {  	v3 =	vmul.f32 v60, v3;
	_ =	sdelay $0x1  }
0xff: {  	[tilespmem:v1+s16+$0x0] =	vst.idx.msk $0xffff, v3  }
0x100: {  	v3 =	vld.idx.msk [tilespmem:v59+s30+$0x0], $0xffff;
	_ =	sdelay $0x2  }
0x101: {  	v6 =	vor.u32 $0x2, v1;
	_ =	sdelay $0x1  }
0x102: {  	v3 =	vmul.f32 v60, v3;
	_ =	sdelay $0x1  }
0x103: {  	[tilespmem:v59+s16+$0x0] =	vst.idx.msk $0xffff, v3  }
0x104: {  	v3 =	vld.idx.msk [tilespmem:v6+s30+$0x0], $0xffff;
	_ =	sdelay $0x2  }
0x105: {  	v61 =	vor.u32 $0x3, v1;
	_ =	sdelay $0x1  }
0x106: {  	v3 =	vmul.f32 v60, v3;
	_ =	sdelay $0x1  }
0x107: {  	[tilespmem:v6+s16+$0x0] =	vst.idx.msk $0xffff, v3  }
0x108: {  	v3 =	vld.idx.msk [tilespmem:v61+s30+$0x0], $0xffff;
	_ =	sdelay $0x2  }
0x109: {  	v62 =	vor.u32 $0x4, v1;
	_ =	sdelay $0x1  }
0x10a: {  	v3 =	vmul.f32 v3, v60;
	_ =	sdelay $0x1  }
0x10b: {  	[tilespmem:v61+s16+$0x0] =	vst.idx.msk $0xffff, v3  }
0x10c: {  	v3 =	vld.idx.msk [tilespmem:v62+s30+$0x0], $0xffff;
	_ =	sdelay $0x2  }
0x10d: {  	v63 =	vor.u32 $0x5, v1;
	_ =	sdelay $0x1  }
0x10e: {  	v3 =	vmul.f32 v3, v60;
	_ =	sdelay $0x1  }
0x10f: {  	[tilespmem:v62+s16+$0x0] =	vst.idx.msk $0xffff, v3  }
0x110: {  	v3 =	vld.idx.msk [tilespmem:v63+s30+$0x0], $0xffff;
	_ =	sdelay $0x3  }
0x111: {  	v1 =	vor.u32 $0x7, v1  }
0x112: {  	v3 =	vmul.f32 v3, v60;
	_ =	sdelay $0x1  }
0x113: {  	[tilespmem:v63+s16+$0x0] =	vst.idx.msk $0xffff, v3  }
0x114: {  	[tilespmem:v2+s16+$0x0] =	vst.idx.msk $0xffff, v60  }
0x115: {  	[tilespmem:v1+s16+$0x0] =	vst.idx.msk $0xffff, v60  }
0x116: {  	[spmem:s3] =	stream.indirect.scatter.add.f32 [tilespmem:s16], [sflag:$0x3], $0x8, s28, s29, $0xb8;
	[tilespmem:$0x1EF10] =	vst v63  }
0x117: {  	s15 =	simm.s32 $0x1CF10  }
0x118: {  	[spmem:s3] =	stream.indirect.scatter.add.f32 [tilespmem:s15], [sflag:$0x3], $0x8, s1, s29, $0xb8;
	[tilespmem:$0x1EF10] =	vst v63  }
0x119: {  	s18 =	simm.s32 $0x1D310  }
0x11a: {  	[spmem:s3] =	stream.indirect.scatter.add.f32 [tilespmem:s18], [sflag:$0x3], $0x8, s14, s29, $0xb8;
	[tilespmem:$0x1EF10] =	vst v63  }
0x11b: {  	s10 =	simm.s32 $0x1D710  }
0x11c: {  	[spmem:s3] =	stream.indirect.scatter.add.f32 [tilespmem:s10], [sflag:$0x3], $0x8, s21, s29, $0xb8;
	[tilespmem:$0x1EF10] =	vst v63  }
0x11d: {  	s11 =	simm.s32 $0x1DB10  }
0x11e: {  	[spmem:s3] =	stream.indirect.scatter.add.f32 [tilespmem:s11], [sflag:$0x3], $0x8, s13, s29, $0xb8;
	[tilespmem:$0x1EF10] =	vst v63  }
0x11f: {  	s15 =	simm.s32 $0x1DF10  }
0x120: {  	[spmem:s3] =	stream.indirect.scatter.add.f32 [tilespmem:s15], [sflag:$0x3], $0x8, s31, s29, $0xb8;
	[tilespmem:$0x1EF10] =	vst v63  }
0x121: {  	s18 =	simm.s32 $0x1E310  }
0x122: {  	[spmem:s3] =	stream.indirect.scatter.add.f32 [tilespmem:s18], [sflag:$0x3], $0x8, s12, s29, $0xb8;
	[tilespmem:$0x1EF10] =	vst v63  }
0x123: {  	_ = 	snop  }
0x124: {  	[spmem:s3] =	stream.indirect.scatter.add.f32 [tilespmem:s20], [sflag:$0x3], $0x8, s22, s29, $0xb8;
	[tilespmem:$0x1EF10] =	vst v63  }
0x125: {  	_ =	swait.ge [sflag:s23], $0x400  }
0x126: {  	[sflag:s23] =	ssyncset.done $0x0  }
0x127: {  	[sflag:s23] =	ssyncadd.s32 $0xFFFFFC00  }
0x128: {  	_ =	swait.ge [sflag:s23], $0x400  }
0x129: {  	[sflag:s23] =	ssyncset.done $0x0  }
0x12a: {  	[sflag:s23] =	ssyncadd.s32 $0xFFFFFC00  }
0x12b: {  	_ =	swait.ge [sflag:s23], $0x400  }
0x12c: {  	[sflag:s23] =	ssyncset.done $0x0  }
0x12d: {  	[sflag:s23] =	ssyncadd.s32 $0xFFFFFC00  }
0x12e: {  	_ =	swait.ge [sflag:s23], $0x400  }
0x12f: {  	[sflag:s23] =	ssyncset.done $0x0  }
0x130: {  	[sflag:s23] =	ssyncadd.s32 $0xFFFFFC00  }
0x131: {  	_ =	swait.ge [sflag:s23], $0x400  }
0x132: {  	[sflag:s23] =	ssyncset.done $0x0  }
0x133: {  	[sflag:s23] =	ssyncadd.s32 $0xFFFFFC00  }
0x134: {  	_ =	swait.ge [sflag:s23], $0x400  }
0x135: {  	[sflag:s23] =	ssyncset.done $0x0  }
0x136: {  	s6 =	sadd.s32 $0x1, s6;
	[sflag:s23] =	ssyncadd.s32 $0xFFFFFC00  }
0x137: {  	p0 =	sne.s32 s6, s17;
	_ =	swait.ge [sflag:s23], $0x400  }
.Ltmp3:
0x138: {  	[sflag:s23] =	ssyncset.done $0x0;
	(pc) =	sbr.rel @p0 .LBB2_2-.Ltmp3, $4  }
0x139: {  	[sflag:s23] =	ssyncadd.s32 $0xFFFFFC00  }
0x13a: {  	_ =	swait.ge [sflag:s23], $0x400  }
0x13b: {  	[sflag:s23] =	ssyncset.done $0x0  }
0x13c: {  	[sflag:s23] =	ssyncadd.s32 $0xFFFFFC00  }
0x13d: {  	s15 =	stileid.u32;
	[bflag:$0x0] =	sbarrier.arrive $0xFFFF  }
0x13e: {  	s0 =	sshll.u32 @p2 s15, $0x6;
	s10 =	rddreg [dreg:$0xd]  }
0x13f: {  	s11 =	rddreg [dreg:$0xf];
	s0 =	sor.u32 @p2 $0x1C04, s0;
	s6 =	sshrl.u32 @p2 s10, $0x3  }
0x140: {  	[hbm:s11], [sflag:s0] =	dma.local @p2 [spmem:s6], $0x1870  }
0x141: {  	s0 =	simm.s32 @p2 $0x4  }
0x142: {  	_ =	swait.ge @p2 [sflag:s0], $0x1870  }
0x143: {  	[sflag:s0] =	ssyncset.done @p2 $0x0  }
0x144: {  	s6 =	sshll.u32 @!p6 s15, $0x6;
	[sflag:s0] =	ssyncadd.s32 @p2 $0xFFFFE790  }
0x145: {  	s0 =	sor.u32 @!p6 $0x1C04, s6;
	s6 =	sshrl.u32 @!p6 s10, $0x3;
	s10 =	rddreg [dreg:$0x10]  }
0x146: {  	[hbm:s10], [sflag:s0] =	dma.local @!p6 [spmem:s6], $0x1870  }
0x147: {  	s0 =	sld [smem:$0x7FD]  }
0x148: {  	s6 =	sld [smem:$0x7FC];
	_ =	sdelay $0x1  }
0x149: {  	p0 =	por @!p6 $0x1, $0x1;
	p3 =	seq.s32 s0, $0x1  }
0x14a: {  	p3 =	por @!p6 p0, p0;
	p0 =	seq.s32 s6, $0x1  }
0x14b: {  	p0 =	por @!p4 !p3, !p0  }
0x14c: {  	p0 =	por @!p4 !p0, !p0  }
0x14d: {  	p0 =	por p4, p0  }
.Ltmp4:
0x14e: {  	_ = 	snop;
	(pc) =	sbr.rel @!p0 .LBB2_7-.Ltmp4, $4  }
0x14f: {  	s0 =	simm.s32 @!p6 $0x4  }
0x150: {  	_ =	swait.ge @!p6 [sflag:s0], $0x1870  }
0x151: {  	[sflag:s0] =	ssyncset.done @!p6 $0x0  }
0x152: {  	s18 =	rddreg [dreg:$0x6];
	[sflag:s0] =	ssyncadd.s32 @!p6 $0xFFFFE790  }
0x153: {  	s0 =	rddreg [dreg:$0x8]  }
0x154: {  	s6 =	rddreg [dreg:$0x7]  }
0x155: {  	s11 =	rddreg [dreg:$0xa];
	s10 =	simm.s32 $0x1FC4;
	s0 =	smov.u32 @p4 s6  }
.Ltmp5:
0x156: {  	s6 =	sshrl.u32 s11, $0x3;
	s0 =	sadd.s32 $0x16E90, s0;
	(pc) =	sbr.rel .LBB2_7-.Ltmp5, $4  }
0x157: {  	[hbm:s0], [sflag:s10] =	dma.local [spmem:s6], $0x1810  }
0x158: {  	_ =	swait.ge [sflag:s26], $0x1810  }
0x159: {  	[sflag:s26] =	ssyncset.done $0x0  }
0x15a: {  	[sflag:s26] =	ssyncadd.s32 $0xFFFFE7F0  }
.LBB2_8:
0x15b: {  	_ =	sfence.sel $0x180000  }
0x15c: {  	[bflag:$0x0] =	sbarrier.arrive $0xFFFF  }
0x15d: {  	_ =	strace $0x90000047  }
0x15e: {  	[bflag:$0x2] =	sbarrier.arrive $0xFFFF  }
0x15f: {  	p0 =	sne.s32 s15, $0x0;
	s0 =	rddreg [dreg:$0x5]  }
0x160: {  	s0 =	sadd.s32 @!p0 $0x100000, s0  }
0x161: {  	[sflag:s0] =	ssyncadd.tile.s32 @!p0 $0x1;
	_ =	shalt  }
.Lfunc_end2:
_tile_overlayer_lowered:
.L_overlay_start_2:
0x162: {  	(tag) =	ssettag $0x2  }
0x163: {  	s0 =	rddreg [dreg:$0x0];
	s2 =	stileid.u32  }
0x164: {  	s1 =	rddreg [dreg:$0x1];
	p0 =	sne.s32 s2, $0x0  }
0x165: {  	s3 =	rddreg [dreg:$0x2];
	[bflag:$0x3] =	sbarrier.arrive $0xFFFF;
	s2 =	simm.s32 @!p0 $0x1C04  }
0x166: {  	[timem:s3], [sflag:s2] =	dma.local @!p0 [hbm:s0], s1  }
0x167: {  	s0 =	simm.s32 @!p0 $0x4  }
0x168: {  	_ =	swait.ge @!p0 [sflag:s0], s1  }
0x169: {  	s1 =	ssub.s32 @!p0 $0x0, s1;
	[sflag:s0] =	ssyncset.done @!p0 $0x0  }
0x16a: {  	[sflag:s0] =	ssyncadd.s32 @!p0 s1  }
0x16b: {  	[bflag:$0x3] =	sbarrier.arrive $0xFFFF  }
0x16c: {  	_ =	shalt  }

// kernel: kernel.14.cloned.1.call-start
scs
__scs_entry_jumppad:
0x0: {  	(pc) =	sbr.rel $0x88, $3  }
0x1: {  	(tag) =	ssettag $0x0;
	lr =	simm.s32 $0x1  }
0x2: {  	[smem:$0x3F84] =	sst lr;
	_ =	strace $0xD0000000  }
0x3: {  	_ = 	snop  }
0x4: {  	_ = 	snop  }
0x5: {  	_ = 	snop  }
0x6: {  	_ = 	snop  }
0x7: {  	_ = 	snop  }
__scs_overlays_trampoline_lowered:
0x8: {  	[smem:$0x3F93] =	sst s0  }
0x9: {  	[smem:$0x3F94] =	sst s1  }
0xa: {  	[smem:$0x3F95] =	sst s2  }
0xb: {  	[smem:$0x3F96] =	sst s3  }
0xc: {  	[smem:$0x3F97] =	sst s4  }
0xd: {  	[smem:$0x3F98] =	sst s5  }
0xe: {  	[smem:$0x3F99] =	sst s6  }
0xf: {  	[smem:$0x3F9A] =	sst s7  }
0x10: {  	[smem:$0x3F9B] =	sst s8  }
0x11: {  	[smem:$0x3F9C] =	sst s9;
	s0 =	simm.s32 @!p0 $0x0  }
0x12: {  	s1 =	sld [smem:$0x3F82];
	s0 =	simm.s32 @p0 $0x1  }
0x13: {  	[smem:$0x3F9D] =	sst s0;
	s0 =	simm.s32 @!p1 $0x0  }
0x14: {  	s2 =	sld [smem:$0x3F81];
	s0 =	simm.s32 @p1 $0x1  }
0x15: {  	[smem:$0x3F9E] =	sst s0;
	s0 =	simm.s32 @!p2 $0x0  }
0x16: {  	s3 =	sld [smem:$0x3FDB];
	s0 =	simm.s32 @p2 $0x1  }
0x17: {  	s4 =	simm.s32 $0x1BF5;
	[smem:$0x3FA0] =	sst s0  }
0x18: {  	s0 =	sld [smem:$0x3F83];
	_ =	swait.ge [sflag:s4], $0x0  }
0x19: {  	s7 =	sld [smem:$0x3F84]  }
0x1a: {  	s8 =	sadd.s32 $0xFFFFE003, lr  }
0x1b: {  	s9 =	sadd.s32 $0xFFFFFEF7, lr;
	s5 =	simm.s32 $0xFFFFFFFF;
	p2 =	slt.u32 s8, $0xFFFFF086  }
0x1c: {  	p1 =	slt.u32 s9, $0xF7A;
	s5 =	simm.s32 @!p2 $0x0  }
0x1d: {  	s5 =	simm.s32 @p1 $0x1;
	p0 =	seq.s32 s7, s2  }
0x1e: {  	s7 =	smul.u32 @!p0 $0xF7A, s2;
	p2 =	seq.s32 @!p0 s5, $0x0  }
0x1f: {  	s9 =	smul.u32 $0xF7A, s1;
	s8 =	simm.s32 @!p0 $0x1BF5;
	p2 =	por !p2, p0  }
0x20: {  	[sflag:s8] =	ssyncset.s32 @!p0 $0xFFFFF086;
	s6 =	sadd.s32 @!p0 s3, s7;
	s7 =	simm.s32 @!p0 $0x108  }
0x21: {  	s3 =	sadd.s32 s3, s9;
	s6 =	sadd.s32 @!p0 $0x88, s6;
	s7 =	simm.s32 @p2 $0x1082  }
0x22: {  	[simem:s7], [sflag:s8] =	dma.local @!p0 [hbm:s6], $0xF7A  }
0x23: {  	s9 =	sor.u32 $0xD0000000, s2;
	s6 =	simm.s32 $0x108;
	_ =	swait.ge @!p0 [sflag:s8], $0x0  }
0x24: {  	s3 =	sadd.s32 $0x88, s3;
	s6 =	simm.s32 @!p1 $0x1082;
	[sflag:s4] =	ssyncset.s32 $0xFFFFF086  }
0x25: {  	[simem:s6], [sflag:s4] =	dma.local [hbm:s3], $0xF7A  }
0x26: {  	[smem:$0x3F84] =	sst s1;
	(tag) =	ssettag s2;
	_ =	strace s9  }
0x27: {  	s1 =	sld [smem:$0x3F94]  }
0x28: {  	s2 =	sld [smem:$0x3F95]  }
0x29: {  	s4 =	sld [smem:$0x3F97]  }
0x2a: {  	p0 =	seq.s32 s5, $0x0;
	s5 =	sld [smem:$0x3F98]  }
0x2b: {  	s6 =	sld [smem:$0x3F99]  }
0x2c: {  	s7 =	sld [smem:$0x3F9A]  }
0x2d: {  	s3 =	simm.s32 $0x108;
	s8 =	sld [smem:$0x3F9B]  }
0x2e: {  	s3 =	simm.s32 @!p0 $0x1082;
	s9 =	sld [smem:$0x3F9C]  }
0x2f: {  	lr =	sadd.s32 s0, s3;
	s0 =	sld [smem:$0x3F93]  }
0x30: {  	s3 =	sld [smem:$0x3F96]  }
0x31: {  	[smem:$0x3F9F] =	sst s10  }
0x32: {  	s10 =	sld [smem:$0x3F9D];
	_ =	sdelay $0x3  }
0x33: {  	p0 =	seq.s32 s10, $0x1;
	s10 =	sld [smem:$0x3F9F];
	_ =	sdelay $0x3  }
0x34: {  	[smem:$0x3F9F] =	sst s10  }
0x35: {  	s10 =	sld [smem:$0x3F9E];
	_ =	sdelay $0x3  }
0x36: {  	p1 =	seq.s32 s10, $0x1;
	s10 =	sld [smem:$0x3F9F];
	_ =	sdelay $0x3  }
0x37: {  	[smem:$0x3F9F] =	sst s10  }
0x38: {  	s10 =	sld [smem:$0x3FA0]  }
0x39: {  	_ = 	snop;
	(pc) =	sbr.ind lr, $3  }
0x3a: {  	_ = 	snop  }
0x3b: {  	_ = 	snop  }
0x3c: {  	p2 =	seq.s32 s10, $0x1;
	s10 =	sld [smem:$0x3F9F]  }
0x3d: {  	_ =	shalt  }
0x3e: {  	_ =	shalt  }
0x3f: {  	_ =	shalt  }
0x40: {  	_ =	shalt  }
0x41: {  	_ =	shalt  }
0x42: {  	_ =	shalt  }
0x43: {  	_ =	shalt  }
0x44: {  	_ =	shalt  }
0x45: {  	_ =	shalt  }
0x46: {  	_ =	shalt  }
0x47: {  	_ =	shalt  }
0x48: {  	_ =	shalt  }
0x49: {  	_ =	shalt  }
0x4a: {  	_ =	shalt  }
0x4b: {  	_ =	shalt  }
0x4c: {  	_ =	shalt  }
0x4d: {  	_ =	shalt  }
0x4e: {  	_ =	shalt  }
0x4f: {  	_ =	shalt  }
0x50: {  	_ =	shalt  }
0x51: {  	_ =	shalt  }
0x52: {  	_ =	shalt  }
0x53: {  	_ =	shalt  }
0x54: {  	_ =	shalt  }
0x55: {  	_ =	shalt  }
0x56: {  	_ =	shalt  }
0x57: {  	_ =	shalt  }
0x58: {  	_ =	shalt  }
0x59: {  	_ =	shalt  }
0x5a: {  	_ =	shalt  }
0x5b: {  	_ =	shalt  }
0x5c: {  	_ =	shalt  }
0x5d: {  	_ =	shalt  }
0x5e: {  	_ =	shalt  }
0x5f: {  	_ =	shalt  }
0x60: {  	_ =	shalt  }
0x61: {  	_ =	shalt  }
0x62: {  	_ =	shalt  }
0x63: {  	_ =	shalt  }
0x64: {  	_ =	shalt  }
0x65: {  	_ =	shalt  }
0x66: {  	_ =	shalt  }
0x67: {  	_ =	shalt  }
0x68: {  	_ =	shalt  }
0x69: {  	_ =	shalt  }
0x6a: {  	_ =	shalt  }
0x6b: {  	_ =	shalt  }
0x6c: {  	_ =	shalt  }
0x6d: {  	_ =	shalt  }
0x6e: {  	_ =	shalt  }
0x6f: {  	_ =	shalt  }
0x70: {  	_ =	shalt  }
0x71: {  	_ =	shalt  }
0x72: {  	_ =	shalt  }
0x73: {  	_ =	shalt  }
0x74: {  	_ =	shalt  }
0x75: {  	_ =	shalt  }
0x76: {  	_ =	shalt  }
0x77: {  	_ =	shalt  }
0x78: {  	_ =	shalt  }
0x79: {  	_ =	shalt  }
0x7a: {  	_ =	shalt  }
0x7b: {  	_ =	shalt  }
0x7c: {  	_ =	shalt  }
0x7d: {  	_ =	shalt  }
0x7e: {  	_ =	shalt  }
0x7f: {  	_ =	shalt  }
0x80: {  	_ =	shalt  }
0x81: {  	_ =	shalt  }
0x82: {  	_ =	shalt  }
0x83: {  	_ =	shalt  }
0x84: {  	_ =	shalt  }
0x85: {  	_ =	shalt  }
0x86: {  	_ =	shalt  }
0x87: {  	_ =	shalt  }
.Lfunc_end0:
.L_simem_size_0:
called_computation.1_lowered:
.L_overlay_start_0:
0x88: {  	s2 =	sld [smem:$0x3FD9]  }
0x89: {  	s3 =	sld [smem:$0x3FFE];
	_ =	sdelay $0x1  }
0x8a: {  	s1 =	srdreg.scid  }
0x8b: {  	s0 =	sand.u32 $0x1, s1  }
0x8c: {  	s17 =	sshll.u32 s0, $0xA;
	s2 =	sadd.s32 s3, s2  }
0x8d: {  	s2 =	sadd.s32 s2, s17  }
0x8e: {  	[smem:$0x3FAB] =	sst s2  }
0x8f: {  	_ = 	snop  }
0x90: {  	s2 =	sld [smem:$0x3FD0];
	(tm) =	ssettm $0x1  }
0x91: {  	s18 =	sld [smem:$0x3FFB];
	_ =	sdelay $0x3  }
0x92: {  	_ =	strace s18  }
0x93: {  	s3 =	sld [smem:$0x3FFC];
	_ =	sdelay $0x3  }
0x94: {  	_ =	strace s3  }
0x95: {  	s3 =	sld [smem:$0x3FFD];
	_ =	sdelay $0x3  }
0x96: {  	_ =	strace s3  }
0x97: {  	_ =	strace $0x8FFFFFFF  }
0x98: {  	s19 =	sld [smem:$0x3FDB];
	_ =	sdelay $0x1  }
0x99: {  	s4 =	simm.s32 $_scs_section_size  }
0x9a: {  	s5 =	simm.s32 $_size__tile_overlayer_lowered;
	s6 =	simm.s32 $_tile_overlayer_lowered  }
0x9b: {  	s22 =	simm.s32 $0x1BFF;
	s21 =	sshll.u32 s6, $0x1;
	s3 =	sadd.s32 s4, s19  }
0x9c: {  	s7 =	simm.s32 $0x0;
	s20 =	sshll.u32 s5, $0x1;
	s5 =	sadd.s32 s21, s3  }
0x9d: {  	[timem:s7], [sflag:s22] =	dma.local [hbm:s5], s20  }
0x9e: {  	_ =	swait.ge [sflag:s22], s20  }
0x9f: {  	s4 =	ssub.s32 $0x0, s20;
	[sflag:s22] =	ssyncset.done $0x0  }
0xa0: {  	[sflag:s22] =	ssyncadd.s32 s4;
	_ =	sdelay $0x1  }
0xa1: {  	s23 =	simm.s32 $0x1B8B  }
0xa2: {  	_ =	swait.ge [sflag:s23], $0x1  }
0xa3: {  	[sflag:s23] =	ssyncset.done $0x0  }
0xa4: {  	s25 =	simm.s32 $0x1B8E;
	s24 =	sld [smem:$0x3FFE];
	[sflag:s23] =	ssyncadd.s32 $0xFFFFFFFF  }
0xa5: {  	s26 =	simm.s32 $execute0_lowered;
	[smem:$0x3FD2] =	sst s25  }
0xa6: {  	s5 =	sshll.u32 s26, $0x1;
	_ =	strace $0x80000049;
	[dreg:$0x1] =	wrdreg $0xFFFFFFFF  }
0xa7: {  	s28 =	simm.s32 $_size_execute0_lowered;
	s3 =	sadd.s32 s3, s5;
	[dreg:$0x0] =	wrdreg $0x0  }
0xa8: {  	s5 =	sshll.u32 s28, $0x1;
	[dreg:$0x2] =	wrdreg s3  }
0xa9: {  	[dreg:$0x3] =	wrdreg s5  }
0xaa: {  	[dreg:$0x4] =	wrdreg $0xC0  }
0xab: {  	_ =	task [dreg:s7], $0x5FFFF  }
0xac: {  	[dreg:$0x1] =	wrdreg $0xFFFFFFFF  }
0xad: {  	[dreg:$0x0] =	wrdreg $0x60  }
0xae: {  	[dreg:$0x2] =	wrdreg s24  }
0xaf: {  	[dreg:$0x3] =	wrdreg s2  }
0xb0: {  	[dreg:$0x4] =	wrdreg $0x0  }
0xb1: {  	[dreg:$0x5] =	wrdreg $0xDBC00  }
0xb2: {  	[dreg:$0x6] =	wrdreg $0xC3500  }
0xb3: {  	[dreg:$0x7] =	wrdreg $0x9  }
0xb4: {  	_ =	task.clear_ibuf [dreg:s7], $0x8FFFF;
	_ =	strace $0x90000049  }
0xb5: {  	s29 =	simm.s32 $0x9;
	_ =	strace $0x8000004B  }
0xb6: {  	_ =	swait.ge [sflag:s29], $0x1  }
0xb7: {  	[sflag:s29] =	ssyncadd.s32 $0xFFFFFFFF  }
0xb8: {  	_ =	strace $0x9000004B  }
0xb9: {  	_ =	sfence  }
0xba: {  	s30 =	sld [smem:$0x0];
	_ =	sdelay $0x2  }
0xbb: {  	s31 =	sshll.u32 s1, $0xD;
	s1 =	sshrl.u32 s1, $0x2  }
0xbc: {  	s3 =	sand.u32 $0x4000, s31;
	s1 =	sadd.s32 s1, s30  }
0xbd: {  	s0 =	sor.u32 s3, s0;
	s1 =	sshll.u32 s1, $0x11  }
0xbe: {  	s0 =	sor.u32 s1, s0  }
0xbf: {  	s0 =	sadd.s32 $0x8F2B, s0  }
0xc0: {  	[sflag:s0] =	ssyncadd.remote.s32 $0x1  }
0xc1: {  	_ =	sfence.sel $0xFFFF  }
0xc2: {  	[dreg:$0x0] =	wrdreg $0xFFFFFFFF;
	(pc) =	sbr.abs _section_cstart, $3  }
0xc3: {  	[dreg:$0x1] =	wrdreg $0xFFFFFFFF  }
0xc4: {  	_ =	task.clear_ibuf [dreg:s7], $0x2FFFF;
	_ =	strace $0x9FFFFFFF  }
0xc5: {  	(tm) =	ssettm $0x7FFFFFFF  }
tec
execute0_lowered:
.L_overlay_start_1:
0x0: {  	(tag) =	ssettag $0x1  }
0x1: {  	s0 =	rddreg [dreg:$0x0]  }
0x2: {  	s2 =	rddreg [dreg:$0x2]  }
0x3: {  	s3 =	rddreg [dreg:$0x3]  }
0x4: {  	s5 =	rddreg [dreg:$0x4];
	s18 =	simm.s32 $0x0;
	s15 =	stileid.u32  }
0x5: {  	s4 =	srdreg.scid;
	s28 =	simm.s32 $0x1A310;
	s29 =	simm.s32 $0x80  }
0x6: {  	s30 =	simm.s32 $0x1AB10;
	s31 =	simm.s32 $0x1A590;
	[smem:$0x7FF] =	sst s18  }
0x7: {  	s1 =	smul.u32 $0xC380, s15;
	s7 =	sadd.s32 $0x64400, s0;
	s8 =	sadd.s32 $0x2800, s0  }
0x8: {  	s4 =	sand.u32 $0x1, s4;
	s9 =	sadd.s32 $0x171400, s0;
	s14 =	sadd.s32 $0xC6000, s0  }
0x9: {  	s16 =	sadd.s32 $0xDE800, s0;
	p3 =	seq.s32 s15, $0xF;
	s21 =	sadd.s32 $0x16FA90, s0  }
0xa: {  	s17 =	sadd.s32 $0xB7480, s3;
	_ =	strace $0x8000004A;
	[dreg:$0x9] =	wrdreg s21  }
0xb: {  	p1 =	sne.s32 s15, $0xF;
	s11 =	ssub.s32 $0x2, s4;
	[dreg:$0xa] =	wrdreg s17  }
0xc: {  	s13 =	sshll.u32 s4, $0x4;
	s17 =	simm.s32 $0x62;
	[dreg:$0x7] =	wrdreg s14  }
0xd: {  	p4 =	seq.s32 s4, $0x0;
	p5 =	seq.s32 s4, $0x1;
	[dreg:$0x8] =	wrdreg s16  }
0xe: {  	s21 =	simm.s32 $0x1A490;
	s4 =	simm.s32 $0x2;
	s6 =	sshrl.u32 s1, $0x3  }
0xf: {  	s12 =	sshrl.u32 s11, $0x1;
	s20 =	sor.u32 s15, s13;
	s13 =	sadd.s32 $0xB7480, s2  }
0x10: {  	p2 =	por !p4, !p1;
	p4 =	por !p4, !p3;
	s10 =	sadd.s32 s6, s0  }
0x11: {  	s11 =	ssub.s32 s11, s12;
	s0 =	sadd.s32 $0x157290, s0;
	p0 =	slt.u32 s20, $0x15  }
0x12: {  	s19 =	sshll.u32 s20, $0xA;
	p2 =	por !p2, !p2;
	s24 =	sadd.s32 s14, s6  }
0x13: {  	p4 =	por !p4, !p4;
	s25 =	sadd.s32 s16, s6;
	s14 =	simm.s32 $0x1A410  }
0x14: {  	s12 =	simm.s32 $0x1A610;
	s16 =	simm.s32 $0x1CB10;
	[dreg:$0xb] =	wrdreg s0  }
0x15: {  	s20 =	simm.s32 $0x1E710;
	s0 =	sadd.s32 s1, s2;
	[dreg:$0xf] =	wrdreg s24  }
0x16: {  	s22 =	sadd.s32 $0x158C00, s10;
	s1 =	sadd.s32 s1, s3;
	[dreg:$0x10] =	wrdreg s25  }
0x17: {  	s23 =	sadd.s32 $0x140400, s10;
	s17 =	simm.s32 @!p0 $0x61;
	[dreg:$0xc] =	wrdreg s22  }
0x18: {  	s26 =	smax.u32 s11, $0x1;
	s25 =	simm.s32 $0x19F10;
	[dreg:$0xd] =	wrdreg s1  }
0x19: {  	s24 =	simm.s32 $0x1;
	[dreg:$0xe] =	wrdreg s23;
	s1 =	simm.s32 @!p3 $0x0  }
0x1a: {  	[dreg:$0x11] =	wrdreg s26;
	s0 =	sshrl.u32 @p1 s0, $0x3;
	s26 =	simm.s32 $0x4  }
0x1b: {  	s22 =	simm.s32 $0x1A690;
	s23 =	simm.s32 $0x3;
	s1 =	simm.s32 @p3 $0x1  }
.Ltmp0:
0x1c: {  	[dreg:$0x12] =	wrdreg s0;
	s0 =	sshrl.u32 @!p1 s13, $0x3;
	(pc) =	sbr.rel .LBB2_1-.Ltmp0, $4  }
0x1d: {  	s13 =	simm.s32 $0x1A510;
	[smem:$0x7FC] =	sst s1;
	s1 =	simm.s32 @!p5 $0x0  }
0x1e: {  	[dreg:$0x13] =	wrdreg s0;
	s1 =	simm.s32 @p5 $0x1;
	p5 =	por !p1, !p5  }
0x1f: {  	v0 =	vlaneseq.u32;
	[smem:$0x7FD] =	sst s1;
	p6 =	por !p5, !p5;
	p5 =	sne.s32 @p1 s15, $0x0  }
0x20: {  	v0 =	vmul.u32 $0x8, v0;
	s1 =	simm.s32 $0x1A390;
	p5 =	por p5, !p1;
	p6 =	por !p6, p4  }
.LBB2_7:
0x21: {  	s18 =	sadd.s32 $0x1, s18;
	s0 =	rddreg [dreg:$0x11]  }
0x22: {  	p0 =	sne.s32 s18, s0  }
.Ltmp1:
0x23: {  	_ = 	snop;
	(pc) =	sbr.rel @!p0 .LBB2_8-.Ltmp1, $1  }
0x24: {  	_ =	sdelay $0x3  }
.LBB2_1:
0x25: {  	[dreg:$0x6] =	wrdreg s18  }
0x26: {  	s0 =	sshll.u32 @p1 s15, $0x6;
	s6 =	rddreg [dreg:$0xc]  }
0x27: {  	s10 =	rddreg [dreg:$0x12];
	s0 =	sor.u32 @p1 $0x1C04, s0  }
0x28: {  	[spmem:s10], [sflag:s0] =	dma.local @p1 [hbm:s6], $0x1870  }
0x29: {  	s6 =	simm.s32 @p1 $0x4  }
0x2a: {  	_ =	swait.ge @p1 [sflag:s6], $0x1870  }
0x2b: {  	[sflag:s6] =	ssyncset.done @p1 $0x0;
	s10 =	rddreg [dreg:$0xd]  }
0x2c: {  	s11 =	rddreg [dreg:$0xe];
	[sflag:s6] =	ssyncadd.s32 @p1 $0xFFFFE790;
	s10 =	sshrl.u32 @p1 s10, $0x3  }
0x2d: {  	[spmem:s10], [sflag:s0] =	dma.local @p1 [hbm:s11], $0x1870  }
0x2e: {  	_ =	swait.ge @p1 [sflag:s6], $0x1870  }
0x2f: {  	[sflag:s6] =	ssyncset.done @p1 $0x0  }
0x30: {  	[sflag:s6] =	ssyncadd.s32 @p1 $0xFFFFE790  }
0x31: {  	s0 =	sshrl.u32 @!p5 s5, $0x3;
	s6 =	simm.s32 @!p5 $0x1C04;
	s10 =	rddreg [dreg:$0x1]  }
0x32: {  	[spmem:s0], [sflag:s6] =	dma.local @!p5 [hbm:s10], $0x30D4  }
0x33: {  	s0 =	simm.s32 @!p5 $0x4  }
0x34: {  	_ =	swait.ge @!p5 [sflag:s0], $0x30D4  }
0x35: {  	[sflag:s0] =	ssyncset.done @!p5 $0x0;
	s6 =	rddreg [dreg:$0x9]  }
0x36: {  	s10 =	rddreg [dreg:$0x13];
	[sflag:s0] =	ssyncadd.s32 @!p5 $0xFFFFCF2C;
	s0 =	simm.s32 @!p1 $0x1FC4  }
0x37: {  	[spmem:s10], [sflag:s0] =	dma.local @!p1 [hbm:s6], $0x1810  }
0x38: {  	s6 =	simm.s32 @!p1 $0x4  }
0x39: {  	_ =	swait.ge @!p1 [sflag:s6], $0x1810  }
0x3a: {  	[sflag:s6] =	ssyncset.done @!p1 $0x0;
	s10 =	rddreg [dreg:$0xa]  }
0x3b: {  	s11 =	rddreg [dreg:$0xb];
	[sflag:s6] =	ssyncadd.s32 @!p1 $0xFFFFE7F0;
	s10 =	sshrl.u32 @!p1 s10, $0x3  }
0x3c: {  	[spmem:s10], [sflag:s0] =	dma.local @!p1 [hbm:s11], $0x1810  }
0x3d: {  	_ =	swait.ge @!p1 [sflag:s6], $0x1810  }
0x3e: {  	[sflag:s6] =	ssyncset.done @!p1 $0x0  }
0x3f: {  	[sflag:s6] =	ssyncadd.s32 @!p1 $0xFFFFE7F0  }
0x40: {  	s6 =	simm.s32 $0x0;
	[bflag:$0x0] =	sbarrier.arrive $0xFFFF  }
.LBB2_2:
0x41: {  	s0 =	sshll.u32 s6, $0xF  }
0x42: {  	s0 =	sor.u32 s19, s0  }
0x43: {  	s0 =	sshrl.u32 s0, $0x3  }
0x44: {  	s11 =	simm.s32 $0x0;
	s10 =	sadd.s32 s7, s0  }
0x45: {  	[tilespmem:s25], [sflag:$0x4] =	stream.linear.gather [hbm4b:s10+s11], $0x400, $0x38;
	[tilespmem:$0x1EF10] =	vst v63  }
0x46: {  	_ =	swait.ge [sflag:s26], $0x400  }
0x47: {  	[sflag:s26] =	ssyncset.done $0x0  }
0x48: {  	s18 =	sadd.s32 s8, s0;
	[sflag:s26] =	ssyncadd.s32 $0xFFFFFC00  }
0x49: {  	[tilespmem:s28], [sflag:$0x4] =	stream.linear.gather [hbm4b:s18+s11], $0x400, $0x38;
	[tilespmem:$0x1EF10] =	vst v63  }
0x4a: {  	_ =	swait.ge [sflag:s26], $0x400  }
0x4b: {  	[sflag:s26] =	ssyncset.done $0x0  }
0x4c: {  	s15 =	sadd.s32 s9, s0;
	s0 =	simm.s32 $0x1A710;
	[sflag:s26] =	ssyncadd.s32 $0xFFFFFC00  }
0x4d: {  	[tilespmem:s0], [sflag:$0x4] =	stream.linear.gather [hbm4b:s15+s11], $0x400, $0x38;
	[tilespmem:$0x1EF10] =	vst v63  }
0x4e: {  	_ =	swait.ge [sflag:s26], $0x400  }
0x4f: {  	[sflag:s26] =	ssyncset.done $0x0  }
0x50: {  	[sflag:s26] =	ssyncadd.s32 $0xFFFFFC00  }
0x51: {  	[tilespmem:s30], [sflag:$0x1] =	stream.indirect.gather [spmem:s2], $0x8, s25, s29, $0xb8;
	[tilespmem:$0x1EF10] =	vst v63  }
0x52: {  	s10 =	simm.s32 $0x1EB10  }
0x53: {  	[tilespmem:s10], [sflag:$0x2] =	stream.indirect.gather [spmem:s5], $0x1, s28, s29, $0xb8;
	[tilespmem:$0x1EF10] =	vst v63  }
0x54: {  	s18 =	simm.s32 $0x1AF10;
	s15 =	simm.s32 $0x19F90  }
0x55: {  	[tilespmem:s18], [sflag:$0x1] =	stream.indirect.gather [spmem:s2], $0x8, s15, s29, $0xb8;
	[tilespmem:$0x1EF10] =	vst v63  }
0x56: {  	s18 =	simm.s32 $0x1EB90  }
0x57: {  	[tilespmem:s18], [sflag:$0x2] =	stream.indirect.gather [spmem:s5], $0x1, s1, s29, $0xb8;
	[tilespmem:$0x1EF10] =	vst v63  }
0x58: {  	s15 =	simm.s32 $0x1A010;
	s18 =	simm.s32 $0x1B310  }
0x59: {  	[tilespmem:s18], [sflag:$0x1] =	stream.indirect.gather [spmem:s2], $0x8, s15, s29, $0xb8;
	[tilespmem:$0x1EF10] =	vst v63  }
0x5a: {  	s18 =	simm.s32 $0x1EC10  }
0x5b: {  	[tilespmem:s18], [sflag:$0x2] =	stream.indirect.gather [spmem:s5], $0x1, s14, s29, $0xb8;
	[tilespmem:$0x1EF10] =	vst v63  }
0x5c: {  	s15 =	simm.s32 $0x1A090;
	s18 =	simm.s32 $0x1B710  }
0x5d: {  	[tilespmem:s18], [sflag:$0x1] =	stream.indirect.gather [spmem:s2], $0x8, s15, s29, $0xb8;
	[tilespmem:$0x1EF10] =	vst v63  }
0x5e: {  	s18 =	simm.s32 $0x1EC90  }
0x5f: {  	[tilespmem:s18], [sflag:$0x2] =	stream.indirect.gather [spmem:s5], $0x1, s21, s29, $0xb8;
	[tilespmem:$0x1EF10] =	vst v63  }
0x60: {  	s15 =	simm.s32 $0x1A110;
	s18 =	simm.s32 $0x1BB10  }
0x61: {  	[tilespmem:s18], [sflag:$0x1] =	stream.indirect.gather [spmem:s2], $0x8, s15, s29, $0xb8;
	[tilespmem:$0x1EF10] =	vst v63  }
0x62: {  	s18 =	simm.s32 $0x1ED10  }
0x63: {  	[tilespmem:s18], [sflag:$0x2] =	stream.indirect.gather [spmem:s5], $0x1, s13, s29, $0xb8;
	[tilespmem:$0x1EF10] =	vst v63  }
0x64: {  	s15 =	simm.s32 $0x1A190;
	s18 =	simm.s32 $0x1BF10  }
0x65: {  	[tilespmem:s18], [sflag:$0x1] =	stream.indirect.gather [spmem:s2], $0x8, s15, s29, $0xb8;
	[tilespmem:$0x1EF10] =	vst v63  }
0x66: {  	s18 =	simm.s32 $0x1ED90  }
0x67: {  	[tilespmem:s18], [sflag:$0x2] =	stream.indirect.gather [spmem:s5], $0x1, s31, s29, $0xb8;
	[tilespmem:$0x1EF10] =	vst v63  }
0x68: {  	s15 =	simm.s32 $0x1A210;
	s18 =	simm.s32 $0x1C310  }
0x69: {  	[tilespmem:s18], [sflag:$0x1] =	stream.indirect.gather [spmem:s2], $0x8, s15, s29, $0xb8;
	[tilespmem:$0x1EF10] =	vst v63  }
0x6a: {  	s18 =	simm.s32 $0x1EE10  }
0x6b: {  	[tilespmem:s18], [sflag:$0x2] =	stream.indirect.gather [spmem:s5], $0x1, s12, s29, $0xb8;
	[tilespmem:$0x1EF10] =	vst v63  }
0x6c: {  	s15 =	simm.s32 $0x1A290;
	s18 =	simm.s32 $0x1C710  }
0x6d: {  	[tilespmem:s18], [sflag:$0x1] =	stream.indirect.gather [spmem:s2], $0x8, s15, s29, $0xb8;
	[tilespmem:$0x1EF10] =	vst v63  }
0x6e: {  	s18 =	simm.s32 $0x1EE90  }
0x6f: {  	[tilespmem:s18], [sflag:$0x2] =	stream.indirect.gather [spmem:s5], $0x1, s22, s29, $0xb8;
	[tilespmem:$0x1EF10] =	vst v63  }
0x70: {  	_ =	swait.ge [sflag:s24], $0x400  }
0x71: {  	[sflag:s24] =	ssyncset.done $0x0  }
0x72: {  	[sflag:s24] =	ssyncadd.s32 $0xFFFFFC00  }
0x73: {  	_ =	swait.ge [sflag:s4], $0x80  }
0x74: {  	[sflag:s4] =	ssyncset.done $0x0  }
0x75: {  	[sflag:s4] =	ssyncadd.s32 $0xFFFFFF80  }
0x76: {  	_ =	swait.ge [sflag:s24], $0x400  }
0x77: {  	[sflag:s24] =	ssyncset.done $0x0  }
0x78: {  	[sflag:s24] =	ssyncadd.s32 $0xFFFFFC00  }
0x79: {  	_ =	swait.ge [sflag:s4], $0x80  }
0x7a: {  	[sflag:s4] =	ssyncset.done $0x0  }
0x7b: {  	[sflag:s4] =	ssyncadd.s32 $0xFFFFFF80  }
0x7c: {  	_ =	swait.ge [sflag:s24], $0x400  }
0x7d: {  	[sflag:s24] =	ssyncset.done $0x0  }
0x7e: {  	[sflag:s24] =	ssyncadd.s32 $0xFFFFFC00  }
0x7f: {  	_ =	swait.ge [sflag:s4], $0x80  }
0x80: {  	[sflag:s4] =	ssyncset.done $0x0  }
0x81: {  	[sflag:s4] =	ssyncadd.s32 $0xFFFFFF80  }
0x82: {  	_ =	swait.ge [sflag:s24], $0x400  }
0x83: {  	[sflag:s24] =	ssyncset.done $0x0  }
0x84: {  	[sflag:s24] =	ssyncadd.s32 $0xFFFFFC00  }
0x85: {  	_ =	swait.ge [sflag:s4], $0x80  }
0x86: {  	[sflag:s4] =	ssyncset.done $0x0  }
0x87: {  	[sflag:s4] =	ssyncadd.s32 $0xFFFFFF80  }
0x88: {  	_ =	swait.ge [sflag:s24], $0x400  }
0x89: {  	[sflag:s24] =	ssyncset.done $0x0  }
0x8a: {  	[sflag:s24] =	ssyncadd.s32 $0xFFFFFC00  }
0x8b: {  	_ =	swait.ge [sflag:s4], $0x80  }
0x8c: {  	[sflag:s4] =	ssyncset.done $0x0  }
0x8d: {  	[sflag:s4] =	ssyncadd.s32 $0xFFFFFF80  }
0x8e: {  	_ =	swait.ge [sflag:s24], $0x400  }
0x8f: {  	[sflag:s24] =	ssyncset.done $0x0  }
0x90: {  	[sflag:s24] =	ssyncadd.s32 $0xFFFFFC00  }
0x91: {  	_ =	swait.ge [sflag:s4], $0x80  }
0x92: {  	[sflag:s4] =	ssyncset.done $0x0  }
0x93: {  	[sflag:s4] =	ssyncadd.s32 $0xFFFFFF80  }
0x94: {  	_ =	swait.ge [sflag:s24], $0x400  }
0x95: {  	[sflag:s24] =	ssyncset.done $0x0  }
0x96: {  	[sflag:s24] =	ssyncadd.s32 $0xFFFFFC00  }
0x97: {  	_ =	swait.ge [sflag:s4], $0x80  }
0x98: {  	v1 =	vmov s11;
	[sflag:s4] =	ssyncset.done $0x0  }
0x99: {  	v1 =	vshll.u32 v1, $0x3;
	[sflag:s4] =	ssyncadd.s32 $0xFFFFFF80  }
0x9a: {  	v2 =	vor.u32 v0, v1;
	_ =	swait.ge [sflag:s24], $0x400  }
0x9b: {  	v6 =	vor.u32 $0x6, v2;
	[sflag:s24] =	ssyncset.done $0x0  }
0x9c: {  	[sflag:s24] =	ssyncadd.s32 $0xFFFFFC00  }
0x9d: {  	_ =	swait.ge [sflag:s4], $0x80  }
0x9e: {  	[sflag:s4] =	ssyncset.done $0x0  }
0x9f: {  	[sflag:s4] =	ssyncadd.s32 $0xFFFFFF80  }
0xa0: {  	v1 =	vld.idx.msk [tilespmem:v6+s30+$0x0], $0xffff  }
0xa1: {  	v3 =	vld [tilespmem:s10+$0x0];
	_ =	sdelay $0x1  }
0xa2: {  	v4 =	vld [tilespmem:s0+$0x0];
	_ =	sdelay $0x2  }
0xa3: {  	v1 =	vadd.f32 v1, v3;
	_ =	sdelay $0x1  }
0xa4: {  	v1 =	vadd.f32 v1, v4;
	_ =	sdelay $0x1  }
0xa5: {  	v3 =	vmul.f32 $2.000000030e-01, v1  }
0xa6: {  	vm0 =	vge.f32 v1, $0.0e+00  }
0xa7: {  	v1 =	vsel vm0, v1, v3  }
0xa8: {  	v1 =	vmul.f32 $1.442695020e+00, v1;
	_ =	sdelay $0x1  }
0xa9: {  	(erf) = vpow2.f32 v1;
	_ =	sdelay $0x4  }
0xaa: {  	v1 =	vld.idx.msk [tilespmem:v2+s30+$0x0], $0xffff;
	_ =	sdelay $0x2  }
0xab: {  	v4 =	vor.u32 $0x1, v2  }
0xac: {  	v3 =	vpop (erf)  }
0xad: {  	v1 =	vmul.f32 v3, v1;
	_ =	sdelay $0x1  }
0xae: {  	[tilespmem:v2+s16+$0x0] =	vst.idx.msk $0xffff, v1  }
0xaf: {  	v1 =	vld.idx.msk [tilespmem:v4+s30+$0x0], $0xffff;
	_ =	sdelay $0x2  }
0xb0: {  	v5 =	vor.u32 $0x2, v2;
	_ =	sdelay $0x1  }
0xb1: {  	v1 =	vmul.f32 v3, v1;
	_ =	sdelay $0x1  }
0xb2: {  	[tilespmem:v4+s16+$0x0] =	vst.idx.msk $0xffff, v1  }
0xb3: {  	v1 =	vld.idx.msk [tilespmem:v5+s30+$0x0], $0xffff;
	_ =	sdelay $0x2  }
0xb4: {  	v4 =	vor.u32 $0x3, v2;
	_ =	sdelay $0x1  }
0xb5: {  	v1 =	vmul.f32 v3, v1;
	_ =	sdelay $0x1  }
0xb6: {  	[tilespmem:v5+s16+$0x0] =	vst.idx.msk $0xffff, v1  }
0xb7: {  	v1 =	vld.idx.msk [tilespmem:v4+s30+$0x0], $0xffff;
	_ =	sdelay $0x2  }
0xb8: {  	v5 =	vor.u32 $0x4, v2;
	_ =	sdelay $0x1  }
0xb9: {  	v1 =	vmul.f32 v1, v3;
	_ =	sdelay $0x1  }
0xba: {  	[tilespmem:v4+s16+$0x0] =	vst.idx.msk $0xffff, v1  }
0xbb: {  	v1 =	vld.idx.msk [tilespmem:v5+s30+$0x0], $0xffff;
	_ =	sdelay $0x2  }
0xbc: {  	v7 =	vor.u32 $0x5, v2;
	_ =	sdelay $0x1  }
0xbd: {  	v1 =	vmul.f32 v1, v3;
	_ =	sdelay $0x1  }
0xbe: {  	[tilespmem:v5+s16+$0x0] =	vst.idx.msk $0xffff, v1  }
0xbf: {  	v1 =	vld.idx.msk [tilespmem:v7+s30+$0x0], $0xffff;
	_ =	sdelay $0x3  }
0xc0: {  	s18 =	simm.s32 $0x10  }
0xc1: {  	v4 =	vmov s18;
	v5 =	vmul.f32 v1, v3  }
0xc2: {  	v4 =	vshll.u32 v4, $0x3  }
0xc3: {  	v1 =	vor.u32 v0, v4;
	[tilespmem:v7+s16+$0x0] =	vst.idx.msk $0xffff, v5;
	v5 =	vor.u32 $0x7, v2  }
0xc4: {  	v4 =	vor.u32 $0x6, v1;
	_ =	sdelay $0x1  }
0xc5: {  	s11 =	simm.s32 $0x20;
	v2 =	vmov v4;
	[tilespmem:v6+s16+$0x0] =	vst.idx.msk $0xffff, v3  }
.LBB2_3:
0xc6: {  	s0 =	sadd.s32 $0x10, s0  }
0xc7: {  	[tilespmem:v5+s16+$0x0] =	vst.idx.msk $0xffff, v3;
	s10 =	sadd.s32 $0x10, s10;
	s15 =	smov.u32 s11;
	s18 =	sadd.s32 $0x10, s11  }
0xc8: {  	p0 =	sne.s32 s11, $0x3F0;
	v3 =	vld.idx.msk [tilespmem:v4+s30+$0x0], $0xffff  }
0xc9: {  	v4 =	vld [tilespmem:s10+$0x0];
	_ =	sdelay $0x1  }
0xca: {  	v5 =	vld [tilespmem:s0+$0x0];
	_ =	sdelay $0x2  }
0xcb: {  	v3 =	vadd.f32 v3, v4;
	_ =	sdelay $0x1  }
0xcc: {  	v3 =	vadd.f32 v3, v5;
	_ =	sdelay $0x1  }
0xcd: {  	v4 =	vmul.f32 $2.000000030e-01, v3  }
0xce: {  	vm0 =	vge.f32 v3, $0.0e+00  }
0xcf: {  	v3 =	vsel vm0, v3, v4  }
0xd0: {  	v3 =	vmul.f32 $1.442695020e+00, v3;
	_ =	sdelay $0x1  }
0xd1: {  	(erf) = vpow2.f32 v3;
	_ =	sdelay $0x3  }
0xd2: {  	v4 =	vld.idx.msk [tilespmem:v1+s30+$0x0], $0xffff;
	_ =	sdelay $0x3  }
0xd3: {  	v5 =	vor.u32 $0x1, v1  }
0xd4: {  	v3 =	vpop (erf)  }
0xd5: {  	v4 =	vmul.f32 v3, v4;
	_ =	sdelay $0x1  }
0xd6: {  	[tilespmem:v1+s16+$0x0] =	vst.idx.msk $0xffff, v4  }
0xd7: {  	v4 =	vld.idx.msk [tilespmem:v5+s30+$0x0], $0xffff;
	_ =	sdelay $0x3  }
0xd8: {  	v6 =	vor.u32 $0x2, v1;
	_ =	sdelay $0x1  }
0xd9: {  	v4 =	vmul.f32 v3, v4;
	_ =	sdelay $0x1  }
0xda: {  	[tilespmem:v5+s16+$0x0] =	vst.idx.msk $0xffff, v4  }
0xdb: {  	v4 =	vld.idx.msk [tilespmem:v6+s30+$0x0], $0xffff;
	_ =	sdelay $0x3  }
0xdc: {  	v5 =	vor.u32 $0x3, v1;
	_ =	sdelay $0x1  }
0xdd: {  	v4 =	vmul.f32 v3, v4;
	_ =	sdelay $0x1  }
0xde: {  	[tilespmem:v6+s16+$0x0] =	vst.idx.msk $0xffff, v4  }
0xdf: {  	v4 =	vld.idx.msk [tilespmem:v5+s30+$0x0], $0xffff;
	_ =	sdelay $0x3  }
0xe0: {  	v6 =	vor.u32 $0x4, v1;
	_ =	sdelay $0x1  }
0xe1: {  	v4 =	vmul.f32 v4, v3;
	_ =	sdelay $0x1  }
0xe2: {  	[tilespmem:v5+s16+$0x0] =	vst.idx.msk $0xffff, v4  }
0xe3: {  	v4 =	vld.idx.msk [tilespmem:v6+s30+$0x0], $0xffff;
	_ =	sdelay $0x3  }
0xe4: {  	v7 =	vor.u32 $0x5, v1;
	_ =	sdelay $0x1  }
0xe5: {  	v4 =	vmul.f32 v4, v3;
	_ =	sdelay $0x1  }
0xe6: {  	[tilespmem:v6+s16+$0x0] =	vst.idx.msk $0xffff, v4  }
0xe7: {  	v6 =	vld.idx.msk [tilespmem:v7+s30+$0x0], $0xffff;
	_ =	sdelay $0x2  }
0xe8: {  	v4 =	vmov s15  }
0xe9: {  	v4 =	vshll.u32 v4, $0x3  }
.Ltmp2:
0xea: {  	v5 =	vor.u32 $0x7, v1;
	v1 =	vor.u32 v0, v4;
	(pc) =	sbr.rel @p0 .LBB2_3-.Ltmp2, $3  }
0xeb: {  	v4 =	vor.u32 $0x6, v1;
	v6 =	vmul.f32 v6, v3;
	_ =	sdelay $0x1  }
0xec: {  	[tilespmem:v7+s16+$0x0] =	vst.idx.msk $0xffff, v6  }
0xed: {  	s11 =	smov.u32 s18;
	[tilespmem:v2+s16+$0x0] =	vst.idx.msk $0xffff, v3;
	v2 =	vmov v4  }
0xee: {  	_ =	sdelay $0x3  }
0xef: {  	[tilespmem:v5+s16+$0x0] =	vst.idx.msk $0xffff, v3  }
0xf0: {  	s10 =	sadd.s32 $0x10, s10;
	v3 =	vld.idx.msk [tilespmem:v4+s30+$0x0], $0xffff  }
0xf1: {  	v57 =	vld [tilespmem:s10+$0x0]  }
0xf2: {  	s0 =	sadd.s32 $0x10, s0  }
0xf3: {  	v5 =	vld [tilespmem:s0+$0x0];
	_ =	sdelay $0x2  }
0xf4: {  	v3 =	vadd.f32 v3, v57;
	_ =	sdelay $0x1  }
0xf5: {  	v3 =	vadd.f32 v3, v5;
	_ =	sdelay $0x1  }
0xf6: {  	v58 =	vmul.f32 $2.000000030e-01, v3  }
0xf7: {  	vm0 =	vge.f32 v3, $0.0e+00  }
0xf8: {  	v3 =	vsel vm0, v3, v58  }
0xf9: {  	v3 =	vmul.f32 $1.442695020e+00, v3;
	_ =	sdelay $0x1  }
0xfa: {  	(erf) = vpow2.f32 v3;
	_ =	sdelay $0x4  }
0xfb: {  	v3 =	vld.idx.msk [tilespmem:v1+s30+$0x0], $0xffff;
	_ =	sdelay $0x2  }
0xfc: {  	v59 =	vor.u32 $0x1, v1  }
0xfd: {  	v60 =	vpop (erf)  }
0xfe: {  	v3 =	vmul.f32 v60, v3;
	_ =	sdelay $0x1  }
0xff: {  	[tilespmem:v1+s16+$0x0] =	vst.idx.msk $0xffff, v3  }
0x100: {  	v3 =	vld.idx.msk [tilespmem:v59+s30+$0x0], $0xffff;
	_ =	sdelay $0x2  }
0x101: {  	v6 =	vor.u32 $0x2, v1;
	_ =	sdelay $0x1  }
0x102: {  	v3 =	vmul.f32 v60, v3;
	_ =	sdelay $0x1  }
0x103: {  	[tilespmem:v59+s16+$0x0] =	vst.idx.msk $0xffff, v3  }
0x104: {  	v3 =	vld.idx.msk [tilespmem:v6+s30+$0x0], $0xffff;
	_ =	sdelay $0x2  }
0x105: {  	v61 =	vor.u32 $0x3, v1;
	_ =	sdelay $0x1  }
0x106: {  	v3 =	vmul.f32 v60, v3;
	_ =	sdelay $0x1  }
0x107: {  	[tilespmem:v6+s16+$0x0] =	vst.idx.msk $0xffff, v3  }
0x108: {  	v3 =	vld.idx.msk [tilespmem:v61+s30+$0x0], $0xffff;
	_ =	sdelay $0x2  }
0x109: {  	v62 =	vor.u32 $0x4, v1;
	_ =	sdelay $0x1  }
0x10a: {  	v3 =	vmul.f32 v3, v60;
	_ =	sdelay $0x1  }
0x10b: {  	[tilespmem:v61+s16+$0x0] =	vst.idx.msk $0xffff, v3  }
0x10c: {  	v3 =	vld.idx.msk [tilespmem:v62+s30+$0x0], $0xffff;
	_ =	sdelay $0x2  }
0x10d: {  	v63 =	vor.u32 $0x5, v1;
	_ =	sdelay $0x1  }
0x10e: {  	v3 =	vmul.f32 v3, v60;
	_ =	sdelay $0x1  }
0x10f: {  	[tilespmem:v62+s16+$0x0] =	vst.idx.msk $0xffff, v3  }
0x110: {  	v3 =	vld.idx.msk [tilespmem:v63+s30+$0x0], $0xffff;
	_ =	sdelay $0x3  }
0x111: {  	v1 =	vor.u32 $0x7, v1  }
0x112: {  	v3 =	vmul.f32 v3, v60;
	_ =	sdelay $0x1  }
0x113: {  	[tilespmem:v63+s16+$0x0] =	vst.idx.msk $0xffff, v3  }
0x114: {  	[tilespmem:v2+s16+$0x0] =	vst.idx.msk $0xffff, v60  }
0x115: {  	[tilespmem:v1+s16+$0x0] =	vst.idx.msk $0xffff, v60  }
0x116: {  	[spmem:s3] =	stream.indirect.scatter.add.f32 [tilespmem:s16], [sflag:$0x3], $0x8, s28, s29, $0xb8;
	[tilespmem:$0x1EF10] =	vst v63  }
0x117: {  	s15 =	simm.s32 $0x1CF10  }
0x118: {  	[spmem:s3] =	stream.indirect.scatter.add.f32 [tilespmem:s15], [sflag:$0x3], $0x8, s1, s29, $0xb8;
	[tilespmem:$0x1EF10] =	vst v63  }
0x119: {  	s18 =	simm.s32 $0x1D310  }
0x11a: {  	[spmem:s3] =	stream.indirect.scatter.add.f32 [tilespmem:s18], [sflag:$0x3], $0x8, s14, s29, $0xb8;
	[tilespmem:$0x1EF10] =	vst v63  }
0x11b: {  	s10 =	simm.s32 $0x1D710  }
0x11c: {  	[spmem:s3] =	stream.indirect.scatter.add.f32 [tilespmem:s10], [sflag:$0x3], $0x8, s21, s29, $0xb8;
	[tilespmem:$0x1EF10] =	vst v63  }
0x11d: {  	s11 =	simm.s32 $0x1DB10  }
0x11e: {  	[spmem:s3] =	stream.indirect.scatter.add.f32 [tilespmem:s11], [sflag:$0x3], $0x8, s13, s29, $0xb8;
	[tilespmem:$0x1EF10] =	vst v63  }
0x11f: {  	s15 =	simm.s32 $0x1DF10  }
0x120: {  	[spmem:s3] =	stream.indirect.scatter.add.f32 [tilespmem:s15], [sflag:$0x3], $0x8, s31, s29, $0xb8;
	[tilespmem:$0x1EF10] =	vst v63  }
0x121: {  	s18 =	simm.s32 $0x1E310  }
0x122: {  	[spmem:s3] =	stream.indirect.scatter.add.f32 [tilespmem:s18], [sflag:$0x3], $0x8, s12, s29, $0xb8;
	[tilespmem:$0x1EF10] =	vst v63  }
0x123: {  	_ = 	snop  }
0x124: {  	[spmem:s3] =	stream.indirect.scatter.add.f32 [tilespmem:s20], [sflag:$0x3], $0x8, s22, s29, $0xb8;
	[tilespmem:$0x1EF10] =	vst v63  }
0x125: {  	_ =	swait.ge [sflag:s23], $0x400  }
0x126: {  	[sflag:s23] =	ssyncset.done $0x0  }
0x127: {  	[sflag:s23] =	ssyncadd.s32 $0xFFFFFC00  }
0x128: {  	_ =	swait.ge [sflag:s23], $0x400  }
0x129: {  	[sflag:s23] =	ssyncset.done $0x0  }
0x12a: {  	[sflag:s23] =	ssyncadd.s32 $0xFFFFFC00  }
0x12b: {  	_ =	swait.ge [sflag:s23], $0x400  }
0x12c: {  	[sflag:s23] =	ssyncset.done $0x0  }
0x12d: {  	[sflag:s23] =	ssyncadd.s32 $0xFFFFFC00  }
0x12e: {  	_ =	swait.ge [sflag:s23], $0x400  }
0x12f: {  	[sflag:s23] =	ssyncset.done $0x0  }
0x130: {  	[sflag:s23] =	ssyncadd.s32 $0xFFFFFC00  }
0x131: {  	_ =	swait.ge [sflag:s23], $0x400  }
0x132: {  	[sflag:s23] =	ssyncset.done $0x0  }
0x133: {  	[sflag:s23] =	ssyncadd.s32 $0xFFFFFC00  }
0x134: {  	_ =	swait.ge [sflag:s23], $0x400  }
0x135: {  	[sflag:s23] =	ssyncset.done $0x0  }
0x136: {  	s6 =	sadd.s32 $0x1, s6;
	[sflag:s23] =	ssyncadd.s32 $0xFFFFFC00  }
0x137: {  	p0 =	sne.s32 s6, s17;
	_ =	swait.ge [sflag:s23], $0x400  }
.Ltmp3:
0x138: {  	[sflag:s23] =	ssyncset.done $0x0;
	(pc) =	sbr.rel @p0 .LBB2_2-.Ltmp3, $4  }
0x139: {  	[sflag:s23] =	ssyncadd.s32 $0xFFFFFC00  }
0x13a: {  	_ =	swait.ge [sflag:s23], $0x400  }
0x13b: {  	[sflag:s23] =	ssyncset.done $0x0  }
0x13c: {  	[sflag:s23] =	ssyncadd.s32 $0xFFFFFC00  }
0x13d: {  	s15 =	stileid.u32;
	[bflag:$0x0] =	sbarrier.arrive $0xFFFF  }
0x13e: {  	s0 =	sshll.u32 @p2 s15, $0x6;
	s10 =	rddreg [dreg:$0xd]  }
0x13f: {  	s11 =	rddreg [dreg:$0xf];
	s0 =	sor.u32 @p2 $0x1C04, s0;
	s6 =	sshrl.u32 @p2 s10, $0x3  }
0x140: {  	[hbm:s11], [sflag:s0] =	dma.local @p2 [spmem:s6], $0x1870  }
0x141: {  	s0 =	simm.s32 @p2 $0x4  }
0x142: {  	_ =	swait.ge @p2 [sflag:s0], $0x1870  }
0x143: {  	[sflag:s0] =	ssyncset.done @p2 $0x0  }
0x144: {  	s6 =	sshll.u32 @!p6 s15, $0x6;
	[sflag:s0] =	ssyncadd.s32 @p2 $0xFFFFE790  }
0x145: {  	s0 =	sor.u32 @!p6 $0x1C04, s6;
	s6 =	sshrl.u32 @!p6 s10, $0x3;
	s10 =	rddreg [dreg:$0x10]  }
0x146: {  	[hbm:s10], [sflag:s0] =	dma.local @!p6 [spmem:s6], $0x1870  }
0x147: {  	s0 =	sld [smem:$0x7FD]  }
0x148: {  	s6 =	sld [smem:$0x7FC];
	_ =	sdelay $0x1  }
0x149: {  	p0 =	por @!p6 $0x1, $0x1;
	p3 =	seq.s32 s0, $0x1  }
0x14a: {  	p3 =	por @!p6 p0, p0;
	p0 =	seq.s32 s6, $0x1  }
0x14b: {  	p0 =	por @!p4 !p3, !p0  }
0x14c: {  	p0 =	por @!p4 !p0, !p0  }
0x14d: {  	p0 =	por p4, p0  }
.Ltmp4:
0x14e: {  	_ = 	snop;
	(pc) =	sbr.rel @!p0 .LBB2_7-.Ltmp4, $4  }
0x14f: {  	s0 =	simm.s32 @!p6 $0x4  }
0x150: {  	_ =	swait.ge @!p6 [sflag:s0], $0x1870  }
0x151: {  	[sflag:s0] =	ssyncset.done @!p6 $0x0  }
0x152: {  	s18 =	rddreg [dreg:$0x6];
	[sflag:s0] =	ssyncadd.s32 @!p6 $0xFFFFE790  }
0x153: {  	s0 =	rddreg [dreg:$0x8]  }
0x154: {  	s6 =	rddreg [dreg:$0x7]  }
0x155: {  	s11 =	rddreg [dreg:$0xa];
	s10 =	simm.s32 $0x1FC4;
	s0 =	smov.u32 @p4 s6  }
.Ltmp5:
0x156: {  	s6 =	sshrl.u32 s11, $0x3;
	s0 =	sadd.s32 $0x16E90, s0;
	(pc) =	sbr.rel .LBB2_7-.Ltmp5, $4  }
0x157: {  	[hbm:s0], [sflag:s10] =	dma.local [spmem:s6], $0x1810  }
0x158: {  	_ =	swait.ge [sflag:s26], $0x1810  }
0x159: {  	[sflag:s26] =	ssyncset.done $0x0  }
0x15a: {  	[sflag:s26] =	ssyncadd.s32 $0xFFFFE7F0  }
.LBB2_8:
0x15b: {  	_ =	sfence.sel $0x180000  }
0x15c: {  	[bflag:$0x0] =	sbarrier.arrive $0xFFFF  }
0x15d: {  	_ =	strace $0x9000004A  }
0x15e: {  	[bflag:$0x2] =	sbarrier.arrive $0xFFFF  }
0x15f: {  	p0 =	sne.s32 s15, $0x0;
	s0 =	rddreg [dreg:$0x5]  }
0x160: {  	s0 =	sadd.s32 @!p0 $0x100000, s0  }
0x161: {  	[sflag:s0] =	ssyncadd.tile.s32 @!p0 $0x1;
	_ =	shalt  }
.Lfunc_end2:
_tile_overlayer_lowered:
.L_overlay_start_2:
0x162: {  	(tag) =	ssettag $0x2  }
0x163: {  	s0 =	rddreg [dreg:$0x0];
	s2 =	stileid.u32  }
0x164: {  	s1 =	rddreg [dreg:$0x1];
	p0 =	sne.s32 s2, $0x0  }
0x165: {  	s3 =	rddreg [dreg:$0x2];
	[bflag:$0x3] =	sbarrier.arrive $0xFFFF;
	s2 =	simm.s32 @!p0 $0x1C04  }
0x166: {  	[timem:s3], [sflag:s2] =	dma.local @!p0 [hbm:s0], s1  }
0x167: {  	s0 =	simm.s32 @!p0 $0x4  }
0x168: {  	_ =	swait.ge @!p0 [sflag:s0], s1  }
0x169: {  	s1 =	ssub.s32 @!p0 $0x0, s1;
	[sflag:s0] =	ssyncset.done @!p0 $0x0  }
0x16a: {  	[sflag:s0] =	ssyncadd.s32 @!p0 s1  }
0x16b: {  	[bflag:$0x3] =	sbarrier.arrive $0xFFFF  }
0x16c: {  	_ =	shalt  }

</sc_bundles>
